<compile_context>
chip_gen: v7x
topology: tpu7x:2x2x1
jax: 0.10.2.dev20260603
libtpu: 0.0.44.dev20260713+nightly
codegen_flags: <defaults>
</compile_context>

<pallas_src>
import functools

import jax
import jax.numpy as jnp
from jax import lax
from jax.experimental import pallas as pl
from jax.experimental.pallas import tpu as pltpu
from jax.experimental.pallas import tpu_sc as plsc

HID = 128
B = 16384
MAX_SLIP = 0.4
MAX_GUESS = 0.4
T = 50.0

NC, NS, L = 2, 16, 16
NW = NC * NS
BPW = B // NW
CHUNK = 128
NCHUNK = BPW // CHUNK

_mesh = plsc.VectorSubcoreMesh(core_axis_name="c", subcore_axis_name="s")


def _sigmoid_fast(x):
    return 1.0 / (1.0 + jnp.exp(-x))


@functools.partial(
    pl.kernel,
    mesh=_mesh,
    compiler_params=pltpu.CompilerParams(needs_layout_passes=False),
    out_type=jax.ShapeDtypeStruct((B,), jnp.float32),
    scratch_types=[
        pltpu.VMEM((NCHUNK, CHUNK), jnp.int32),
        pltpu.VMEM((NCHUNK, CHUNK), jnp.int32),
        pltpu.VMEM((CHUNK, HID), jnp.float32),
        pltpu.VMEM((CHUNK, HID), jnp.float32),
        pltpu.VMEM((CHUNK, HID), jnp.float32),
        pltpu.VMEM((CHUNK, HID), jnp.float32),
        pltpu.VMEM((CHUNK, HID), jnp.float32),
        pltpu.VMEM((CHUNK, HID), jnp.float32),
        pltpu.VMEM((BPW,), jnp.float32),
        pltpu.VMEM((BPW,), jnp.float32),
        pltpu.VMEM((BPW,), jnp.float32),
        pltpu.VMEM((CHUNK + L,), jnp.float32),
        pltpu.SemaphoreType.DMA,
        pltpu.SemaphoreType.DMA,
        pltpu.SemaphoreType.DMA,
        pltpu.SemaphoreType.DMA,
        pltpu.SemaphoreType.DMA,
        pltpu.SemaphoreType.DMA,
        pltpu.SemaphoreType.DMA,
        pltpu.SemaphoreType.DMA,
        pltpu.SemaphoreType.DMA,
    ],
)
def _dina_sc(user_h, item_h, knowledge_h, theta_h, slip_h, guess_h, out_h,
             uidx, iidx, th_a, th_b, th_c, th_d, kn_a, kn_b,
             slipv, guessv, outv, nsum,
             sem_ta, sem_tb, sem_tc, sem_td, sem_ka, sem_kb,
             sem_sg, sem_i, sem_o):
    wid = lax.axis_index("s") * NC + lax.axis_index("c")
    base = wid * BPW

    idx_handles = []
    for c in range(NCHUNK):
        idx_handles.append(pltpu.async_copy(
            user_h.at[pl.ds(base + c * CHUNK, CHUNK)], uidx.at[c], sem_i))
        idx_handles.append(pltpu.async_copy(
            item_h.at[pl.ds(base + c * CHUNK, CHUNK)], iidx.at[c], sem_i))

    kn_bufs = (kn_a, kn_b)
    kn_sems = (sem_ka, sem_kb)

    def start_kn(c):
        return pltpu.async_copy(
            knowledge_h.at[pl.ds(base + c * CHUNK, CHUNK)],
            kn_bufs[c % 2], kn_sems[c % 2])

    for h in idx_handles:
        h.wait()

    th_bufs = (th_a, th_b, th_c, th_d)
    th_sems = (sem_ta, sem_tb, sem_tc, sem_td)

    def start(c):
        return pltpu.async_copy(theta_h.at[uidx.at[c]], th_bufs[c],
                                th_sems[c])

    handles = [start(c) for c in range(NCHUNK)]
    kn_handles = [None] * NCHUNK
    kn_handles[0] = start_kn(0)
    kn_handles[1] = start_kn(1)

    sg_handles = []
    for c in range(NCHUNK):
        sg_handles.append(pltpu.async_copy(
            slip_h.at[iidx.at[c]], slipv.at[pl.ds(c * CHUNK, CHUNK)], sem_sg))
        sg_handles.append(pltpu.async_copy(
            guess_h.at[iidx.at[c]], guessv.at[pl.ds(c * CHUNK, CHUNK)], sem_sg))

    iota = lax.iota(jnp.int32, L)
    mask_last = iota == (L - 1)
    out_handles = []

    for c in range(NCHUNK):
        handles[c].wait()
        kn_handles[c].wait()
        th = th_bufs[c]
        kn = kn_bufs[c % 2]

        @plsc.parallel_loop(0, CHUNK, unroll=4)
        def row_body(r):
            parts = []
            for k in range(HID // L):
                th_v = th[r, pl.ds(k * L, L)]
                kn_v = kn[r, pl.ds(k * L, L)]
                q = _sigmoid_fast(th_v)
                parts.append((q - 0.5) * kn_v)
            s = (((parts[0] + parts[1]) + (parts[2] + parts[3]))
                 + ((parts[4] + parts[5]) + (parts[6] + parts[7])))
            cs = plsc.cumsum(s)
            plsc.store_compressed(nsum.at[pl.ds(r, L)], cs, mask=mask_last)

        if c + 2 < NCHUNK:
            kn_handles[c + 2] = start_kn(c + 2)
        if c == 0:
            for h in sg_handles:
                h.wait()

        @plsc.parallel_loop(0, CHUNK, step=L)
        def score_body(goff):
            off = c * CHUNK + goff
            n = nsum[pl.ds(goff, L)]
            z = n * (1.0 / T)
            p = _sigmoid_fast(z)
            slip = MAX_SLIP * _sigmoid_fast(slipv[pl.ds(off, L)])
            guess = MAX_GUESS * _sigmoid_fast(guessv[pl.ds(off, L)])
            outv[pl.ds(off, L)] = guess + (1.0 - slip - guess) * p

        out_handles.append(pltpu.async_copy(
            outv.at[pl.ds(c * CHUNK, CHUNK)],
            out_h.at[pl.ds(base + c * CHUNK, CHUNK)], sem_o))

    for h in out_handles:
        h.wait()


def kernel(user, item, knowledge, theta_table, slip_table, guess_table):
    user = user.astype(jnp.int32)
    item = item.astype(jnp.int32)
    slip_flat = slip_table.reshape((-1,))
    guess_flat = guess_table.reshape((-1,))
    return _dina_sc(user, item, knowledge, theta_table, slip_flat, guess_flat)

# --- scband reference (transcript-rebuilt; emitter-appended) ---
"""Pipeline reference for scband-dinanet-91044716740746 (READ-ONLY COPY).

The authoritative reference and input builder live on the scoring server;
editing this copy changes nothing except your own understanding.
"""

import jax, jax.numpy as jnp
import numpy as np

USER_NUM = 1000000
ITEM_NUM = 100000
HID = 128
B = 16384
MAX_SLIP = 0.4
MAX_GUESS = 0.4
STEP = 0
MAX_STEP = 1000


def setup_inputs(seed: int = 0) -> dict:
    key = jax.random.key(seed)
    k1, k2, k3, k4, k5, k6 = jax.random.split(key, 6)
    user = jax.random.randint(k1, (B,), 0, USER_NUM)
    item = jax.random.randint(k2, (B,), 0, ITEM_NUM)
    knowledge = jax.random.uniform(k3, (B, HID), dtype=jnp.float32)
    theta_table = jax.random.normal(k4, (USER_NUM, HID), dtype=jnp.float32) * 0.05
    slip_table = jax.random.normal(k5, (ITEM_NUM, 1), dtype=jnp.float32) * 0.05
    guess_table = jax.random.normal(k6, (ITEM_NUM, 1), dtype=jnp.float32) * 0.05
    return {"user": user, "item": item, "knowledge": knowledge,
            "theta_table": theta_table, "slip_table": slip_table,
            "guess_table": guess_table}


def reference(user, item, knowledge, theta_table, slip_table, guess_table):
    # embedding lookups (gather)
    theta = jnp.take(theta_table, user, axis=0)                 # [B, HID]
    slip = jnp.squeeze(jax.nn.sigmoid(jnp.take(slip_table, item, axis=0)) * MAX_SLIP)
    guess = jnp.squeeze(jax.nn.sigmoid(jnp.take(guess_table, item, axis=0)) * MAX_GUESS)
    # training branch (self.training == True, step == 0)
    n = jnp.sum(knowledge * (jax.nn.sigmoid(theta) - 0.5), axis=1)  # [B]
    t = max((np.sin(2 * np.pi * STEP / MAX_STEP) + 1) / 2 * 100, 1e-06)  # = 50.0
    pair = jnp.stack([1.0 - slip, guess], axis=1)               # [B, 2]
    sm = jax.nn.softmax(jnp.stack([n, jnp.zeros_like(n)], axis=1) / t, axis=-1)  # [B, 2]
    return jnp.sum(pair * sm, axis=1)                           # [B]

if __name__ == "__main__":
    import jax
    _d = setup_inputs()
    print(jax.jit(kernel)(*tuple(_d.values())))

</pallas_src>

<mosaic_0001>
#map = affine_map<(d0, d1) -> (0)>
#map1 = affine_map<(d0, d1) -> (0, 0)>
module attributes {stable_mosaic.version = 14 : i64} {
  func.func @_dina_sc(%arg0: i32, %arg1: i32, %arg2: memref<16384xi32, #tpu.memory_space<hbm>>, %arg3: memref<16384xi32, #tpu.memory_space<hbm>>, %arg4: memref<16384x128xf32, #tpu.memory_space<hbm>>, %arg5: memref<1000000x128xf32, #tpu.memory_space<hbm>>, %arg6: memref<100000xf32, #tpu.memory_space<hbm>>, %arg7: memref<100000xf32, #tpu.memory_space<hbm>>, %arg8: memref<16384xf32, #tpu.memory_space<hbm>>, %arg9: memref<4x128xi32, #tpu.memory_space<vmem>>, %arg10: memref<4x128xi32, #tpu.memory_space<vmem>>, %arg11: memref<128x128xf32, #tpu.memory_space<vmem>>, %arg12: memref<128x128xf32, #tpu.memory_space<vmem>>, %arg13: memref<128x128xf32, #tpu.memory_space<vmem>>, %arg14: memref<128x128xf32, #tpu.memory_space<vmem>>, %arg15: memref<128x128xf32, #tpu.memory_space<vmem>>, %arg16: memref<128x128xf32, #tpu.memory_space<vmem>>, %arg17: memref<512xf32, #tpu.memory_space<vmem>>, %arg18: memref<512xf32, #tpu.memory_space<vmem>>, %arg19: memref<512xf32, #tpu.memory_space<vmem>>, %arg20: memref<144xf32, #tpu.memory_space<vmem>>, %arg21: memref<!tpu.dma_semaphore, #tpu.memory_space<semaphore_mem>>, %arg22: memref<!tpu.dma_semaphore, #tpu.memory_space<semaphore_mem>>, %arg23: memref<!tpu.dma_semaphore, #tpu.memory_space<semaphore_mem>>, %arg24: memref<!tpu.dma_semaphore, #tpu.memory_space<semaphore_mem>>, %arg25: memref<!tpu.dma_semaphore, #tpu.memory_space<semaphore_mem>>, %arg26: memref<!tpu.dma_semaphore, #tpu.memory_space<semaphore_mem>>, %arg27: memref<!tpu.dma_semaphore, #tpu.memory_space<semaphore_mem>>, %arg28: memref<!tpu.dma_semaphore, #tpu.memory_space<semaphore_mem>>, %arg29: memref<!tpu.dma_semaphore, #tpu.memory_space<semaphore_mem>>) attributes {dimension_semantics = [#tpu.dimension_semantics<core_parallel>, #tpu.dimension_semantics<subcore_parallel>], iteration_bounds = array<i64: 2, 16>, scalar_prefetch = 0 : i64, scratch_operands = 21 : i64, tpu.core_type = #tpu.core_type<sc_vector_subcore>, window_params = [{transform_indices = #map}, {transform_indices = #map}, {transform_indices = #map1}, {transform_indices = #map1}, {transform_indices = #map}, {transform_indices = #map}, {transform_indices = #map}]} {
    %mul3A = arith.constant 2 : i32
    %mul3A_0 = arith.muli %arg1, %mul3A : i32
    %add3A = arith.addi %mul3A_0, %arg0 : i32
    %mul3A_1 = arith.constant 512 : i32
    %mul3A_2 = arith.muli %add3A, %mul3A_1 : i32
    %add3A_3 = arith.constant 0 : i32
    %add3A_4 = arith.addi %mul3A_2, %add3A_3 : i32
    %dma_start3A = arith.constant 0 : i32
    %dma_start3A_5 = arith.constant 0 : i32
    %dma_start3A_6 = tpu.memref_slice %arg9[%dma_start3A, %dma_start3A_5] : memref<4x128xi32, #tpu.memory_space<vmem>> -> memref<1x128xi32, #tpu.memory_space<vmem>>
    %dma_start3A_7 = tpu.memref_squeeze %dma_start3A_6 : memref<1x128xi32, #tpu.memory_space<vmem>> -> memref<128xi32, #tpu.memory_space<vmem>>
    %dma_start3A_8 = tpu.memref_slice %arg2[%add3A_4] : memref<16384xi32, #tpu.memory_space<hbm>> -> memref<128xi32, #tpu.memory_space<hbm>>
    %dma_start3A_9 = arith.constant 0 : i32
    %dma_start3A_10 = tpu.memref_slice %arg9[%dma_start3A, %dma_start3A_9] : memref<4x128xi32, #tpu.memory_space<vmem>> -> memref<1x128xi32, #tpu.memory_space<vmem>>
    %dma_start3A_11 = tpu.memref_squeeze %dma_start3A_10 : memref<1x128xi32, #tpu.memory_space<vmem>> -> memref<128xi32, #tpu.memory_space<vmem>>
    %dma_start3A_12 = tpu.memref_slice %arg2[%add3A_4] : memref<16384xi32, #tpu.memory_space<hbm>> -> memref<128xi32, #tpu.memory_space<hbm>>
    tpu.enqueue_dma source(%dma_start3A_12 : memref<128xi32, #tpu.memory_space<hbm>>) target(%dma_start3A_11 : memref<128xi32, #tpu.memory_space<vmem>>) target_semaphore(%arg28 : memref<!tpu.dma_semaphore, #tpu.memory_space<semaphore_mem>>)
    %add3A_13 = arith.constant 0 : i32
    %add3A_14 = arith.addi %mul3A_2, %add3A_13 : i32
    %dma_start3A_15 = arith.constant 0 : i32
    %dma_start3A_16 = arith.constant 0 : i32
    %dma_start3A_17 = tpu.memref_slice %arg10[%dma_start3A_15, %dma_start3A_16] : memref<4x128xi32, #tpu.memory_space<vmem>> -> memref<1x128xi32, #tpu.memory_space<vmem>>
    %dma_start3A_18 = tpu.memref_squeeze %dma_start3A_17 : memref<1x128xi32, #tpu.memory_space<vmem>> -> memref<128xi32, #tpu.memory_space<vmem>>
    %dma_start3A_19 = tpu.memref_slice %arg3[%add3A_14] : memref<16384xi32, #tpu.memory_space<hbm>> -> memref<128xi32, #tpu.memory_space<hbm>>
    %dma_start3A_20 = arith.constant 0 : i32
    %dma_start3A_21 = tpu.memref_slice %arg10[%dma_start3A_15, %dma_start3A_20] : memref<4x128xi32, #tpu.memory_space<vmem>> -> memref<1x128xi32, #tpu.memory_space<vmem>>
    %dma_start3A_22 = tpu.memref_squeeze %dma_start3A_21 : memref<1x128xi32, #tpu.memory_space<vmem>> -> memref<128xi32, #tpu.memory_space<vmem>>
    %dma_start3A_23 = tpu.memref_slice %arg3[%add3A_14] : memref<16384xi32, #tpu.memory_space<hbm>> -> memref<128xi32, #tpu.memory_space<hbm>>
    tpu.enqueue_dma source(%dma_start3A_23 : memref<128xi32, #tpu.memory_space<hbm>>) target(%dma_start3A_22 : memref<128xi32, #tpu.memory_space<vmem>>) target_semaphore(%arg28 : memref<!tpu.dma_semaphore, #tpu.memory_space<semaphore_mem>>)
    %add3A_24 = arith.constant 128 : i32
    %add3A_25 = arith.addi %mul3A_2, %add3A_24 : i32
    %dma_start3A_26 = arith.constant 1 : i32
    %dma_start3A_27 = arith.constant 0 : i32
    %dma_start3A_28 = tpu.memref_slice %arg9[%dma_start3A_26, %dma_start3A_27] : memref<4x128xi32, #tpu.memory_space<vmem>> -> memref<1x128xi32, #tpu.memory_space<vmem>>
    %dma_start3A_29 = tpu.memref_squeeze %dma_start3A_28 : memref<1x128xi32, #tpu.memory_space<vmem>> -> memref<128xi32, #tpu.memory_space<vmem>>
    %dma_start3A_30 = tpu.memref_slice %arg2[%add3A_25] : memref<16384xi32, #tpu.memory_space<hbm>> -> memref<128xi32, #tpu.memory_space<hbm>>
    %dma_start3A_31 = arith.constant 0 : i32
    %dma_start3A_32 = tpu.memref_slice %arg9[%dma_start3A_26, %dma_start3A_31] : memref<4x128xi32, #tpu.memory_space<vmem>> -> memref<1x128xi32, #tpu.memory_space<vmem>>
    %dma_start3A_33 = tpu.memref_squeeze %dma_start3A_32 : memref<1x128xi32, #tpu.memory_space<vmem>> -> memref<128xi32, #tpu.memory_space<vmem>>
    %dma_start3A_34 = tpu.memref_slice %arg2[%add3A_25] : memref<16384xi32, #tpu.memory_space<hbm>> -> memref<128xi32, #tpu.memory_space<hbm>>
    tpu.enqueue_dma source(%dma_start3A_34 : memref<128xi32, #tpu.memory_space<hbm>>) target(%dma_start3A_33 : memref<128xi32, #tpu.memory_space<vmem>>) target_semaphore(%arg28 : memref<!tpu.dma_semaphore, #tpu.memory_space<semaphore_mem>>)
    %add3A_35 = arith.constant 128 : i32
    %add3A_36 = arith.addi %mul3A_2, %add3A_35 : i32
    %dma_start3A_37 = arith.constant 1 : i32
    %dma_start3A_38 = arith.constant 0 : i32
    %dma_start3A_39 = tpu.memref_slice %arg10[%dma_start3A_37, %dma_start3A_38] : memref<4x128xi32, #tpu.memory_space<vmem>> -> memref<1x128xi32, #tpu.memory_space<vmem>>
    %dma_start3A_40 = tpu.memref_squeeze %dma_start3A_39 : memref<1x128xi32, #tpu.memory_space<vmem>> -> memref<128xi32, #tpu.memory_space<vmem>>
    %dma_start3A_41 = tpu.memref_slice %arg3[%add3A_36] : memref<16384xi32, #tpu.memory_space<hbm>> -> memref<128xi32, #tpu.memory_space<hbm>>
    %dma_start3A_42 = arith.constant 0 : i32
    %dma_start3A_43 = tpu.memref_slice %arg10[%dma_start3A_37, %dma_start3A_42] : memref<4x128xi32, #tpu.memory_space<vmem>> -> memref<1x128xi32, #tpu.memory_space<vmem>>
    %dma_start3A_44 = tpu.memref_squeeze %dma_start3A_43 : memref<1x128xi32, #tpu.memory_space<vmem>> -> memref<128xi32, #tpu.memory_space<vmem>>
    %dma_start3A_45 = tpu.memref_slice %arg3[%add3A_36] : memref<16384xi32, #tpu.memory_space<hbm>> -> memref<128xi32, #tpu.memory_space<hbm>>
    tpu.enqueue_dma source(%dma_start3A_45 : memref<128xi32, #tpu.memory_space<hbm>>) target(%dma_start3A_44 : memref<128xi32, #tpu.memory_space<vmem>>) target_semaphore(%arg28 : memref<!tpu.dma_semaphore, #tpu.memory_space<semaphore_mem>>)
    %add3A_46 = arith.constant 256 : i32
    %add3A_47 = arith.addi %mul3A_2, %add3A_46 : i32
    %dma_start3A_48 = arith.constant 2 : i32
    %dma_start3A_49 = arith.constant 0 : i32
    %dma_start3A_50 = tpu.memref_slice %arg9[%dma_start3A_48, %dma_start3A_49] : memref<4x128xi32, #tpu.memory_space<vmem>> -> memref<1x128xi32, #tpu.memory_space<vmem>>
    %dma_start3A_51 = tpu.memref_squeeze %dma_start3A_50 : memref<1x128xi32, #tpu.memory_space<vmem>> -> memref<128xi32, #tpu.memory_space<vmem>>
    %dma_start3A_52 = tpu.memref_slice %arg2[%add3A_47] : memref<16384xi32, #tpu.memory_space<hbm>> -> memref<128xi32, #tpu.memory_space<hbm>>
    %dma_start3A_53 = arith.constant 0 : i32
    %dma_start3A_54 = tpu.memref_slice %arg9[%dma_start3A_48, %dma_start3A_53] : memref<4x128xi32, #tpu.memory_space<vmem>> -> memref<1x128xi32, #tpu.memory_space<vmem>>
    %dma_start3A_55 = tpu.memref_squeeze %dma_start3A_54 : memref<1x128xi32, #tpu.memory_space<vmem>> -> memref<128xi32, #tpu.memory_space<vmem>>
    %dma_start3A_56 = tpu.memref_slice %arg2[%add3A_47] : memref<16384xi32, #tpu.memory_space<hbm>> -> memref<128xi32, #tpu.memory_space<hbm>>
    tpu.enqueue_dma source(%dma_start3A_56 : memref<128xi32, #tpu.memory_space<hbm>>) target(%dma_start3A_55 : memref<128xi32, #tpu.memory_space<vmem>>) target_semaphore(%arg28 : memref<!tpu.dma_semaphore, #tpu.memory_space<semaphore_mem>>)
    %add3A_57 = arith.constant 256 : i32
    %add3A_58 = arith.addi %mul3A_2, %add3A_57 : i32
    %dma_start3A_59 = arith.constant 2 : i32
    %dma_start3A_60 = arith.constant 0 : i32
    %dma_start3A_61 = tpu.memref_slice %arg10[%dma_start3A_59, %dma_start3A_60] : memref<4x128xi32, #tpu.memory_space<vmem>> -> memref<1x128xi32, #tpu.memory_space<vmem>>
    %dma_start3A_62 = tpu.memref_squeeze %dma_start3A_61 : memref<1x128xi32, #tpu.memory_space<vmem>> -> memref<128xi32, #tpu.memory_space<vmem>>
    %dma_start3A_63 = tpu.memref_slice %arg3[%add3A_58] : memref<16384xi32, #tpu.memory_space<hbm>> -> memref<128xi32, #tpu.memory_space<hbm>>
    %dma_start3A_64 = arith.constant 0 : i32
    %dma_start3A_65 = tpu.memref_slice %arg10[%dma_start3A_59, %dma_start3A_64] : memref<4x128xi32, #tpu.memory_space<vmem>> -> memref<1x128xi32, #tpu.memory_space<vmem>>
    %dma_start3A_66 = tpu.memref_squeeze %dma_start3A_65 : memref<1x128xi32, #tpu.memory_space<vmem>> -> memref<128xi32, #tpu.memory_space<vmem>>
    %dma_start3A_67 = tpu.memref_slice %arg3[%add3A_58] : memref<16384xi32, #tpu.memory_space<hbm>> -> memref<128xi32, #tpu.memory_space<hbm>>
    tpu.enqueue_dma source(%dma_start3A_67 : memref<128xi32, #tpu.memory_space<hbm>>) target(%dma_start3A_66 : memref<128xi32, #tpu.memory_space<vmem>>) target_semaphore(%arg28 : memref<!tpu.dma_semaphore, #tpu.memory_space<semaphore_mem>>)
    %add3A_68 = arith.constant 384 : i32
    %add3A_69 = arith.addi %mul3A_2, %add3A_68 : i32
    %dma_start3A_70 = arith.constant 3 : i32
    %dma_start3A_71 = arith.constant 0 : i32
    %dma_start3A_72 = tpu.memref_slice %arg9[%dma_start3A_70, %dma_start3A_71] : memref<4x128xi32, #tpu.memory_space<vmem>> -> memref<1x128xi32, #tpu.memory_space<vmem>>
    %dma_start3A_73 = tpu.memref_squeeze %dma_start3A_72 : memref<1x128xi32, #tpu.memory_space<vmem>> -> memref<128xi32, #tpu.memory_space<vmem>>
    %dma_start3A_74 = tpu.memref_slice %arg2[%add3A_69] : memref<16384xi32, #tpu.memory_space<hbm>> -> memref<128xi32, #tpu.memory_space<hbm>>
    %dma_start3A_75 = arith.constant 0 : i32
    %dma_start3A_76 = tpu.memref_slice %arg9[%dma_start3A_70, %dma_start3A_75] : memref<4x128xi32, #tpu.memory_space<vmem>> -> memref<1x128xi32, #tpu.memory_space<vmem>>
    %dma_start3A_77 = tpu.memref_squeeze %dma_start3A_76 : memref<1x128xi32, #tpu.memory_space<vmem>> -> memref<128xi32, #tpu.memory_space<vmem>>
    %dma_start3A_78 = tpu.memref_slice %arg2[%add3A_69] : memref<16384xi32, #tpu.memory_space<hbm>> -> memref<128xi32, #tpu.memory_space<hbm>>
    tpu.enqueue_dma source(%dma_start3A_78 : memref<128xi32, #tpu.memory_space<hbm>>) target(%dma_start3A_77 : memref<128xi32, #tpu.memory_space<vmem>>) target_semaphore(%arg28 : memref<!tpu.dma_semaphore, #tpu.memory_space<semaphore_mem>>)
    %add3A_79 = arith.constant 384 : i32
    %add3A_80 = arith.addi %mul3A_2, %add3A_79 : i32
    %dma_start3A_81 = arith.constant 3 : i32
    %dma_start3A_82 = arith.constant 0 : i32
    %dma_start3A_83 = tpu.memref_slice %arg10[%dma_start3A_81, %dma_start3A_82] : memref<4x128xi32, #tpu.memory_space<vmem>> -> memref<1x128xi32, #tpu.memory_space<vmem>>
    %dma_start3A_84 = tpu.memref_squeeze %dma_start3A_83 : memref<1x128xi32, #tpu.memory_space<vmem>> -> memref<128xi32, #tpu.memory_space<vmem>>
    %dma_start3A_85 = tpu.memref_slice %arg3[%add3A_80] : memref<16384xi32, #tpu.memory_space<hbm>> -> memref<128xi32, #tpu.memory_space<hbm>>
    %dma_start3A_86 = arith.constant 0 : i32
    %dma_start3A_87 = tpu.memref_slice %arg10[%dma_start3A_81, %dma_start3A_86] : memref<4x128xi32, #tpu.memory_space<vmem>> -> memref<1x128xi32, #tpu.memory_space<vmem>>
    %dma_start3A_88 = tpu.memref_squeeze %dma_start3A_87 : memref<1x128xi32, #tpu.memory_space<vmem>> -> memref<128xi32, #tpu.memory_space<vmem>>
    %dma_start3A_89 = tpu.memref_slice %arg3[%add3A_80] : memref<16384xi32, #tpu.memory_space<hbm>> -> memref<128xi32, #tpu.memory_space<hbm>>
    tpu.enqueue_dma source(%dma_start3A_89 : memref<128xi32, #tpu.memory_space<hbm>>) target(%dma_start3A_88 : memref<128xi32, #tpu.memory_space<vmem>>) target_semaphore(%arg28 : memref<!tpu.dma_semaphore, #tpu.memory_space<semaphore_mem>>)
    %dma_wait3A = arith.constant 0 : i32
    %dma_wait3A_90 = arith.constant 0 : i32
    %dma_wait3A_91 = tpu.memref_slice %arg9[%dma_wait3A, %dma_wait3A_90] : memref<4x128xi32, #tpu.memory_space<vmem>> -> memref<1x128xi32, #tpu.memory_space<vmem>>
    %dma_wait3A_92 = tpu.memref_squeeze %dma_wait3A_91 : memref<1x128xi32, #tpu.memory_space<vmem>> -> memref<128xi32, #tpu.memory_space<vmem>>
    %dma_wait3A_93 = tpu.memref_slice %arg2[%add3A_4] : memref<16384xi32, #tpu.memory_space<hbm>> -> memref<128xi32, #tpu.memory_space<hbm>>
    %dma_wait3A_94 = arith.constant 0 : i32
    %dma_wait3A_95 = tpu.memref_slice %arg9[%dma_wait3A, %dma_wait3A_94] : memref<4x128xi32, #tpu.memory_space<vmem>> -> memref<1x128xi32, #tpu.memory_space<vmem>>
    %dma_wait3A_96 = tpu.memref_squeeze %dma_wait3A_95 : memref<1x128xi32, #tpu.memory_space<vmem>> -> memref<128xi32, #tpu.memory_space<vmem>>
    %dma_wait3A_97 = tpu.memref_slice %arg2[%add3A_4] : memref<16384xi32, #tpu.memory_space<hbm>> -> memref<128xi32, #tpu.memory_space<hbm>>
    tpu.wait_dma2 semaphore(%arg28 : memref<!tpu.dma_semaphore, #tpu.memory_space<semaphore_mem>>) src(%dma_wait3A_97 : memref<128xi32, #tpu.memory_space<hbm>>) dst(%dma_wait3A_96 : memref<128xi32, #tpu.memory_space<vmem>>)
    %dma_wait3A_98 = arith.constant 0 : i32
    %dma_wait3A_99 = arith.constant 0 : i32
    %dma_wait3A_100 = tpu.memref_slice %arg10[%dma_wait3A_98, %dma_wait3A_99] : memref<4x128xi32, #tpu.memory_space<vmem>> -> memref<1x128xi32, #tpu.memory_space<vmem>>
    %dma_wait3A_101 = tpu.memref_squeeze %dma_wait3A_100 : memref<1x128xi32, #tpu.memory_space<vmem>> -> memref<128xi32, #tpu.memory_space<vmem>>
    %dma_wait3A_102 = tpu.memref_slice %arg3[%add3A_14] : memref<16384xi32, #tpu.memory_space<hbm>> -> memref<128xi32, #tpu.memory_space<hbm>>
    %dma_wait3A_103 = arith.constant 0 : i32
    %dma_wait3A_104 = tpu.memref_slice %arg10[%dma_wait3A_98, %dma_wait3A_103] : memref<4x128xi32, #tpu.memory_space<vmem>> -> memref<1x128xi32, #tpu.memory_space<vmem>>
    %dma_wait3A_105 = tpu.memref_squeeze %dma_wait3A_104 : memref<1x128xi32, #tpu.memory_space<vmem>> -> memref<128xi32, #tpu.memory_space<vmem>>
    %dma_wait3A_106 = tpu.memref_slice %arg3[%add3A_14] : memref<16384xi32, #tpu.memory_space<hbm>> -> memref<128xi32, #tpu.memory_space<hbm>>
    tpu.wait_dma2 semaphore(%arg28 : memref<!tpu.dma_semaphore, #tpu.memory_space<semaphore_mem>>) src(%dma_wait3A_106 : memref<128xi32, #tpu.memory_space<hbm>>) dst(%dma_wait3A_105 : memref<128xi32, #tpu.memory_space<vmem>>)
    %dma_wait3A_107 = arith.constant 1 : i32
    %dma_wait3A_108 = arith.constant 0 : i32
    %dma_wait3A_109 = tpu.memref_slice %arg9[%dma_wait3A_107, %dma_wait3A_108] : memref<4x128xi32, #tpu.memory_space<vmem>> -> memref<1x128xi32, #tpu.memory_space<vmem>>
    %dma_wait3A_110 = tpu.memref_squeeze %dma_wait3A_109 : memref<1x128xi32, #tpu.memory_space<vmem>> -> memref<128xi32, #tpu.memory_space<vmem>>
    %dma_wait3A_111 = tpu.memref_slice %arg2[%add3A_25] : memref<16384xi32, #tpu.memory_space<hbm>> -> memref<128xi32, #tpu.memory_space<hbm>>
    %dma_wait3A_112 = arith.constant 0 : i32
    %dma_wait3A_113 = tpu.memref_slice %arg9[%dma_wait3A_107, %dma_wait3A_112] : memref<4x128xi32, #tpu.memory_space<vmem>> -> memref<1x128xi32, #tpu.memory_space<vmem>>
    %dma_wait3A_114 = tpu.memref_squeeze %dma_wait3A_113 : memref<1x128xi32, #tpu.memory_space<vmem>> -> memref<128xi32, #tpu.memory_space<vmem>>
    %dma_wait3A_115 = tpu.memref_slice %arg2[%add3A_25] : memref<16384xi32, #tpu.memory_space<hbm>> -> memref<128xi32, #tpu.memory_space<hbm>>
    tpu.wait_dma2 semaphore(%arg28 : memref<!tpu.dma_semaphore, #tpu.memory_space<semaphore_mem>>) src(%dma_wait3A_115 : memref<128xi32, #tpu.memory_space<hbm>>) dst(%dma_wait3A_114 : memref<128xi32, #tpu.memory_space<vmem>>)
    %dma_wait3A_116 = arith.constant 1 : i32
    %dma_wait3A_117 = arith.constant 0 : i32
    %dma_wait3A_118 = tpu.memref_slice %arg10[%dma_wait3A_116, %dma_wait3A_117] : memref<4x128xi32, #tpu.memory_space<vmem>> -> memref<1x128xi32, #tpu.memory_space<vmem>>
    %dma_wait3A_119 = tpu.memref_squeeze %dma_wait3A_118 : memref<1x128xi32, #tpu.memory_space<vmem>> -> memref<128xi32, #tpu.memory_space<vmem>>
    %dma_wait3A_120 = tpu.memref_slice %arg3[%add3A_36] : memref<16384xi32, #tpu.memory_space<hbm>> -> memref<128xi32, #tpu.memory_space<hbm>>
    %dma_wait3A_121 = arith.constant 0 : i32
    %dma_wait3A_122 = tpu.memref_slice %arg10[%dma_wait3A_116, %dma_wait3A_121] : memref<4x128xi32, #tpu.memory_space<vmem>> -> memref<1x128xi32, #tpu.memory_space<vmem>>
    %dma_wait3A_123 = tpu.memref_squeeze %dma_wait3A_122 : memref<1x128xi32, #tpu.memory_space<vmem>> -> memref<128xi32, #tpu.memory_space<vmem>>
    %dma_wait3A_124 = tpu.memref_slice %arg3[%add3A_36] : memref<16384xi32, #tpu.memory_space<hbm>> -> memref<128xi32, #tpu.memory_space<hbm>>
    tpu.wait_dma2 semaphore(%arg28 : memref<!tpu.dma_semaphore, #tpu.memory_space<semaphore_mem>>) src(%dma_wait3A_124 : memref<128xi32, #tpu.memory_space<hbm>>) dst(%dma_wait3A_123 : memref<128xi32, #tpu.memory_space<vmem>>)
    %dma_wait3A_125 = arith.constant 2 : i32
    %dma_wait3A_126 = arith.constant 0 : i32
    %dma_wait3A_127 = tpu.memref_slice %arg9[%dma_wait3A_125, %dma_wait3A_126] : memref<4x128xi32, #tpu.memory_space<vmem>> -> memref<1x128xi32, #tpu.memory_space<vmem>>
    %dma_wait3A_128 = tpu.memref_squeeze %dma_wait3A_127 : memref<1x128xi32, #tpu.memory_space<vmem>> -> memref<128xi32, #tpu.memory_space<vmem>>
    %dma_wait3A_129 = tpu.memref_slice %arg2[%add3A_47] : memref<16384xi32, #tpu.memory_space<hbm>> -> memref<128xi32, #tpu.memory_space<hbm>>
    %dma_wait3A_130 = arith.constant 0 : i32
    %dma_wait3A_131 = tpu.memref_slice %arg9[%dma_wait3A_125, %dma_wait3A_130] : memref<4x128xi32, #tpu.memory_space<vmem>> -> memref<1x128xi32, #tpu.memory_space<vmem>>
    %dma_wait3A_132 = tpu.memref_squeeze %dma_wait3A_131 : memref<1x128xi32, #tpu.memory_space<vmem>> -> memref<128xi32, #tpu.memory_space<vmem>>
    %dma_wait3A_133 = tpu.memref_slice %arg2[%add3A_47] : memref<16384xi32, #tpu.memory_space<hbm>> -> memref<128xi32, #tpu.memory_space<hbm>>
    tpu.wait_dma2 semaphore(%arg28 : memref<!tpu.dma_semaphore, #tpu.memory_space<semaphore_mem>>) src(%dma_wait3A_133 : memref<128xi32, #tpu.memory_space<hbm>>) dst(%dma_wait3A_132 : memref<128xi32, #tpu.memory_space<vmem>>)
    %dma_wait3A_134 = arith.constant 2 : i32
    %dma_wait3A_135 = arith.constant 0 : i32
    %dma_wait3A_136 = tpu.memref_slice %arg10[%dma_wait3A_134, %dma_wait3A_135] : memref<4x128xi32, #tpu.memory_space<vmem>> -> memref<1x128xi32, #tpu.memory_space<vmem>>
    %dma_wait3A_137 = tpu.memref_squeeze %dma_wait3A_136 : memref<1x128xi32, #tpu.memory_space<vmem>> -> memref<128xi32, #tpu.memory_space<vmem>>
    %dma_wait3A_138 = tpu.memref_slice %arg3[%add3A_58] : memref<16384xi32, #tpu.memory_space<hbm>> -> memref<128xi32, #tpu.memory_space<hbm>>
    %dma_wait3A_139 = arith.constant 0 : i32
    %dma_wait3A_140 = tpu.memref_slice %arg10[%dma_wait3A_134, %dma_wait3A_139] : memref<4x128xi32, #tpu.memory_space<vmem>> -> memref<1x128xi32, #tpu.memory_space<vmem>>
    %dma_wait3A_141 = tpu.memref_squeeze %dma_wait3A_140 : memref<1x128xi32, #tpu.memory_space<vmem>> -> memref<128xi32, #tpu.memory_space<vmem>>
    %dma_wait3A_142 = tpu.memref_slice %arg3[%add3A_58] : memref<16384xi32, #tpu.memory_space<hbm>> -> memref<128xi32, #tpu.memory_space<hbm>>
    tpu.wait_dma2 semaphore(%arg28 : memref<!tpu.dma_semaphore, #tpu.memory_space<semaphore_mem>>) src(%dma_wait3A_142 : memref<128xi32, #tpu.memory_space<hbm>>) dst(%dma_wait3A_141 : memref<128xi32, #tpu.memory_space<vmem>>)
    %dma_wait3A_143 = arith.constant 3 : i32
    %dma_wait3A_144 = arith.constant 0 : i32
    %dma_wait3A_145 = tpu.memref_slice %arg9[%dma_wait3A_143, %dma_wait3A_144] : memref<4x128xi32, #tpu.memory_space<vmem>> -> memref<1x128xi32, #tpu.memory_space<vmem>>
    %dma_wait3A_146 = tpu.memref_squeeze %dma_wait3A_145 : memref<1x128xi32, #tpu.memory_space<vmem>> -> memref<128xi32, #tpu.memory_space<vmem>>
    %dma_wait3A_147 = tpu.memref_slice %arg2[%add3A_69] : memref<16384xi32, #tpu.memory_space<hbm>> -> memref<128xi32, #tpu.memory_space<hbm>>
    %dma_wait3A_148 = arith.constant 0 : i32
    %dma_wait3A_149 = tpu.memref_slice %arg9[%dma_wait3A_143, %dma_wait3A_148] : memref<4x128xi32, #tpu.memory_space<vmem>> -> memref<1x128xi32, #tpu.memory_space<vmem>>
    %dma_wait3A_150 = tpu.memref_squeeze %dma_wait3A_149 : memref<1x128xi32, #tpu.memory_space<vmem>> -> memref<128xi32, #tpu.memory_space<vmem>>
    %dma_wait3A_151 = tpu.memref_slice %arg2[%add3A_69] : memref<16384xi32, #tpu.memory_space<hbm>> -> memref<128xi32, #tpu.memory_space<hbm>>
    tpu.wait_dma2 semaphore(%arg28 : memref<!tpu.dma_semaphore, #tpu.memory_space<semaphore_mem>>) src(%dma_wait3A_151 : memref<128xi32, #tpu.memory_space<hbm>>) dst(%dma_wait3A_150 : memref<128xi32, #tpu.memory_space<vmem>>)
    %dma_wait3A_152 = arith.constant 3 : i32
    %dma_wait3A_153 = arith.constant 0 : i32
    %dma_wait3A_154 = tpu.memref_slice %arg10[%dma_wait3A_152, %dma_wait3A_153] : memref<4x128xi32, #tpu.memory_space<vmem>> -> memref<1x128xi32, #tpu.memory_space<vmem>>
    %dma_wait3A_155 = tpu.memref_squeeze %dma_wait3A_154 : memref<1x128xi32, #tpu.memory_space<vmem>> -> memref<128xi32, #tpu.memory_space<vmem>>
    %dma_wait3A_156 = tpu.memref_slice %arg3[%add3A_80] : memref<16384xi32, #tpu.memory_space<hbm>> -> memref<128xi32, #tpu.memory_space<hbm>>
    %dma_wait3A_157 = arith.constant 0 : i32
    %dma_wait3A_158 = tpu.memref_slice %arg10[%dma_wait3A_152, %dma_wait3A_157] : memref<4x128xi32, #tpu.memory_space<vmem>> -> memref<1x128xi32, #tpu.memory_space<vmem>>
    %dma_wait3A_159 = tpu.memref_squeeze %dma_wait3A_158 : memref<1x128xi32, #tpu.memory_space<vmem>> -> memref<128xi32, #tpu.memory_space<vmem>>
    %dma_wait3A_160 = tpu.memref_slice %arg3[%add3A_80] : memref<16384xi32, #tpu.memory_space<hbm>> -> memref<128xi32, #tpu.memory_space<hbm>>
    tpu.wait_dma2 semaphore(%arg28 : memref<!tpu.dma_semaphore, #tpu.memory_space<semaphore_mem>>) src(%dma_wait3A_160 : memref<128xi32, #tpu.memory_space<hbm>>) dst(%dma_wait3A_159 : memref<128xi32, #tpu.memory_space<vmem>>)
    %dma_start3A_161 = arith.constant 0 : i32
    %dma_start3A_162 = arith.constant 0 : i32
    %dma_start3A_163 = tpu.memref_slice %arg9[%dma_start3A_161, %dma_start3A_162] : memref<4x128xi32, #tpu.memory_space<vmem>> -> memref<1x128xi32, #tpu.memory_space<vmem>>
    %dma_start3A_164 = tpu.memref_squeeze %dma_start3A_163 : memref<1x128xi32, #tpu.memory_space<vmem>> -> memref<128xi32, #tpu.memory_space<vmem>>
    %dma_start3A_165 = arith.constant 0 : i32
    %dma_start3A_166 = arith.constant 0 : i32
    %dma_start3A_167 = tpu.memref_slice %arg5[%dma_start3A_165, %dma_start3A_166] : memref<1000000x128xf32, #tpu.memory_space<hbm>> -> memref<1000000x128xf32, #tpu.memory_space<hbm>>
    tpu.enqueue_indirect_dma source(%dma_start3A_167 : memref<1000000x128xf32, #tpu.memory_space<hbm>>) target(%arg11 : memref<128x128xf32, #tpu.memory_space<vmem>>) offsets(%dma_start3A_164 : memref<128xi32, #tpu.memory_space<vmem>>) semaphore(%arg21 : memref<!tpu.dma_semaphore, #tpu.memory_space<semaphore_mem>>)
    %dma_start3A_168 = arith.constant 1 : i32
    %dma_start3A_169 = arith.constant 0 : i32
    %dma_start3A_170 = tpu.memref_slice %arg9[%dma_start3A_168, %dma_start3A_169] : memref<4x128xi32, #tpu.memory_space<vmem>> -> memref<1x128xi32, #tpu.memory_space<vmem>>
    %dma_start3A_171 = tpu.memref_squeeze %dma_start3A_170 : memref<1x128xi32, #tpu.memory_space<vmem>> -> memref<128xi32, #tpu.memory_space<vmem>>
    %dma_start3A_172 = arith.constant 0 : i32
    %dma_start3A_173 = arith.constant 0 : i32
    %dma_start3A_174 = tpu.memref_slice %arg5[%dma_start3A_172, %dma_start3A_173] : memref<1000000x128xf32, #tpu.memory_space<hbm>> -> memref<1000000x128xf32, #tpu.memory_space<hbm>>
    tpu.enqueue_indirect_dma source(%dma_start3A_174 : memref<1000000x128xf32, #tpu.memory_space<hbm>>) target(%arg12 : memref<128x128xf32, #tpu.memory_space<vmem>>) offsets(%dma_start3A_171 : memref<128xi32, #tpu.memory_space<vmem>>) semaphore(%arg22 : memref<!tpu.dma_semaphore, #tpu.memory_space<semaphore_mem>>)
    %dma_start3A_175 = arith.constant 2 : i32
    %dma_start3A_176 = arith.constant 0 : i32
    %dma_start3A_177 = tpu.memref_slice %arg9[%dma_start3A_175, %dma_start3A_176] : memref<4x128xi32, #tpu.memory_space<vmem>> -> memref<1x128xi32, #tpu.memory_space<vmem>>
    %dma_start3A_178 = tpu.memref_squeeze %dma_start3A_177 : memref<1x128xi32, #tpu.memory_space<vmem>> -> memref<128xi32, #tpu.memory_space<vmem>>
    %dma_start3A_179 = arith.constant 0 : i32
    %dma_start3A_180 = arith.constant 0 : i32
    %dma_start3A_181 = tpu.memref_slice %arg5[%dma_start3A_179, %dma_start3A_180] : memref<1000000x128xf32, #tpu.memory_space<hbm>> -> memref<1000000x128xf32, #tpu.memory_space<hbm>>
    tpu.enqueue_indirect_dma source(%dma_start3A_181 : memref<1000000x128xf32, #tpu.memory_space<hbm>>) target(%arg13 : memref<128x128xf32, #tpu.memory_space<vmem>>) offsets(%dma_start3A_178 : memref<128xi32, #tpu.memory_space<vmem>>) semaphore(%arg23 : memref<!tpu.dma_semaphore, #tpu.memory_space<semaphore_mem>>)
    %dma_start3A_182 = arith.constant 3 : i32
    %dma_start3A_183 = arith.constant 0 : i32
    %dma_start3A_184 = tpu.memref_slice %arg9[%dma_start3A_182, %dma_start3A_183] : memref<4x128xi32, #tpu.memory_space<vmem>> -> memref<1x128xi32, #tpu.memory_space<vmem>>
    %dma_start3A_185 = tpu.memref_squeeze %dma_start3A_184 : memref<1x128xi32, #tpu.memory_space<vmem>> -> memref<128xi32, #tpu.memory_space<vmem>>
    %dma_start3A_186 = arith.constant 0 : i32
    %dma_start3A_187 = arith.constant 0 : i32
    %dma_start3A_188 = tpu.memref_slice %arg5[%dma_start3A_186, %dma_start3A_187] : memref<1000000x128xf32, #tpu.memory_space<hbm>> -> memref<1000000x128xf32, #tpu.memory_space<hbm>>
    tpu.enqueue_indirect_dma source(%dma_start3A_188 : memref<1000000x128xf32, #tpu.memory_space<hbm>>) target(%arg14 : memref<128x128xf32, #tpu.memory_space<vmem>>) offsets(%dma_start3A_185 : memref<128xi32, #tpu.memory_space<vmem>>) semaphore(%arg24 : memref<!tpu.dma_semaphore, #tpu.memory_space<semaphore_mem>>)
    %add3A_189 = arith.constant 0 : i32
    %add3A_190 = arith.addi %mul3A_2, %add3A_189 : i32
    %dma_start3A_191 = arith.constant 0 : i32
    %dma_start3A_192 = tpu.memref_slice %arg4[%add3A_190, %dma_start3A_191] : memref<16384x128xf32, #tpu.memory_space<hbm>> -> memref<128x128xf32, #tpu.memory_space<hbm>>
    %dma_start3A_193 = arith.constant 0 : i32
    %dma_start3A_194 = tpu.memref_slice %arg4[%add3A_190, %dma_start3A_193] : memref<16384x128xf32, #tpu.memory_space<hbm>> -> memref<128x128xf32, #tpu.memory_space<hbm>>
    tpu.enqueue_dma source(%dma_start3A_194 : memref<128x128xf32, #tpu.memory_space<hbm>>) target(%arg15 : memref<128x128xf32, #tpu.memory_space<vmem>>) target_semaphore(%arg25 : memref<!tpu.dma_semaphore, #tpu.memory_space<semaphore_mem>>)
    %add3A_195 = arith.constant 128 : i32
    %add3A_196 = arith.addi %mul3A_2, %add3A_195 : i32
    %dma_start3A_197 = arith.constant 0 : i32
    %dma_start3A_198 = tpu.memref_slice %arg4[%add3A_196, %dma_start3A_197] : memref<16384x128xf32, #tpu.memory_space<hbm>> -> memref<128x128xf32, #tpu.memory_space<hbm>>
    %dma_start3A_199 = arith.constant 0 : i32
    %dma_start3A_200 = tpu.memref_slice %arg4[%add3A_196, %dma_start3A_199] : memref<16384x128xf32, #tpu.memory_space<hbm>> -> memref<128x128xf32, #tpu.memory_space<hbm>>
    tpu.enqueue_dma source(%dma_start3A_200 : memref<128x128xf32, #tpu.memory_space<hbm>>) target(%arg16 : memref<128x128xf32, #tpu.memory_space<vmem>>) target_semaphore(%arg26 : memref<!tpu.dma_semaphore, #tpu.memory_space<semaphore_mem>>)
    %dma_start3A_201 = arith.constant 0 : i32
    %dma_start3A_202 = arith.constant 0 : i32
    %dma_start3A_203 = tpu.memref_slice %arg17[%dma_start3A_202] : memref<512xf32, #tpu.memory_space<vmem>> -> memref<128xf32, #tpu.memory_space<vmem>>
    %dma_start3A_204 = arith.constant 0 : i32
    %dma_start3A_205 = tpu.memref_slice %arg10[%dma_start3A_201, %dma_start3A_204] : memref<4x128xi32, #tpu.memory_space<vmem>> -> memref<1x128xi32, #tpu.memory_space<vmem>>
    %dma_start3A_206 = tpu.memref_squeeze %dma_start3A_205 : memref<1x128xi32, #tpu.memory_space<vmem>> -> memref<128xi32, #tpu.memory_space<vmem>>
    %dma_start3A_207 = arith.constant 0 : i32
    %dma_start3A_208 = tpu.memref_slice %arg6[%dma_start3A_207] : memref<100000xf32, #tpu.memory_space<hbm>> -> memref<100000xf32, #tpu.memory_space<hbm>>
    tpu.enqueue_indirect_dma source(%dma_start3A_208 : memref<100000xf32, #tpu.memory_space<hbm>>) target(%dma_start3A_203 : memref<128xf32, #tpu.memory_space<vmem>>) offsets(%dma_start3A_206 : memref<128xi32, #tpu.memory_space<vmem>>) semaphore(%arg27 : memref<!tpu.dma_semaphore, #tpu.memory_space<semaphore_mem>>)
    %dma_start3A_209 = arith.constant 0 : i32
    %dma_start3A_210 = arith.constant 0 : i32
    %dma_start3A_211 = tpu.memref_slice %arg18[%dma_start3A_210] : memref<512xf32, #tpu.memory_space<vmem>> -> memref<128xf32, #tpu.memory_space<vmem>>
    %dma_start3A_212 = arith.constant 0 : i32
    %dma_start3A_213 = tpu.memref_slice %arg10[%dma_start3A_209, %dma_start3A_212] : memref<4x128xi32, #tpu.memory_space<vmem>> -> memref<1x128xi32, #tpu.memory_space<vmem>>
    %dma_start3A_214 = tpu.memref_squeeze %dma_start3A_213 : memref<1x128xi32, #tpu.memory_space<vmem>> -> memref<128xi32, #tpu.memory_space<vmem>>
    %dma_start3A_215 = arith.constant 0 : i32
    %dma_start3A_216 = tpu.memref_slice %arg7[%dma_start3A_215] : memref<100000xf32, #tpu.memory_space<hbm>> -> memref<100000xf32, #tpu.memory_space<hbm>>
    tpu.enqueue_indirect_dma source(%dma_start3A_216 : memref<100000xf32, #tpu.memory_space<hbm>>) target(%dma_start3A_211 : memref<128xf32, #tpu.memory_space<vmem>>) offsets(%dma_start3A_214 : memref<128xi32, #tpu.memory_space<vmem>>) semaphore(%arg27 : memref<!tpu.dma_semaphore, #tpu.memory_space<semaphore_mem>>)
    %dma_start3A_217 = arith.constant 1 : i32
    %dma_start3A_218 = arith.constant 128 : i32
    %dma_start3A_219 = tpu.memref_slice %arg17[%dma_start3A_218] : memref<512xf32, #tpu.memory_space<vmem>> -> memref<128xf32, #tpu.memory_space<vmem>>
    %dma_start3A_220 = arith.constant 0 : i32
    %dma_start3A_221 = tpu.memref_slice %arg10[%dma_start3A_217, %dma_start3A_220] : memref<4x128xi32, #tpu.memory_space<vmem>> -> memref<1x128xi32, #tpu.memory_space<vmem>>
    %dma_start3A_222 = tpu.memref_squeeze %dma_start3A_221 : memref<1x128xi32, #tpu.memory_space<vmem>> -> memref<128xi32, #tpu.memory_space<vmem>>
    %dma_start3A_223 = arith.constant 0 : i32
    %dma_start3A_224 = tpu.memref_slice %arg6[%dma_start3A_223] : memref<100000xf32, #tpu.memory_space<hbm>> -> memref<100000xf32, #tpu.memory_space<hbm>>
    tpu.enqueue_indirect_dma source(%dma_start3A_224 : memref<100000xf32, #tpu.memory_space<hbm>>) target(%dma_start3A_219 : memref<128xf32, #tpu.memory_space<vmem>>) offsets(%dma_start3A_222 : memref<128xi32, #tpu.memory_space<vmem>>) semaphore(%arg27 : memref<!tpu.dma_semaphore, #tpu.memory_space<semaphore_mem>>)
    %dma_start3A_225 = arith.constant 1 : i32
    %dma_start3A_226 = arith.constant 128 : i32
    %dma_start3A_227 = tpu.memref_slice %arg18[%dma_start3A_226] : memref<512xf32, #tpu.memory_space<vmem>> -> memref<128xf32, #tpu.memory_space<vmem>>
    %dma_start3A_228 = arith.constant 0 : i32
    %dma_start3A_229 = tpu.memref_slice %arg10[%dma_start3A_225, %dma_start3A_228] : memref<4x128xi32, #tpu.memory_space<vmem>> -> memref<1x128xi32, #tpu.memory_space<vmem>>
    %dma_start3A_230 = tpu.memref_squeeze %dma_start3A_229 : memref<1x128xi32, #tpu.memory_space<vmem>> -> memref<128xi32, #tpu.memory_space<vmem>>
    %dma_start3A_231 = arith.constant 0 : i32
    %dma_start3A_232 = tpu.memref_slice %arg7[%dma_start3A_231] : memref<100000xf32, #tpu.memory_space<hbm>> -> memref<100000xf32, #tpu.memory_space<hbm>>
    tpu.enqueue_indirect_dma source(%dma_start3A_232 : memref<100000xf32, #tpu.memory_space<hbm>>) target(%dma_start3A_227 : memref<128xf32, #tpu.memory_space<vmem>>) offsets(%dma_start3A_230 : memref<128xi32, #tpu.memory_space<vmem>>) semaphore(%arg27 : memref<!tpu.dma_semaphore, #tpu.memory_space<semaphore_mem>>)
    %dma_start3A_233 = arith.constant 2 : i32
    %dma_start3A_234 = arith.constant 256 : i32
    %dma_start3A_235 = tpu.memref_slice %arg17[%dma_start3A_234] : memref<512xf32, #tpu.memory_space<vmem>> -> memref<128xf32, #tpu.memory_space<vmem>>
    %dma_start3A_236 = arith.constant 0 : i32
    %dma_start3A_237 = tpu.memref_slice %arg10[%dma_start3A_233, %dma_start3A_236] : memref<4x128xi32, #tpu.memory_space<vmem>> -> memref<1x128xi32, #tpu.memory_space<vmem>>
    %dma_start3A_238 = tpu.memref_squeeze %dma_start3A_237 : memref<1x128xi32, #tpu.memory_space<vmem>> -> memref<128xi32, #tpu.memory_space<vmem>>
    %dma_start3A_239 = arith.constant 0 : i32
    %dma_start3A_240 = tpu.memref_slice %arg6[%dma_start3A_239] : memref<100000xf32, #tpu.memory_space<hbm>> -> memref<100000xf32, #tpu.memory_space<hbm>>
    tpu.enqueue_indirect_dma source(%dma_start3A_240 : memref<100000xf32, #tpu.memory_space<hbm>>) target(%dma_start3A_235 : memref<128xf32, #tpu.memory_space<vmem>>) offsets(%dma_start3A_238 : memref<128xi32, #tpu.memory_space<vmem>>) semaphore(%arg27 : memref<!tpu.dma_semaphore, #tpu.memory_space<semaphore_mem>>)
    %dma_start3A_241 = arith.constant 2 : i32
    %dma_start3A_242 = arith.constant 256 : i32
    %dma_start3A_243 = tpu.memref_slice %arg18[%dma_start3A_242] : memref<512xf32, #tpu.memory_space<vmem>> -> memref<128xf32, #tpu.memory_space<vmem>>
    %dma_start3A_244 = arith.constant 0 : i32
    %dma_start3A_245 = tpu.memref_slice %arg10[%dma_start3A_241, %dma_start3A_244] : memref<4x128xi32, #tpu.memory_space<vmem>> -> memref<1x128xi32, #tpu.memory_space<vmem>>
    %dma_start3A_246 = tpu.memref_squeeze %dma_start3A_245 : memref<1x128xi32, #tpu.memory_space<vmem>> -> memref<128xi32, #tpu.memory_space<vmem>>
    %dma_start3A_247 = arith.constant 0 : i32
    %dma_start3A_248 = tpu.memref_slice %arg7[%dma_start3A_247] : memref<100000xf32, #tpu.memory_space<hbm>> -> memref<100000xf32, #tpu.memory_space<hbm>>
    tpu.enqueue_indirect_dma source(%dma_start3A_248 : memref<100000xf32, #tpu.memory_space<hbm>>) target(%dma_start3A_243 : memref<128xf32, #tpu.memory_space<vmem>>) offsets(%dma_start3A_246 : memref<128xi32, #tpu.memory_space<vmem>>) semaphore(%arg27 : memref<!tpu.dma_semaphore, #tpu.memory_space<semaphore_mem>>)
    %dma_start3A_249 = arith.constant 3 : i32
    %dma_start3A_250 = arith.constant 384 : i32
    %dma_start3A_251 = tpu.memref_slice %arg17[%dma_start3A_250] : memref<512xf32, #tpu.memory_space<vmem>> -> memref<128xf32, #tpu.memory_space<vmem>>
    %dma_start3A_252 = arith.constant 0 : i32
    %dma_start3A_253 = tpu.memref_slice %arg10[%dma_start3A_249, %dma_start3A_252] : memref<4x128xi32, #tpu.memory_space<vmem>> -> memref<1x128xi32, #tpu.memory_space<vmem>>
    %dma_start3A_254 = tpu.memref_squeeze %dma_start3A_253 : memref<1x128xi32, #tpu.memory_space<vmem>> -> memref<128xi32, #tpu.memory_space<vmem>>
    %dma_start3A_255 = arith.constant 0 : i32
    %dma_start3A_256 = tpu.memref_slice %arg6[%dma_start3A_255] : memref<100000xf32, #tpu.memory_space<hbm>> -> memref<100000xf32, #tpu.memory_space<hbm>>
    tpu.enqueue_indirect_dma source(%dma_start3A_256 : memref<100000xf32, #tpu.memory_space<hbm>>) target(%dma_start3A_251 : memref<128xf32, #tpu.memory_space<vmem>>) offsets(%dma_start3A_254 : memref<128xi32, #tpu.memory_space<vmem>>) semaphore(%arg27 : memref<!tpu.dma_semaphore, #tpu.memory_space<semaphore_mem>>)
    %dma_start3A_257 = arith.constant 3 : i32
    %dma_start3A_258 = arith.constant 384 : i32
    %dma_start3A_259 = tpu.memref_slice %arg18[%dma_start3A_258] : memref<512xf32, #tpu.memory_space<vmem>> -> memref<128xf32, #tpu.memory_space<vmem>>
    %dma_start3A_260 = arith.constant 0 : i32
    %dma_start3A_261 = tpu.memref_slice %arg10[%dma_start3A_257, %dma_start3A_260] : memref<4x128xi32, #tpu.memory_space<vmem>> -> memref<1x128xi32, #tpu.memory_space<vmem>>
    %dma_start3A_262 = tpu.memref_squeeze %dma_start3A_261 : memref<1x128xi32, #tpu.memory_space<vmem>> -> memref<128xi32, #tpu.memory_space<vmem>>
    %dma_start3A_263 = arith.constant 0 : i32
    %dma_start3A_264 = tpu.memref_slice %arg7[%dma_start3A_263] : memref<100000xf32, #tpu.memory_space<hbm>> -> memref<100000xf32, #tpu.memory_space<hbm>>
    tpu.enqueue_indirect_dma source(%dma_start3A_264 : memref<100000xf32, #tpu.memory_space<hbm>>) target(%dma_start3A_259 : memref<128xf32, #tpu.memory_space<vmem>>) offsets(%dma_start3A_262 : memref<128xi32, #tpu.memory_space<vmem>>) semaphore(%arg27 : memref<!tpu.dma_semaphore, #tpu.memory_space<semaphore_mem>>)
    %iota3A = tpu.iota {dimensions = array<i32: 0>} : vector<16xi32>
    %eq3A = arith.constant 15 : i32
    %eq3A_265 = vector.broadcast %eq3A : i32 to vector<16xi32>
    %eq3A_266 = arith.cmpi eq, %iota3A, %eq3A_265 : vector<16xi32>
    %dma_wait3A_267 = arith.constant 0 : i32
    %dma_wait3A_268 = arith.constant 0 : i32
    %dma_wait3A_269 = tpu.memref_slice %arg9[%dma_wait3A_267, %dma_wait3A_268] : memref<4x128xi32, #tpu.memory_space<vmem>> -> memref<1x128xi32, #tpu.memory_space<vmem>>
    %dma_wait3A_270 = tpu.memref_squeeze %dma_wait3A_269 : memref<1x128xi32, #tpu.memory_space<vmem>> -> memref<128xi32, #tpu.memory_space<vmem>>
    %dma_wait3A_271 = arith.constant 0 : i32
    %dma_wait3A_272 = arith.constant 0 : i32
    %dma_wait3A_273 = tpu.memref_slice %arg5[%dma_wait3A_271, %dma_wait3A_272] : memref<1000000x128xf32, #tpu.memory_space<hbm>> -> memref<1000000x128xf32, #tpu.memory_space<hbm>>
    tpu.wait_indirect_dma semaphore(%arg21 : memref<!tpu.dma_semaphore, #tpu.memory_space<semaphore_mem>>) src(%dma_wait3A_273 : memref<1000000x128xf32, #tpu.memory_space<hbm>>) dst(%arg11 : memref<128x128xf32, #tpu.memory_space<vmem>>)
    %dma_wait3A_274 = arith.constant 0 : i32
    %dma_wait3A_275 = tpu.memref_slice %arg4[%add3A_190, %dma_wait3A_274] : memref<16384x128xf32, #tpu.memory_space<hbm>> -> memref<128x128xf32, #tpu.memory_space<hbm>>
    %dma_wait3A_276 = arith.constant 0 : i32
    %dma_wait3A_277 = tpu.memref_slice %arg4[%add3A_190, %dma_wait3A_276] : memref<16384x128xf32, #tpu.memory_space<hbm>> -> memref<128x128xf32, #tpu.memory_space<hbm>>
    tpu.wait_dma2 semaphore(%arg25 : memref<!tpu.dma_semaphore, #tpu.memory_space<semaphore_mem>>) src(%dma_wait3A_277 : memref<128x128xf32, #tpu.memory_space<hbm>>) dst(%arg15 : memref<128x128xf32, #tpu.memory_space<vmem>>)
    %parallel_loop3A = arith.constant 0 : i32
    %parallel_loop3A_278 = arith.constant 128 : i32
    %parallel_loop3A_279 = arith.constant 1 : i32
    scf.for %parallel_loop3A_466 = %parallel_loop3A to %parallel_loop3A_278 step %parallel_loop3A_279  : i32 {
      %parallel_loop3A_467 = arith.index_cast %parallel_loop3A_466 : i32 to index
      %parallel_loop3A_468 = arith.constant 0 : index
      %parallel_loop3A_469 = tpu.vector_load %arg11[%parallel_loop3A_467, %parallel_loop3A_468] {strides = array<i32>} : memref<128x128xf32, #tpu.memory_space<vmem>>, vector<16xf32>,
      %parallel_loop3A_470 = arith.index_cast %parallel_loop3A_466 : i32 to index
      %parallel_loop3A_471 = arith.constant 0 : index
      %parallel_loop3A_472 = tpu.vector_load %arg15[%parallel_loop3A_470, %parallel_loop3A_471] {strides = array<i32>} : memref<128x128xf32, #tpu.memory_space<vmem>>, vector<16xf32>,
      %parallel_loop3A_473 = arith.constant 0.000000e+00 : f32
      %parallel_loop3A_474 = vector.broadcast %parallel_loop3A_473 : f32 to vector<16xf32>
      %parallel_loop3A_475 = arith.subf %parallel_loop3A_474, %parallel_loop3A_469 : vector<16xf32>
      %parallel_loop3A_476 = math.exp %parallel_loop3A_475 : vector<16xf32>
      %parallel_loop3A_477 = arith.constant 1.000000e+00 : f32
      %parallel_loop3A_478 = vector.broadcast %parallel_loop3A_477 : f32 to vector<16xf32>
      %parallel_loop3A_479 = arith.addf %parallel_loop3A_478, %parallel_loop3A_476 : vector<16xf32>
      %parallel_loop3A_480 = arith.constant 1.000000e+00 : f32
      %parallel_loop3A_481 = vector.broadcast %parallel_loop3A_480 : f32 to vector<16xf32>
      %parallel_loop3A_482 = arith.divf %parallel_loop3A_481, %parallel_loop3A_479 : vector<16xf32>
      %parallel_loop3A_483 = arith.constant 5.000000e-01 : f32
      %parallel_loop3A_484 = vector.broadcast %parallel_loop3A_483 : f32 to vector<16xf32>
      %parallel_loop3A_485 = arith.subf %parallel_loop3A_482, %parallel_loop3A_484 : vector<16xf32>
      %parallel_loop3A_486 = arith.mulf %parallel_loop3A_485, %parallel_loop3A_472 : vector<16xf32>
      %parallel_loop3A_487 = arith.index_cast %parallel_loop3A_466 : i32 to index
      %parallel_loop3A_488 = arith.constant 16 : index
      %parallel_loop3A_489 = tpu.vector_load %arg11[%parallel_loop3A_487, %parallel_loop3A_488] {strides = array<i32>} : memref<128x128xf32, #tpu.memory_space<vmem>>, vector<16xf32>,
      %parallel_loop3A_490 = arith.index_cast %parallel_loop3A_466 : i32 to index
      %parallel_loop3A_491 = arith.constant 16 : index
      %parallel_loop3A_492 = tpu.vector_load %arg15[%parallel_loop3A_490, %parallel_loop3A_491] {strides = array<i32>} : memref<128x128xf32, #tpu.memory_space<vmem>>, vector<16xf32>,
      %parallel_loop3A_493 = arith.constant 0.000000e+00 : f32
      %parallel_loop3A_494 = vector.broadcast %parallel_loop3A_493 : f32 to vector<16xf32>
      %parallel_loop3A_495 = arith.subf %parallel_loop3A_494, %parallel_loop3A_489 : vector<16xf32>
      %parallel_loop3A_496 = math.exp %parallel_loop3A_495 : vector<16xf32>
      %parallel_loop3A_497 = arith.constant 1.000000e+00 : f32
      %parallel_loop3A_498 = vector.broadcast %parallel_loop3A_497 : f32 to vector<16xf32>
      %parallel_loop3A_499 = arith.addf %parallel_loop3A_498, %parallel_loop3A_496 : vector<16xf32>
      %parallel_loop3A_500 = arith.constant 1.000000e+00 : f32
      %parallel_loop3A_501 = vector.broadcast %parallel_loop3A_500 : f32 to vector<16xf32>
      %parallel_loop3A_502 = arith.divf %parallel_loop3A_501, %parallel_loop3A_499 : vector<16xf32>
      %parallel_loop3A_503 = arith.constant 5.000000e-01 : f32
      %parallel_loop3A_504 = vector.broadcast %parallel_loop3A_503 : f32 to vector<16xf32>
      %parallel_loop3A_505 = arith.subf %parallel_loop3A_502, %parallel_loop3A_504 : vector<16xf32>
      %parallel_loop3A_506 = arith.mulf %parallel_loop3A_505, %parallel_loop3A_492 : vector<16xf32>
      %parallel_loop3A_507 = arith.index_cast %parallel_loop3A_466 : i32 to index
      %parallel_loop3A_508 = arith.constant 32 : index
      %parallel_loop3A_509 = tpu.vector_load %arg11[%parallel_loop3A_507, %parallel_loop3A_508] {strides = array<i32>} : memref<128x128xf32, #tpu.memory_space<vmem>>, vector<16xf32>,
      %parallel_loop3A_510 = arith.index_cast %parallel_loop3A_466 : i32 to index
      %parallel_loop3A_511 = arith.constant 32 : index
      %parallel_loop3A_512 = tpu.vector_load %arg15[%parallel_loop3A_510, %parallel_loop3A_511] {strides = array<i32>} : memref<128x128xf32, #tpu.memory_space<vmem>>, vector<16xf32>,
      %parallel_loop3A_513 = arith.constant 0.000000e+00 : f32
      %parallel_loop3A_514 = vector.broadcast %parallel_loop3A_513 : f32 to vector<16xf32>
      %parallel_loop3A_515 = arith.subf %parallel_loop3A_514, %parallel_loop3A_509 : vector<16xf32>
      %parallel_loop3A_516 = math.exp %parallel_loop3A_515 : vector<16xf32>
      %parallel_loop3A_517 = arith.constant 1.000000e+00 : f32
      %parallel_loop3A_518 = vector.broadcast %parallel_loop3A_517 : f32 to vector<16xf32>
      %parallel_loop3A_519 = arith.addf %parallel_loop3A_518, %parallel_loop3A_516 : vector<16xf32>
      %parallel_loop3A_520 = arith.constant 1.000000e+00 : f32
      %parallel_loop3A_521 = vector.broadcast %parallel_loop3A_520 : f32 to vector<16xf32>
      %parallel_loop3A_522 = arith.divf %parallel_loop3A_521, %parallel_loop3A_519 : vector<16xf32>
      %parallel_loop3A_523 = arith.constant 5.000000e-01 : f32
      %parallel_loop3A_524 = vector.broadcast %parallel_loop3A_523 : f32 to vector<16xf32>
      %parallel_loop3A_525 = arith.subf %parallel_loop3A_522, %parallel_loop3A_524 : vector<16xf32>
      %parallel_loop3A_526 = arith.mulf %parallel_loop3A_525, %parallel_loop3A_512 : vector<16xf32>
      %parallel_loop3A_527 = arith.index_cast %parallel_loop3A_466 : i32 to index
      %parallel_loop3A_528 = arith.constant 48 : index
      %parallel_loop3A_529 = tpu.vector_load %arg11[%parallel_loop3A_527, %parallel_loop3A_528] {strides = array<i32>} : memref<128x128xf32, #tpu.memory_space<vmem>>, vector<16xf32>,
      %parallel_loop3A_530 = arith.index_cast %parallel_loop3A_466 : i32 to index
      %parallel_loop3A_531 = arith.constant 48 : index
      %parallel_loop3A_532 = tpu.vector_load %arg15[%parallel_loop3A_530, %parallel_loop3A_531] {strides = array<i32>} : memref<128x128xf32, #tpu.memory_space<vmem>>, vector<16xf32>,
      %parallel_loop3A_533 = arith.constant 0.000000e+00 : f32
      %parallel_loop3A_534 = vector.broadcast %parallel_loop3A_533 : f32 to vector<16xf32>
      %parallel_loop3A_535 = arith.subf %parallel_loop3A_534, %parallel_loop3A_529 : vector<16xf32>
      %parallel_loop3A_536 = math.exp %parallel_loop3A_535 : vector<16xf32>
      %parallel_loop3A_537 = arith.constant 1.000000e+00 : f32
      %parallel_loop3A_538 = vector.broadcast %parallel_loop3A_537 : f32 to vector<16xf32>
      %parallel_loop3A_539 = arith.addf %parallel_loop3A_538, %parallel_loop3A_536 : vector<16xf32>
      %parallel_loop3A_540 = arith.constant 1.000000e+00 : f32
      %parallel_loop3A_541 = vector.broadcast %parallel_loop3A_540 : f32 to vector<16xf32>
      %parallel_loop3A_542 = arith.divf %parallel_loop3A_541, %parallel_loop3A_539 : vector<16xf32>
      %parallel_loop3A_543 = arith.constant 5.000000e-01 : f32
      %parallel_loop3A_544 = vector.broadcast %parallel_loop3A_543 : f32 to vector<16xf32>
      %parallel_loop3A_545 = arith.subf %parallel_loop3A_542, %parallel_loop3A_544 : vector<16xf32>
      %parallel_loop3A_546 = arith.mulf %parallel_loop3A_545, %parallel_loop3A_532 : vector<16xf32>
      %parallel_loop3A_547 = arith.index_cast %parallel_loop3A_466 : i32 to index
      %parallel_loop3A_548 = arith.constant 64 : index
      %parallel_loop3A_549 = tpu.vector_load %arg11[%parallel_loop3A_547, %parallel_loop3A_548] {strides = array<i32>} : memref<128x128xf32, #tpu.memory_space<vmem>>, vector<16xf32>,
      %parallel_loop3A_550 = arith.index_cast %parallel_loop3A_466 : i32 to index
      %parallel_loop3A_551 = arith.constant 64 : index
      %parallel_loop3A_552 = tpu.vector_load %arg15[%parallel_loop3A_550, %parallel_loop3A_551] {strides = array<i32>} : memref<128x128xf32, #tpu.memory_space<vmem>>, vector<16xf32>,
      %parallel_loop3A_553 = arith.constant 0.000000e+00 : f32
      %parallel_loop3A_554 = vector.broadcast %parallel_loop3A_553 : f32 to vector<16xf32>
      %parallel_loop3A_555 = arith.subf %parallel_loop3A_554, %parallel_loop3A_549 : vector<16xf32>
      %parallel_loop3A_556 = math.exp %parallel_loop3A_555 : vector<16xf32>
      %parallel_loop3A_557 = arith.constant 1.000000e+00 : f32
      %parallel_loop3A_558 = vector.broadcast %parallel_loop3A_557 : f32 to vector<16xf32>
      %parallel_loop3A_559 = arith.addf %parallel_loop3A_558, %parallel_loop3A_556 : vector<16xf32>
      %parallel_loop3A_560 = arith.constant 1.000000e+00 : f32
      %parallel_loop3A_561 = vector.broadcast %parallel_loop3A_560 : f32 to vector<16xf32>
      %parallel_loop3A_562 = arith.divf %parallel_loop3A_561, %parallel_loop3A_559 : vector<16xf32>
      %parallel_loop3A_563 = arith.constant 5.000000e-01 : f32
      %parallel_loop3A_564 = vector.broadcast %parallel_loop3A_563 : f32 to vector<16xf32>
      %parallel_loop3A_565 = arith.subf %parallel_loop3A_562, %parallel_loop3A_564 : vector<16xf32>
      %parallel_loop3A_566 = arith.mulf %parallel_loop3A_565, %parallel_loop3A_552 : vector<16xf32>
      %parallel_loop3A_567 = arith.index_cast %parallel_loop3A_466 : i32 to index
      %parallel_loop3A_568 = arith.constant 80 : index
      %parallel_loop3A_569 = tpu.vector_load %arg11[%parallel_loop3A_567, %parallel_loop3A_568] {strides = array<i32>} : memref<128x128xf32, #tpu.memory_space<vmem>>, vector<16xf32>,
      %parallel_loop3A_570 = arith.index_cast %parallel_loop3A_466 : i32 to index
      %parallel_loop3A_571 = arith.constant 80 : index
      %parallel_loop3A_572 = tpu.vector_load %arg15[%parallel_loop3A_570, %parallel_loop3A_571] {strides = array<i32>} : memref<128x128xf32, #tpu.memory_space<vmem>>, vector<16xf32>,
      %parallel_loop3A_573 = arith.constant 0.000000e+00 : f32
      %parallel_loop3A_574 = vector.broadcast %parallel_loop3A_573 : f32 to vector<16xf32>
      %parallel_loop3A_575 = arith.subf %parallel_loop3A_574, %parallel_loop3A_569 : vector<16xf32>
      %parallel_loop3A_576 = math.exp %parallel_loop3A_575 : vector<16xf32>
      %parallel_loop3A_577 = arith.constant 1.000000e+00 : f32
      %parallel_loop3A_578 = vector.broadcast %parallel_loop3A_577 : f32 to vector<16xf32>
      %parallel_loop3A_579 = arith.addf %parallel_loop3A_578, %parallel_loop3A_576 : vector<16xf32>
      %parallel_loop3A_580 = arith.constant 1.000000e+00 : f32
      %parallel_loop3A_581 = vector.broadcast %parallel_loop3A_580 : f32 to vector<16xf32>
      %parallel_loop3A_582 = arith.divf %parallel_loop3A_581, %parallel_loop3A_579 : vector<16xf32>
      %parallel_loop3A_583 = arith.constant 5.000000e-01 : f32
      %parallel_loop3A_584 = vector.broadcast %parallel_loop3A_583 : f32 to vector<16xf32>
      %parallel_loop3A_585 = arith.subf %parallel_loop3A_582, %parallel_loop3A_584 : vector<16xf32>
      %parallel_loop3A_586 = arith.mulf %parallel_loop3A_585, %parallel_loop3A_572 : vector<16xf32>
      %parallel_loop3A_587 = arith.index_cast %parallel_loop3A_466 : i32 to index
      %parallel_loop3A_588 = arith.constant 96 : index
      %parallel_loop3A_589 = tpu.vector_load %arg11[%parallel_loop3A_587, %parallel_loop3A_588] {strides = array<i32>} : memref<128x128xf32, #tpu.memory_space<vmem>>, vector<16xf32>,
      %parallel_loop3A_590 = arith.index_cast %parallel_loop3A_466 : i32 to index
      %parallel_loop3A_591 = arith.constant 96 : index
      %parallel_loop3A_592 = tpu.vector_load %arg15[%parallel_loop3A_590, %parallel_loop3A_591] {strides = array<i32>} : memref<128x128xf32, #tpu.memory_space<vmem>>, vector<16xf32>,
      %parallel_loop3A_593 = arith.constant 0.000000e+00 : f32
      %parallel_loop3A_594 = vector.broadcast %parallel_loop3A_593 : f32 to vector<16xf32>
      %parallel_loop3A_595 = arith.subf %parallel_loop3A_594, %parallel_loop3A_589 : vector<16xf32>
      %parallel_loop3A_596 = math.exp %parallel_loop3A_595 : vector<16xf32>
      %parallel_loop3A_597 = arith.constant 1.000000e+00 : f32
      %parallel_loop3A_598 = vector.broadcast %parallel_loop3A_597 : f32 to vector<16xf32>
      %parallel_loop3A_599 = arith.addf %parallel_loop3A_598, %parallel_loop3A_596 : vector<16xf32>
      %parallel_loop3A_600 = arith.constant 1.000000e+00 : f32
      %parallel_loop3A_601 = vector.broadcast %parallel_loop3A_600 : f32 to vector<16xf32>
      %parallel_loop3A_602 = arith.divf %parallel_loop3A_601, %parallel_loop3A_599 : vector<16xf32>
      %parallel_loop3A_603 = arith.constant 5.000000e-01 : f32
      %parallel_loop3A_604 = vector.broadcast %parallel_loop3A_603 : f32 to vector<16xf32>
      %parallel_loop3A_605 = arith.subf %parallel_loop3A_602, %parallel_loop3A_604 : vector<16xf32>
      %parallel_loop3A_606 = arith.mulf %parallel_loop3A_605, %parallel_loop3A_592 : vector<16xf32>
      %parallel_loop3A_607 = arith.index_cast %parallel_loop3A_466 : i32 to index
      %parallel_loop3A_608 = arith.constant 112 : index
      %parallel_loop3A_609 = tpu.vector_load %arg11[%parallel_loop3A_607, %parallel_loop3A_608] {strides = array<i32>} : memref<128x128xf32, #tpu.memory_space<vmem>>, vector<16xf32>,
      %parallel_loop3A_610 = arith.index_cast %parallel_loop3A_466 : i32 to index
      %parallel_loop3A_611 = arith.constant 112 : index
      %parallel_loop3A_612 = tpu.vector_load %arg15[%parallel_loop3A_610, %parallel_loop3A_611] {strides = array<i32>} : memref<128x128xf32, #tpu.memory_space<vmem>>, vector<16xf32>,
      %parallel_loop3A_613 = arith.constant 0.000000e+00 : f32
      %parallel_loop3A_614 = vector.broadcast %parallel_loop3A_613 : f32 to vector<16xf32>
      %parallel_loop3A_615 = arith.subf %parallel_loop3A_614, %parallel_loop3A_609 : vector<16xf32>
      %parallel_loop3A_616 = math.exp %parallel_loop3A_615 : vector<16xf32>
      %parallel_loop3A_617 = arith.constant 1.000000e+00 : f32
      %parallel_loop3A_618 = vector.broadcast %parallel_loop3A_617 : f32 to vector<16xf32>
      %parallel_loop3A_619 = arith.addf %parallel_loop3A_618, %parallel_loop3A_616 : vector<16xf32>
      %parallel_loop3A_620 = arith.constant 1.000000e+00 : f32
      %parallel_loop3A_621 = vector.broadcast %parallel_loop3A_620 : f32 to vector<16xf32>
      %parallel_loop3A_622 = arith.divf %parallel_loop3A_621, %parallel_loop3A_619 : vector<16xf32>
      %parallel_loop3A_623 = arith.constant 5.000000e-01 : f32
      %parallel_loop3A_624 = vector.broadcast %parallel_loop3A_623 : f32 to vector<16xf32>
      %parallel_loop3A_625 = arith.subf %parallel_loop3A_622, %parallel_loop3A_624 : vector<16xf32>
      %parallel_loop3A_626 = arith.mulf %parallel_loop3A_625, %parallel_loop3A_612 : vector<16xf32>
      %parallel_loop3A_627 = arith.addf %parallel_loop3A_486, %parallel_loop3A_506 : vector<16xf32>
      %parallel_loop3A_628 = arith.addf %parallel_loop3A_526, %parallel_loop3A_546 : vector<16xf32>
      %parallel_loop3A_629 = arith.addf %parallel_loop3A_627, %parallel_loop3A_628 : vector<16xf32>
      %parallel_loop3A_630 = arith.addf %parallel_loop3A_566, %parallel_loop3A_586 : vector<16xf32>
      %parallel_loop3A_631 = arith.addf %parallel_loop3A_606, %parallel_loop3A_626 : vector<16xf32>
      %parallel_loop3A_632 = arith.addf %parallel_loop3A_630, %parallel_loop3A_631 : vector<16xf32>
      %parallel_loop3A_633 = arith.addf %parallel_loop3A_629, %parallel_loop3A_632 : vector<16xf32>
      %parallel_loop3A_634 = arith.constant true
      %parallel_loop3A_635 = vector.broadcast %parallel_loop3A_634 : i1 to vector<16xi1>
      %parallel_loop3A_636 = tpu.scan <sum>, %parallel_loop3A_633 masked %parallel_loop3A_635 : vector<16xf32>, vector<16xi1> -> vector<16xf32>
      %parallel_loop3A_637 = arith.index_cast %parallel_loop3A_466 : i32 to index
      %parallel_loop3A_638 = tpu.vector_load %arg20[%parallel_loop3A_637] masked %eq3A_266 {strides = array<i32>} : memref<144xf32, #tpu.memory_space<vmem>>, vector<16xf32>, vector<16xi1>
      tpu.vector_store %arg20[%parallel_loop3A_637], %parallel_loop3A_636 masked %eq3A_266 {strides = array<i32>} : memref<144xf32, #tpu.memory_space<vmem>>, vector<16xf32>, vector<16xi1>
    } {sc.loop_unroll_factor = 4 : i64, sc.parallel_access}
    %add3A_280 = arith.constant 256 : i32
    %add3A_281 = arith.addi %mul3A_2, %add3A_280 : i32
    %dma_start3A_282 = arith.constant 0 : i32
    %dma_start3A_283 = tpu.memref_slice %arg4[%add3A_281, %dma_start3A_282] : memref<16384x128xf32, #tpu.memory_space<hbm>> -> memref<128x128xf32, #tpu.memory_space<hbm>>
    %dma_start3A_284 = arith.constant 0 : i32
    %dma_start3A_285 = tpu.memref_slice %arg4[%add3A_281, %dma_start3A_284] : memref<16384x128xf32, #tpu.memory_space<hbm>> -> memref<128x128xf32, #tpu.memory_space<hbm>>
    tpu.enqueue_dma source(%dma_start3A_285 : memref<128x128xf32, #tpu.memory_space<hbm>>) target(%arg15 : memref<128x128xf32, #tpu.memory_space<vmem>>) target_semaphore(%arg25 : memref<!tpu.dma_semaphore, #tpu.memory_space<semaphore_mem>>)
    %dma_wait3A_286 = arith.constant 0 : i32
    %dma_wait3A_287 = arith.constant 0 : i32
    %dma_wait3A_288 = tpu.memref_slice %arg17[%dma_wait3A_287] : memref<512xf32, #tpu.memory_space<vmem>> -> memref<128xf32, #tpu.memory_space<vmem>>
    %dma_wait3A_289 = arith.constant 0 : i32
    %dma_wait3A_290 = tpu.memref_slice %arg10[%dma_wait3A_286, %dma_wait3A_289] : memref<4x128xi32, #tpu.memory_space<vmem>> -> memref<1x128xi32, #tpu.memory_space<vmem>>
    %dma_wait3A_291 = tpu.memref_squeeze %dma_wait3A_290 : memref<1x128xi32, #tpu.memory_space<vmem>> -> memref<128xi32, #tpu.memory_space<vmem>>
    %dma_wait3A_292 = arith.constant 0 : i32
    %dma_wait3A_293 = tpu.memref_slice %arg6[%dma_wait3A_292] : memref<100000xf32, #tpu.memory_space<hbm>> -> memref<100000xf32, #tpu.memory_space<hbm>>
    tpu.wait_indirect_dma semaphore(%arg27 : memref<!tpu.dma_semaphore, #tpu.memory_space<semaphore_mem>>) src(%dma_wait3A_293 : memref<100000xf32, #tpu.memory_space<hbm>>) dst(%dma_wait3A_288 : memref<128xf32, #tpu.memory_space<vmem>>)
    %dma_wait3A_294 = arith.constant 0 : i32
    %dma_wait3A_295 = arith.constant 0 : i32
    %dma_wait3A_296 = tpu.memref_slice %arg18[%dma_wait3A_295] : memref<512xf32, #tpu.memory_space<vmem>> -> memref<128xf32, #tpu.memory_space<vmem>>
    %dma_wait3A_297 = arith.constant 0 : i32
    %dma_wait3A_298 = tpu.memref_slice %arg10[%dma_wait3A_294, %dma_wait3A_297] : memref<4x128xi32, #tpu.memory_space<vmem>> -> memref<1x128xi32, #tpu.memory_space<vmem>>
    %dma_wait3A_299 = tpu.memref_squeeze %dma_wait3A_298 : memref<1x128xi32, #tpu.memory_space<vmem>> -> memref<128xi32, #tpu.memory_space<vmem>>
    %dma_wait3A_300 = arith.constant 0 : i32
    %dma_wait3A_301 = tpu.memref_slice %arg7[%dma_wait3A_300] : memref<100000xf32, #tpu.memory_space<hbm>> -> memref<100000xf32, #tpu.memory_space<hbm>>
    tpu.wait_indirect_dma semaphore(%arg27 : memref<!tpu.dma_semaphore, #tpu.memory_space<semaphore_mem>>) src(%dma_wait3A_301 : memref<100000xf32, #tpu.memory_space<hbm>>) dst(%dma_wait3A_296 : memref<128xf32, #tpu.memory_space<vmem>>)
    %dma_wait3A_302 = arith.constant 1 : i32
    %dma_wait3A_303 = arith.constant 128 : i32
    %dma_wait3A_304 = tpu.memref_slice %arg17[%dma_wait3A_303] : memref<512xf32, #tpu.memory_space<vmem>> -> memref<128xf32, #tpu.memory_space<vmem>>
    %dma_wait3A_305 = arith.constant 0 : i32
    %dma_wait3A_306 = tpu.memref_slice %arg10[%dma_wait3A_302, %dma_wait3A_305] : memref<4x128xi32, #tpu.memory_space<vmem>> -> memref<1x128xi32, #tpu.memory_space<vmem>>
    %dma_wait3A_307 = tpu.memref_squeeze %dma_wait3A_306 : memref<1x128xi32, #tpu.memory_space<vmem>> -> memref<128xi32, #tpu.memory_space<vmem>>
    %dma_wait3A_308 = arith.constant 0 : i32
    %dma_wait3A_309 = tpu.memref_slice %arg6[%dma_wait3A_308] : memref<100000xf32, #tpu.memory_space<hbm>> -> memref<100000xf32, #tpu.memory_space<hbm>>
    tpu.wait_indirect_dma semaphore(%arg27 : memref<!tpu.dma_semaphore, #tpu.memory_space<semaphore_mem>>) src(%dma_wait3A_309 : memref<100000xf32, #tpu.memory_space<hbm>>) dst(%dma_wait3A_304 : memref<128xf32, #tpu.memory_space<vmem>>)
    %dma_wait3A_310 = arith.constant 1 : i32
    %dma_wait3A_311 = arith.constant 128 : i32
    %dma_wait3A_312 = tpu.memref_slice %arg18[%dma_wait3A_311] : memref<512xf32, #tpu.memory_space<vmem>> -> memref<128xf32, #tpu.memory_space<vmem>>
    %dma_wait3A_313 = arith.constant 0 : i32
    %dma_wait3A_314 = tpu.memref_slice %arg10[%dma_wait3A_310, %dma_wait3A_313] : memref<4x128xi32, #tpu.memory_space<vmem>> -> memref<1x128xi32, #tpu.memory_space<vmem>>
    %dma_wait3A_315 = tpu.memref_squeeze %dma_wait3A_314 : memref<1x128xi32, #tpu.memory_space<vmem>> -> memref<128xi32, #tpu.memory_space<vmem>>
    %dma_wait3A_316 = arith.constant 0 : i32
    %dma_wait3A_317 = tpu.memref_slice %arg7[%dma_wait3A_316] : memref<100000xf32, #tpu.memory_space<hbm>> -> memref<100000xf32, #tpu.memory_space<hbm>>
    tpu.wait_indirect_dma semaphore(%arg27 : memref<!tpu.dma_semaphore, #tpu.memory_space<semaphore_mem>>) src(%dma_wait3A_317 : memref<100000xf32, #tpu.memory_space<hbm>>) dst(%dma_wait3A_312 : memref<128xf32, #tpu.memory_space<vmem>>)
    %dma_wait3A_318 = arith.constant 2 : i32
    %dma_wait3A_319 = arith.constant 256 : i32
    %dma_wait3A_320 = tpu.memref_slice %arg17[%dma_wait3A_319] : memref<512xf32, #tpu.memory_space<vmem>> -> memref<128xf32, #tpu.memory_space<vmem>>
    %dma_wait3A_321 = arith.constant 0 : i32
    %dma_wait3A_322 = tpu.memref_slice %arg10[%dma_wait3A_318, %dma_wait3A_321] : memref<4x128xi32, #tpu.memory_space<vmem>> -> memref<1x128xi32, #tpu.memory_space<vmem>>
    %dma_wait3A_323 = tpu.memref_squeeze %dma_wait3A_322 : memref<1x128xi32, #tpu.memory_space<vmem>> -> memref<128xi32, #tpu.memory_space<vmem>>
    %dma_wait3A_324 = arith.constant 0 : i32
    %dma_wait3A_325 = tpu.memref_slice %arg6[%dma_wait3A_324] : memref<100000xf32, #tpu.memory_space<hbm>> -> memref<100000xf32, #tpu.memory_space<hbm>>
    tpu.wait_indirect_dma semaphore(%arg27 : memref<!tpu.dma_semaphore, #tpu.memory_space<semaphore_mem>>) src(%dma_wait3A_325 : memref<100000xf32, #tpu.memory_space<hbm>>) dst(%dma_wait3A_320 : memref<128xf32, #tpu.memory_space<vmem>>)
    %dma_wait3A_326 = arith.constant 2 : i32
    %dma_wait3A_327 = arith.constant 256 : i32
    %dma_wait3A_328 = tpu.memref_slice %arg18[%dma_wait3A_327] : memref<512xf32, #tpu.memory_space<vmem>> -> memref<128xf32, #tpu.memory_space<vmem>>
    %dma_wait3A_329 = arith.constant 0 : i32
    %dma_wait3A_330 = tpu.memref_slice %arg10[%dma_wait3A_326, %dma_wait3A_329] : memref<4x128xi32, #tpu.memory_space<vmem>> -> memref<1x128xi32, #tpu.memory_space<vmem>>
    %dma_wait3A_331 = tpu.memref_squeeze %dma_wait3A_330 : memref<1x128xi32, #tpu.memory_space<vmem>> -> memref<128xi32, #tpu.memory_space<vmem>>
    %dma_wait3A_332 = arith.constant 0 : i32
    %dma_wait3A_333 = tpu.memref_slice %arg7[%dma_wait3A_332] : memref<100000xf32, #tpu.memory_space<hbm>> -> memref<100000xf32, #tpu.memory_space<hbm>>
    tpu.wait_indirect_dma semaphore(%arg27 : memref<!tpu.dma_semaphore, #tpu.memory_space<semaphore_mem>>) src(%dma_wait3A_333 : memref<100000xf32, #tpu.memory_space<hbm>>) dst(%dma_wait3A_328 : memref<128xf32, #tpu.memory_space<vmem>>)
    %dma_wait3A_334 = arith.constant 3 : i32
    %dma_wait3A_335 = arith.constant 384 : i32
    %dma_wait3A_336 = tpu.memref_slice %arg17[%dma_wait3A_335] : memref<512xf32, #tpu.memory_space<vmem>> -> memref<128xf32, #tpu.memory_space<vmem>>
    %dma_wait3A_337 = arith.constant 0 : i32
    %dma_wait3A_338 = tpu.memref_slice %arg10[%dma_wait3A_334, %dma_wait3A_337] : memref<4x128xi32, #tpu.memory_space<vmem>> -> memref<1x128xi32, #tpu.memory_space<vmem>>
    %dma_wait3A_339 = tpu.memref_squeeze %dma_wait3A_338 : memref<1x128xi32, #tpu.memory_space<vmem>> -> memref<128xi32, #tpu.memory_space<vmem>>
    %dma_wait3A_340 = arith.constant 0 : i32
    %dma_wait3A_341 = tpu.memref_slice %arg6[%dma_wait3A_340] : memref<100000xf32, #tpu.memory_space<hbm>> -> memref<100000xf32, #tpu.memory_space<hbm>>
    tpu.wait_indirect_dma semaphore(%arg27 : memref<!tpu.dma_semaphore, #tpu.memory_space<semaphore_mem>>) src(%dma_wait3A_341 : memref<100000xf32, #tpu.memory_space<hbm>>) dst(%dma_wait3A_336 : memref<128xf32, #tpu.memory_space<vmem>>)
    %dma_wait3A_342 = arith.constant 3 : i32
    %dma_wait3A_343 = arith.constant 384 : i32
    %dma_wait3A_344 = tpu.memref_slice %arg18[%dma_wait3A_343] : memref<512xf32, #tpu.memory_space<vmem>> -> memref<128xf32, #tpu.memory_space<vmem>>
    %dma_wait3A_345 = arith.constant 0 : i32
    %dma_wait3A_346 = tpu.memref_slice %arg10[%dma_wait3A_342, %dma_wait3A_345] : memref<4x128xi32, #tpu.memory_space<vmem>> -> memref<1x128xi32, #tpu.memory_space<vmem>>
    %dma_wait3A_347 = tpu.memref_squeeze %dma_wait3A_346 : memref<1x128xi32, #tpu.memory_space<vmem>> -> memref<128xi32, #tpu.memory_space<vmem>>
    %dma_wait3A_348 = arith.constant 0 : i32
    %dma_wait3A_349 = tpu.memref_slice %arg7[%dma_wait3A_348] : memref<100000xf32, #tpu.memory_space<hbm>> -> memref<100000xf32, #tpu.memory_space<hbm>>
    tpu.wait_indirect_dma semaphore(%arg27 : memref<!tpu.dma_semaphore, #tpu.memory_space<semaphore_mem>>) src(%dma_wait3A_349 : memref<100000xf32, #tpu.memory_space<hbm>>) dst(%dma_wait3A_344 : memref<128xf32, #tpu.memory_space<vmem>>)
    %parallel_loop3A_350 = arith.constant 0 : i32
    %parallel_loop3A_351 = arith.constant 128 : i32
    %parallel_loop3A_352 = arith.constant 16 : i32
    scf.for %parallel_loop3A_466 = %parallel_loop3A_350 to %parallel_loop3A_351 step %parallel_loop3A_352  : i32 {
      %parallel_loop3A_467 = arith.constant 0 : i32
      %parallel_loop3A_468 = arith.addi %parallel_loop3A_467, %parallel_loop3A_466 : i32
      %parallel_loop3A_469 = arith.index_cast %parallel_loop3A_466 : i32 to index
      %parallel_loop3A_470 = tpu.vector_load %arg20[%parallel_loop3A_469] {strides = array<i32>} : memref<144xf32, #tpu.memory_space<vmem>>, vector<16xf32>,
      %parallel_loop3A_471 = arith.constant 2.000000e-02 : f32
      %parallel_loop3A_472 = vector.broadcast %parallel_loop3A_471 : f32 to vector<16xf32>
      %parallel_loop3A_473 = arith.mulf %parallel_loop3A_470, %parallel_loop3A_472 : vector<16xf32>
      %parallel_loop3A_474 = arith.constant 0.000000e+00 : f32
      %parallel_loop3A_475 = vector.broadcast %parallel_loop3A_474 : f32 to vector<16xf32>
      %parallel_loop3A_476 = arith.subf %parallel_loop3A_475, %parallel_loop3A_473 : vector<16xf32>
      %parallel_loop3A_477 = math.exp %parallel_loop3A_476 : vector<16xf32>
      %parallel_loop3A_478 = arith.constant 1.000000e+00 : f32
      %parallel_loop3A_479 = vector.broadcast %parallel_loop3A_478 : f32 to vector<16xf32>
      %parallel_loop3A_480 = arith.addf %parallel_loop3A_479, %parallel_loop3A_477 : vector<16xf32>
      %parallel_loop3A_481 = arith.constant 1.000000e+00 : f32
      %parallel_loop3A_482 = vector.broadcast %parallel_loop3A_481 : f32 to vector<16xf32>
      %parallel_loop3A_483 = arith.divf %parallel_loop3A_482, %parallel_loop3A_480 : vector<16xf32>
      %parallel_loop3A_484 = arith.index_cast %parallel_loop3A_468 : i32 to index
      %parallel_loop3A_485 = tpu.vector_load %arg17[%parallel_loop3A_484] {strides = array<i32>} : memref<512xf32, #tpu.memory_space<vmem>>, vector<16xf32>,
      %parallel_loop3A_486 = arith.constant 0.000000e+00 : f32
      %parallel_loop3A_487 = vector.broadcast %parallel_loop3A_486 : f32 to vector<16xf32>
      %parallel_loop3A_488 = arith.subf %parallel_loop3A_487, %parallel_loop3A_485 : vector<16xf32>
      %parallel_loop3A_489 = math.exp %parallel_loop3A_488 : vector<16xf32>
      %parallel_loop3A_490 = arith.constant 1.000000e+00 : f32
      %parallel_loop3A_491 = vector.broadcast %parallel_loop3A_490 : f32 to vector<16xf32>
      %parallel_loop3A_492 = arith.addf %parallel_loop3A_491, %parallel_loop3A_489 : vector<16xf32>
      %parallel_loop3A_493 = arith.constant 1.000000e+00 : f32
      %parallel_loop3A_494 = vector.broadcast %parallel_loop3A_493 : f32 to vector<16xf32>
      %parallel_loop3A_495 = arith.divf %parallel_loop3A_494, %parallel_loop3A_492 : vector<16xf32>
      %parallel_loop3A_496 = arith.constant 4.000000e-01 : f32
      %parallel_loop3A_497 = vector.broadcast %parallel_loop3A_496 : f32 to vector<16xf32>
      %parallel_loop3A_498 = arith.mulf %parallel_loop3A_497, %parallel_loop3A_495 : vector<16xf32>
      %parallel_loop3A_499 = arith.index_cast %parallel_loop3A_468 : i32 to index
      %parallel_loop3A_500 = tpu.vector_load %arg18[%parallel_loop3A_499] {strides = array<i32>} : memref<512xf32, #tpu.memory_space<vmem>>, vector<16xf32>,
      %parallel_loop3A_501 = arith.constant 0.000000e+00 : f32
      %parallel_loop3A_502 = vector.broadcast %parallel_loop3A_501 : f32 to vector<16xf32>
      %parallel_loop3A_503 = arith.subf %parallel_loop3A_502, %parallel_loop3A_500 : vector<16xf32>
      %parallel_loop3A_504 = math.exp %parallel_loop3A_503 : vector<16xf32>
      %parallel_loop3A_505 = arith.constant 1.000000e+00 : f32
      %parallel_loop3A_506 = vector.broadcast %parallel_loop3A_505 : f32 to vector<16xf32>
      %parallel_loop3A_507 = arith.addf %parallel_loop3A_506, %parallel_loop3A_504 : vector<16xf32>
      %parallel_loop3A_508 = arith.constant 1.000000e+00 : f32
      %parallel_loop3A_509 = vector.broadcast %parallel_loop3A_508 : f32 to vector<16xf32>
      %parallel_loop3A_510 = arith.divf %parallel_loop3A_509, %parallel_loop3A_507 : vector<16xf32>
      %parallel_loop3A_511 = arith.constant 4.000000e-01 : f32
      %parallel_loop3A_512 = vector.broadcast %parallel_loop3A_511 : f32 to vector<16xf32>
      %parallel_loop3A_513 = arith.mulf %parallel_loop3A_512, %parallel_loop3A_510 : vector<16xf32>
      %parallel_loop3A_514 = arith.constant 1.000000e+00 : f32
      %parallel_loop3A_515 = vector.broadcast %parallel_loop3A_514 : f32 to vector<16xf32>
      %parallel_loop3A_516 = arith.subf %parallel_loop3A_515, %parallel_loop3A_498 : vector<16xf32>
      %parallel_loop3A_517 = arith.subf %parallel_loop3A_516, %parallel_loop3A_513 : vector<16xf32>
      %parallel_loop3A_518 = arith.mulf %parallel_loop3A_517, %parallel_loop3A_483 : vector<16xf32>
      %parallel_loop3A_519 = arith.addf %parallel_loop3A_513, %parallel_loop3A_518 : vector<16xf32>
      %parallel_loop3A_520 = arith.index_cast %parallel_loop3A_468 : i32 to index
      %parallel_loop3A_521 = tpu.vector_load %arg19[%parallel_loop3A_520] {strides = array<i32>} : memref<512xf32, #tpu.memory_space<vmem>>, vector<16xf32>,
      tpu.vector_store %arg19[%parallel_loop3A_520], %parallel_loop3A_519 {strides = array<i32>} : memref<512xf32, #tpu.memory_space<vmem>>, vector<16xf32>,
    } {sc.loop_unroll_factor = 1 : i64, sc.parallel_access}
    %add3A_353 = arith.constant 0 : i32
    %add3A_354 = arith.addi %mul3A_2, %add3A_353 : i32
    %dma_start3A_355 = arith.constant 0 : i32
    %dma_start3A_356 = tpu.memref_slice %arg19[%dma_start3A_355] : memref<512xf32, #tpu.memory_space<vmem>> -> memref<128xf32, #tpu.memory_space<vmem>>
    %dma_start3A_357 = tpu.memref_slice %arg8[%add3A_354] : memref<16384xf32, #tpu.memory_space<hbm>> -> memref<128xf32, #tpu.memory_space<hbm>>
    %dma_start3A_358 = tpu.memref_slice %arg8[%add3A_354] : memref<16384xf32, #tpu.memory_space<hbm>> -> memref<128xf32, #tpu.memory_space<hbm>>
    %dma_start3A_359 = arith.constant 0 : i32
    %dma_start3A_360 = tpu.memref_slice %arg19[%dma_start3A_359] : memref<512xf32, #tpu.memory_space<vmem>> -> memref<128xf32, #tpu.memory_space<vmem>>
    tpu.enqueue_dma source(%dma_start3A_360 : memref<128xf32, #tpu.memory_space<vmem>>) target(%dma_start3A_358 : memref<128xf32, #tpu.memory_space<hbm>>) target_semaphore(%arg29 : memref<!tpu.dma_semaphore, #tpu.memory_space<semaphore_mem>>)
    %dma_wait3A_361 = arith.constant 1 : i32
    %dma_wait3A_362 = arith.constant 0 : i32
    %dma_wait3A_363 = tpu.memref_slice %arg9[%dma_wait3A_361, %dma_wait3A_362] : memref<4x128xi32, #tpu.memory_space<vmem>> -> memref<1x128xi32, #tpu.memory_space<vmem>>
    %dma_wait3A_364 = tpu.memref_squeeze %dma_wait3A_363 : memref<1x128xi32, #tpu.memory_space<vmem>> -> memref<128xi32, #tpu.memory_space<vmem>>
    %dma_wait3A_365 = arith.constant 0 : i32
    %dma_wait3A_366 = arith.constant 0 : i32
    %dma_wait3A_367 = tpu.memref_slice %arg5[%dma_wait3A_365, %dma_wait3A_366] : memref<1000000x128xf32, #tpu.memory_space<hbm>> -> memref<1000000x128xf32, #tpu.memory_space<hbm>>
    tpu.wait_indirect_dma semaphore(%arg22 : memref<!tpu.dma_semaphore, #tpu.memory_space<semaphore_mem>>) src(%dma_wait3A_367 : memref<1000000x128xf32, #tpu.memory_space<hbm>>) dst(%arg12 : memref<128x128xf32, #tpu.memory_space<vmem>>)
    %dma_wait3A_368 = arith.constant 0 : i32
    %dma_wait3A_369 = tpu.memref_slice %arg4[%add3A_196, %dma_wait3A_368] : memref<16384x128xf32, #tpu.memory_space<hbm>> -> memref<128x128xf32, #tpu.memory_space<hbm>>
    %dma_wait3A_370 = arith.constant 0 : i32
    %dma_wait3A_371 = tpu.memref_slice %arg4[%add3A_196, %dma_wait3A_370] : memref<16384x128xf32, #tpu.memory_space<hbm>> -> memref<128x128xf32, #tpu.memory_space<hbm>>
    tpu.wait_dma2 semaphore(%arg26 : memref<!tpu.dma_semaphore, #tpu.memory_space<semaphore_mem>>) src(%dma_wait3A_371 : memref<128x128xf32, #tpu.memory_space<hbm>>) dst(%arg16 : memref<128x128xf32, #tpu.memory_space<vmem>>)
    %parallel_loop3A_372 = arith.constant 0 : i32
    %parallel_loop3A_373 = arith.constant 128 : i32
    %parallel_loop3A_374 = arith.constant 1 : i32
    scf.for %parallel_loop3A_466 = %parallel_loop3A_372 to %parallel_loop3A_373 step %parallel_loop3A_374  : i32 {
      %parallel_loop3A_467 = arith.index_cast %parallel_loop3A_466 : i32 to index
      %parallel_loop3A_468 = arith.constant 0 : index
      %parallel_loop3A_469 = tpu.vector_load %arg12[%parallel_loop3A_467, %parallel_loop3A_468] {strides = array<i32>} : memref<128x128xf32, #tpu.memory_space<vmem>>, vector<16xf32>,
      %parallel_loop3A_470 = arith.index_cast %parallel_loop3A_466 : i32 to index
      %parallel_loop3A_471 = arith.constant 0 : index
      %parallel_loop3A_472 = tpu.vector_load %arg16[%parallel_loop3A_470, %parallel_loop3A_471] {strides = array<i32>} : memref<128x128xf32, #tpu.memory_space<vmem>>, vector<16xf32>,
      %parallel_loop3A_473 = arith.constant 0.000000e+00 : f32
      %parallel_loop3A_474 = vector.broadcast %parallel_loop3A_473 : f32 to vector<16xf32>
      %parallel_loop3A_475 = arith.subf %parallel_loop3A_474, %parallel_loop3A_469 : vector<16xf32>
      %parallel_loop3A_476 = math.exp %parallel_loop3A_475 : vector<16xf32>
      %parallel_loop3A_477 = arith.constant 1.000000e+00 : f32
      %parallel_loop3A_478 = vector.broadcast %parallel_loop3A_477 : f32 to vector<16xf32>
      %parallel_loop3A_479 = arith.addf %parallel_loop3A_478, %parallel_loop3A_476 : vector<16xf32>
      %parallel_loop3A_480 = arith.constant 1.000000e+00 : f32
      %parallel_loop3A_481 = vector.broadcast %parallel_loop3A_480 : f32 to vector<16xf32>
      %parallel_loop3A_482 = arith.divf %parallel_loop3A_481, %parallel_loop3A_479 : vector<16xf32>
      %parallel_loop3A_483 = arith.constant 5.000000e-01 : f32
      %parallel_loop3A_484 = vector.broadcast %parallel_loop3A_483 : f32 to vector<16xf32>
      %parallel_loop3A_485 = arith.subf %parallel_loop3A_482, %parallel_loop3A_484 : vector<16xf32>
      %parallel_loop3A_486 = arith.mulf %parallel_loop3A_485, %parallel_loop3A_472 : vector<16xf32>
      %parallel_loop3A_487 = arith.index_cast %parallel_loop3A_466 : i32 to index
      %parallel_loop3A_488 = arith.constant 16 : index
      %parallel_loop3A_489 = tpu.vector_load %arg12[%parallel_loop3A_487, %parallel_loop3A_488] {strides = array<i32>} : memref<128x128xf32, #tpu.memory_space<vmem>>, vector<16xf32>,
      %parallel_loop3A_490 = arith.index_cast %parallel_loop3A_466 : i32 to index
      %parallel_loop3A_491 = arith.constant 16 : index
      %parallel_loop3A_492 = tpu.vector_load %arg16[%parallel_loop3A_490, %parallel_loop3A_491] {strides = array<i32>} : memref<128x128xf32, #tpu.memory_space<vmem>>, vector<16xf32>,
      %parallel_loop3A_493 = arith.constant 0.000000e+00 : f32
      %parallel_loop3A_494 = vector.broadcast %parallel_loop3A_493 : f32 to vector<16xf32>
      %parallel_loop3A_495 = arith.subf %parallel_loop3A_494, %parallel_loop3A_489 : vector<16xf32>
      %parallel_loop3A_496 = math.exp %parallel_loop3A_495 : vector<16xf32>
      %parallel_loop3A_497 = arith.constant 1.000000e+00 : f32
      %parallel_loop3A_498 = vector.broadcast %parallel_loop3A_497 : f32 to vector<16xf32>
      %parallel_loop3A_499 = arith.addf %parallel_loop3A_498, %parallel_loop3A_496 : vector<16xf32>
      %parallel_loop3A_500 = arith.constant 1.000000e+00 : f32
      %parallel_loop3A_501 = vector.broadcast %parallel_loop3A_500 : f32 to vector<16xf32>
      %parallel_loop3A_502 = arith.divf %parallel_loop3A_501, %parallel_loop3A_499 : vector<16xf32>
      %parallel_loop3A_503 = arith.constant 5.000000e-01 : f32
      %parallel_loop3A_504 = vector.broadcast %parallel_loop3A_503 : f32 to vector<16xf32>
      %parallel_loop3A_505 = arith.subf %parallel_loop3A_502, %parallel_loop3A_504 : vector<16xf32>
      %parallel_loop3A_506 = arith.mulf %parallel_loop3A_505, %parallel_loop3A_492 : vector<16xf32>
      %parallel_loop3A_507 = arith.index_cast %parallel_loop3A_466 : i32 to index
      %parallel_loop3A_508 = arith.constant 32 : index
      %parallel_loop3A_509 = tpu.vector_load %arg12[%parallel_loop3A_507, %parallel_loop3A_508] {strides = array<i32>} : memref<128x128xf32, #tpu.memory_space<vmem>>, vector<16xf32>,
      %parallel_loop3A_510 = arith.index_cast %parallel_loop3A_466 : i32 to index
      %parallel_loop3A_511 = arith.constant 32 : index
      %parallel_loop3A_512 = tpu.vector_load %arg16[%parallel_loop3A_510, %parallel_loop3A_511] {strides = array<i32>} : memref<128x128xf32, #tpu.memory_space<vmem>>, vector<16xf32>,
      %parallel_loop3A_513 = arith.constant 0.000000e+00 : f32
      %parallel_loop3A_514 = vector.broadcast %parallel_loop3A_513 : f32 to vector<16xf32>
      %parallel_loop3A_515 = arith.subf %parallel_loop3A_514, %parallel_loop3A_509 : vector<16xf32>
      %parallel_loop3A_516 = math.exp %parallel_loop3A_515 : vector<16xf32>
      %parallel_loop3A_517 = arith.constant 1.000000e+00 : f32
      %parallel_loop3A_518 = vector.broadcast %parallel_loop3A_517 : f32 to vector<16xf32>
      %parallel_loop3A_519 = arith.addf %parallel_loop3A_518, %parallel_loop3A_516 : vector<16xf32>
      %parallel_loop3A_520 = arith.constant 1.000000e+00 : f32
      %parallel_loop3A_521 = vector.broadcast %parallel_loop3A_520 : f32 to vector<16xf32>
      %parallel_loop3A_522 = arith.divf %parallel_loop3A_521, %parallel_loop3A_519 : vector<16xf32>
      %parallel_loop3A_523 = arith.constant 5.000000e-01 : f32
      %parallel_loop3A_524 = vector.broadcast %parallel_loop3A_523 : f32 to vector<16xf32>
      %parallel_loop3A_525 = arith.subf %parallel_loop3A_522, %parallel_loop3A_524 : vector<16xf32>
      %parallel_loop3A_526 = arith.mulf %parallel_loop3A_525, %parallel_loop3A_512 : vector<16xf32>
      %parallel_loop3A_527 = arith.index_cast %parallel_loop3A_466 : i32 to index
      %parallel_loop3A_528 = arith.constant 48 : index
      %parallel_loop3A_529 = tpu.vector_load %arg12[%parallel_loop3A_527, %parallel_loop3A_528] {strides = array<i32>} : memref<128x128xf32, #tpu.memory_space<vmem>>, vector<16xf32>,
      %parallel_loop3A_530 = arith.index_cast %parallel_loop3A_466 : i32 to index
      %parallel_loop3A_531 = arith.constant 48 : index
      %parallel_loop3A_532 = tpu.vector_load %arg16[%parallel_loop3A_530, %parallel_loop3A_531] {strides = array<i32>} : memref<128x128xf32, #tpu.memory_space<vmem>>, vector<16xf32>,
      %parallel_loop3A_533 = arith.constant 0.000000e+00 : f32
      %parallel_loop3A_534 = vector.broadcast %parallel_loop3A_533 : f32 to vector<16xf32>
      %parallel_loop3A_535 = arith.subf %parallel_loop3A_534, %parallel_loop3A_529 : vector<16xf32>
      %parallel_loop3A_536 = math.exp %parallel_loop3A_535 : vector<16xf32>
      %parallel_loop3A_537 = arith.constant 1.000000e+00 : f32
      %parallel_loop3A_538 = vector.broadcast %parallel_loop3A_537 : f32 to vector<16xf32>
      %parallel_loop3A_539 = arith.addf %parallel_loop3A_538, %parallel_loop3A_536 : vector<16xf32>
      %parallel_loop3A_540 = arith.constant 1.000000e+00 : f32
      %parallel_loop3A_541 = vector.broadcast %parallel_loop3A_540 : f32 to vector<16xf32>
      %parallel_loop3A_542 = arith.divf %parallel_loop3A_541, %parallel_loop3A_539 : vector<16xf32>
      %parallel_loop3A_543 = arith.constant 5.000000e-01 : f32
      %parallel_loop3A_544 = vector.broadcast %parallel_loop3A_543 : f32 to vector<16xf32>
      %parallel_loop3A_545 = arith.subf %parallel_loop3A_542, %parallel_loop3A_544 : vector<16xf32>
      %parallel_loop3A_546 = arith.mulf %parallel_loop3A_545, %parallel_loop3A_532 : vector<16xf32>
      %parallel_loop3A_547 = arith.index_cast %parallel_loop3A_466 : i32 to index
      %parallel_loop3A_548 = arith.constant 64 : index
      %parallel_loop3A_549 = tpu.vector_load %arg12[%parallel_loop3A_547, %parallel_loop3A_548] {strides = array<i32>} : memref<128x128xf32, #tpu.memory_space<vmem>>, vector<16xf32>,
      %parallel_loop3A_550 = arith.index_cast %parallel_loop3A_466 : i32 to index
      %parallel_loop3A_551 = arith.constant 64 : index
      %parallel_loop3A_552 = tpu.vector_load %arg16[%parallel_loop3A_550, %parallel_loop3A_551] {strides = array<i32>} : memref<128x128xf32, #tpu.memory_space<vmem>>, vector<16xf32>,
      %parallel_loop3A_553 = arith.constant 0.000000e+00 : f32
      %parallel_loop3A_554 = vector.broadcast %parallel_loop3A_553 : f32 to vector<16xf32>
      %parallel_loop3A_555 = arith.subf %parallel_loop3A_554, %parallel_loop3A_549 : vector<16xf32>
      %parallel_loop3A_556 = math.exp %parallel_loop3A_555 : vector<16xf32>
      %parallel_loop3A_557 = arith.constant 1.000000e+00 : f32
      %parallel_loop3A_558 = vector.broadcast %parallel_loop3A_557 : f32 to vector<16xf32>
      %parallel_loop3A_559 = arith.addf %parallel_loop3A_558, %parallel_loop3A_556 : vector<16xf32>
      %parallel_loop3A_560 = arith.constant 1.000000e+00 : f32
      %parallel_loop3A_561 = vector.broadcast %parallel_loop3A_560 : f32 to vector<16xf32>
      %parallel_loop3A_562 = arith.divf %parallel_loop3A_561, %parallel_loop3A_559 : vector<16xf32>
      %parallel_loop3A_563 = arith.constant 5.000000e-01 : f32
      %parallel_loop3A_564 = vector.broadcast %parallel_loop3A_563 : f32 to vector<16xf32>
      %parallel_loop3A_565 = arith.subf %parallel_loop3A_562, %parallel_loop3A_564 : vector<16xf32>
      %parallel_loop3A_566 = arith.mulf %parallel_loop3A_565, %parallel_loop3A_552 : vector<16xf32>
      %parallel_loop3A_567 = arith.index_cast %parallel_loop3A_466 : i32 to index
      %parallel_loop3A_568 = arith.constant 80 : index
      %parallel_loop3A_569 = tpu.vector_load %arg12[%parallel_loop3A_567, %parallel_loop3A_568] {strides = array<i32>} : memref<128x128xf32, #tpu.memory_space<vmem>>, vector<16xf32>,
      %parallel_loop3A_570 = arith.index_cast %parallel_loop3A_466 : i32 to index
      %parallel_loop3A_571 = arith.constant 80 : index
      %parallel_loop3A_572 = tpu.vector_load %arg16[%parallel_loop3A_570, %parallel_loop3A_571] {strides = array<i32>} : memref<128x128xf32, #tpu.memory_space<vmem>>, vector<16xf32>,
      %parallel_loop3A_573 = arith.constant 0.000000e+00 : f32
      %parallel_loop3A_574 = vector.broadcast %parallel_loop3A_573 : f32 to vector<16xf32>
      %parallel_loop3A_575 = arith.subf %parallel_loop3A_574, %parallel_loop3A_569 : vector<16xf32>
      %parallel_loop3A_576 = math.exp %parallel_loop3A_575 : vector<16xf32>
      %parallel_loop3A_577 = arith.constant 1.000000e+00 : f32
      %parallel_loop3A_578 = vector.broadcast %parallel_loop3A_577 : f32 to vector<16xf32>
      %parallel_loop3A_579 = arith.addf %parallel_loop3A_578, %parallel_loop3A_576 : vector<16xf32>
      %parallel_loop3A_580 = arith.constant 1.000000e+00 : f32
      %parallel_loop3A_581 = vector.broadcast %parallel_loop3A_580 : f32 to vector<16xf32>
      %parallel_loop3A_582 = arith.divf %parallel_loop3A_581, %parallel_loop3A_579 : vector<16xf32>
      %parallel_loop3A_583 = arith.constant 5.000000e-01 : f32
      %parallel_loop3A_584 = vector.broadcast %parallel_loop3A_583 : f32 to vector<16xf32>
      %parallel_loop3A_585 = arith.subf %parallel_loop3A_582, %parallel_loop3A_584 : vector<16xf32>
      %parallel_loop3A_586 = arith.mulf %parallel_loop3A_585, %parallel_loop3A_572 : vector<16xf32>
      %parallel_loop3A_587 = arith.index_cast %parallel_loop3A_466 : i32 to index
      %parallel_loop3A_588 = arith.constant 96 : index
      %parallel_loop3A_589 = tpu.vector_load %arg12[%parallel_loop3A_587, %parallel_loop3A_588] {strides = array<i32>} : memref<128x128xf32, #tpu.memory_space<vmem>>, vector<16xf32>,
      %parallel_loop3A_590 = arith.index_cast %parallel_loop3A_466 : i32 to index
      %parallel_loop3A_591 = arith.constant 96 : index
      %parallel_loop3A_592 = tpu.vector_load %arg16[%parallel_loop3A_590, %parallel_loop3A_591] {strides = array<i32>} : memref<128x128xf32, #tpu.memory_space<vmem>>, vector<16xf32>,
      %parallel_loop3A_593 = arith.constant 0.000000e+00 : f32
      %parallel_loop3A_594 = vector.broadcast %parallel_loop3A_593 : f32 to vector<16xf32>
      %parallel_loop3A_595 = arith.subf %parallel_loop3A_594, %parallel_loop3A_589 : vector<16xf32>
      %parallel_loop3A_596 = math.exp %parallel_loop3A_595 : vector<16xf32>
      %parallel_loop3A_597 = arith.constant 1.000000e+00 : f32
      %parallel_loop3A_598 = vector.broadcast %parallel_loop3A_597 : f32 to vector<16xf32>
      %parallel_loop3A_599 = arith.addf %parallel_loop3A_598, %parallel_loop3A_596 : vector<16xf32>
      %parallel_loop3A_600 = arith.constant 1.000000e+00 : f32
      %parallel_loop3A_601 = vector.broadcast %parallel_loop3A_600 : f32 to vector<16xf32>
      %parallel_loop3A_602 = arith.divf %parallel_loop3A_601, %parallel_loop3A_599 : vector<16xf32>
      %parallel_loop3A_603 = arith.constant 5.000000e-01 : f32
      %parallel_loop3A_604 = vector.broadcast %parallel_loop3A_603 : f32 to vector<16xf32>
      %parallel_loop3A_605 = arith.subf %parallel_loop3A_602, %parallel_loop3A_604 : vector<16xf32>
      %parallel_loop3A_606 = arith.mulf %parallel_loop3A_605, %parallel_loop3A_592 : vector<16xf32>
      %parallel_loop3A_607 = arith.index_cast %parallel_loop3A_466 : i32 to index
      %parallel_loop3A_608 = arith.constant 112 : index
      %parallel_loop3A_609 = tpu.vector_load %arg12[%parallel_loop3A_607, %parallel_loop3A_608] {strides = array<i32>} : memref<128x128xf32, #tpu.memory_space<vmem>>, vector<16xf32>,
      %parallel_loop3A_610 = arith.index_cast %parallel_loop3A_466 : i32 to index
      %parallel_loop3A_611 = arith.constant 112 : index
      %parallel_loop3A_612 = tpu.vector_load %arg16[%parallel_loop3A_610, %parallel_loop3A_611] {strides = array<i32>} : memref<128x128xf32, #tpu.memory_space<vmem>>, vector<16xf32>,
      %parallel_loop3A_613 = arith.constant 0.000000e+00 : f32
      %parallel_loop3A_614 = vector.broadcast %parallel_loop3A_613 : f32 to vector<16xf32>
      %parallel_loop3A_615 = arith.subf %parallel_loop3A_614, %parallel_loop3A_609 : vector<16xf32>
      %parallel_loop3A_616 = math.exp %parallel_loop3A_615 : vector<16xf32>
      %parallel_loop3A_617 = arith.constant 1.000000e+00 : f32
      %parallel_loop3A_618 = vector.broadcast %parallel_loop3A_617 : f32 to vector<16xf32>
      %parallel_loop3A_619 = arith.addf %parallel_loop3A_618, %parallel_loop3A_616 : vector<16xf32>
      %parallel_loop3A_620 = arith.constant 1.000000e+00 : f32
      %parallel_loop3A_621 = vector.broadcast %parallel_loop3A_620 : f32 to vector<16xf32>
      %parallel_loop3A_622 = arith.divf %parallel_loop3A_621, %parallel_loop3A_619 : vector<16xf32>
      %parallel_loop3A_623 = arith.constant 5.000000e-01 : f32
      %parallel_loop3A_624 = vector.broadcast %parallel_loop3A_623 : f32 to vector<16xf32>
      %parallel_loop3A_625 = arith.subf %parallel_loop3A_622, %parallel_loop3A_624 : vector<16xf32>
      %parallel_loop3A_626 = arith.mulf %parallel_loop3A_625, %parallel_loop3A_612 : vector<16xf32>
      %parallel_loop3A_627 = arith.addf %parallel_loop3A_486, %parallel_loop3A_506 : vector<16xf32>
      %parallel_loop3A_628 = arith.addf %parallel_loop3A_526, %parallel_loop3A_546 : vector<16xf32>
      %parallel_loop3A_629 = arith.addf %parallel_loop3A_627, %parallel_loop3A_628 : vector<16xf32>
      %parallel_loop3A_630 = arith.addf %parallel_loop3A_566, %parallel_loop3A_586 : vector<16xf32>
      %parallel_loop3A_631 = arith.addf %parallel_loop3A_606, %parallel_loop3A_626 : vector<16xf32>
      %parallel_loop3A_632 = arith.addf %parallel_loop3A_630, %parallel_loop3A_631 : vector<16xf32>
      %parallel_loop3A_633 = arith.addf %parallel_loop3A_629, %parallel_loop3A_632 : vector<16xf32>
      %parallel_loop3A_634 = arith.constant true
      %parallel_loop3A_635 = vector.broadcast %parallel_loop3A_634 : i1 to vector<16xi1>
      %parallel_loop3A_636 = tpu.scan <sum>, %parallel_loop3A_633 masked %parallel_loop3A_635 : vector<16xf32>, vector<16xi1> -> vector<16xf32>
      %parallel_loop3A_637 = arith.index_cast %parallel_loop3A_466 : i32 to index
      %parallel_loop3A_638 = tpu.vector_load %arg20[%parallel_loop3A_637] masked %eq3A_266 {strides = array<i32>} : memref<144xf32, #tpu.memory_space<vmem>>, vector<16xf32>, vector<16xi1>
      tpu.vector_store %arg20[%parallel_loop3A_637], %parallel_loop3A_636 masked %eq3A_266 {strides = array<i32>} : memref<144xf32, #tpu.memory_space<vmem>>, vector<16xf32>, vector<16xi1>
    } {sc.loop_unroll_factor = 4 : i64, sc.parallel_access}
    %add3A_375 = arith.constant 384 : i32
    %add3A_376 = arith.addi %mul3A_2, %add3A_375 : i32
    %dma_start3A_377 = arith.constant 0 : i32
    %dma_start3A_378 = tpu.memref_slice %arg4[%add3A_376, %dma_start3A_377] : memref<16384x128xf32, #tpu.memory_space<hbm>> -> memref<128x128xf32, #tpu.memory_space<hbm>>
    %dma_start3A_379 = arith.constant 0 : i32
    %dma_start3A_380 = tpu.memref_slice %arg4[%add3A_376, %dma_start3A_379] : memref<16384x128xf32, #tpu.memory_space<hbm>> -> memref<128x128xf32, #tpu.memory_space<hbm>>
    tpu.enqueue_dma source(%dma_start3A_380 : memref<128x128xf32, #tpu.memory_space<hbm>>) target(%arg16 : memref<128x128xf32, #tpu.memory_space<vmem>>) target_semaphore(%arg26 : memref<!tpu.dma_semaphore, #tpu.memory_space<semaphore_mem>>)
    %parallel_loop3A_381 = arith.constant 0 : i32
    %parallel_loop3A_382 = arith.constant 128 : i32
    %parallel_loop3A_383 = arith.constant 16 : i32
    scf.for %parallel_loop3A_466 = %parallel_loop3A_381 to %parallel_loop3A_382 step %parallel_loop3A_383  : i32 {
      %parallel_loop3A_467 = arith.constant 128 : i32
      %parallel_loop3A_468 = arith.addi %parallel_loop3A_467, %parallel_loop3A_466 : i32
      %parallel_loop3A_469 = arith.index_cast %parallel_loop3A_466 : i32 to index
      %parallel_loop3A_470 = tpu.vector_load %arg20[%parallel_loop3A_469] {strides = array<i32>} : memref<144xf32, #tpu.memory_space<vmem>>, vector<16xf32>,
      %parallel_loop3A_471 = arith.constant 2.000000e-02 : f32
      %parallel_loop3A_472 = vector.broadcast %parallel_loop3A_471 : f32 to vector<16xf32>
      %parallel_loop3A_473 = arith.mulf %parallel_loop3A_470, %parallel_loop3A_472 : vector<16xf32>
      %parallel_loop3A_474 = arith.constant 0.000000e+00 : f32
      %parallel_loop3A_475 = vector.broadcast %parallel_loop3A_474 : f32 to vector<16xf32>
      %parallel_loop3A_476 = arith.subf %parallel_loop3A_475, %parallel_loop3A_473 : vector<16xf32>
      %parallel_loop3A_477 = math.exp %parallel_loop3A_476 : vector<16xf32>
      %parallel_loop3A_478 = arith.constant 1.000000e+00 : f32
      %parallel_loop3A_479 = vector.broadcast %parallel_loop3A_478 : f32 to vector<16xf32>
      %parallel_loop3A_480 = arith.addf %parallel_loop3A_479, %parallel_loop3A_477 : vector<16xf32>
      %parallel_loop3A_481 = arith.constant 1.000000e+00 : f32
      %parallel_loop3A_482 = vector.broadcast %parallel_loop3A_481 : f32 to vector<16xf32>
      %parallel_loop3A_483 = arith.divf %parallel_loop3A_482, %parallel_loop3A_480 : vector<16xf32>
      %parallel_loop3A_484 = arith.index_cast %parallel_loop3A_468 : i32 to index
      %parallel_loop3A_485 = tpu.vector_load %arg17[%parallel_loop3A_484] {strides = array<i32>} : memref<512xf32, #tpu.memory_space<vmem>>, vector<16xf32>,
      %parallel_loop3A_486 = arith.constant 0.000000e+00 : f32
      %parallel_loop3A_487 = vector.broadcast %parallel_loop3A_486 : f32 to vector<16xf32>
      %parallel_loop3A_488 = arith.subf %parallel_loop3A_487, %parallel_loop3A_485 : vector<16xf32>
      %parallel_loop3A_489 = math.exp %parallel_loop3A_488 : vector<16xf32>
      %parallel_loop3A_490 = arith.constant 1.000000e+00 : f32
      %parallel_loop3A_491 = vector.broadcast %parallel_loop3A_490 : f32 to vector<16xf32>
      %parallel_loop3A_492 = arith.addf %parallel_loop3A_491, %parallel_loop3A_489 : vector<16xf32>
      %parallel_loop3A_493 = arith.constant 1.000000e+00 : f32
      %parallel_loop3A_494 = vector.broadcast %parallel_loop3A_493 : f32 to vector<16xf32>
      %parallel_loop3A_495 = arith.divf %parallel_loop3A_494, %parallel_loop3A_492 : vector<16xf32>
      %parallel_loop3A_496 = arith.constant 4.000000e-01 : f32
      %parallel_loop3A_497 = vector.broadcast %parallel_loop3A_496 : f32 to vector<16xf32>
      %parallel_loop3A_498 = arith.mulf %parallel_loop3A_497, %parallel_loop3A_495 : vector<16xf32>
      %parallel_loop3A_499 = arith.index_cast %parallel_loop3A_468 : i32 to index
      %parallel_loop3A_500 = tpu.vector_load %arg18[%parallel_loop3A_499] {strides = array<i32>} : memref<512xf32, #tpu.memory_space<vmem>>, vector<16xf32>,
      %parallel_loop3A_501 = arith.constant 0.000000e+00 : f32
      %parallel_loop3A_502 = vector.broadcast %parallel_loop3A_501 : f32 to vector<16xf32>
      %parallel_loop3A_503 = arith.subf %parallel_loop3A_502, %parallel_loop3A_500 : vector<16xf32>
      %parallel_loop3A_504 = math.exp %parallel_loop3A_503 : vector<16xf32>
      %parallel_loop3A_505 = arith.constant 1.000000e+00 : f32
      %parallel_loop3A_506 = vector.broadcast %parallel_loop3A_505 : f32 to vector<16xf32>
      %parallel_loop3A_507 = arith.addf %parallel_loop3A_506, %parallel_loop3A_504 : vector<16xf32>
      %parallel_loop3A_508 = arith.constant 1.000000e+00 : f32
      %parallel_loop3A_509 = vector.broadcast %parallel_loop3A_508 : f32 to vector<16xf32>
      %parallel_loop3A_510 = arith.divf %parallel_loop3A_509, %parallel_loop3A_507 : vector<16xf32>
      %parallel_loop3A_511 = arith.constant 4.000000e-01 : f32
      %parallel_loop3A_512 = vector.broadcast %parallel_loop3A_511 : f32 to vector<16xf32>
      %parallel_loop3A_513 = arith.mulf %parallel_loop3A_512, %parallel_loop3A_510 : vector<16xf32>
      %parallel_loop3A_514 = arith.constant 1.000000e+00 : f32
      %parallel_loop3A_515 = vector.broadcast %parallel_loop3A_514 : f32 to vector<16xf32>
      %parallel_loop3A_516 = arith.subf %parallel_loop3A_515, %parallel_loop3A_498 : vector<16xf32>
      %parallel_loop3A_517 = arith.subf %parallel_loop3A_516, %parallel_loop3A_513 : vector<16xf32>
      %parallel_loop3A_518 = arith.mulf %parallel_loop3A_517, %parallel_loop3A_483 : vector<16xf32>
      %parallel_loop3A_519 = arith.addf %parallel_loop3A_513, %parallel_loop3A_518 : vector<16xf32>
      %parallel_loop3A_520 = arith.index_cast %parallel_loop3A_468 : i32 to index
      %parallel_loop3A_521 = tpu.vector_load %arg19[%parallel_loop3A_520] {strides = array<i32>} : memref<512xf32, #tpu.memory_space<vmem>>, vector<16xf32>,
      tpu.vector_store %arg19[%parallel_loop3A_520], %parallel_loop3A_519 {strides = array<i32>} : memref<512xf32, #tpu.memory_space<vmem>>, vector<16xf32>,
    } {sc.loop_unroll_factor = 1 : i64, sc.parallel_access}
    %add3A_384 = arith.constant 128 : i32
    %add3A_385 = arith.addi %mul3A_2, %add3A_384 : i32
    %dma_start3A_386 = arith.constant 128 : i32
    %dma_start3A_387 = tpu.memref_slice %arg19[%dma_start3A_386] : memref<512xf32, #tpu.memory_space<vmem>> -> memref<128xf32, #tpu.memory_space<vmem>>
    %dma_start3A_388 = tpu.memref_slice %arg8[%add3A_385] : memref<16384xf32, #tpu.memory_space<hbm>> -> memref<128xf32, #tpu.memory_space<hbm>>
    %dma_start3A_389 = tpu.memref_slice %arg8[%add3A_385] : memref<16384xf32, #tpu.memory_space<hbm>> -> memref<128xf32, #tpu.memory_space<hbm>>
    %dma_start3A_390 = arith.constant 128 : i32
    %dma_start3A_391 = tpu.memref_slice %arg19[%dma_start3A_390] : memref<512xf32, #tpu.memory_space<vmem>> -> memref<128xf32, #tpu.memory_space<vmem>>
    tpu.enqueue_dma source(%dma_start3A_391 : memref<128xf32, #tpu.memory_space<vmem>>) target(%dma_start3A_389 : memref<128xf32, #tpu.memory_space<hbm>>) target_semaphore(%arg29 : memref<!tpu.dma_semaphore, #tpu.memory_space<semaphore_mem>>)
    %dma_wait3A_392 = arith.constant 2 : i32
    %dma_wait3A_393 = arith.constant 0 : i32
    %dma_wait3A_394 = tpu.memref_slice %arg9[%dma_wait3A_392, %dma_wait3A_393] : memref<4x128xi32, #tpu.memory_space<vmem>> -> memref<1x128xi32, #tpu.memory_space<vmem>>
    %dma_wait3A_395 = tpu.memref_squeeze %dma_wait3A_394 : memref<1x128xi32, #tpu.memory_space<vmem>> -> memref<128xi32, #tpu.memory_space<vmem>>
    %dma_wait3A_396 = arith.constant 0 : i32
    %dma_wait3A_397 = arith.constant 0 : i32
    %dma_wait3A_398 = tpu.memref_slice %arg5[%dma_wait3A_396, %dma_wait3A_397] : memref<1000000x128xf32, #tpu.memory_space<hbm>> -> memref<1000000x128xf32, #tpu.memory_space<hbm>>
    tpu.wait_indirect_dma semaphore(%arg23 : memref<!tpu.dma_semaphore, #tpu.memory_space<semaphore_mem>>) src(%dma_wait3A_398 : memref<1000000x128xf32, #tpu.memory_space<hbm>>) dst(%arg13 : memref<128x128xf32, #tpu.memory_space<vmem>>)
    %dma_wait3A_399 = arith.constant 0 : i32
    %dma_wait3A_400 = tpu.memref_slice %arg4[%add3A_281, %dma_wait3A_399] : memref<16384x128xf32, #tpu.memory_space<hbm>> -> memref<128x128xf32, #tpu.memory_space<hbm>>
    %dma_wait3A_401 = arith.constant 0 : i32
    %dma_wait3A_402 = tpu.memref_slice %arg4[%add3A_281, %dma_wait3A_401] : memref<16384x128xf32, #tpu.memory_space<hbm>> -> memref<128x128xf32, #tpu.memory_space<hbm>>
    tpu.wait_dma2 semaphore(%arg25 : memref<!tpu.dma_semaphore, #tpu.memory_space<semaphore_mem>>) src(%dma_wait3A_402 : memref<128x128xf32, #tpu.memory_space<hbm>>) dst(%arg15 : memref<128x128xf32, #tpu.memory_space<vmem>>)
    %parallel_loop3A_403 = arith.constant 0 : i32
    %parallel_loop3A_404 = arith.constant 128 : i32
    %parallel_loop3A_405 = arith.constant 1 : i32
    scf.for %parallel_loop3A_466 = %parallel_loop3A_403 to %parallel_loop3A_404 step %parallel_loop3A_405  : i32 {
      %parallel_loop3A_467 = arith.index_cast %parallel_loop3A_466 : i32 to index
      %parallel_loop3A_468 = arith.constant 0 : index
      %parallel_loop3A_469 = tpu.vector_load %arg13[%parallel_loop3A_467, %parallel_loop3A_468] {strides = array<i32>} : memref<128x128xf32, #tpu.memory_space<vmem>>, vector<16xf32>,
      %parallel_loop3A_470 = arith.index_cast %parallel_loop3A_466 : i32 to index
      %parallel_loop3A_471 = arith.constant 0 : index
      %parallel_loop3A_472 = tpu.vector_load %arg15[%parallel_loop3A_470, %parallel_loop3A_471] {strides = array<i32>} : memref<128x128xf32, #tpu.memory_space<vmem>>, vector<16xf32>,
      %parallel_loop3A_473 = arith.constant 0.000000e+00 : f32
      %parallel_loop3A_474 = vector.broadcast %parallel_loop3A_473 : f32 to vector<16xf32>
      %parallel_loop3A_475 = arith.subf %parallel_loop3A_474, %parallel_loop3A_469 : vector<16xf32>
      %parallel_loop3A_476 = math.exp %parallel_loop3A_475 : vector<16xf32>
      %parallel_loop3A_477 = arith.constant 1.000000e+00 : f32
      %parallel_loop3A_478 = vector.broadcast %parallel_loop3A_477 : f32 to vector<16xf32>
      %parallel_loop3A_479 = arith.addf %parallel_loop3A_478, %parallel_loop3A_476 : vector<16xf32>
      %parallel_loop3A_480 = arith.constant 1.000000e+00 : f32
      %parallel_loop3A_481 = vector.broadcast %parallel_loop3A_480 : f32 to vector<16xf32>
      %parallel_loop3A_482 = arith.divf %parallel_loop3A_481, %parallel_loop3A_479 : vector<16xf32>
      %parallel_loop3A_483 = arith.constant 5.000000e-01 : f32
      %parallel_loop3A_484 = vector.broadcast %parallel_loop3A_483 : f32 to vector<16xf32>
      %parallel_loop3A_485 = arith.subf %parallel_loop3A_482, %parallel_loop3A_484 : vector<16xf32>
      %parallel_loop3A_486 = arith.mulf %parallel_loop3A_485, %parallel_loop3A_472 : vector<16xf32>
      %parallel_loop3A_487 = arith.index_cast %parallel_loop3A_466 : i32 to index
      %parallel_loop3A_488 = arith.constant 16 : index
      %parallel_loop3A_489 = tpu.vector_load %arg13[%parallel_loop3A_487, %parallel_loop3A_488] {strides = array<i32>} : memref<128x128xf32, #tpu.memory_space<vmem>>, vector<16xf32>,
      %parallel_loop3A_490 = arith.index_cast %parallel_loop3A_466 : i32 to index
      %parallel_loop3A_491 = arith.constant 16 : index
      %parallel_loop3A_492 = tpu.vector_load %arg15[%parallel_loop3A_490, %parallel_loop3A_491] {strides = array<i32>} : memref<128x128xf32, #tpu.memory_space<vmem>>, vector<16xf32>,
      %parallel_loop3A_493 = arith.constant 0.000000e+00 : f32
      %parallel_loop3A_494 = vector.broadcast %parallel_loop3A_493 : f32 to vector<16xf32>
      %parallel_loop3A_495 = arith.subf %parallel_loop3A_494, %parallel_loop3A_489 : vector<16xf32>
      %parallel_loop3A_496 = math.exp %parallel_loop3A_495 : vector<16xf32>
      %parallel_loop3A_497 = arith.constant 1.000000e+00 : f32
      %parallel_loop3A_498 = vector.broadcast %parallel_loop3A_497 : f32 to vector<16xf32>
      %parallel_loop3A_499 = arith.addf %parallel_loop3A_498, %parallel_loop3A_496 : vector<16xf32>
      %parallel_loop3A_500 = arith.constant 1.000000e+00 : f32
      %parallel_loop3A_501 = vector.broadcast %parallel_loop3A_500 : f32 to vector<16xf32>
      %parallel_loop3A_502 = arith.divf %parallel_loop3A_501, %parallel_loop3A_499 : vector<16xf32>
      %parallel_loop3A_503 = arith.constant 5.000000e-01 : f32
      %parallel_loop3A_504 = vector.broadcast %parallel_loop3A_503 : f32 to vector<16xf32>
      %parallel_loop3A_505 = arith.subf %parallel_loop3A_502, %parallel_loop3A_504 : vector<16xf32>
      %parallel_loop3A_506 = arith.mulf %parallel_loop3A_505, %parallel_loop3A_492 : vector<16xf32>
      %parallel_loop3A_507 = arith.index_cast %parallel_loop3A_466 : i32 to index
      %parallel_loop3A_508 = arith.constant 32 : index
      %parallel_loop3A_509 = tpu.vector_load %arg13[%parallel_loop3A_507, %parallel_loop3A_508] {strides = array<i32>} : memref<128x128xf32, #tpu.memory_space<vmem>>, vector<16xf32>,
      %parallel_loop3A_510 = arith.index_cast %parallel_loop3A_466 : i32 to index
      %parallel_loop3A_511 = arith.constant 32 : index
      %parallel_loop3A_512 = tpu.vector_load %arg15[%parallel_loop3A_510, %parallel_loop3A_511] {strides = array<i32>} : memref<128x128xf32, #tpu.memory_space<vmem>>, vector<16xf32>,
      %parallel_loop3A_513 = arith.constant 0.000000e+00 : f32
      %parallel_loop3A_514 = vector.broadcast %parallel_loop3A_513 : f32 to vector<16xf32>
      %parallel_loop3A_515 = arith.subf %parallel_loop3A_514, %parallel_loop3A_509 : vector<16xf32>
      %parallel_loop3A_516 = math.exp %parallel_loop3A_515 : vector<16xf32>
      %parallel_loop3A_517 = arith.constant 1.000000e+00 : f32
      %parallel_loop3A_518 = vector.broadcast %parallel_loop3A_517 : f32 to vector<16xf32>
      %parallel_loop3A_519 = arith.addf %parallel_loop3A_518, %parallel_loop3A_516 : vector<16xf32>
      %parallel_loop3A_520 = arith.constant 1.000000e+00 : f32
      %parallel_loop3A_521 = vector.broadcast %parallel_loop3A_520 : f32 to vector<16xf32>
      %parallel_loop3A_522 = arith.divf %parallel_loop3A_521, %parallel_loop3A_519 : vector<16xf32>
      %parallel_loop3A_523 = arith.constant 5.000000e-01 : f32
      %parallel_loop3A_524 = vector.broadcast %parallel_loop3A_523 : f32 to vector<16xf32>
      %parallel_loop3A_525 = arith.subf %parallel_loop3A_522, %parallel_loop3A_524 : vector<16xf32>
      %parallel_loop3A_526 = arith.mulf %parallel_loop3A_525, %parallel_loop3A_512 : vector<16xf32>
      %parallel_loop3A_527 = arith.index_cast %parallel_loop3A_466 : i32 to index
      %parallel_loop3A_528 = arith.constant 48 : index
      %parallel_loop3A_529 = tpu.vector_load %arg13[%parallel_loop3A_527, %parallel_loop3A_528] {strides = array<i32>} : memref<128x128xf32, #tpu.memory_space<vmem>>, vector<16xf32>,
      %parallel_loop3A_530 = arith.index_cast %parallel_loop3A_466 : i32 to index
      %parallel_loop3A_531 = arith.constant 48 : index
      %parallel_loop3A_532 = tpu.vector_load %arg15[%parallel_loop3A_530, %parallel_loop3A_531] {strides = array<i32>} : memref<128x128xf32, #tpu.memory_space<vmem>>, vector<16xf32>,
      %parallel_loop3A_533 = arith.constant 0.000000e+00 : f32
      %parallel_loop3A_534 = vector.broadcast %parallel_loop3A_533 : f32 to vector<16xf32>
      %parallel_loop3A_535 = arith.subf %parallel_loop3A_534, %parallel_loop3A_529 : vector<16xf32>
      %parallel_loop3A_536 = math.exp %parallel_loop3A_535 : vector<16xf32>
      %parallel_loop3A_537 = arith.constant 1.000000e+00 : f32
      %parallel_loop3A_538 = vector.broadcast %parallel_loop3A_537 : f32 to vector<16xf32>
      %parallel_loop3A_539 = arith.addf %parallel_loop3A_538, %parallel_loop3A_536 : vector<16xf32>
      %parallel_loop3A_540 = arith.constant 1.000000e+00 : f32
      %parallel_loop3A_541 = vector.broadcast %parallel_loop3A_540 : f32 to vector<16xf32>
      %parallel_loop3A_542 = arith.divf %parallel_loop3A_541, %parallel_loop3A_539 : vector<16xf32>
      %parallel_loop3A_543 = arith.constant 5.000000e-01 : f32
      %parallel_loop3A_544 = vector.broadcast %parallel_loop3A_543 : f32 to vector<16xf32>
      %parallel_loop3A_545 = arith.subf %parallel_loop3A_542, %parallel_loop3A_544 : vector<16xf32>
      %parallel_loop3A_546 = arith.mulf %parallel_loop3A_545, %parallel_loop3A_532 : vector<16xf32>
      %parallel_loop3A_547 = arith.index_cast %parallel_loop3A_466 : i32 to index
      %parallel_loop3A_548 = arith.constant 64 : index
      %parallel_loop3A_549 = tpu.vector_load %arg13[%parallel_loop3A_547, %parallel_loop3A_548] {strides = array<i32>} : memref<128x128xf32, #tpu.memory_space<vmem>>, vector<16xf32>,
      %parallel_loop3A_550 = arith.index_cast %parallel_loop3A_466 : i32 to index
      %parallel_loop3A_551 = arith.constant 64 : index
      %parallel_loop3A_552 = tpu.vector_load %arg15[%parallel_loop3A_550, %parallel_loop3A_551] {strides = array<i32>} : memref<128x128xf32, #tpu.memory_space<vmem>>, vector<16xf32>,
      %parallel_loop3A_553 = arith.constant 0.000000e+00 : f32
      %parallel_loop3A_554 = vector.broadcast %parallel_loop3A_553 : f32 to vector<16xf32>
      %parallel_loop3A_555 = arith.subf %parallel_loop3A_554, %parallel_loop3A_549 : vector<16xf32>
      %parallel_loop3A_556 = math.exp %parallel_loop3A_555 : vector<16xf32>
      %parallel_loop3A_557 = arith.constant 1.000000e+00 : f32
      %parallel_loop3A_558 = vector.broadcast %parallel_loop3A_557 : f32 to vector<16xf32>
      %parallel_loop3A_559 = arith.addf %parallel_loop3A_558, %parallel_loop3A_556 : vector<16xf32>
      %parallel_loop3A_560 = arith.constant 1.000000e+00 : f32
      %parallel_loop3A_561 = vector.broadcast %parallel_loop3A_560 : f32 to vector<16xf32>
      %parallel_loop3A_562 = arith.divf %parallel_loop3A_561, %parallel_loop3A_559 : vector<16xf32>
      %parallel_loop3A_563 = arith.constant 5.000000e-01 : f32
      %parallel_loop3A_564 = vector.broadcast %parallel_loop3A_563 : f32 to vector<16xf32>
      %parallel_loop3A_565 = arith.subf %parallel_loop3A_562, %parallel_loop3A_564 : vector<16xf32>
      %parallel_loop3A_566 = arith.mulf %parallel_loop3A_565, %parallel_loop3A_552 : vector<16xf32>
      %parallel_loop3A_567 = arith.index_cast %parallel_loop3A_466 : i32 to index
      %parallel_loop3A_568 = arith.constant 80 : index
      %parallel_loop3A_569 = tpu.vector_load %arg13[%parallel_loop3A_567, %parallel_loop3A_568] {strides = array<i32>} : memref<128x128xf32, #tpu.memory_space<vmem>>, vector<16xf32>,
      %parallel_loop3A_570 = arith.index_cast %parallel_loop3A_466 : i32 to index
      %parallel_loop3A_571 = arith.constant 80 : index
      %parallel_loop3A_572 = tpu.vector_load %arg15[%parallel_loop3A_570, %parallel_loop3A_571] {strides = array<i32>} : memref<128x128xf32, #tpu.memory_space<vmem>>, vector<16xf32>,
      %parallel_loop3A_573 = arith.constant 0.000000e+00 : f32
      %parallel_loop3A_574 = vector.broadcast %parallel_loop3A_573 : f32 to vector<16xf32>
      %parallel_loop3A_575 = arith.subf %parallel_loop3A_574, %parallel_loop3A_569 : vector<16xf32>
      %parallel_loop3A_576 = math.exp %parallel_loop3A_575 : vector<16xf32>
      %parallel_loop3A_577 = arith.constant 1.000000e+00 : f32
      %parallel_loop3A_578 = vector.broadcast %parallel_loop3A_577 : f32 to vector<16xf32>
      %parallel_loop3A_579 = arith.addf %parallel_loop3A_578, %parallel_loop3A_576 : vector<16xf32>
      %parallel_loop3A_580 = arith.constant 1.000000e+00 : f32
      %parallel_loop3A_581 = vector.broadcast %parallel_loop3A_580 : f32 to vector<16xf32>
      %parallel_loop3A_582 = arith.divf %parallel_loop3A_581, %parallel_loop3A_579 : vector<16xf32>
      %parallel_loop3A_583 = arith.constant 5.000000e-01 : f32
      %parallel_loop3A_584 = vector.broadcast %parallel_loop3A_583 : f32 to vector<16xf32>
      %parallel_loop3A_585 = arith.subf %parallel_loop3A_582, %parallel_loop3A_584 : vector<16xf32>
      %parallel_loop3A_586 = arith.mulf %parallel_loop3A_585, %parallel_loop3A_572 : vector<16xf32>
      %parallel_loop3A_587 = arith.index_cast %parallel_loop3A_466 : i32 to index
      %parallel_loop3A_588 = arith.constant 96 : index
      %parallel_loop3A_589 = tpu.vector_load %arg13[%parallel_loop3A_587, %parallel_loop3A_588] {strides = array<i32>} : memref<128x128xf32, #tpu.memory_space<vmem>>, vector<16xf32>,
      %parallel_loop3A_590 = arith.index_cast %parallel_loop3A_466 : i32 to index
      %parallel_loop3A_591 = arith.constant 96 : index
      %parallel_loop3A_592 = tpu.vector_load %arg15[%parallel_loop3A_590, %parallel_loop3A_591] {strides = array<i32>} : memref<128x128xf32, #tpu.memory_space<vmem>>, vector<16xf32>,
      %parallel_loop3A_593 = arith.constant 0.000000e+00 : f32
      %parallel_loop3A_594 = vector.broadcast %parallel_loop3A_593 : f32 to vector<16xf32>
      %parallel_loop3A_595 = arith.subf %parallel_loop3A_594, %parallel_loop3A_589 : vector<16xf32>
      %parallel_loop3A_596 = math.exp %parallel_loop3A_595 : vector<16xf32>
      %parallel_loop3A_597 = arith.constant 1.000000e+00 : f32
      %parallel_loop3A_598 = vector.broadcast %parallel_loop3A_597 : f32 to vector<16xf32>
      %parallel_loop3A_599 = arith.addf %parallel_loop3A_598, %parallel_loop3A_596 : vector<16xf32>
      %parallel_loop3A_600 = arith.constant 1.000000e+00 : f32
      %parallel_loop3A_601 = vector.broadcast %parallel_loop3A_600 : f32 to vector<16xf32>
      %parallel_loop3A_602 = arith.divf %parallel_loop3A_601, %parallel_loop3A_599 : vector<16xf32>
      %parallel_loop3A_603 = arith.constant 5.000000e-01 : f32
      %parallel_loop3A_604 = vector.broadcast %parallel_loop3A_603 : f32 to vector<16xf32>
      %parallel_loop3A_605 = arith.subf %parallel_loop3A_602, %parallel_loop3A_604 : vector<16xf32>
      %parallel_loop3A_606 = arith.mulf %parallel_loop3A_605, %parallel_loop3A_592 : vector<16xf32>
      %parallel_loop3A_607 = arith.index_cast %parallel_loop3A_466 : i32 to index
      %parallel_loop3A_608 = arith.constant 112 : index
      %parallel_loop3A_609 = tpu.vector_load %arg13[%parallel_loop3A_607, %parallel_loop3A_608] {strides = array<i32>} : memref<128x128xf32, #tpu.memory_space<vmem>>, vector<16xf32>,
      %parallel_loop3A_610 = arith.index_cast %parallel_loop3A_466 : i32 to index
      %parallel_loop3A_611 = arith.constant 112 : index
      %parallel_loop3A_612 = tpu.vector_load %arg15[%parallel_loop3A_610, %parallel_loop3A_611] {strides = array<i32>} : memref<128x128xf32, #tpu.memory_space<vmem>>, vector<16xf32>,
      %parallel_loop3A_613 = arith.constant 0.000000e+00 : f32
      %parallel_loop3A_614 = vector.broadcast %parallel_loop3A_613 : f32 to vector<16xf32>
      %parallel_loop3A_615 = arith.subf %parallel_loop3A_614, %parallel_loop3A_609 : vector<16xf32>
      %parallel_loop3A_616 = math.exp %parallel_loop3A_615 : vector<16xf32>
      %parallel_loop3A_617 = arith.constant 1.000000e+00 : f32
      %parallel_loop3A_618 = vector.broadcast %parallel_loop3A_617 : f32 to vector<16xf32>
      %parallel_loop3A_619 = arith.addf %parallel_loop3A_618, %parallel_loop3A_616 : vector<16xf32>
      %parallel_loop3A_620 = arith.constant 1.000000e+00 : f32
      %parallel_loop3A_621 = vector.broadcast %parallel_loop3A_620 : f32 to vector<16xf32>
      %parallel_loop3A_622 = arith.divf %parallel_loop3A_621, %parallel_loop3A_619 : vector<16xf32>
      %parallel_loop3A_623 = arith.constant 5.000000e-01 : f32
      %parallel_loop3A_624 = vector.broadcast %parallel_loop3A_623 : f32 to vector<16xf32>
      %parallel_loop3A_625 = arith.subf %parallel_loop3A_622, %parallel_loop3A_624 : vector<16xf32>
      %parallel_loop3A_626 = arith.mulf %parallel_loop3A_625, %parallel_loop3A_612 : vector<16xf32>
      %parallel_loop3A_627 = arith.addf %parallel_loop3A_486, %parallel_loop3A_506 : vector<16xf32>
      %parallel_loop3A_628 = arith.addf %parallel_loop3A_526, %parallel_loop3A_546 : vector<16xf32>
      %parallel_loop3A_629 = arith.addf %parallel_loop3A_627, %parallel_loop3A_628 : vector<16xf32>
      %parallel_loop3A_630 = arith.addf %parallel_loop3A_566, %parallel_loop3A_586 : vector<16xf32>
      %parallel_loop3A_631 = arith.addf %parallel_loop3A_606, %parallel_loop3A_626 : vector<16xf32>
      %parallel_loop3A_632 = arith.addf %parallel_loop3A_630, %parallel_loop3A_631 : vector<16xf32>
      %parallel_loop3A_633 = arith.addf %parallel_loop3A_629, %parallel_loop3A_632 : vector<16xf32>
      %parallel_loop3A_634 = arith.constant true
      %parallel_loop3A_635 = vector.broadcast %parallel_loop3A_634 : i1 to vector<16xi1>
      %parallel_loop3A_636 = tpu.scan <sum>, %parallel_loop3A_633 masked %parallel_loop3A_635 : vector<16xf32>, vector<16xi1> -> vector<16xf32>
      %parallel_loop3A_637 = arith.index_cast %parallel_loop3A_466 : i32 to index
      %parallel_loop3A_638 = tpu.vector_load %arg20[%parallel_loop3A_637] masked %eq3A_266 {strides = array<i32>} : memref<144xf32, #tpu.memory_space<vmem>>, vector<16xf32>, vector<16xi1>
      tpu.vector_store %arg20[%parallel_loop3A_637], %parallel_loop3A_636 masked %eq3A_266 {strides = array<i32>} : memref<144xf32, #tpu.memory_space<vmem>>, vector<16xf32>, vector<16xi1>
    } {sc.loop_unroll_factor = 4 : i64, sc.parallel_access}
    %parallel_loop3A_406 = arith.constant 0 : i32
    %parallel_loop3A_407 = arith.constant 128 : i32
    %parallel_loop3A_408 = arith.constant 16 : i32
    scf.for %parallel_loop3A_466 = %parallel_loop3A_406 to %parallel_loop3A_407 step %parallel_loop3A_408  : i32 {
      %parallel_loop3A_467 = arith.constant 256 : i32
      %parallel_loop3A_468 = arith.addi %parallel_loop3A_467, %parallel_loop3A_466 : i32
      %parallel_loop3A_469 = arith.index_cast %parallel_loop3A_466 : i32 to index
      %parallel_loop3A_470 = tpu.vector_load %arg20[%parallel_loop3A_469] {strides = array<i32>} : memref<144xf32, #tpu.memory_space<vmem>>, vector<16xf32>,
      %parallel_loop3A_471 = arith.constant 2.000000e-02 : f32
      %parallel_loop3A_472 = vector.broadcast %parallel_loop3A_471 : f32 to vector<16xf32>
      %parallel_loop3A_473 = arith.mulf %parallel_loop3A_470, %parallel_loop3A_472 : vector<16xf32>
      %parallel_loop3A_474 = arith.constant 0.000000e+00 : f32
      %parallel_loop3A_475 = vector.broadcast %parallel_loop3A_474 : f32 to vector<16xf32>
      %parallel_loop3A_476 = arith.subf %parallel_loop3A_475, %parallel_loop3A_473 : vector<16xf32>
      %parallel_loop3A_477 = math.exp %parallel_loop3A_476 : vector<16xf32>
      %parallel_loop3A_478 = arith.constant 1.000000e+00 : f32
      %parallel_loop3A_479 = vector.broadcast %parallel_loop3A_478 : f32 to vector<16xf32>
      %parallel_loop3A_480 = arith.addf %parallel_loop3A_479, %parallel_loop3A_477 : vector<16xf32>
      %parallel_loop3A_481 = arith.constant 1.000000e+00 : f32
      %parallel_loop3A_482 = vector.broadcast %parallel_loop3A_481 : f32 to vector<16xf32>
      %parallel_loop3A_483 = arith.divf %parallel_loop3A_482, %parallel_loop3A_480 : vector<16xf32>
      %parallel_loop3A_484 = arith.index_cast %parallel_loop3A_468 : i32 to index
      %parallel_loop3A_485 = tpu.vector_load %arg17[%parallel_loop3A_484] {strides = array<i32>} : memref<512xf32, #tpu.memory_space<vmem>>, vector<16xf32>,
      %parallel_loop3A_486 = arith.constant 0.000000e+00 : f32
      %parallel_loop3A_487 = vector.broadcast %parallel_loop3A_486 : f32 to vector<16xf32>
      %parallel_loop3A_488 = arith.subf %parallel_loop3A_487, %parallel_loop3A_485 : vector<16xf32>
      %parallel_loop3A_489 = math.exp %parallel_loop3A_488 : vector<16xf32>
      %parallel_loop3A_490 = arith.constant 1.000000e+00 : f32
      %parallel_loop3A_491 = vector.broadcast %parallel_loop3A_490 : f32 to vector<16xf32>
      %parallel_loop3A_492 = arith.addf %parallel_loop3A_491, %parallel_loop3A_489 : vector<16xf32>
      %parallel_loop3A_493 = arith.constant 1.000000e+00 : f32
      %parallel_loop3A_494 = vector.broadcast %parallel_loop3A_493 : f32 to vector<16xf32>
      %parallel_loop3A_495 = arith.divf %parallel_loop3A_494, %parallel_loop3A_492 : vector<16xf32>
      %parallel_loop3A_496 = arith.constant 4.000000e-01 : f32
      %parallel_loop3A_497 = vector.broadcast %parallel_loop3A_496 : f32 to vector<16xf32>
      %parallel_loop3A_498 = arith.mulf %parallel_loop3A_497, %parallel_loop3A_495 : vector<16xf32>
      %parallel_loop3A_499 = arith.index_cast %parallel_loop3A_468 : i32 to index
      %parallel_loop3A_500 = tpu.vector_load %arg18[%parallel_loop3A_499] {strides = array<i32>} : memref<512xf32, #tpu.memory_space<vmem>>, vector<16xf32>,
      %parallel_loop3A_501 = arith.constant 0.000000e+00 : f32
      %parallel_loop3A_502 = vector.broadcast %parallel_loop3A_501 : f32 to vector<16xf32>
      %parallel_loop3A_503 = arith.subf %parallel_loop3A_502, %parallel_loop3A_500 : vector<16xf32>
      %parallel_loop3A_504 = math.exp %parallel_loop3A_503 : vector<16xf32>
      %parallel_loop3A_505 = arith.constant 1.000000e+00 : f32
      %parallel_loop3A_506 = vector.broadcast %parallel_loop3A_505 : f32 to vector<16xf32>
      %parallel_loop3A_507 = arith.addf %parallel_loop3A_506, %parallel_loop3A_504 : vector<16xf32>
      %parallel_loop3A_508 = arith.constant 1.000000e+00 : f32
      %parallel_loop3A_509 = vector.broadcast %parallel_loop3A_508 : f32 to vector<16xf32>
      %parallel_loop3A_510 = arith.divf %parallel_loop3A_509, %parallel_loop3A_507 : vector<16xf32>
      %parallel_loop3A_511 = arith.constant 4.000000e-01 : f32
      %parallel_loop3A_512 = vector.broadcast %parallel_loop3A_511 : f32 to vector<16xf32>
      %parallel_loop3A_513 = arith.mulf %parallel_loop3A_512, %parallel_loop3A_510 : vector<16xf32>
      %parallel_loop3A_514 = arith.constant 1.000000e+00 : f32
      %parallel_loop3A_515 = vector.broadcast %parallel_loop3A_514 : f32 to vector<16xf32>
      %parallel_loop3A_516 = arith.subf %parallel_loop3A_515, %parallel_loop3A_498 : vector<16xf32>
      %parallel_loop3A_517 = arith.subf %parallel_loop3A_516, %parallel_loop3A_513 : vector<16xf32>
      %parallel_loop3A_518 = arith.mulf %parallel_loop3A_517, %parallel_loop3A_483 : vector<16xf32>
      %parallel_loop3A_519 = arith.addf %parallel_loop3A_513, %parallel_loop3A_518 : vector<16xf32>
      %parallel_loop3A_520 = arith.index_cast %parallel_loop3A_468 : i32 to index
      %parallel_loop3A_521 = tpu.vector_load %arg19[%parallel_loop3A_520] {strides = array<i32>} : memref<512xf32, #tpu.memory_space<vmem>>, vector<16xf32>,
      tpu.vector_store %arg19[%parallel_loop3A_520], %parallel_loop3A_519 {strides = array<i32>} : memref<512xf32, #tpu.memory_space<vmem>>, vector<16xf32>,
    } {sc.loop_unroll_factor = 1 : i64, sc.parallel_access}
    %add3A_409 = arith.constant 256 : i32
    %add3A_410 = arith.addi %mul3A_2, %add3A_409 : i32
    %dma_start3A_411 = arith.constant 256 : i32
    %dma_start3A_412 = tpu.memref_slice %arg19[%dma_start3A_411] : memref<512xf32, #tpu.memory_space<vmem>> -> memref<128xf32, #tpu.memory_space<vmem>>
    %dma_start3A_413 = tpu.memref_slice %arg8[%add3A_410] : memref<16384xf32, #tpu.memory_space<hbm>> -> memref<128xf32, #tpu.memory_space<hbm>>
    %dma_start3A_414 = tpu.memref_slice %arg8[%add3A_410] : memref<16384xf32, #tpu.memory_space<hbm>> -> memref<128xf32, #tpu.memory_space<hbm>>
    %dma_start3A_415 = arith.constant 256 : i32
    %dma_start3A_416 = tpu.memref_slice %arg19[%dma_start3A_415] : memref<512xf32, #tpu.memory_space<vmem>> -> memref<128xf32, #tpu.memory_space<vmem>>
    tpu.enqueue_dma source(%dma_start3A_416 : memref<128xf32, #tpu.memory_space<vmem>>) target(%dma_start3A_414 : memref<128xf32, #tpu.memory_space<hbm>>) target_semaphore(%arg29 : memref<!tpu.dma_semaphore, #tpu.memory_space<semaphore_mem>>)
    %dma_wait3A_417 = arith.constant 3 : i32
    %dma_wait3A_418 = arith.constant 0 : i32
    %dma_wait3A_419 = tpu.memref_slice %arg9[%dma_wait3A_417, %dma_wait3A_418] : memref<4x128xi32, #tpu.memory_space<vmem>> -> memref<1x128xi32, #tpu.memory_space<vmem>>
    %dma_wait3A_420 = tpu.memref_squeeze %dma_wait3A_419 : memref<1x128xi32, #tpu.memory_space<vmem>> -> memref<128xi32, #tpu.memory_space<vmem>>
    %dma_wait3A_421 = arith.constant 0 : i32
    %dma_wait3A_422 = arith.constant 0 : i32
    %dma_wait3A_423 = tpu.memref_slice %arg5[%dma_wait3A_421, %dma_wait3A_422] : memref<1000000x128xf32, #tpu.memory_space<hbm>> -> memref<1000000x128xf32, #tpu.memory_space<hbm>>
    tpu.wait_indirect_dma semaphore(%arg24 : memref<!tpu.dma_semaphore, #tpu.memory_space<semaphore_mem>>) src(%dma_wait3A_423 : memref<1000000x128xf32, #tpu.memory_space<hbm>>) dst(%arg14 : memref<128x128xf32, #tpu.memory_space<vmem>>)
    %dma_wait3A_424 = arith.constant 0 : i32
    %dma_wait3A_425 = tpu.memref_slice %arg4[%add3A_376, %dma_wait3A_424] : memref<16384x128xf32, #tpu.memory_space<hbm>> -> memref<128x128xf32, #tpu.memory_space<hbm>>
    %dma_wait3A_426 = arith.constant 0 : i32
    %dma_wait3A_427 = tpu.memref_slice %arg4[%add3A_376, %dma_wait3A_426] : memref<16384x128xf32, #tpu.memory_space<hbm>> -> memref<128x128xf32, #tpu.memory_space<hbm>>
    tpu.wait_dma2 semaphore(%arg26 : memref<!tpu.dma_semaphore, #tpu.memory_space<semaphore_mem>>) src(%dma_wait3A_427 : memref<128x128xf32, #tpu.memory_space<hbm>>) dst(%arg16 : memref<128x128xf32, #tpu.memory_space<vmem>>)
    %parallel_loop3A_428 = arith.constant 0 : i32
    %parallel_loop3A_429 = arith.constant 128 : i32
    %parallel_loop3A_430 = arith.constant 1 : i32
    scf.for %parallel_loop3A_466 = %parallel_loop3A_428 to %parallel_loop3A_429 step %parallel_loop3A_430  : i32 {
      %parallel_loop3A_467 = arith.index_cast %parallel_loop3A_466 : i32 to index
      %parallel_loop3A_468 = arith.constant 0 : index
      %parallel_loop3A_469 = tpu.vector_load %arg14[%parallel_loop3A_467, %parallel_loop3A_468] {strides = array<i32>} : memref<128x128xf32, #tpu.memory_space<vmem>>, vector<16xf32>,
      %parallel_loop3A_470 = arith.index_cast %parallel_loop3A_466 : i32 to index
      %parallel_loop3A_471 = arith.constant 0 : index
      %parallel_loop3A_472 = tpu.vector_load %arg16[%parallel_loop3A_470, %parallel_loop3A_471] {strides = array<i32>} : memref<128x128xf32, #tpu.memory_space<vmem>>, vector<16xf32>,
      %parallel_loop3A_473 = arith.constant 0.000000e+00 : f32
      %parallel_loop3A_474 = vector.broadcast %parallel_loop3A_473 : f32 to vector<16xf32>
      %parallel_loop3A_475 = arith.subf %parallel_loop3A_474, %parallel_loop3A_469 : vector<16xf32>
      %parallel_loop3A_476 = math.exp %parallel_loop3A_475 : vector<16xf32>
      %parallel_loop3A_477 = arith.constant 1.000000e+00 : f32
      %parallel_loop3A_478 = vector.broadcast %parallel_loop3A_477 : f32 to vector<16xf32>
      %parallel_loop3A_479 = arith.addf %parallel_loop3A_478, %parallel_loop3A_476 : vector<16xf32>
      %parallel_loop3A_480 = arith.constant 1.000000e+00 : f32
      %parallel_loop3A_481 = vector.broadcast %parallel_loop3A_480 : f32 to vector<16xf32>
      %parallel_loop3A_482 = arith.divf %parallel_loop3A_481, %parallel_loop3A_479 : vector<16xf32>
      %parallel_loop3A_483 = arith.constant 5.000000e-01 : f32
      %parallel_loop3A_484 = vector.broadcast %parallel_loop3A_483 : f32 to vector<16xf32>
      %parallel_loop3A_485 = arith.subf %parallel_loop3A_482, %parallel_loop3A_484 : vector<16xf32>
      %parallel_loop3A_486 = arith.mulf %parallel_loop3A_485, %parallel_loop3A_472 : vector<16xf32>
      %parallel_loop3A_487 = arith.index_cast %parallel_loop3A_466 : i32 to index
      %parallel_loop3A_488 = arith.constant 16 : index
      %parallel_loop3A_489 = tpu.vector_load %arg14[%parallel_loop3A_487, %parallel_loop3A_488] {strides = array<i32>} : memref<128x128xf32, #tpu.memory_space<vmem>>, vector<16xf32>,
      %parallel_loop3A_490 = arith.index_cast %parallel_loop3A_466 : i32 to index
      %parallel_loop3A_491 = arith.constant 16 : index
      %parallel_loop3A_492 = tpu.vector_load %arg16[%parallel_loop3A_490, %parallel_loop3A_491] {strides = array<i32>} : memref<128x128xf32, #tpu.memory_space<vmem>>, vector<16xf32>,
      %parallel_loop3A_493 = arith.constant 0.000000e+00 : f32
      %parallel_loop3A_494 = vector.broadcast %parallel_loop3A_493 : f32 to vector<16xf32>
      %parallel_loop3A_495 = arith.subf %parallel_loop3A_494, %parallel_loop3A_489 : vector<16xf32>
      %parallel_loop3A_496 = math.exp %parallel_loop3A_495 : vector<16xf32>
      %parallel_loop3A_497 = arith.constant 1.000000e+00 : f32
      %parallel_loop3A_498 = vector.broadcast %parallel_loop3A_497 : f32 to vector<16xf32>
      %parallel_loop3A_499 = arith.addf %parallel_loop3A_498, %parallel_loop3A_496 : vector<16xf32>
      %parallel_loop3A_500 = arith.constant 1.000000e+00 : f32
      %parallel_loop3A_501 = vector.broadcast %parallel_loop3A_500 : f32 to vector<16xf32>
      %parallel_loop3A_502 = arith.divf %parallel_loop3A_501, %parallel_loop3A_499 : vector<16xf32>
      %parallel_loop3A_503 = arith.constant 5.000000e-01 : f32
      %parallel_loop3A_504 = vector.broadcast %parallel_loop3A_503 : f32 to vector<16xf32>
      %parallel_loop3A_505 = arith.subf %parallel_loop3A_502, %parallel_loop3A_504 : vector<16xf32>
      %parallel_loop3A_506 = arith.mulf %parallel_loop3A_505, %parallel_loop3A_492 : vector<16xf32>
      %parallel_loop3A_507 = arith.index_cast %parallel_loop3A_466 : i32 to index
      %parallel_loop3A_508 = arith.constant 32 : index
      %parallel_loop3A_509 = tpu.vector_load %arg14[%parallel_loop3A_507, %parallel_loop3A_508] {strides = array<i32>} : memref<128x128xf32, #tpu.memory_space<vmem>>, vector<16xf32>,
      %parallel_loop3A_510 = arith.index_cast %parallel_loop3A_466 : i32 to index
      %parallel_loop3A_511 = arith.constant 32 : index
      %parallel_loop3A_512 = tpu.vector_load %arg16[%parallel_loop3A_510, %parallel_loop3A_511] {strides = array<i32>} : memref<128x128xf32, #tpu.memory_space<vmem>>, vector<16xf32>,
      %parallel_loop3A_513 = arith.constant 0.000000e+00 : f32
      %parallel_loop3A_514 = vector.broadcast %parallel_loop3A_513 : f32 to vector<16xf32>
      %parallel_loop3A_515 = arith.subf %parallel_loop3A_514, %parallel_loop3A_509 : vector<16xf32>
      %parallel_loop3A_516 = math.exp %parallel_loop3A_515 : vector<16xf32>
      %parallel_loop3A_517 = arith.constant 1.000000e+00 : f32
      %parallel_loop3A_518 = vector.broadcast %parallel_loop3A_517 : f32 to vector<16xf32>
      %parallel_loop3A_519 = arith.addf %parallel_loop3A_518, %parallel_loop3A_516 : vector<16xf32>
      %parallel_loop3A_520 = arith.constant 1.000000e+00 : f32
      %parallel_loop3A_521 = vector.broadcast %parallel_loop3A_520 : f32 to vector<16xf32>
      %parallel_loop3A_522 = arith.divf %parallel_loop3A_521, %parallel_loop3A_519 : vector<16xf32>
      %parallel_loop3A_523 = arith.constant 5.000000e-01 : f32
      %parallel_loop3A_524 = vector.broadcast %parallel_loop3A_523 : f32 to vector<16xf32>
      %parallel_loop3A_525 = arith.subf %parallel_loop3A_522, %parallel_loop3A_524 : vector<16xf32>
      %parallel_loop3A_526 = arith.mulf %parallel_loop3A_525, %parallel_loop3A_512 : vector<16xf32>
      %parallel_loop3A_527 = arith.index_cast %parallel_loop3A_466 : i32 to index
      %parallel_loop3A_528 = arith.constant 48 : index
      %parallel_loop3A_529 = tpu.vector_load %arg14[%parallel_loop3A_527, %parallel_loop3A_528] {strides = array<i32>} : memref<128x128xf32, #tpu.memory_space<vmem>>, vector<16xf32>,
      %parallel_loop3A_530 = arith.index_cast %parallel_loop3A_466 : i32 to index
      %parallel_loop3A_531 = arith.constant 48 : index
      %parallel_loop3A_532 = tpu.vector_load %arg16[%parallel_loop3A_530, %parallel_loop3A_531] {strides = array<i32>} : memref<128x128xf32, #tpu.memory_space<vmem>>, vector<16xf32>,
      %parallel_loop3A_533 = arith.constant 0.000000e+00 : f32
      %parallel_loop3A_534 = vector.broadcast %parallel_loop3A_533 : f32 to vector<16xf32>
      %parallel_loop3A_535 = arith.subf %parallel_loop3A_534, %parallel_loop3A_529 : vector<16xf32>
      %parallel_loop3A_536 = math.exp %parallel_loop3A_535 : vector<16xf32>
      %parallel_loop3A_537 = arith.constant 1.000000e+00 : f32
      %parallel_loop3A_538 = vector.broadcast %parallel_loop3A_537 : f32 to vector<16xf32>
      %parallel_loop3A_539 = arith.addf %parallel_loop3A_538, %parallel_loop3A_536 : vector<16xf32>
      %parallel_loop3A_540 = arith.constant 1.000000e+00 : f32
      %parallel_loop3A_541 = vector.broadcast %parallel_loop3A_540 : f32 to vector<16xf32>
      %parallel_loop3A_542 = arith.divf %parallel_loop3A_541, %parallel_loop3A_539 : vector<16xf32>
      %parallel_loop3A_543 = arith.constant 5.000000e-01 : f32
      %parallel_loop3A_544 = vector.broadcast %parallel_loop3A_543 : f32 to vector<16xf32>
      %parallel_loop3A_545 = arith.subf %parallel_loop3A_542, %parallel_loop3A_544 : vector<16xf32>
      %parallel_loop3A_546 = arith.mulf %parallel_loop3A_545, %parallel_loop3A_532 : vector<16xf32>
      %parallel_loop3A_547 = arith.index_cast %parallel_loop3A_466 : i32 to index
      %parallel_loop3A_548 = arith.constant 64 : index
      %parallel_loop3A_549 = tpu.vector_load %arg14[%parallel_loop3A_547, %parallel_loop3A_548] {strides = array<i32>} : memref<128x128xf32, #tpu.memory_space<vmem>>, vector<16xf32>,
      %parallel_loop3A_550 = arith.index_cast %parallel_loop3A_466 : i32 to index
      %parallel_loop3A_551 = arith.constant 64 : index
      %parallel_loop3A_552 = tpu.vector_load %arg16[%parallel_loop3A_550, %parallel_loop3A_551] {strides = array<i32>} : memref<128x128xf32, #tpu.memory_space<vmem>>, vector<16xf32>,
      %parallel_loop3A_553 = arith.constant 0.000000e+00 : f32
      %parallel_loop3A_554 = vector.broadcast %parallel_loop3A_553 : f32 to vector<16xf32>
      %parallel_loop3A_555 = arith.subf %parallel_loop3A_554, %parallel_loop3A_549 : vector<16xf32>
      %parallel_loop3A_556 = math.exp %parallel_loop3A_555 : vector<16xf32>
      %parallel_loop3A_557 = arith.constant 1.000000e+00 : f32
      %parallel_loop3A_558 = vector.broadcast %parallel_loop3A_557 : f32 to vector<16xf32>
      %parallel_loop3A_559 = arith.addf %parallel_loop3A_558, %parallel_loop3A_556 : vector<16xf32>
      %parallel_loop3A_560 = arith.constant 1.000000e+00 : f32
      %parallel_loop3A_561 = vector.broadcast %parallel_loop3A_560 : f32 to vector<16xf32>
      %parallel_loop3A_562 = arith.divf %parallel_loop3A_561, %parallel_loop3A_559 : vector<16xf32>
      %parallel_loop3A_563 = arith.constant 5.000000e-01 : f32
      %parallel_loop3A_564 = vector.broadcast %parallel_loop3A_563 : f32 to vector<16xf32>
      %parallel_loop3A_565 = arith.subf %parallel_loop3A_562, %parallel_loop3A_564 : vector<16xf32>
      %parallel_loop3A_566 = arith.mulf %parallel_loop3A_565, %parallel_loop3A_552 : vector<16xf32>
      %parallel_loop3A_567 = arith.index_cast %parallel_loop3A_466 : i32 to index
      %parallel_loop3A_568 = arith.constant 80 : index
      %parallel_loop3A_569 = tpu.vector_load %arg14[%parallel_loop3A_567, %parallel_loop3A_568] {strides = array<i32>} : memref<128x128xf32, #tpu.memory_space<vmem>>, vector<16xf32>,
      %parallel_loop3A_570 = arith.index_cast %parallel_loop3A_466 : i32 to index
      %parallel_loop3A_571 = arith.constant 80 : index
      %parallel_loop3A_572 = tpu.vector_load %arg16[%parallel_loop3A_570, %parallel_loop3A_571] {strides = array<i32>} : memref<128x128xf32, #tpu.memory_space<vmem>>, vector<16xf32>,
      %parallel_loop3A_573 = arith.constant 0.000000e+00 : f32
      %parallel_loop3A_574 = vector.broadcast %parallel_loop3A_573 : f32 to vector<16xf32>
      %parallel_loop3A_575 = arith.subf %parallel_loop3A_574, %parallel_loop3A_569 : vector<16xf32>
      %parallel_loop3A_576 = math.exp %parallel_loop3A_575 : vector<16xf32>
      %parallel_loop3A_577 = arith.constant 1.000000e+00 : f32
      %parallel_loop3A_578 = vector.broadcast %parallel_loop3A_577 : f32 to vector<16xf32>
      %parallel_loop3A_579 = arith.addf %parallel_loop3A_578, %parallel_loop3A_576 : vector<16xf32>
      %parallel_loop3A_580 = arith.constant 1.000000e+00 : f32
      %parallel_loop3A_581 = vector.broadcast %parallel_loop3A_580 : f32 to vector<16xf32>
      %parallel_loop3A_582 = arith.divf %parallel_loop3A_581, %parallel_loop3A_579 : vector<16xf32>
      %parallel_loop3A_583 = arith.constant 5.000000e-01 : f32
      %parallel_loop3A_584 = vector.broadcast %parallel_loop3A_583 : f32 to vector<16xf32>
      %parallel_loop3A_585 = arith.subf %parallel_loop3A_582, %parallel_loop3A_584 : vector<16xf32>
      %parallel_loop3A_586 = arith.mulf %parallel_loop3A_585, %parallel_loop3A_572 : vector<16xf32>
      %parallel_loop3A_587 = arith.index_cast %parallel_loop3A_466 : i32 to index
      %parallel_loop3A_588 = arith.constant 96 : index
      %parallel_loop3A_589 = tpu.vector_load %arg14[%parallel_loop3A_587, %parallel_loop3A_588] {strides = array<i32>} : memref<128x128xf32, #tpu.memory_space<vmem>>, vector<16xf32>,
      %parallel_loop3A_590 = arith.index_cast %parallel_loop3A_466 : i32 to index
      %parallel_loop3A_591 = arith.constant 96 : index
      %parallel_loop3A_592 = tpu.vector_load %arg16[%parallel_loop3A_590, %parallel_loop3A_591] {strides = array<i32>} : memref<128x128xf32, #tpu.memory_space<vmem>>, vector<16xf32>,
      %parallel_loop3A_593 = arith.constant 0.000000e+00 : f32
      %parallel_loop3A_594 = vector.broadcast %parallel_loop3A_593 : f32 to vector<16xf32>
      %parallel_loop3A_595 = arith.subf %parallel_loop3A_594, %parallel_loop3A_589 : vector<16xf32>
      %parallel_loop3A_596 = math.exp %parallel_loop3A_595 : vector<16xf32>
      %parallel_loop3A_597 = arith.constant 1.000000e+00 : f32
      %parallel_loop3A_598 = vector.broadcast %parallel_loop3A_597 : f32 to vector<16xf32>
      %parallel_loop3A_599 = arith.addf %parallel_loop3A_598, %parallel_loop3A_596 : vector<16xf32>
      %parallel_loop3A_600 = arith.constant 1.000000e+00 : f32
      %parallel_loop3A_601 = vector.broadcast %parallel_loop3A_600 : f32 to vector<16xf32>
      %parallel_loop3A_602 = arith.divf %parallel_loop3A_601, %parallel_loop3A_599 : vector<16xf32>
      %parallel_loop3A_603 = arith.constant 5.000000e-01 : f32
      %parallel_loop3A_604 = vector.broadcast %parallel_loop3A_603 : f32 to vector<16xf32>
      %parallel_loop3A_605 = arith.subf %parallel_loop3A_602, %parallel_loop3A_604 : vector<16xf32>
      %parallel_loop3A_606 = arith.mulf %parallel_loop3A_605, %parallel_loop3A_592 : vector<16xf32>
      %parallel_loop3A_607 = arith.index_cast %parallel_loop3A_466 : i32 to index
      %parallel_loop3A_608 = arith.constant 112 : index
      %parallel_loop3A_609 = tpu.vector_load %arg14[%parallel_loop3A_607, %parallel_loop3A_608] {strides = array<i32>} : memref<128x128xf32, #tpu.memory_space<vmem>>, vector<16xf32>,
      %parallel_loop3A_610 = arith.index_cast %parallel_loop3A_466 : i32 to index
      %parallel_loop3A_611 = arith.constant 112 : index
      %parallel_loop3A_612 = tpu.vector_load %arg16[%parallel_loop3A_610, %parallel_loop3A_611] {strides = array<i32>} : memref<128x128xf32, #tpu.memory_space<vmem>>, vector<16xf32>,
      %parallel_loop3A_613 = arith.constant 0.000000e+00 : f32
      %parallel_loop3A_614 = vector.broadcast %parallel_loop3A_613 : f32 to vector<16xf32>
      %parallel_loop3A_615 = arith.subf %parallel_loop3A_614, %parallel_loop3A_609 : vector<16xf32>
      %parallel_loop3A_616 = math.exp %parallel_loop3A_615 : vector<16xf32>
      %parallel_loop3A_617 = arith.constant 1.000000e+00 : f32
      %parallel_loop3A_618 = vector.broadcast %parallel_loop3A_617 : f32 to vector<16xf32>
      %parallel_loop3A_619 = arith.addf %parallel_loop3A_618, %parallel_loop3A_616 : vector<16xf32>
      %parallel_loop3A_620 = arith.constant 1.000000e+00 : f32
      %parallel_loop3A_621 = vector.broadcast %parallel_loop3A_620 : f32 to vector<16xf32>
      %parallel_loop3A_622 = arith.divf %parallel_loop3A_621, %parallel_loop3A_619 : vector<16xf32>
      %parallel_loop3A_623 = arith.constant 5.000000e-01 : f32
      %parallel_loop3A_624 = vector.broadcast %parallel_loop3A_623 : f32 to vector<16xf32>
      %parallel_loop3A_625 = arith.subf %parallel_loop3A_622, %parallel_loop3A_624 : vector<16xf32>
      %parallel_loop3A_626 = arith.mulf %parallel_loop3A_625, %parallel_loop3A_612 : vector<16xf32>
      %parallel_loop3A_627 = arith.addf %parallel_loop3A_486, %parallel_loop3A_506 : vector<16xf32>
      %parallel_loop3A_628 = arith.addf %parallel_loop3A_526, %parallel_loop3A_546 : vector<16xf32>
      %parallel_loop3A_629 = arith.addf %parallel_loop3A_627, %parallel_loop3A_628 : vector<16xf32>
      %parallel_loop3A_630 = arith.addf %parallel_loop3A_566, %parallel_loop3A_586 : vector<16xf32>
      %parallel_loop3A_631 = arith.addf %parallel_loop3A_606, %parallel_loop3A_626 : vector<16xf32>
      %parallel_loop3A_632 = arith.addf %parallel_loop3A_630, %parallel_loop3A_631 : vector<16xf32>
      %parallel_loop3A_633 = arith.addf %parallel_loop3A_629, %parallel_loop3A_632 : vector<16xf32>
      %parallel_loop3A_634 = arith.constant true
      %parallel_loop3A_635 = vector.broadcast %parallel_loop3A_634 : i1 to vector<16xi1>
      %parallel_loop3A_636 = tpu.scan <sum>, %parallel_loop3A_633 masked %parallel_loop3A_635 : vector<16xf32>, vector<16xi1> -> vector<16xf32>
      %parallel_loop3A_637 = arith.index_cast %parallel_loop3A_466 : i32 to index
      %parallel_loop3A_638 = tpu.vector_load %arg20[%parallel_loop3A_637] masked %eq3A_266 {strides = array<i32>} : memref<144xf32, #tpu.memory_space<vmem>>, vector<16xf32>, vector<16xi1>
      tpu.vector_store %arg20[%parallel_loop3A_637], %parallel_loop3A_636 masked %eq3A_266 {strides = array<i32>} : memref<144xf32, #tpu.memory_space<vmem>>, vector<16xf32>, vector<16xi1>
    } {sc.loop_unroll_factor = 4 : i64, sc.parallel_access}
    %parallel_loop3A_431 = arith.constant 0 : i32
    %parallel_loop3A_432 = arith.constant 128 : i32
    %parallel_loop3A_433 = arith.constant 16 : i32
    scf.for %parallel_loop3A_466 = %parallel_loop3A_431 to %parallel_loop3A_432 step %parallel_loop3A_433  : i32 {
      %parallel_loop3A_467 = arith.constant 384 : i32
      %parallel_loop3A_468 = arith.addi %parallel_loop3A_467, %parallel_loop3A_466 : i32
      %parallel_loop3A_469 = arith.index_cast %parallel_loop3A_466 : i32 to index
      %parallel_loop3A_470 = tpu.vector_load %arg20[%parallel_loop3A_469] {strides = array<i32>} : memref<144xf32, #tpu.memory_space<vmem>>, vector<16xf32>,
      %parallel_loop3A_471 = arith.constant 2.000000e-02 : f32
      %parallel_loop3A_472 = vector.broadcast %parallel_loop3A_471 : f32 to vector<16xf32>
      %parallel_loop3A_473 = arith.mulf %parallel_loop3A_470, %parallel_loop3A_472 : vector<16xf32>
      %parallel_loop3A_474 = arith.constant 0.000000e+00 : f32
      %parallel_loop3A_475 = vector.broadcast %parallel_loop3A_474 : f32 to vector<16xf32>
      %parallel_loop3A_476 = arith.subf %parallel_loop3A_475, %parallel_loop3A_473 : vector<16xf32>
      %parallel_loop3A_477 = math.exp %parallel_loop3A_476 : vector<16xf32>
      %parallel_loop3A_478 = arith.constant 1.000000e+00 : f32
      %parallel_loop3A_479 = vector.broadcast %parallel_loop3A_478 : f32 to vector<16xf32>
      %parallel_loop3A_480 = arith.addf %parallel_loop3A_479, %parallel_loop3A_477 : vector<16xf32>
      %parallel_loop3A_481 = arith.constant 1.000000e+00 : f32
      %parallel_loop3A_482 = vector.broadcast %parallel_loop3A_481 : f32 to vector<16xf32>
      %parallel_loop3A_483 = arith.divf %parallel_loop3A_482, %parallel_loop3A_480 : vector<16xf32>
      %parallel_loop3A_484 = arith.index_cast %parallel_loop3A_468 : i32 to index
      %parallel_loop3A_485 = tpu.vector_load %arg17[%parallel_loop3A_484] {strides = array<i32>} : memref<512xf32, #tpu.memory_space<vmem>>, vector<16xf32>,
      %parallel_loop3A_486 = arith.constant 0.000000e+00 : f32
      %parallel_loop3A_487 = vector.broadcast %parallel_loop3A_486 : f32 to vector<16xf32>
      %parallel_loop3A_488 = arith.subf %parallel_loop3A_487, %parallel_loop3A_485 : vector<16xf32>
      %parallel_loop3A_489 = math.exp %parallel_loop3A_488 : vector<16xf32>
      %parallel_loop3A_490 = arith.constant 1.000000e+00 : f32
      %parallel_loop3A_491 = vector.broadcast %parallel_loop3A_490 : f32 to vector<16xf32>
      %parallel_loop3A_492 = arith.addf %parallel_loop3A_491, %parallel_loop3A_489 : vector<16xf32>
      %parallel_loop3A_493 = arith.constant 1.000000e+00 : f32
      %parallel_loop3A_494 = vector.broadcast %parallel_loop3A_493 : f32 to vector<16xf32>
      %parallel_loop3A_495 = arith.divf %parallel_loop3A_494, %parallel_loop3A_492 : vector<16xf32>
      %parallel_loop3A_496 = arith.constant 4.000000e-01 : f32
      %parallel_loop3A_497 = vector.broadcast %parallel_loop3A_496 : f32 to vector<16xf32>
      %parallel_loop3A_498 = arith.mulf %parallel_loop3A_497, %parallel_loop3A_495 : vector<16xf32>
      %parallel_loop3A_499 = arith.index_cast %parallel_loop3A_468 : i32 to index
      %parallel_loop3A_500 = tpu.vector_load %arg18[%parallel_loop3A_499] {strides = array<i32>} : memref<512xf32, #tpu.memory_space<vmem>>, vector<16xf32>,
      %parallel_loop3A_501 = arith.constant 0.000000e+00 : f32
      %parallel_loop3A_502 = vector.broadcast %parallel_loop3A_501 : f32 to vector<16xf32>
      %parallel_loop3A_503 = arith.subf %parallel_loop3A_502, %parallel_loop3A_500 : vector<16xf32>
      %parallel_loop3A_504 = math.exp %parallel_loop3A_503 : vector<16xf32>
      %parallel_loop3A_505 = arith.constant 1.000000e+00 : f32
      %parallel_loop3A_506 = vector.broadcast %parallel_loop3A_505 : f32 to vector<16xf32>
      %parallel_loop3A_507 = arith.addf %parallel_loop3A_506, %parallel_loop3A_504 : vector<16xf32>
      %parallel_loop3A_508 = arith.constant 1.000000e+00 : f32
      %parallel_loop3A_509 = vector.broadcast %parallel_loop3A_508 : f32 to vector<16xf32>
      %parallel_loop3A_510 = arith.divf %parallel_loop3A_509, %parallel_loop3A_507 : vector<16xf32>
      %parallel_loop3A_511 = arith.constant 4.000000e-01 : f32
      %parallel_loop3A_512 = vector.broadcast %parallel_loop3A_511 : f32 to vector<16xf32>
      %parallel_loop3A_513 = arith.mulf %parallel_loop3A_512, %parallel_loop3A_510 : vector<16xf32>
      %parallel_loop3A_514 = arith.constant 1.000000e+00 : f32
      %parallel_loop3A_515 = vector.broadcast %parallel_loop3A_514 : f32 to vector<16xf32>
      %parallel_loop3A_516 = arith.subf %parallel_loop3A_515, %parallel_loop3A_498 : vector<16xf32>
      %parallel_loop3A_517 = arith.subf %parallel_loop3A_516, %parallel_loop3A_513 : vector<16xf32>
      %parallel_loop3A_518 = arith.mulf %parallel_loop3A_517, %parallel_loop3A_483 : vector<16xf32>
      %parallel_loop3A_519 = arith.addf %parallel_loop3A_513, %parallel_loop3A_518 : vector<16xf32>
      %parallel_loop3A_520 = arith.index_cast %parallel_loop3A_468 : i32 to index
      %parallel_loop3A_521 = tpu.vector_load %arg19[%parallel_loop3A_520] {strides = array<i32>} : memref<512xf32, #tpu.memory_space<vmem>>, vector<16xf32>,
      tpu.vector_store %arg19[%parallel_loop3A_520], %parallel_loop3A_519 {strides = array<i32>} : memref<512xf32, #tpu.memory_space<vmem>>, vector<16xf32>,
    } {sc.loop_unroll_factor = 1 : i64, sc.parallel_access}
    %add3A_434 = arith.constant 384 : i32
    %add3A_435 = arith.addi %mul3A_2, %add3A_434 : i32
    %dma_start3A_436 = arith.constant 384 : i32
    %dma_start3A_437 = tpu.memref_slice %arg19[%dma_start3A_436] : memref<512xf32, #tpu.memory_space<vmem>> -> memref<128xf32, #tpu.memory_space<vmem>>
    %dma_start3A_438 = tpu.memref_slice %arg8[%add3A_435] : memref<16384xf32, #tpu.memory_space<hbm>> -> memref<128xf32, #tpu.memory_space<hbm>>
    %dma_start3A_439 = tpu.memref_slice %arg8[%add3A_435] : memref<16384xf32, #tpu.memory_space<hbm>> -> memref<128xf32, #tpu.memory_space<hbm>>
    %dma_start3A_440 = arith.constant 384 : i32
    %dma_start3A_441 = tpu.memref_slice %arg19[%dma_start3A_440] : memref<512xf32, #tpu.memory_space<vmem>> -> memref<128xf32, #tpu.memory_space<vmem>>
    tpu.enqueue_dma source(%dma_start3A_441 : memref<128xf32, #tpu.memory_space<vmem>>) target(%dma_start3A_439 : memref<128xf32, #tpu.memory_space<hbm>>) target_semaphore(%arg29 : memref<!tpu.dma_semaphore, #tpu.memory_space<semaphore_mem>>)
    %dma_wait3A_442 = arith.constant 0 : i32
    %dma_wait3A_443 = tpu.memref_slice %arg19[%dma_wait3A_442] : memref<512xf32, #tpu.memory_space<vmem>> -> memref<128xf32, #tpu.memory_space<vmem>>
    %dma_wait3A_444 = tpu.memref_slice %arg8[%add3A_354] : memref<16384xf32, #tpu.memory_space<hbm>> -> memref<128xf32, #tpu.memory_space<hbm>>
    %dma_wait3A_445 = tpu.memref_slice %arg8[%add3A_354] : memref<16384xf32, #tpu.memory_space<hbm>> -> memref<128xf32, #tpu.memory_space<hbm>>
    %dma_wait3A_446 = arith.constant 0 : i32
    %dma_wait3A_447 = tpu.memref_slice %arg19[%dma_wait3A_446] : memref<512xf32, #tpu.memory_space<vmem>> -> memref<128xf32, #tpu.memory_space<vmem>>
    tpu.wait_dma2 semaphore(%arg29 : memref<!tpu.dma_semaphore, #tpu.memory_space<semaphore_mem>>) src(%dma_wait3A_447 : memref<128xf32, #tpu.memory_space<vmem>>) dst(%dma_wait3A_445 : memref<128xf32, #tpu.memory_space<hbm>>)
    %dma_wait3A_448 = arith.constant 128 : i32
    %dma_wait3A_449 = tpu.memref_slice %arg19[%dma_wait3A_448] : memref<512xf32, #tpu.memory_space<vmem>> -> memref<128xf32, #tpu.memory_space<vmem>>
    %dma_wait3A_450 = tpu.memref_slice %arg8[%add3A_385] : memref<16384xf32, #tpu.memory_space<hbm>> -> memref<128xf32, #tpu.memory_space<hbm>>
    %dma_wait3A_451 = tpu.memref_slice %arg8[%add3A_385] : memref<16384xf32, #tpu.memory_space<hbm>> -> memref<128xf32, #tpu.memory_space<hbm>>
    %dma_wait3A_452 = arith.constant 128 : i32
    %dma_wait3A_453 = tpu.memref_slice %arg19[%dma_wait3A_452] : memref<512xf32, #tpu.memory_space<vmem>> -> memref<128xf32, #tpu.memory_space<vmem>>
    tpu.wait_dma2 semaphore(%arg29 : memref<!tpu.dma_semaphore, #tpu.memory_space<semaphore_mem>>) src(%dma_wait3A_453 : memref<128xf32, #tpu.memory_space<vmem>>) dst(%dma_wait3A_451 : memref<128xf32, #tpu.memory_space<hbm>>)
    %dma_wait3A_454 = arith.constant 256 : i32
    %dma_wait3A_455 = tpu.memref_slice %arg19[%dma_wait3A_454] : memref<512xf32, #tpu.memory_space<vmem>> -> memref<128xf32, #tpu.memory_space<vmem>>
    %dma_wait3A_456 = tpu.memref_slice %arg8[%add3A_410] : memref<16384xf32, #tpu.memory_space<hbm>> -> memref<128xf32, #tpu.memory_space<hbm>>
    %dma_wait3A_457 = tpu.memref_slice %arg8[%add3A_410] : memref<16384xf32, #tpu.memory_space<hbm>> -> memref<128xf32, #tpu.memory_space<hbm>>
    %dma_wait3A_458 = arith.constant 256 : i32
    %dma_wait3A_459 = tpu.memref_slice %arg19[%dma_wait3A_458] : memref<512xf32, #tpu.memory_space<vmem>> -> memref<128xf32, #tpu.memory_space<vmem>>
    tpu.wait_dma2 semaphore(%arg29 : memref<!tpu.dma_semaphore, #tpu.memory_space<semaphore_mem>>) src(%dma_wait3A_459 : memref<128xf32, #tpu.memory_space<vmem>>) dst(%dma_wait3A_457 : memref<128xf32, #tpu.memory_space<hbm>>)
    %dma_wait3A_460 = arith.constant 384 : i32
    %dma_wait3A_461 = tpu.memref_slice %arg19[%dma_wait3A_460] : memref<512xf32, #tpu.memory_space<vmem>> -> memref<128xf32, #tpu.memory_space<vmem>>
    %dma_wait3A_462 = tpu.memref_slice %arg8[%add3A_435] : memref<16384xf32, #tpu.memory_space<hbm>> -> memref<128xf32, #tpu.memory_space<hbm>>
    %dma_wait3A_463 = tpu.memref_slice %arg8[%add3A_435] : memref<16384xf32, #tpu.memory_space<hbm>> -> memref<128xf32, #tpu.memory_space<hbm>>
    %dma_wait3A_464 = arith.constant 384 : i32
    %dma_wait3A_465 = tpu.memref_slice %arg19[%dma_wait3A_464] : memref<512xf32, #tpu.memory_space<vmem>> -> memref<128xf32, #tpu.memory_space<vmem>>
    tpu.wait_dma2 semaphore(%arg29 : memref<!tpu.dma_semaphore, #tpu.memory_space<semaphore_mem>>) src(%dma_wait3A_465 : memref<128xf32, #tpu.memory_space<vmem>>) dst(%dma_wait3A_463 : memref<128xf32, #tpu.memory_space<hbm>>)
    return
  }
}

</mosaic_0001>

<sc_bundles>
// kernel: kernel.3.cloned.1.call-start
scs
__scs_entry_jumppad:
0x0: {  	(pc) =	sbr.rel $0x88, $3  }
0x1: {  	(tag) =	ssettag $0x0;
	lr =	simm.s32 $0x1  }
0x2: {  	[smem:$0x3F9B] =	sst lr;
	_ =	strace $0xD0000000  }
0x3: {  	_ = 	snop  }
0x4: {  	_ = 	snop  }
0x5: {  	_ = 	snop  }
0x6: {  	_ = 	snop  }
0x7: {  	_ = 	snop  }
__scs_overlays_trampoline_lowered:
0x8: {  	[smem:$0x3FAA] =	sst s0  }
0x9: {  	[smem:$0x3FAB] =	sst s1  }
0xa: {  	[smem:$0x3FAC] =	sst s2  }
0xb: {  	[smem:$0x3FAD] =	sst s3  }
0xc: {  	[smem:$0x3FAE] =	sst s4  }
0xd: {  	[smem:$0x3FAF] =	sst s5  }
0xe: {  	[smem:$0x3FB0] =	sst s6  }
0xf: {  	[smem:$0x3FB1] =	sst s7  }
0x10: {  	[smem:$0x3FB2] =	sst s8  }
0x11: {  	[smem:$0x3FB3] =	sst s9;
	s0 =	simm.s32 @!p0 $0x0  }
0x12: {  	s1 =	sld [smem:$0x3F99];
	s0 =	simm.s32 @p0 $0x1  }
0x13: {  	[smem:$0x3FB4] =	sst s0;
	s0 =	simm.s32 @!p1 $0x0  }
0x14: {  	s2 =	sld [smem:$0x3F98];
	s0 =	simm.s32 @p1 $0x1  }
0x15: {  	[smem:$0x3FB5] =	sst s0;
	s0 =	simm.s32 @!p2 $0x0  }
0x16: {  	s3 =	sld [smem:$0x3FDB];
	s0 =	simm.s32 @p2 $0x1  }
0x17: {  	s4 =	simm.s32 $0x1BF5;
	[smem:$0x3FB7] =	sst s0  }
0x18: {  	s0 =	sld [smem:$0x3F9A];
	_ =	swait.ge [sflag:s4], $0x0  }
0x19: {  	s7 =	sld [smem:$0x3F9B]  }
0x1a: {  	s8 =	sadd.s32 $0xFFFFE003, lr  }
0x1b: {  	s9 =	sadd.s32 $0xFFFFFEF7, lr;
	s5 =	simm.s32 $0xFFFFFFFF;
	p2 =	slt.u32 s8, $0xFFFFF086  }
0x1c: {  	p1 =	slt.u32 s9, $0xF7A;
	s5 =	simm.s32 @!p2 $0x0  }
0x1d: {  	s5 =	simm.s32 @p1 $0x1;
	p0 =	seq.s32 s7, s2  }
0x1e: {  	s7 =	smul.u32 @!p0 $0xF7A, s2;
	p2 =	seq.s32 @!p0 s5, $0x0  }
0x1f: {  	s9 =	smul.u32 $0xF7A, s1;
	s8 =	simm.s32 @!p0 $0x1BF5;
	p2 =	por !p2, p0  }
0x20: {  	[sflag:s8] =	ssyncset.s32 @!p0 $0xFFFFF086;
	s6 =	sadd.s32 @!p0 s3, s7;
	s7 =	simm.s32 @!p0 $0x108  }
0x21: {  	s3 =	sadd.s32 s3, s9;
	s6 =	sadd.s32 @!p0 $0x88, s6;
	s7 =	simm.s32 @p2 $0x1082  }
0x22: {  	[simem:s7], [sflag:s8] =	dma.local @!p0 [hbm:s6], $0xF7A  }
0x23: {  	s9 =	sor.u32 $0xD0000000, s2;
	s6 =	simm.s32 $0x108;
	_ =	swait.ge @!p0 [sflag:s8], $0x0  }
0x24: {  	s3 =	sadd.s32 $0x88, s3;
	s6 =	simm.s32 @!p1 $0x1082;
	[sflag:s4] =	ssyncset.s32 $0xFFFFF086  }
0x25: {  	[simem:s6], [sflag:s4] =	dma.local [hbm:s3], $0xF7A  }
0x26: {  	[smem:$0x3F9B] =	sst s1;
	(tag) =	ssettag s2;
	_ =	strace s9  }
0x27: {  	s1 =	sld [smem:$0x3FAB]  }
0x28: {  	s2 =	sld [smem:$0x3FAC]  }
0x29: {  	s4 =	sld [smem:$0x3FAE]  }
0x2a: {  	p0 =	seq.s32 s5, $0x0;
	s5 =	sld [smem:$0x3FAF]  }
0x2b: {  	s6 =	sld [smem:$0x3FB0]  }
0x2c: {  	s7 =	sld [smem:$0x3FB1]  }
0x2d: {  	s3 =	simm.s32 $0x108;
	s8 =	sld [smem:$0x3FB2]  }
0x2e: {  	s3 =	simm.s32 @!p0 $0x1082;
	s9 =	sld [smem:$0x3FB3]  }
0x2f: {  	lr =	sadd.s32 s0, s3;
	s0 =	sld [smem:$0x3FAA]  }
0x30: {  	s3 =	sld [smem:$0x3FAD]  }
0x31: {  	[smem:$0x3FB6] =	sst s10  }
0x32: {  	s10 =	sld [smem:$0x3FB4];
	_ =	sdelay $0x3  }
0x33: {  	p0 =	seq.s32 s10, $0x1;
	s10 =	sld [smem:$0x3FB6];
	_ =	sdelay $0x3  }
0x34: {  	[smem:$0x3FB6] =	sst s10  }
0x35: {  	s10 =	sld [smem:$0x3FB5];
	_ =	sdelay $0x3  }
0x36: {  	p1 =	seq.s32 s10, $0x1;
	s10 =	sld [smem:$0x3FB6];
	_ =	sdelay $0x3  }
0x37: {  	[smem:$0x3FB6] =	sst s10  }
0x38: {  	s10 =	sld [smem:$0x3FB7]  }
0x39: {  	_ = 	snop;
	(pc) =	sbr.ind lr, $3  }
0x3a: {  	_ = 	snop  }
0x3b: {  	_ = 	snop  }
0x3c: {  	p2 =	seq.s32 s10, $0x1;
	s10 =	sld [smem:$0x3FB6]  }
0x3d: {  	_ =	shalt  }
0x3e: {  	_ =	shalt  }
0x3f: {  	_ =	shalt  }
0x40: {  	_ =	shalt  }
0x41: {  	_ =	shalt  }
0x42: {  	_ =	shalt  }
0x43: {  	_ =	shalt  }
0x44: {  	_ =	shalt  }
0x45: {  	_ =	shalt  }
0x46: {  	_ =	shalt  }
0x47: {  	_ =	shalt  }
0x48: {  	_ =	shalt  }
0x49: {  	_ =	shalt  }
0x4a: {  	_ =	shalt  }
0x4b: {  	_ =	shalt  }
0x4c: {  	_ =	shalt  }
0x4d: {  	_ =	shalt  }
0x4e: {  	_ =	shalt  }
0x4f: {  	_ =	shalt  }
0x50: {  	_ =	shalt  }
0x51: {  	_ =	shalt  }
0x52: {  	_ =	shalt  }
0x53: {  	_ =	shalt  }
0x54: {  	_ =	shalt  }
0x55: {  	_ =	shalt  }
0x56: {  	_ =	shalt  }
0x57: {  	_ =	shalt  }
0x58: {  	_ =	shalt  }
0x59: {  	_ =	shalt  }
0x5a: {  	_ =	shalt  }
0x5b: {  	_ =	shalt  }
0x5c: {  	_ =	shalt  }
0x5d: {  	_ =	shalt  }
0x5e: {  	_ =	shalt  }
0x5f: {  	_ =	shalt  }
0x60: {  	_ =	shalt  }
0x61: {  	_ =	shalt  }
0x62: {  	_ =	shalt  }
0x63: {  	_ =	shalt  }
0x64: {  	_ =	shalt  }
0x65: {  	_ =	shalt  }
0x66: {  	_ =	shalt  }
0x67: {  	_ =	shalt  }
0x68: {  	_ =	shalt  }
0x69: {  	_ =	shalt  }
0x6a: {  	_ =	shalt  }
0x6b: {  	_ =	shalt  }
0x6c: {  	_ =	shalt  }
0x6d: {  	_ =	shalt  }
0x6e: {  	_ =	shalt  }
0x6f: {  	_ =	shalt  }
0x70: {  	_ =	shalt  }
0x71: {  	_ =	shalt  }
0x72: {  	_ =	shalt  }
0x73: {  	_ =	shalt  }
0x74: {  	_ =	shalt  }
0x75: {  	_ =	shalt  }
0x76: {  	_ =	shalt  }
0x77: {  	_ =	shalt  }
0x78: {  	_ =	shalt  }
0x79: {  	_ =	shalt  }
0x7a: {  	_ =	shalt  }
0x7b: {  	_ =	shalt  }
0x7c: {  	_ =	shalt  }
0x7d: {  	_ =	shalt  }
0x7e: {  	_ =	shalt  }
0x7f: {  	_ =	shalt  }
0x80: {  	_ =	shalt  }
0x81: {  	_ =	shalt  }
0x82: {  	_ =	shalt  }
0x83: {  	_ =	shalt  }
0x84: {  	_ =	shalt  }
0x85: {  	_ =	shalt  }
0x86: {  	_ =	shalt  }
0x87: {  	_ =	shalt  }
.Lfunc_end0:
.L_simem_size_0:
called_computation_lowered:
.L_overlay_start_0:
0x88: {  	s2 =	sld [smem:$0x3FD9]  }
0x89: {  	s3 =	sld [smem:$0x3FFE];
	_ =	sdelay $0x1  }
0x8a: {  	s1 =	srdreg.scid  }
0x8b: {  	s0 =	sand.u32 $0x1, s1  }
0x8c: {  	s17 =	sshll.u32 s0, $0xA;
	s2 =	sadd.s32 s3, s2  }
0x8d: {  	s2 =	sadd.s32 s2, s17  }
0x8e: {  	[smem:$0x3FC2] =	sst s2  }
0x8f: {  	_ = 	snop  }
0x90: {  	s2 =	sld [smem:$0x3FC9]  }
0x91: {  	s18 =	sld [smem:$0x3FC8]  }
0x92: {  	s4 =	sld [smem:$0x3FC7]  }
0x93: {  	s5 =	sld [smem:$0x3FC6]  }
0x94: {  	s6 =	sld [smem:$0x3FD0];
	(tm) =	ssettm $0x1  }
0x95: {  	s7 =	sld [smem:$0x3FFB];
	_ =	sdelay $0x3  }
0x96: {  	_ =	strace s7  }
0x97: {  	s7 =	sld [smem:$0x3FFC];
	_ =	sdelay $0x3  }
0x98: {  	_ =	strace s7  }
0x99: {  	s7 =	sld [smem:$0x3FFD];
	_ =	sdelay $0x3  }
0x9a: {  	_ =	strace s7  }
0x9b: {  	_ =	strace $0x8FFFFFFF  }
0x9c: {  	s19 =	sld [smem:$0x3FDB];
	_ =	sdelay $0x1  }
0x9d: {  	s8 =	simm.s32 $_scs_section_size  }
0x9e: {  	s9 =	simm.s32 $_size__tile_overlayer_lowered;
	s10 =	simm.s32 $_tile_overlayer_lowered  }
0x9f: {  	s22 =	simm.s32 $0x1BFF;
	s21 =	sshll.u32 s10, $0x1;
	s7 =	sadd.s32 s8, s19  }
0xa0: {  	s11 =	simm.s32 $0x0;
	s20 =	sshll.u32 s9, $0x1;
	s9 =	sadd.s32 s21, s7  }
0xa1: {  	[timem:s11], [sflag:s22] =	dma.local [hbm:s9], s20  }
0xa2: {  	_ =	swait.ge [sflag:s22], s20  }
0xa3: {  	s8 =	ssub.s32 $0x0, s20;
	[sflag:s22] =	ssyncset.done $0x0  }
0xa4: {  	[sflag:s22] =	ssyncadd.s32 s8;
	_ =	sdelay $0x1  }
0xa5: {  	s23 =	simm.s32 $0x1B8B  }
0xa6: {  	_ =	swait.ge [sflag:s23], $0x1  }
0xa7: {  	[sflag:s23] =	ssyncset.done $0x0  }
0xa8: {  	s25 =	simm.s32 $0x1B8E;
	s24 =	sld [smem:$0x3FFE];
	[sflag:s23] =	ssyncadd.s32 $0xFFFFFFFF  }
0xa9: {  	s26 =	simm.s32 $execute0_lowered;
	[smem:$0x3FD2] =	sst s25  }
0xaa: {  	s9 =	sshll.u32 s26, $0x1;
	_ =	strace $0x80000046;
	[dreg:$0x1] =	wrdreg $0xFFFFFFFF  }
0xab: {  	s28 =	simm.s32 $_size_execute0_lowered;
	s7 =	sadd.s32 s7, s9;
	[dreg:$0x0] =	wrdreg $0x0  }
0xac: {  	s9 =	sshll.u32 s28, $0x1;
	[dreg:$0x2] =	wrdreg s7  }
0xad: {  	[dreg:$0x3] =	wrdreg s9  }
0xae: {  	[dreg:$0x4] =	wrdreg $0xC0  }
0xaf: {  	_ =	task [dreg:s11], $0x5FFFF  }
0xb0: {  	[dreg:$0x1] =	wrdreg $0xFFFFFFFF  }
0xb1: {  	[dreg:$0x0] =	wrdreg $0x60  }
0xb2: {  	[dreg:$0x2] =	wrdreg s2  }
0xb3: {  	[dreg:$0x3] =	wrdreg s18  }
0xb4: {  	[dreg:$0x4] =	wrdreg s4  }
0xb5: {  	[dreg:$0x5] =	wrdreg s5  }
0xb6: {  	[dreg:$0x6] =	wrdreg s24  }
0xb7: {  	[dreg:$0x7] =	wrdreg s6  }
0xb8: {  	[dreg:$0x8] =	wrdreg $0x9  }
0xb9: {  	_ =	task.clear_ibuf [dreg:s11], $0x9FFFF;
	_ =	strace $0x90000046  }
0xba: {  	s29 =	simm.s32 $0x9;
	_ =	strace $0x80000048  }
0xbb: {  	_ =	swait.ge [sflag:s29], $0x1  }
0xbc: {  	[sflag:s29] =	ssyncadd.s32 $0xFFFFFFFF  }
0xbd: {  	_ =	strace $0x90000048  }
0xbe: {  	_ =	sfence  }
0xbf: {  	s30 =	sld [smem:$0x0];
	_ =	sdelay $0x2  }
0xc0: {  	s31 =	sshll.u32 s1, $0xD;
	s1 =	sshrl.u32 s1, $0x2  }
0xc1: {  	s3 =	sand.u32 $0x4000, s31;
	s1 =	sadd.s32 s1, s30  }
0xc2: {  	s0 =	sor.u32 s3, s0;
	s1 =	sshll.u32 s1, $0x11  }
0xc3: {  	s0 =	sor.u32 s1, s0  }
0xc4: {  	s0 =	sadd.s32 $0x8F2B, s0  }
0xc5: {  	[sflag:s0] =	ssyncadd.remote.s32 $0x1  }
0xc6: {  	_ =	sfence.sel $0xFFFF  }
0xc7: {  	[dreg:$0x0] =	wrdreg $0xFFFFFFFF;
	(pc) =	sbr.abs _section_cstart, $3  }
0xc8: {  	[dreg:$0x1] =	wrdreg $0xFFFFFFFF  }
0xc9: {  	_ =	task.clear_ibuf [dreg:s11], $0x2FFFF;
	_ =	strace $0x9FFFFFFF  }
0xca: {  	(tm) =	ssettm $0x7FFFFFFF  }
0xcb: {  	_ =	shalt  }
tec
execute0_lowered:
.L_overlay_start_1:
0x0: {  	(tag) =	ssettag $0x1  }
0x1: {  	s0 =	rddreg [dreg:$0x0]  }
0x2: {  	s3 =	rddreg [dreg:$0x1]  }
0x3: {  	s6 =	rddreg [dreg:$0x2]  }
0x4: {  	s1 =	rddreg [dreg:$0x3]  }
0x5: {  	s2 =	rddreg [dreg:$0x4]  }
0x6: {  	s7 =	rddreg [dreg:$0x5]  }
0x7: {  	s5 =	srdreg.scid;
	s4 =	simm.s32 $0x0;
	s8 =	stileid.u32  }
0x8: {  	s28 =	simm.s32 $0x300;
	s30 =	simm.s32 $0x380;
	s31 =	simm.s32 $0x8  }
0x9: {  	s29 =	simm.s32 $0x5;
	s5 =	sand.u32 $0x1, s5;
	[smem:$0x7FF] =	sst s4  }
0xa: {  	s8 =	sshll.u32 s8, $0xA;
	s9 =	sshll.u32 s5, $0x9;
	s10 =	ssub.s32 $0x2, s5  }
0xb: {  	_ =	strace $0x80000047;
	s8 =	sor.u32 s9, s8;
	s23 =	sshrl.u32 s10, $0x1  }
0xc: {  	s5 =	sadd.s32 $0x3200, s2;
	s11 =	sshrl.u32 s8, $0x3;
	s9 =	ssub.s32 s10, s23  }
0xd: {  	s25 =	sor.u32 $0x80, s8;
	s13 =	sor.u32 $0x100, s8;
	s15 =	sor.u32 $0x180, s8  }
0xe: {  	s20 =	sshll.u32 s8, $0x4;
	s8 =	simm.s32 $0x4;
	s24 =	sadd.s32 s0, s11  }
0xf: {  	s12 =	sadd.s32 s3, s11;
	s26 =	sshrl.u32 s25, $0x3;
	[dreg:$0x7] =	wrdreg s24  }
0x10: {  	s10 =	simm.s32 $0x0;
	[dreg:$0x8] =	wrdreg s12;
	s14 =	sadd.s32 s0, s26  }
0x11: {  	s19 =	sshrl.u32 s15, $0x3;
	s16 =	sadd.s32 s3, s26;
	[dreg:$0x9] =	wrdreg s14  }
0x12: {  	s23 =	sshll.u32 s15, $0x4;
	s24 =	sadd.s32 s7, s11;
	[dreg:$0xa] =	wrdreg s16  }
0x13: {  	s21 =	sshll.u32 s25, $0x4;
	s25 =	sadd.s32 s6, s23;
	[dreg:$0x12] =	wrdreg s24  }
0x14: {  	s26 =	sadd.s32 s7, s26;
	s14 =	sshrl.u32 s13, $0x3;
	[dreg:$0x13] =	wrdreg s25  }
0x15: {  	s22 =	sshll.u32 s13, $0x4;
	[dreg:$0x14] =	wrdreg s26;
	s18 =	sadd.s32 s0, s14  }
0x16: {  	s23 =	simm.s32 $0x200;
	s17 =	sadd.s32 s3, s14;
	[dreg:$0xb] =	wrdreg s18  }
0x17: {  	s24 =	simm.s32 $0x80;
	s0 =	sadd.s32 s0, s19;
	[dreg:$0xc] =	wrdreg s17  }
0x18: {  	s25 =	simm.s32 $0x280;
	s3 =	sadd.s32 s3, s19;
	[dreg:$0xd] =	wrdreg s0  }
0x19: {  	s16 =	simm.s32 $0x10400;
	s26 =	simm.s32 $0x1;
	[dreg:$0xe] =	wrdreg s3  }
0x1a: {  	s0 =	sadd.s32 s6, s20;
	s20 =	sadd.s32 s7, s14;
	s17 =	simm.s32 $0x14400  }
0x1b: {  	s3 =	simm.s32 $0x2;
	[dreg:$0xf] =	wrdreg s0;
	s0 =	sadd.s32 s6, s21  }
0x1c: {  	s21 =	sadd.s32 s7, s19;
	s7 =	simm.s32 $0x3;
	[dreg:$0x10] =	wrdreg s0  }
0x1d: {  	s0 =	sadd.s32 s6, s22;
	s22 =	smax.u32 s9, $0x1;
	s6 =	simm.s32 $0x6  }
0x1e: {  	vm0 =	vcmask $0x3F3C;
	s9 =	simm.s32 $0x9;
	[dreg:$0x11] =	wrdreg s0;
	s0 =	simm.s32 $0x7  }
.LBB2_1:
0x1f: {  	s11 =	rddreg [dreg:$0x7]  }
0x20: {  	[tilespmem:s4], [sflag:$0x8] =	stream.linear.gather [hbm4b:s11+s4], $0x80, $0x38;
	[tilespmem:$0x18B00] =	vst v63  }
0x21: {  	s18 =	rddreg [dreg:$0x8]  }
0x22: {  	[tilespmem:s23], [sflag:$0x8] =	stream.linear.gather [hbm4b:s18+s4], $0x80, $0x38;
	[tilespmem:$0x18B00] =	vst v63  }
0x23: {  	s19 =	rddreg [dreg:$0x9]  }
0x24: {  	[tilespmem:s24], [sflag:$0x8] =	stream.linear.gather [hbm4b:s19+s4], $0x80, $0x38;
	[tilespmem:$0x18B00] =	vst v63  }
0x25: {  	s12 =	rddreg [dreg:$0xa]  }
0x26: {  	[tilespmem:s25], [sflag:$0x8] =	stream.linear.gather [hbm4b:s12+s4], $0x80, $0x38;
	[tilespmem:$0x18B00] =	vst v63  }
0x27: {  	s13 =	rddreg [dreg:$0xb];
	s12 =	simm.s32 $0x100  }
0x28: {  	[tilespmem:s12], [sflag:$0x8] =	stream.linear.gather [hbm4b:s13+s4], $0x80, $0x38;
	[tilespmem:$0x18B00] =	vst v63  }
0x29: {  	s14 =	rddreg [dreg:$0xc]  }
0x2a: {  	[tilespmem:s28], [sflag:$0x8] =	stream.linear.gather [hbm4b:s14+s4], $0x80, $0x38;
	[tilespmem:$0x18B00] =	vst v63  }
0x2b: {  	s15 =	rddreg [dreg:$0xd];
	s13 =	simm.s32 $0x180  }
0x2c: {  	[tilespmem:s13], [sflag:$0x8] =	stream.linear.gather [hbm4b:s15+s4], $0x80, $0x38;
	[tilespmem:$0x18B00] =	vst v63  }
0x2d: {  	s18 =	rddreg [dreg:$0xe]  }
0x2e: {  	[tilespmem:s30], [sflag:$0x8] =	stream.linear.gather [hbm4b:s18+s4], $0x80, $0x38;
	[tilespmem:$0x18B00] =	vst v63  }
0x2f: {  	_ =	swait.ge [sflag:s31], $0x80  }
0x30: {  	[sflag:s31] =	ssyncset.done $0x0  }
0x31: {  	[sflag:s31] =	ssyncadd.s32 $0xFFFFFF80  }
0x32: {  	_ =	swait.ge [sflag:s31], $0x80  }
0x33: {  	[sflag:s31] =	ssyncset.done $0x0  }
0x34: {  	[sflag:s31] =	ssyncadd.s32 $0xFFFFFF80  }
0x35: {  	_ =	swait.ge [sflag:s31], $0x80  }
0x36: {  	[sflag:s31] =	ssyncset.done $0x0  }
0x37: {  	[sflag:s31] =	ssyncadd.s32 $0xFFFFFF80  }
0x38: {  	_ =	swait.ge [sflag:s31], $0x80  }
0x39: {  	[sflag:s31] =	ssyncset.done $0x0  }
0x3a: {  	[sflag:s31] =	ssyncadd.s32 $0xFFFFFF80  }
0x3b: {  	_ =	swait.ge [sflag:s31], $0x80  }
0x3c: {  	[sflag:s31] =	ssyncset.done $0x0  }
0x3d: {  	[sflag:s31] =	ssyncadd.s32 $0xFFFFFF80  }
0x3e: {  	_ =	swait.ge [sflag:s31], $0x80  }
0x3f: {  	[sflag:s31] =	ssyncset.done $0x0  }
0x40: {  	[sflag:s31] =	ssyncadd.s32 $0xFFFFFF80  }
0x41: {  	_ =	swait.ge [sflag:s31], $0x80  }
0x42: {  	[sflag:s31] =	ssyncset.done $0x0  }
0x43: {  	[sflag:s31] =	ssyncadd.s32 $0xFFFFFF80  }
0x44: {  	_ =	swait.ge [sflag:s31], $0x80  }
0x45: {  	[sflag:s31] =	ssyncset.done $0x0  }
0x46: {  	s19 =	simm.s32 $0x400;
	[sflag:s31] =	ssyncadd.s32 $0xFFFFFF80  }
0x47: {  	[tilespmem:s19], [sflag:$0x1] =	stream.indirect.gather [hbm4b:s1+s24], $0x80, s4, s24, $0xb8;
	[tilespmem:$0x18B00] =	vst v63  }
0x48: {  	s14 =	simm.s32 $0x4400  }
0x49: {  	[tilespmem:s14], [sflag:$0x2] =	stream.indirect.gather [hbm4b:s1+s24], $0x80, s24, s24, $0xb8;
	[tilespmem:$0x18B00] =	vst v63  }
0x4a: {  	s15 =	simm.s32 $0x8400  }
0x4b: {  	[tilespmem:s15], [sflag:$0x3] =	stream.indirect.gather [hbm4b:s1+s24], $0x80, s12, s24, $0xb8;
	[tilespmem:$0x18B00] =	vst v63  }
0x4c: {  	s18 =	simm.s32 $0xC400  }
0x4d: {  	[tilespmem:s18], [sflag:$0x4] =	stream.indirect.gather [hbm4b:s1+s24], $0x80, s13, s24, $0xb8;
	[tilespmem:$0x18B00] =	vst v63  }
0x4e: {  	s19 =	rddreg [dreg:$0xf]  }
0x4f: {  	[tilespmem:s16], [sflag:$0x5] =	stream.linear.gather [hbm4b:s19+s4], $0x4000, $0x38;
	[tilespmem:$0x18B00] =	vst v63  }
0x50: {  	s12 =	rddreg [dreg:$0x10]  }
0x51: {  	[tilespmem:s17], [sflag:$0x6] =	stream.linear.gather [hbm4b:s12+s4], $0x4000, $0x38;
	[tilespmem:$0x18B00] =	vst v63  }
0x52: {  	s13 =	simm.s32 $0x18400  }
0x53: {  	[tilespmem:s13], [sflag:$0x7] =	stream.indirect.gather [hbm4b:s2+s24], $0x1, s23, s24, $0xb8;
	[tilespmem:$0x18B00] =	vst v63  }
0x54: {  	s14 =	simm.s32 $0x18600  }
0x55: {  	[tilespmem:s14], [sflag:$0x7] =	stream.indirect.gather [hbm4b:s5+s24], $0x1, s23, s24, $0xb8;
	[tilespmem:$0x18B00] =	vst v63  }
0x56: {  	s15 =	simm.s32 $0x18480  }
0x57: {  	[tilespmem:s15], [sflag:$0x7] =	stream.indirect.gather [hbm4b:s2+s24], $0x1, s25, s24, $0xb8;
	[tilespmem:$0x18B00] =	vst v63  }
0x58: {  	s18 =	simm.s32 $0x18680  }
0x59: {  	[tilespmem:s18], [sflag:$0x7] =	stream.indirect.gather [hbm4b:s5+s24], $0x1, s25, s24, $0xb8;
	[tilespmem:$0x18B00] =	vst v63  }
0x5a: {  	s19 =	simm.s32 $0x18500  }
0x5b: {  	[tilespmem:s19], [sflag:$0x7] =	stream.indirect.gather [hbm4b:s2+s24], $0x1, s28, s24, $0xb8;
	[tilespmem:$0x18B00] =	vst v63  }
0x5c: {  	s12 =	simm.s32 $0x18700  }
0x5d: {  	[tilespmem:s12], [sflag:$0x7] =	stream.indirect.gather [hbm4b:s5+s24], $0x1, s28, s24, $0xb8;
	[tilespmem:$0x18B00] =	vst v63  }
0x5e: {  	s13 =	simm.s32 $0x18580  }
0x5f: {  	[tilespmem:s13], [sflag:$0x7] =	stream.indirect.gather [hbm4b:s2+s24], $0x1, s30, s24, $0xb8;
	[tilespmem:$0x18B00] =	vst v63  }
0x60: {  	s14 =	simm.s32 $0x18780  }
0x61: {  	[tilespmem:s14], [sflag:$0x7] =	stream.indirect.gather [hbm4b:s5+s24], $0x1, s30, s24, $0xb8;
	[tilespmem:$0x18B00] =	vst v63  }
0x62: {  	_ =	swait.ge [sflag:s26], $0x4000  }
0x63: {  	[sflag:s26] =	ssyncset.done $0x0  }
0x64: {  	[sflag:s26] =	ssyncadd.s32 $0xFFFFC000  }
0x65: {  	_ =	swait.ge [sflag:s29], $0x4000  }
0x66: {  	[sflag:s29] =	ssyncset.done $0x0  }
0x67: {  	s15 =	simm.s32 $0x500;
	[sflag:s29] =	ssyncadd.s32 $0xFFFFC000  }
0x68: {  	v0 =	vld [tilespmem:s15+$0x80]  }
0x69: {  	v1 =	vld [tilespmem:s15+$0x90]  }
0x6a: {  	v2 =	vld [tilespmem:s15+$0xA0]  }
0x6b: {  	v3 =	vld [tilespmem:s15+$0xB0]  }
0x6c: {  	v4 =	vld [tilespmem:s15+$0xC0]  }
0x6d: {  	v5 =	vld [tilespmem:s15+$0xD0];
	v0 =	vsub.f32 $0.0e+00, v0  }
0x6e: {  	v6 =	vld [tilespmem:s15+$0xE0];
	v1 =	vsub.f32 $0.0e+00, v1  }
0x6f: {  	v7 =	vld [tilespmem:s15+$0xF0];
	v2 =	vsub.f32 $0.0e+00, v2;
	v0 =	vmul.f32 $1.442695020e+00, v0  }
0x70: {  	v3 =	vsub.f32 $0.0e+00, v3;
	v1 =	vmul.f32 $1.442695020e+00, v1  }
0x71: {  	v4 =	vsub.f32 $0.0e+00, v4;
	v2 =	vmul.f32 $1.442695020e+00, v2;
	(erf) = vpow2.f32 v0  }
0x72: {  	v58 =	vld [tilespmem:s15+$0xFFFFFF10];
	v5 =	vsub.f32 $0.0e+00, v5;
	v3 =	vmul.f32 $1.442695020e+00, v3;
	(erf) = vpow2.f32 v1  }
0x73: {  	v59 =	vld [tilespmem:s15+$0xFFFFFF20];
	v6 =	vsub.f32 $0.0e+00, v6;
	v4 =	vmul.f32 $1.442695020e+00, v4;
	(erf) = vpow2.f32 v2  }
0x74: {  	v60 =	vmul.f32 $1.442695020e+00, v5;
	v5 =	vsub.f32 $0.0e+00, v7;
	(erf) = vpow2.f32 v3  }
0x75: {  	v3 =	vmul.f32 $1.442695020e+00, v6;
	(erf) = vpow2.f32 v4  }
0x76: {  	v4 =	vmul.f32 $1.442695020e+00, v5;
	(erf) = vpow2.f32 v60  }
0x77: {  	v0 =	vsub.f32 $0.0e+00, v58;
	(erf) = vpow2.f32 v3  }
0x78: {  	v1 =	vsub.f32 $0.0e+00, v59;
	(erf) = vpow2.f32 v4  }
0x79: {  	v8 =	vld [tilespmem:s15+$0xFFFFFF80];
	v0 =	vmul.f32 $1.442695020e+00, v0  }
0x7a: {  	v1 =	vmul.f32 $1.442695020e+00, v1;
	v61 =	vpop (erf)  }
0x7b: {  	(erf) = vpow2.f32 v0;
	v62 =	vadd.f32 $1.000000000e+00, v61;
	v63 =	vpop (erf)  }
0x7c: {  	v3 =	vld [tilespmem:s15+$0xFFFFFF30];
	(erf) = vpow2.f32 v1;
	v32 =	vadd.f32 $1.000000000e+00, v63;
	v33 =	vpop (erf)  }
0x7d: {  	v4 =	vld [tilespmem:s15+$0xFFFFFF40];
	v2 =	vadd.f32 $1.000000000e+00, v33;
	(erf) = vrcp.f32 v62;
	v34 =	vpop (erf)  }
0x7e: {  	v8 =	vsub.f32 $0.0e+00, v8;
	v5 =	vld [tilespmem:s15+$0xFFFFFF50];
	v0 =	vadd.f32 $1.000000000e+00, v34;
	(erf) = vrcp.f32 v32;
	v35 =	vpop (erf)  }
0x7f: {  	v6 =	vld [tilespmem:s15+$0xFFFFFF60];
	v1 =	vadd.f32 $1.000000000e+00, v35;
	(erf) = vrcp.f32 v2;
	v36 =	vpop (erf)  }
0x80: {  	v7 =	vld [tilespmem:s15+$0xFFFFFF70];
	v8 =	vmul.f32 $1.442695020e+00, v8;
	v2 =	vadd.f32 $1.000000000e+00, v36;
	(erf) = vrcp.f32 v0;
	v37 =	vpop (erf)  }
0x81: {  	v9 =	vld [tilespmem:s15+$0xFFFFFF90];
	v3 =	vsub.f32 $0.0e+00, v3;
	v0 =	vadd.f32 $1.000000000e+00, v37;
	(erf) = vrcp.f32 v1;
	v38 =	vpop (erf)  }
0x82: {  	v40 =	vld [tilespmem:s15+$0xFFFFFF00];
	v4 =	vsub.f32 $0.0e+00, v4;
	v1 =	vadd.f32 $1.000000000e+00, v38;
	(erf) = vrcp.f32 v2  }
0x83: {  	v39 =	vmul.f32 $1.442695020e+00, v3;
	v3 =	vsub.f32 $0.0e+00, v5;
	v5 =	vld [tilespmem:s15+$0xFFFFFFA0];
	(erf) = vrcp.f32 v0  }
0x84: {  	v41 =	vld [tilespmem:s15+$0xFFFFFFB0];
	v6 =	vsub.f32 $0.0e+00, v6;
	v4 =	vmul.f32 $1.442695020e+00, v4;
	v10 =	vpop (erf);
	(erf) = vrcp.f32 v1  }
0x85: {  	v42 =	vld [tilespmem:s15+$0xFFFFFFC0];
	v7 =	vsub.f32 $0.0e+00, v7;
	v3 =	vmul.f32 $1.442695020e+00, v3;
	v11 =	vpop (erf);
	(erf) = vpow2.f32 v39  }
0x86: {  	v9 =	vsub.f32 $0.0e+00, v9;
	v6 =	vmul.f32 $1.442695020e+00, v6;
	v12 =	vpop (erf);
	(erf) = vpow2.f32 v4;
	v4 =	vld [tilespmem:s15+$0xFFFFFFD0]  }
0x87: {  	v7 =	vmul.f32 $1.442695020e+00, v7;
	v0 =	vsub.f32 $0.0e+00, v40;
	v13 =	vpop (erf);
	(erf) = vpow2.f32 v3;
	v3 =	vld [tilespmem:s15+$0xFFFFFFE0]  }
0x88: {  	v9 =	vmul.f32 $1.442695020e+00, v9;
	v5 =	vsub.f32 $0.0e+00, v5;
	v14 =	vpop (erf);
	(erf) = vpow2.f32 v6;
	v6 =	vld [tilespmem:s15+$0xFFFFFFF0]  }
0x89: {  	v1 =	vsub.f32 $0.0e+00, v41;
	v0 =	vmul.f32 $1.442695020e+00, v0;
	v15 =	vpop (erf);
	(erf) = vpow2.f32 v7;
	v7 =	vld [tilespmem:s15+$0x0]  }
0x8a: {  	v5 =	vmul.f32 $1.442695020e+00, v5;
	v16 =	vpop (erf);
	(erf) = vpow2.f32 v8;
	v8 =	vld [tilespmem:s15+$0x10]  }
0x8b: {  	v2 =	vsub.f32 $0.0e+00, v42;
	v1 =	vmul.f32 $1.442695020e+00, v1;
	v17 =	vpop (erf);
	(erf) = vpow2.f32 v9;
	v9 =	vld [tilespmem:s15+$0x20]  }
0x8c: {  	v4 =	vsub.f32 $0.0e+00, v4;
	v18 =	vpop (erf);
	(erf) = vpow2.f32 v0;
	v43 =	vsub.f32 $0.0e+00, v3;
	v3 =	vld [tilespmem:s15+$0x30]  }
0x8d: {  	v2 =	vmul.f32 $1.442695020e+00, v2;
	v19 =	vpop (erf);
	(erf) = vpow2.f32 v5;
	v5 =	vsub.f32 $0.0e+00, v6;
	v6 =	vld [tilespmem:s15+$0x40]  }
0x8e: {  	v4 =	vmul.f32 $1.442695020e+00, v4;
	v20 =	vpop (erf);
	(erf) = vpow2.f32 v1;
	v44 =	vsub.f32 $0.0e+00, v7;
	v7 =	vld [tilespmem:s15+$0x50]  }
0x8f: {  	v0 =	vmul.f32 $1.442695020e+00, v43;
	v21 =	vpop (erf);
	(erf) = vpow2.f32 v2;
	v45 =	vsub.f32 $0.0e+00, v8;
	v8 =	vld [tilespmem:s15+$0x60]  }
0x90: {  	v5 =	vmul.f32 $1.442695020e+00, v5;
	v22 =	vpop (erf);
	(erf) = vpow2.f32 v4;
	v4 =	vsub.f32 $0.0e+00, v9;
	v9 =	vld [tilespmem:s15+$0x70]  }
0x91: {  	s19 =	simm.s32 $0x700;
	v1 =	vmul.f32 $1.442695020e+00, v44;
	v23 =	vpop (erf);
	(erf) = vpow2.f32 v0;
	v46 =	vsub.f32 $0.0e+00, v3  }
0x92: {  	v57 =	vld [tilespmem:s19+$0xFFFFFF20];
	v2 =	vmul.f32 $1.442695020e+00, v45;
	v3 =	vpop (erf);
	(erf) = vpow2.f32 v5;
	v5 =	vsub.f32 $0.0e+00, v6  }
0x93: {  	v4 =	vmul.f32 $1.442695020e+00, v4;
	v6 =	vpop (erf);
	(erf) = vpow2.f32 v1;
	v47 =	vsub.f32 $0.0e+00, v7  }
0x94: {  	v7 =	vpop (erf);
	(erf) = vpow2.f32 v2;
	v48 =	vmul.f32 $1.442695020e+00, v5;
	v5 =	vsub.f32 $0.0e+00, v8  }
0x95: {  	v0 =	vmul.f32 $1.442695020e+00, v46;
	v8 =	vpop (erf);
	(erf) = vpow2.f32 v4;
	v4 =	vsub.f32 $0.0e+00, v9;
	_ =	sdelay $0x1  }
0x96: {  	v35 =	vsub.f32 $0.0e+00, v57;
	v40 =	vld [tilespmem:s19+$0xFFFFFF40];
	v1 =	vmul.f32 $1.442695020e+00, v47;
	v9 =	vpop (erf);
	(erf) = vpow2.f32 v0  }
0x97: {  	s18 =	simm.s32 $0x10500;
	v49 =	vmul.f32 $1.442695020e+00, v5;
	v8 =	vadd.f32 $1.000000000e+00, v8;
	v5 =	vpop (erf);
	(erf) = vpow2.f32 v48  }
0x98: {  	v52 =	vld [tilespmem:s18+$0x80];
	v51 =	vadd.f32 $1.000000000e+00, v10;
	v50 =	vmul.f32 $1.442695020e+00, v4;
	v4 =	vpop (erf);
	(erf) = vpow2.f32 v1  }
0x99: {  	v11 =	vadd.f32 $1.000000000e+00, v11;
	v12 =	vadd.f32 $-5.000000000e-01, v12;
	v10 =	vpop (erf);
	(erf) = vpow2.f32 v49  }
0x9a: {  	v25 =	vld [tilespmem:s18+$0xA0];
	v13 =	vadd.f32 $-5.000000000e-01, v13;
	v20 =	vadd.f32 $1.000000000e+00, v20;
	v24 =	vpop (erf);
	(erf) = vpow2.f32 v50  }
0x9b: {  	v53 =	vld [tilespmem:s18+$0x90];
	v40 =	vsub.f32 $0.0e+00, v40;
	v21 =	vadd.f32 $1.000000000e+00, v21;
	(erf) = vrcp.f32 v8;
	v8 =	vpop (erf)  }
0x9c: {  	v26 =	vld [tilespmem:s18+$0xB0];
	v14 =	vadd.f32 $-5.000000000e-01, v14;
	v15 =	vadd.f32 $-5.000000000e-01, v15;
	(erf) = vrcp.f32 v51;
	v54 =	vpop (erf)  }
0x9d: {  	v0 =	vmul.f32 v12, v52;
	v12 =	vadd.f32 $1.000000000e+00, v23;
	(erf) = vrcp.f32 v11;
	v11 =	vpop (erf)  }
0x9e: {  	v22 =	vadd.f32 $1.000000000e+00, v22;
	v3 =	vadd.f32 $1.000000000e+00, v3;
	(erf) = vrcp.f32 v20;
	v20 =	vpop (erf)  }
0x9f: {  	v14 =	vmul.f32 v14, v25;
	v6 =	vadd.f32 $1.000000000e+00, v6;
	(erf) = vrcp.f32 v21;
	v21 =	vpop (erf)  }
0xa0: {  	v16 =	vadd.f32 $-5.000000000e-01, v16;
	v2 =	vmul.f32 v13, v53;
	v23 =	vld [tilespmem:s18+$0xC0];
	(erf) = vrcp.f32 v22;
	v13 =	vpop (erf)  }
0xa1: {  	v17 =	vadd.f32 $-5.000000000e-01, v17;
	v15 =	vmul.f32 v15, v26;
	v22 =	vld [tilespmem:s18+$0xD0];
	(erf) = vrcp.f32 v12;
	v12 =	vpop (erf)  }
0xa2: {  	v27 =	vld [tilespmem:s18+$0xE0];
	v18 =	vadd.f32 $-5.000000000e-01, v18;
	v7 =	vadd.f32 $1.000000000e+00, v7;
	(erf) = vrcp.f32 v3;
	v3 =	vpop (erf)  }
0xa3: {  	v25 =	vld [tilespmem:s18+$0xF0];
	v19 =	vadd.f32 $-5.000000000e-01, v19;
	v9 =	vadd.f32 $1.000000000e+00, v9;
	(erf) = vrcp.f32 v6;
	v6 =	vpop (erf)  }
0xa4: {  	v0 =	vadd.f32 v2, v0;
	v5 =	vadd.f32 $1.000000000e+00, v5;
	v26 =	vpop (erf);
	(erf) = vrcp.f32 v7  }
0xa5: {  	v4 =	vadd.f32 $1.000000000e+00, v4;
	v7 =	vmul.f32 v16, v23;
	v16 =	vpop (erf);
	(erf) = vrcp.f32 v9  }
0xa6: {  	v10 =	vadd.f32 $1.000000000e+00, v10;
	v9 =	vmul.f32 v17, v22;
	v17 =	vpop (erf);
	(erf) = vrcp.f32 v5  }
0xa7: {  	v5 =	vmul.f32 v18, v27;
	v18 =	vadd.f32 $1.000000000e+00, v24;
	v22 =	vpop (erf);
	(erf) = vrcp.f32 v4  }
0xa8: {  	v8 =	vadd.f32 $1.000000000e+00, v8;
	v4 =	vmul.f32 v19, v25;
	v19 =	vpop (erf);
	(erf) = vrcp.f32 v10  }
0xa9: {  	v1 =	vadd.f32 $1.000000000e+00, v54;
	v11 =	vadd.f32 $1.000000000e+00, v11;
	v55 =	vpop (erf);
	(erf) = vrcp.f32 v18  }
0xaa: {  	v3 =	vadd.f32 $1.000000000e+00, v3;
	v10 =	vadd.f32 v15, v14;
	v14 =	vpop (erf);
	(erf) = vrcp.f32 v8;
	v8 =	vld [tilespmem:s19+$0x80]  }
0xab: {  	v56 =	vld [tilespmem:s19+$0x90];
	v7 =	vadd.f32 v9, v7;
	v9 =	vadd.f32 $1.000000000e+00, v20;
	v15 =	vpop (erf);
	(erf) = vrcp.f32 v1  }
0xac: {  	v4 =	vadd.f32 v4, v5;
	v5 =	vadd.f32 $1.000000000e+00, v21;
	v18 =	vpop (erf);
	(erf) = vrcp.f32 v11;
	v11 =	vld [tilespmem:s19+$0xA0]  }
0xad: {  	v0 =	vadd.f32 v10, v0;
	v10 =	vadd.f32 $1.000000000e+00, v13;
	v20 =	vpop (erf);
	(erf) = vrcp.f32 v9  }
0xae: {  	v13 =	vadd.f32 v4, v7;
	v4 =	vadd.f32 $1.000000000e+00, v12;
	v9 =	vld [tilespmem:s19+$0xB0];
	v12 =	vpop (erf);
	(erf) = vrcp.f32 v5  }
0xaf: {  	v6 =	vadd.f32 $1.000000000e+00, v6;
	v5 =	vld [tilespmem:s19+$0xC0];
	v24 =	vpop (erf);
	(erf) = vrcp.f32 v10;
	v7 =	vsub.f32 $0.0e+00, v8  }
0xb0: {  	v16 =	vadd.f32 $-5.000000000e-01, v16;
	v1 =	vsub.f32 $0.0e+00, v56;
	v10 =	vld [tilespmem:s19+$0xD0];
	v25 =	vpop (erf);
	(erf) = vrcp.f32 v4  }
0xb1: {  	v4 =	vld [tilespmem:s19+$0xE0];
	v27 =	vpop (erf);
	(erf) = vrcp.f32 v3;
	v3 =	vmul.f32 $1.442695020e+00, v7;
	v7 =	vsub.f32 $0.0e+00, v11  }
0xb2: {  	v17 =	vadd.f32 $-5.000000000e-01, v17;
	v21 =	vld [tilespmem:s18+$0xFFFFFF10];
	v19 =	vadd.f32 $-5.000000000e-01, v19;
	v1 =	vmul.f32 $1.442695020e+00, v1  }
0xb3: {  	v11 =	vld [tilespmem:s19+$0xF0];
	v28 =	vpop (erf);
	(erf) = vrcp.f32 v6;
	v6 =	vsub.f32 $0.0e+00, v9;
	v7 =	vmul.f32 $1.442695020e+00, v7  }
0xb4: {  	v29 =	vld [tilespmem:s18+$0xFFFFFF20];
	v2 =	vadd.f32 $-5.000000000e-01, v55;
	v14 =	vadd.f32 $-5.000000000e-01, v14;
	v9 =	vpop (erf);
	(erf) = vpow2.f32 v3  }
0xb5: {  	v30 =	vld [tilespmem:s19+$0xFFFFFF10];
	v5 =	vsub.f32 $0.0e+00, v5;
	v8 =	vpop (erf);
	v3 =	vmul.f32 $1.442695020e+00, v6;
	(erf) = vpow2.f32 v1  }
0xb6: {  	v23 =	vld [tilespmem:s18+$0xFFFFFF00];
	v6 =	vsub.f32 $0.0e+00, v10;
	v10 =	vpop (erf);
	v4 =	vsub.f32 $0.0e+00, v4;
	(erf) = vpow2.f32 v7  }
0xb7: {  	v58 =	vld [tilespmem:s18+$0xFFFFFF60];
	v37 =	vmul.f32 v16, v21;
	v7 =	vpop (erf);
	(erf) = vpow2.f32 v3;
	v3 =	vadd.f32 $-5.000000000e-01, v26  }
0xb8: {  	v59 =	vld [tilespmem:s18+$0xFFFFFFB0];
	v31 =	vmul.f32 $1.442695020e+00, v5;
	v11 =	vsub.f32 $0.0e+00, v11;
	v4 =	vmul.f32 $1.442695020e+00, v4  }
0xb9: {  	v41 =	vld [tilespmem:s19+$0xFFFFFF60];
	v0 =	vadd.f32 v13, v0;
	v16 =	vmul.f32 v17, v29;
	v33 =	vmul.f32 $1.442695020e+00, v6;
	v5 =	vpop (erf)  }
0xba: {  	v32 =	vld [tilespmem:s18+$0xFFFFFF30];
	v13 =	vadd.f32 $-5.000000000e-01, v22;
	(erf) = vpow2.f32 v31;
	v11 =	vmul.f32 $1.442695020e+00, v11;
	v6 =	vpop (erf)  }
0xbb: {  	v63 =	vld [tilespmem:s19+$0xFFFFFF50];
	v26 =	vsub.f32 $0.0e+00, v30;
	(erf) = vpow2.f32 v33;
	v23 =	vmul.f32 v3, v23;
	v3 =	vpop (erf)  }
0xbc: {  	v36 =	vld [tilespmem:s18+$0xFFFFFF80];
	v17 =	vmul.f32 $1.442695020e+00, v35;
	v45 =	vadd.f32 $-5.000000000e-01, v24;
	(erf) = vpow2.f32 v4;
	v4 =	vpop (erf)  }
0xbd: {  	v60 =	vld [tilespmem:s18+$0xFFFFFFC0];
	v44 =	vadd.f32 $-5.000000000e-01, v18;
	(erf) = vpow2.f32 v11;
	v11 =	vmul.f32 $1.442695020e+00, v26;
	v1 =	vpop (erf)  }
0xbe: {  	v61 =	vld [tilespmem:s18+$0xFFFFFFE0];
	v20 =	vadd.f32 $-5.000000000e-01, v20;
	v24 =	vmul.f32 v45, v59;
	v59 =	vsub.f32 $0.0e+00, v41;
	v21 =	vpop (erf)  }
0xbf: {  	v45 =	vld [tilespmem:s18+$0x50];
	v26 =	vmul.f32 v13, v32;
	(erf) = vpow2.f32 v11;
	v11 =	vadd.f32 $1.000000000e+00, v21;
	v21 =	vpop (erf)  }
0xc0: {  	v34 =	vld [tilespmem:s18+$0xFFFFFF40];
	v9 =	vadd.f32 $-5.000000000e-01, v9;
	v13 =	vadd.f32 $1.000000000e+00, v21  }
0xc1: {  	v18 =	vmul.f32 v44, v36;
	v33 =	vsub.f32 $0.0e+00, v63;
	v16 =	vadd.f32 v26, v16;
	v26 =	vld [tilespmem:s18+$0x40]  }
0xc2: {  	v8 =	vadd.f32 $-5.000000000e-01, v8;
	v31 =	vld [tilespmem:s18+$0xFFFFFF50];
	v3 =	vadd.f32 $-5.000000000e-01, v3;
	(erf) = vpow2.f32 v17;
	v17 =	vpop (erf)  }
0xc3: {  	s11 =	simm.s32 $0x10700;
	v38 =	vld [tilespmem:s18+$0xFFFFFF90];
	v33 =	vmul.f32 $1.442695020e+00, v33;
	v17 =	vadd.f32 $1.000000000e+00, v17;
	(erf) = vrcp.f32 v11;
	v21 =	vpop (erf)  }
0xc4: {  	v42 =	vld [tilespmem:s11+$0xF0];
	v6 =	vadd.f32 $-5.000000000e-01, v6;
	v3 =	vmul.f32 v3, v45;
	(erf) = vrcp.f32 v13;
	v13 =	vpop (erf)  }
0xc5: {  	v56 =	vld [tilespmem:s19+$0xFFFFFF80];
	v11 =	vmul.f32 v19, v34;
	v19 =	vadd.f32 $1.000000000e+00, v21;
	v21 =	vadd.f32 $1.000000000e+00, v13  }
0xc6: {  	v10 =	vadd.f32 $-5.000000000e-01, v10;
	v30 =	vld [tilespmem:s18+$0xFFFFFF70];
	(erf) = vrcp.f32 v17;
	v6 =	vmul.f32 v6, v26  }
0xc7: {  	v7 =	vadd.f32 $-5.000000000e-01, v7;
	(erf) = vrcp.f32 v19;
	v17 =	vpop (erf);
	v13 =	vmul.f32 v2, v31;
	v31 =	vld [tilespmem:s19+$0xFFFFFF30]  }
0xc8: {  	v29 =	vld [tilespmem:s18+$0xFFFFFFA0];
	v19 =	vadd.f32 $-5.000000000e-01, v15;
	v15 =	vmul.f32 v14, v58;
	v62 =	vadd.f32 $1.000000000e+00, v17;
	v17 =	vpop (erf)  }
0xc9: {  	v39 =	vld [tilespmem:s18+$0xFFFFFFD0];
	v58 =	vmul.f32 $1.442695020e+00, v40;
	v17 =	vadd.f32 $1.000000000e+00, v17;
	(erf) = vrcp.f32 v21;
	v21 =	vpop (erf)  }
0xca: {  	v46 =	vld [tilespmem:s11+$0xB0];
	v2 =	vadd.f32 v37, v23;
	(erf) = vrcp.f32 v62;
	v22 =	vadd.f32 $1.000000000e+00, v21  }
0xcb: {  	v49 =	vld [tilespmem:s11+$0xD0];
	v37 =	vsub.f32 $0.0e+00, v56;
	(erf) = vrcp.f32 v17;
	v17 =	vadd.f32 $-5.000000000e-01, v12  }
0xcc: {  	v21 =	vmul.f32 v19, v30;
	v14 =	vpop (erf);
	v30 =	vld [tilespmem:s11+$0x80];
	v31 =	vsub.f32 $0.0e+00, v31;
	(erf) = vrcp.f32 v22  }
0xcd: {  	v54 =	vld [tilespmem:s19+$0xFFFFFF70];
	v40 =	vmul.f32 $1.442695020e+00, v37;
	v12 =	vpop (erf);
	v19 =	vmul.f32 v17, v29;
	v17 =	vadd.f32 $-5.000000000e-01, v25  }
0xce: {  	v25 =	vadd.f32 $-5.000000000e-01, v27;
	v27 =	vld [tilespmem:s11+$0xA0];
	v22 =	vmul.f32 v20, v38;
	v29 =	vpop (erf);
	v31 =	vmul.f32 $1.442695020e+00, v31  }
0xcf: {  	v20 =	vld [tilespmem:s11+$0x90];
	v47 =	vpop (erf);
	v23 =	vmul.f32 v17, v60;
	v17 =	vadd.f32 $-5.000000000e-01, v28;
	v29 =	vadd.f32 $-5.000000000e-01, v29  }
0xd0: {  	v51 =	vld [tilespmem:s11+$0xE0];
	v5 =	vadd.f32 $-5.000000000e-01, v5;
	v25 =	vmul.f32 v25, v39;
	v48 =	vpop (erf);
	(erf) = vpow2.f32 v31  }
0xd1: {  	v28 =	vld [tilespmem:s11+$0xC0];
	v36 =	vadd.f32 $-5.000000000e-01, v47;
	v50 =	vpop (erf);
	v17 =	vmul.f32 v17, v61;
	v29 =	vmul.f32 v29, v30  }
0xd2: {  	v62 =	vld [tilespmem:s19+$0xFFFFFFA0];
	v32 =	vadd.f32 $-5.000000000e-01, v48;
	(erf) = vpow2.f32 v58;
	v61 =	vmul.f32 $1.442695020e+00, v59;
	v52 =	vpop (erf)  }
0xd3: {  	v60 =	vld [tilespmem:s19+$0xFFFFFF00];
	v38 =	vadd.f32 $-5.000000000e-01, v50;
	(erf) = vpow2.f32 v33;
	v31 =	vpop (erf);
	v39 =	vadd.f32 $-5.000000000e-01, v52  }
0xd4: {  	v30 =	vld [tilespmem:s18+$0xFFFFFFF0];
	v20 =	vmul.f32 v36, v20;
	v27 =	vmul.f32 v32, v27;
	v32 =	vsub.f32 $0.0e+00, v54;
	v53 =	vpop (erf)  }
0xd5: {  	v57 =	vld [tilespmem:s19+$0xFFFFFF90];
	v31 =	vadd.f32 $-5.000000000e-01, v31;
	v35 =	vmul.f32 v38, v46;
	(erf) = vpow2.f32 v61;
	v55 =	vpop (erf)  }
0xd6: {  	v41 =	vld [tilespmem:s19+$0xFFFFFFC0];
	v36 =	vadd.f32 $-5.000000000e-01, v53;
	v28 =	vmul.f32 v39, v28;
	v38 =	vadd.f32 $-5.000000000e-01, v55  }
0xd7: {  	v63 =	vld [tilespmem:s19+$0xFFFFFFB0];
	v33 =	vsub.f32 $0.0e+00, v62;
	v32 =	vmul.f32 $1.442695020e+00, v32;
	v31 =	vmul.f32 v31, v49  }
0xd8: {  	v20 =	vadd.f32 v20, v29;
	v29 =	vld [tilespmem:s18+$0x0];
	v34 =	vmul.f32 v36, v51;
	v38 =	vmul.f32 v38, v42  }
0xd9: {  	v27 =	vadd.f32 v35, v27;
	v35 =	vsub.f32 $0.0e+00, v60;
	v9 =	vmul.f32 v9, v30;
	v30 =	vld [tilespmem:s19+$0xFFFFFFE0]  }
0xda: {  	v33 =	vmul.f32 $1.442695020e+00, v33;
	v28 =	vadd.f32 v31, v28;
	v31 =	vld [tilespmem:s18+$0x10];
	v34 =	vadd.f32 v38, v34  }
0xdb: {  	v36 =	vsub.f32 $0.0e+00, v57;
	(erf) = vpow2.f32 v32;
	v32 =	vsub.f32 $0.0e+00, v41;
	v42 =	vld [tilespmem:s19+$0xFFFFFFD0]  }
0xdc: {  	v20 =	vadd.f32 v27, v20;
	(erf) = vpow2.f32 v40;
	v27 =	vadd.f32 v34, v28;
	v28 =	vld [tilespmem:s18+$0x20]  }
0xdd: {  	v44 =	vld [tilespmem:s19+$0xFFFFFFF0];
	v43 =	vsub.f32 $0.0e+00, v63;
	v35 =	vmul.f32 $1.442695020e+00, v35;
	v36 =	vmul.f32 $1.442695020e+00, v36  }
0xde: {  	v4 =	vadd.f32 $-5.000000000e-01, v4;
	v32 =	vmul.f32 $1.442695020e+00, v32;
	v8 =	vmul.f32 v8, v29;
	v29 =	vld [tilespmem:s19+$0x0]  }
0xdf: {  	(erf) = vpow2.f32 v36;
	v36 =	vmul.f32 $1.442695020e+00, v43;
	v20 =	vadd.f32 v27, v20;
	v27 =	vld [tilespmem:s18+$0x30]  }
0xe0: {  	(erf) = vpow2.f32 v35;
	v10 =	vmul.f32 v10, v31;
	v31 =	vld [tilespmem:s19+$0x10];
	v34 =	vsub.f32 $0.0e+00, v42  }
0xe1: {  	v30 =	vsub.f32 $0.0e+00, v30;
	(erf) = vpow2.f32 v33;
	v7 =	vmul.f32 v7, v28;
	v28 =	vld [tilespmem:s19+$0x20]  }
0xe2: {  	v1 =	vadd.f32 $-5.000000000e-01, v1;
	(erf) = vpow2.f32 v36;
	v34 =	vmul.f32 $1.442695020e+00, v34  }
0xe3: {  	v26 =	vld [tilespmem:s19+$0x30];
	v35 =	vsub.f32 $0.0e+00, v44;
	v30 =	vmul.f32 $1.442695020e+00, v30;
	(erf) = vpow2.f32 v32  }
0xe4: {  	v29 =	vsub.f32 $0.0e+00, v29;
	(erf) = vpow2.f32 v34;
	v5 =	vmul.f32 v5, v27;
	v27 =	vld [tilespmem:s18+$0x70]  }
0xe5: {  	v47 =	vpop (erf);
	v35 =	vmul.f32 $1.442695020e+00, v35;
	v31 =	vsub.f32 $0.0e+00, v31;
	(erf) = vpow2.f32 v30;
	v30 =	vld [tilespmem:s19+$0x40]  }
0xe6: {  	v3 =	vadd.f32 v3, v6;
	v49 =	vld [tilespmem:s19+$0x50];
	v29 =	vmul.f32 $1.442695020e+00, v29;
	v28 =	vsub.f32 $0.0e+00, v28  }
0xe7: {  	v11 =	vadd.f32 v13, v11;
	v48 =	vpop (erf);
	v13 =	vmul.f32 $1.442695020e+00, v31;
	(erf) = vpow2.f32 v35  }
0xe8: {  	v15 =	vadd.f32 v21, v15;
	v50 =	vpop (erf);
	(erf) = vpow2.f32 v29;
	v28 =	vmul.f32 $1.442695020e+00, v28  }
0xe9: {  	v29 =	vld [tilespmem:s19+$0x60];
	v1 =	vmul.f32 v1, v27;
	v27 =	vpop (erf);
	(erf) = vpow2.f32 v13;
	v13 =	vsub.f32 $0.0e+00, v26  }
0xea: {  	v21 =	vld [tilespmem:s19+$0x70];
	v18 =	vadd.f32 v22, v18;
	v22 =	vpop (erf);
	(erf) = vpow2.f32 v28;
	v28 =	vsub.f32 $0.0e+00, v30  }
0xeb: {  	v2 =	vadd.f32 v16, v2;
	v13 =	vmul.f32 $1.442695020e+00, v13;
	v30 =	vsub.f32 $0.0e+00, v49  }
0xec: {  	v14 =	vadd.f32 $1.000000000e+00, v14;
	v12 =	vadd.f32 $1.000000000e+00, v12;
	v26 =	vpop (erf);
	v28 =	vmul.f32 $1.442695020e+00, v28  }
0xed: {  	v19 =	vadd.f32 v24, v19;
	v11 =	vadd.f32 v15, v11;
	v46 =	vld [tilespmem:s18+$0x60];
	v24 =	vpop (erf);
	v30 =	vmul.f32 $1.442695020e+00, v30  }
0xee: {  	v25 =	vadd.f32 v25, v23;
	v29 =	vsub.f32 $0.0e+00, v29;
	v23 =	vpop (erf)  }
0xef: {  	v18 =	vadd.f32 v19, v18;
	v21 =	vsub.f32 $0.0e+00, v21;
	(erf) = vpow2.f32 v13;
	v13 =	vpop (erf)  }
0xf0: {  	v15 =	vadd.f32 v11, v2;
	v29 =	vmul.f32 $1.442695020e+00, v29;
	(erf) = vpow2.f32 v28;
	v28 =	vpop (erf)  }
0xf1: {  	v21 =	vmul.f32 $1.442695020e+00, v21;
	v9 =	vadd.f32 v9, v17;
	(erf) = vpow2.f32 v30;
	v30 =	vpop (erf)  }
0xf2: {  	v52 =	vld [tilespmem:s11+$0xFFFFFF60];
	v4 =	vmul.f32 v4, v46;
	v23 =	vadd.f32 $1.000000000e+00, v23;
	(erf) = vpow2.f32 v29;
	v17 =	vpop (erf)  }
0xf3: {  	v53 =	vld [tilespmem:s11+$0xFFFFFF70];
	v9 =	vadd.f32 v9, v25;
	v8 =	vadd.f32 v10, v8;
	v10 =	vpop (erf);
	(erf) = vpow2.f32 v21  }
0xf4: {  	v60 =	vld [tilespmem:s11+$0xFFFFFFF0];
	v33 =	vadd.f32 $1.000000000e+00, v48;
	v5 =	vadd.f32 v5, v7;
	(erf) = vrcp.f32 v23;
	v7 =	vpop (erf)  }
0xf5: {  	v51 =	vld [tilespmem:s11+$0xFFFFFF20];
	v32 =	vadd.f32 $1.000000000e+00, v50;
	v31 =	vadd.f32 $1.000000000e+00, v47;
	(erf) = vrcp.f32 v14;
	v6 =	vpop (erf)  }
0xf6: {  	v46 =	vld [tilespmem:s11+$0x30];
	v5 =	vadd.f32 v5, v8;
	v1 =	vadd.f32 v1, v4;
	(erf) = vrcp.f32 v12;
	v4 =	vpop (erf)  }
0xf7: {  	v25 =	vld [tilespmem:s11+$0xFFFFFFA0];
	v22 =	vadd.f32 $1.000000000e+00, v22;
	v26 =	vadd.f32 $1.000000000e+00, v26;
	(erf) = vrcp.f32 v31;
	v16 =	vpop (erf)  }
0xf8: {  	v42 =	vld [tilespmem:s11+$0xFFFFFF50];
	v13 =	vadd.f32 $1.000000000e+00, v13;
	v23 =	vadd.f32 $1.000000000e+00, v27;
	(erf) = vrcp.f32 v33;
	v43 =	vpop (erf)  }
0xf9: {  	v50 =	vld [tilespmem:s11+$0x0];
	v28 =	vadd.f32 $1.000000000e+00, v28;
	v30 =	vadd.f32 $1.000000000e+00, v30;
	(erf) = vrcp.f32 v32;
	v19 =	vpop (erf)  }
0xfa: {  	(xrf2) =	vadd.scan.msk.f32 $0xffff, v0;
	v47 =	vld [tilespmem:s11+$0x10];
	v55 =	vadd.f32 $1.000000000e+00, v17;
	v17 =	vadd.f32 v1, v3;
	(erf) = vrcp.f32 v23;
	v54 =	vpop (erf)  }
0xfb: {  	v29 =	vld [tilespmem:s11+$0xFFFFFF00];
	v27 =	vadd.f32 $1.000000000e+00, v24;
	v10 =	vadd.f32 $1.000000000e+00, v10;
	(erf) = vrcp.f32 v22;
	v22 =	vpop (erf)  }
0xfc: {  	v21 =	vld [tilespmem:s11+$0xFFFFFF10];
	v7 =	vadd.f32 $1.000000000e+00, v7;
	v6 =	vadd.f32 $1.000000000e+00, v6;
	v56 =	vpop (erf)  }
0xfd: {  	v24 =	vld [tilespmem:s11+$0xFFFFFF90];
	v61 =	vadd.f32 $1.000000000e+00, v4;
	v31 =	vadd.f32 v9, v18;
	(erf) = vrcp.f32 v26;
	v8 =	vpop (erf)  }
0xfe: {  	(xrf2) =	vadd.scan.msk.f32 $0xffff, v20;
	v14 =	vld [tilespmem:s11+$0xFFFFFF30];
	v33 =	vadd.f32 $1.000000000e+00, v43;
	(erf) = vrcp.f32 v27;
	v57 =	vadd.f32 $-5.000000000e-01, v8;
	v3 =	vpop (erf)  }
0xff: {  	v12 =	vld [tilespmem:s11+$0xFFFFFF40];
	v18 =	vadd.f32 $1.000000000e+00, v19;
	(erf) = vrcp.f32 v13;
	v58 =	vadd.f32 $-5.000000000e-01, v3;
	v3 =	vpop (erf)  }
0x100: {  	v23 =	vld [tilespmem:s11+$0xFFFFFF80];
	(erf) = vrcp.f32 v28;
	v20 =	vmul.f32 v57, v29;
	v59 =	vadd.f32 $-5.000000000e-01, v3;
	v3 =	vpop (erf)  }
0x101: {  	v26 =	vld [tilespmem:s11+$0xFFFFFFC0];
	v19 =	vadd.f32 $1.000000000e+00, v22;
	(erf) = vrcp.f32 v30;
	v21 =	vmul.f32 v58, v21;
	v8 =	vpop (erf)  }
0x102: {  	v27 =	vld [tilespmem:s11+$0xFFFFFFB0];
	v3 =	vadd.f32 $-5.000000000e-01, v3;
	(erf) = vrcp.f32 v55;
	v4 =	vadd.f32 $-5.000000000e-01, v8;
	v8 =	vpop (erf)  }
0x103: {  	v28 =	vld [tilespmem:s11+$0xFFFFFFD0];
	v30 =	vadd.f32 v17, v5;
	v11 =	vmul.f32 v59, v51;
	(erf) = vrcp.f32 v10;
	v10 =	vpop (erf)  }
0x104: {  	v29 =	vld [tilespmem:s11+$0xFFFFFFE0];
	v13 =	vmul.f32 v3, v14;
	v8 =	vadd.f32 $-5.000000000e-01, v8;
	(erf) = vrcp.f32 v7;
	v7, _, _ =	vpop (xrf2)  }
0x105: {  	v5 =	vld [tilespmem:s11+$0x40];
	v14 =	vadd.f32 $1.000000000e+00, v16;
	v10 =	vadd.f32 $-5.000000000e-01, v10;
	(erf) = vrcp.f32 v6;
	v6 =	vpop (erf)  }
0x106: {  	s12 =	simm.s32 $0x18A02;
	v9 =	vmul.f32 v4, v12;
	v4 =	vld [tilespmem:s11+$0x20];
	v12 =	vmul.f32 v8, v42;
	v16 =	vadd.f32 $-5.000000000e-01, v6;
	v62 =	vpop (erf)  }
0x107: {  	v22 =	vadd.f32 $1.000000000e+00, v56;
	[tilespmem:s12+$0x1] =	vst.msk vm0, v7;
	v7 =	vld [tilespmem:s11+$0x60];
	(erf) = vrcp.f32 v61;
	v10 =	vmul.f32 v10, v52;
	v63 =	vpop (erf)  }
0x108: {  	s13 =	simm.s32 $0x18A06;
	v17 =	vadd.f32 $1.000000000e+00, v54;
	v6 =	vld [tilespmem:s11+$0x50];
	(erf) = vrcp.f32 v14;
	v8, _, _ =	vpop (xrf2);
	v14 =	vmul.f32 v16, v53  }
0x109: {  	s14 =	simm.s32 $0x4;
	s15 =	simm.s32 $0x900;
	v16 =	vadd.f32 $-5.000000000e-01, v62;
	v32 =	vadd.f32 $-5.000000000e-01, v63;
	(erf) = vrcp.f32 v33;
	v33 =	vpop (erf);
	[tilespmem:s13+$0x1] =	vst.msk vm0, v8;
	v8 =	vld [tilespmem:s11+$0x70]  }
.LBB2_2:
0x10a: {  	v34 =	vld [tilespmem:s15+$0x80]  }
0x10b: {  	v35 =	vld [tilespmem:s15+$0x90]  }
0x10c: {  	v49 =	vpop (erf);
	(erf) = vrcp.f32 v18;
	v53 =	vld [tilespmem:s15+$0xA0]  }
0x10d: {  	v55 =	vld [tilespmem:s15+$0xB0];
	v52 =	vpop (erf);
	(erf) = vrcp.f32 v17  }
0x10e: {  	v36 =	vld [tilespmem:s15+$0xD0];
	v56 =	vadd.f32 v21, v20;
	v1 =	vadd.f32 $-5.000000000e-01, v52;
	v0 =	vmul.f32 v16, v23  }
0x10f: {  	(xrf2) =	vadd.scan.msk.f32 $0xffff, v15;
	v15 =	vmovc v14;
	v23 =	vadd.f32 $-5.000000000e-01, v33;
	v51 =	vmul.f32 v32, v24;
	v24 =	vadd.f32 $-5.000000000e-01, v49  }
0x110: {  	v58 =	vld [tilespmem:s15+$0xE0];
	v20 =	vmul.f32 v1, v26;
	v14 =	vmovc v7;
	v7 =	vmovc v4;
	v34 =	vsub.f32 $0.0e+00, v34;
	v57 =	vsub.f32 $0.0e+00, v35  }
0x111: {  	v59 =	vld [tilespmem:s15+$0xF0];
	v33 =	vsub.f32 $0.0e+00, v53;
	v54 =	vmul.f32 v23, v25;
	v25 =	vpop (erf);
	(erf) = vrcp.f32 v19  }
0x112: {  	v19 =	vmul.f32 v24, v27;
	v27 =	vld [tilespmem:s15+$0xC0];
	v24 =	vadd.f32 $-5.000000000e-01, v25;
	v25 =	vpop (erf);
	(erf) = vrcp.f32 v22  }
0x113: {  	v37 =	vld [tilespmem:s15+$0xFFFFFF10];
	v4 =	vmov v50;
	v32 =	vsub.f32 $0.0e+00, v55;
	v36 =	vsub.f32 $0.0e+00, v36;
	v23 =	vpop (erf)  }
0x114: {  	v39 =	vld [tilespmem:s15+$0xFFFFFF20];
	(xrf2) =	vadd.scan.msk.f32 $0xffff, v31;
	v31 =	vmul.f32 $1.442695020e+00, v34;
	v22 =	vadd.f32 $-5.000000000e-01, v25;
	v25 =	vadd.f32 $-5.000000000e-01, v23;
	v23 =	vpop (erf)  }
0x115: {  	v41 =	vld [tilespmem:s15+$0xFFFFFF30];
	v38 =	vmul.f32 $1.442695020e+00, v57;
	v33 =	vmul.f32 $1.442695020e+00, v33;
	v26 =	vadd.f32 $-5.000000000e-01, v23;
	v23 =	vpop (erf)  }
0x116: {  	v62 =	vld [tilespmem:s15+$0xFFFFFF40];
	v21 =	vmul.f32 v24, v28;
	v22 =	vmul.f32 v22, v29;
	v28 =	vadd.f32 $-5.000000000e-01, v23;
	v23 =	vpop (erf)  }
0x117: {  	v42 =	vld [tilespmem:s15+$0xFFFFFF60];
	v40 =	vsub.f32 $0.0e+00, v27;
	v29 =	vadd.f32 $-5.000000000e-01, v23;
	v23 =	vpop (erf);
	(erf) = vpow2.f32 v31  }
0x118: {  	v44 =	vld [tilespmem:s15+$0xFFFFFFA0];
	v35 =	vsub.f32 $0.0e+00, v58;
	v61 =	vmul.f32 $1.442695020e+00, v32;
	v24 =	vpop (erf);
	(erf) = vpow2.f32 v38  }
0x119: {  	v43 =	vld [tilespmem:s15+$0xFFFFFF70];
	v37 =	vsub.f32 $0.0e+00, v37;
	v63 =	vmul.f32 $1.442695020e+00, v40;
	v27 =	vpop (erf);
	(erf) = vpow2.f32 v33  }
0x11a: {  	v50 =	vld [tilespmem:s15+$0x20];
	v36 =	vmul.f32 $1.442695020e+00, v36;
	v34 =	vsub.f32 $0.0e+00, v59;
	v31 =	vpop (erf);
	(erf) = vpow2.f32 v61  }
0x11b: {  	[tilespmem:$0x1FFF0] =	vst v56;
	v39 =	vsub.f32 $0.0e+00, v39;
	v53 =	vld [tilespmem:s15+$0xFFFFFF80];
	v35 =	vmul.f32 $1.442695020e+00, v35;
	v32 =	vpop (erf);
	(erf) = vpow2.f32 v63  }
0x11c: {  	v45 =	vld [tilespmem:s15+$0xFFFFFF50];
	v52 =	vsub.f32 $0.0e+00, v41;
	[tilespmem:$0x1FFC0] =	vst v0;
	v49 =	vmul.f32 $1.442695020e+00, v34;
	(erf) = vpow2.f32 v36  }
0x11d: {  	v55 =	vld [tilespmem:s15+$0xFFFFFF90];
	v44 =	vsub.f32 $0.0e+00, v44;
	[tilespmem:$0x1FFD0] =	vst v51;
	v51 =	vmul.f32 $1.442695020e+00, v37;
	v48, _, _ =	vpop (xrf2);
	(erf) = vpow2.f32 v35  }
0x11e: {  	v39 =	vmul.f32 $1.442695020e+00, v39;
	v57 =	vsub.f32 $0.0e+00, v42;
	[tilespmem:$0x1FFE0] =	vst v54;
	v56, _, _ =	vpop (xrf2);
	(erf) = vpow2.f32 v49  }
0x11f: {  	v17 =	vmovc v12;
	v12 =	vmovc v46;
	v54 =	vsub.f32 $0.0e+00, v62;
	v0 =	vsub.f32 $0.0e+00, v50;
	[tilespmem:s12+$0xFFFFFFFF] =	vst.msk vm0, v56;
	(erf) = vpow2.f32 v51  }
0x120: {  	v34 =	vsub.f32 $0.0e+00, v53;
	(xrf2) =	vadd.scan.msk.f32 $0xffff, v30;
	v30 =	vsub.f32 $0.0e+00, v43;
	v58 =	vld [tilespmem:s15+$0xFFFFFFB0];
	(erf) = vpow2.f32 v39;
	v59 =	vpop (erf)  }
0x121: {  	v41 =	vmul.f32 $1.442695020e+00, v52;
	v52 =	vld [tilespmem:s15+$0xFFFFFFD0];
	v33 =	vsub.f32 $0.0e+00, v45;
	v49 =	vadd.f32 $1.000000000e+00, v59;
	v51 =	vpop (erf)  }
0x122: {  	v37 =	vmul.f32 $1.442695020e+00, v57;
	v38 =	vsub.f32 $0.0e+00, v55;
	v61 =	vld [tilespmem:s15+$0xFFFFFFC0];
	v53 =	vadd.f32 $1.000000000e+00, v51;
	v45 =	vpop (erf)  }
0x123: {  	v63 =	vld [tilespmem:s15+$0xFFFFFFF0];
	v36 =	vmul.f32 $1.442695020e+00, v33;
	v2 =	vadd.f32 $1.000000000e+00, v45;
	(erf) = vrcp.f32 v49;
	v62 =	vpop (erf)  }
0x124: {  	v35 =	vmul.f32 $1.442695020e+00, v54;
	v54 =	vld [tilespmem:s15+$0xFFFFFFE0];
	v55 =	vadd.f32 $1.000000000e+00, v62;
	(erf) = vrcp.f32 v53;
	v56 =	vpop (erf)  }
0x125: {  	v42 =	vsub.f32 $0.0e+00, v58;
	v51 =	vld [tilespmem:s15+$0x30];
	v57 =	vadd.f32 $1.000000000e+00, v56;
	(erf) = vrcp.f32 v2;
	v58 =	vpop (erf)  }
0x126: {  	v40 =	vsub.f32 $0.0e+00, v52;
	v49 =	vld [tilespmem:s15+$0x10];
	v45 =	vadd.f32 $1.000000000e+00, v58;
	(erf) = vrcp.f32 v55;
	v59 =	vpop (erf)  }
0x127: {  	[tilespmem:s12+$0xFFFFFFFE] =	vst.msk vm0, v48;
	v48 =	vld [tilespmem:s15+$0x0];
	v33 =	vsub.f32 $0.0e+00, v61;
	v39 =	vadd.f32 $1.000000000e+00, v59;
	(erf) = vrcp.f32 v57;
	v61 =	vpop (erf)  }
0x128: {  	v50 =	vmul.f32 $1.442695020e+00, v40;
	v62 =	vadd.f32 $1.000000000e+00, v61;
	v52 =	vpop (erf);
	(erf) = vrcp.f32 v45  }
0x129: {  	s11 =	sadd.s32 $0x200, s11;
	v46 =	vsub.f32 $0.0e+00, v54;
	v54 =	vld [tilespmem:s15+$0x40];
	v53 =	vmul.f32 $1.442695020e+00, v30;
	v55 =	vpop (erf);
	(erf) = vrcp.f32 v39  }
0x12a: {  	v18 =	vmovc v8;
	v30 =	vsub.f32 $0.0e+00, v63;
	v56 =	vmul.f32 $1.442695020e+00, v34;
	v59 =	vld [tilespmem:s11+$0x90];
	(erf) = vrcp.f32 v62  }
0x12b: {  	v63, _, _ =	vpop (xrf2);
	v57 =	vmul.f32 $1.442695020e+00, v38;
	v2 =	vsub.f32 $0.0e+00, v51;
	v51 =	vld [tilespmem:s11+$0xB0];
	v38 =	vsub.f32 $0.0e+00, v49  }
0x12c: {  	v34 =	vsub.f32 $0.0e+00, v48;
	v48 =	vmul.f32 $1.442695020e+00, v46;
	v58 =	vmul.f32 $1.442695020e+00, v44;
	v39 =	vld [tilespmem:s11+$0x80];
	v1 =	vpop (erf)  }
0x12d: {  	v8 =	vmov v47;
	v47 =	vmul.f32 $1.442695020e+00, v30;
	v49 =	vmul.f32 $1.442695020e+00, v33;
	v61 =	vld [tilespmem:s11+$0xA0];
	v62 =	vpop (erf)  }
0x12e: {  	[tilespmem:s12+$0x0] =	vst.msk vm0, v63;
	v45 =	vmul.f32 $1.442695020e+00, v34;
	v34 =	vsub.f32 $0.0e+00, v54;
	v54 =	vld [tilespmem:s11+$0xC0];
	v30 =	vadd.f32 $1.000000000e+00, v52;
	v63 =	vpop (erf)  }
0x12f: {  	v33 =	vld [tilespmem:s11+$0xD0];
	v46 =	vmul.f32 $1.442695020e+00, v38;
	v40 =	vadd.f32 $-5.000000000e-01, v1;
	v52 =	vadd.f32 $-5.000000000e-01, v62;
	v38 =	vpop (erf)  }
0x130: {  	v44 =	vmul.f32 $1.442695020e+00, v0;
	v43 =	vmul.f32 $1.442695020e+00, v34;
	v62 =	vld [tilespmem:s11+$0xE0];
	v34 =	vadd.f32 $-5.000000000e-01, v63;
	v0 =	vpop (erf)  }
0x131: {  	v63 =	vld [tilespmem:s11+$0xF0];
	v39 =	vmul.f32 v40, v39;
	v38 =	vadd.f32 $-5.000000000e-01, v38;
	v40 =	vmul.f32 v52, v59;
	v1 =	vpop (erf)  }
0x132: {  	v0 =	vadd.f32 $-5.000000000e-01, v0;
	(erf) = vpow2.f32 v41;
	v61 =	vmul.f32 v34, v61;
	v41 =	vpop (erf)  }
0x133: {  	v1 =	vadd.f32 $-5.000000000e-01, v1;
	v38 =	vmul.f32 v38, v51;
	v52 =	vadd.f32 $-5.000000000e-01, v41;
	v41 =	vpop (erf)  }
0x134: {  	v0 =	vmul.f32 v0, v54;
	(erf) = vpow2.f32 v35;
	v34 =	vadd.f32 $-5.000000000e-01, v41  }
0x135: {  	v51 =	vld [tilespmem:s15+$0xFFFFFF00];
	v41 =	vadd.f32 $1.000000000e+00, v55;
	v1 =	vmul.f32 v1, v33;
	(erf) = vpow2.f32 v36  }
0x136: {  	v55 =	vadd.f32 $-5.000000000e-01, v23;
	v52 =	vmul.f32 v52, v62;
	v63 =	vmul.f32 v34, v63  }
0x137: {  	v23 =	vadd.f32 v40, v39;
	v38 =	vadd.f32 v38, v61;
	(erf) = vpow2.f32 v37  }
0x138: {  	v0 =	vadd.f32 v1, v0;
	v61 =	vadd.f32 v63, v52  }
0x139: {  	v11 =	vadd.f32 v13, v11;
	v23 =	vadd.f32 v38, v23  }
0x13a: {  	v16 =	vmovc v9;
	v3 =	vld [tilespmem:s15+$0x60];
	(erf) = vpow2.f32 v53;
	v62 =	vsub.f32 $0.0e+00, v51;
	v0 =	vadd.f32 v61, v0  }
0x13b: {  	v9 =	vmovc v5;
	v5 =	vmovc v10;
	v10 =	vmov v6;
	v6 =	vmul.f32 $1.442695020e+00, v42;
	v42 =	vmul.f32 $1.442695020e+00, v2;
	v59 =	vld [tilespmem:s15+$0x70]  }
0x13c: {  	v2 =	vld [tilespmem:s15+$0x50];
	v62 =	vmul.f32 $1.442695020e+00, v62;
	v61 =	vpop (erf);
	v0 =	vadd.f32 v0, v23;
	(erf) = vpow2.f32 v56  }
0x13d: {  	v13 =	vmul.f32 v26, v4;
	v31 =	vadd.f32 $-5.000000000e-01, v31;
	(erf) = vpow2.f32 v57  }
0x13e: {  	v32 =	vadd.f32 $-5.000000000e-01, v32;
	v54 =	vmul.f32 v25, v60;
	v60 =	vpop (erf);
	(xrf2) =	vadd.scan.msk.f32 $0xffff, v0;
	(erf) = vpow2.f32 v62  }
0x13f: {  	v3 =	vsub.f32 $0.0e+00, v3;
	v26 =	vpop (erf);
	(erf) = vpow2.f32 v58;
	v58 =	vmul.f32 v29, v7;
	v7 =	vld [tilespmem:$0x1FFD0]  }
0x140: {  	v63 =	vsub.f32 $0.0e+00, v59;
	v56 =	vmul.f32 v28, v8;
	v28 =	vpop (erf);
	(erf) = vpow2.f32 v6;
	v6 =	vld [tilespmem:$0x1FFC0]  }
0x141: {  	v31 =	vmul.f32 v31, v14;
	v14 =	vmul.f32 v32, v18;
	v2 =	vsub.f32 $0.0e+00, v2  }
0x142: {  	v3 =	vmul.f32 $1.442695020e+00, v3;
	v51 =	vmul.f32 $1.442695020e+00, v63;
	v63 =	vadd.f32 $-5.000000000e-01, v24  }
0x143: {  	v18 =	vadd.f32 v21, v20;
	v2 =	vmul.f32 $1.442695020e+00, v2;
	v29 =	vpop (erf);
	(erf) = vpow2.f32 v49  }
0x144: {  	v14 =	vadd.f32 v14, v31;
	v0 =	vmul.f32 v63, v9;
	(erf) = vpow2.f32 v50  }
0x145: {  	v9 =	vadd.f32 v17, v16;
	v4 =	vpop (erf);
	(erf) = vpow2.f32 v48;
	v16 =	vadd.f32 v7, v6;
	v6 =	vld [tilespmem:$0x1FFE0]  }
0x146: {  	v20 =	vadd.f32 v54, v22;
	v53 =	vadd.f32 $-5.000000000e-01, v27;
	(erf) = vpow2.f32 v47  }
0x147: {  	v49 =	vmul.f32 v55, v12;
	v48 =	vadd.f32 $1.000000000e+00, v4;
	v4 =	vpop (erf);
	(erf) = vpow2.f32 v45  }
0x148: {  	s12 =	smov.u32 s13;
	s13 =	sadd.s32 $0x4, s13;
	v12 =	vmul.f32 v53, v10;
	v10 =	vadd.f32 v15, v5;
	(erf) = vpow2.f32 v46;
	v5, _, _ =	vpop (xrf2)  }
0x149: {  	v52 =	vadd.f32 $1.000000000e+00, v61;
	v1 =	vadd.f32 $1.000000000e+00, v60;
	[tilespmem:s13+$0x1] =	vst.msk vm0, v5;
	v5 =	vpop (erf);
	(erf) = vpow2.f32 v44  }
0x14a: {  	v13 =	vadd.f32 v56, v13;
	v15 =	vld [tilespmem:$0x1FFF0];
	v17 =	vadd.f32 v19, v6;
	v6 =	vpop (erf);
	(erf) = vpow2.f32 v42  }
0x14b: {  	v35 =	vld [tilespmem:s11+$0xFFFFFF20];
	v57 =	vadd.f32 $1.000000000e+00, v26;
	v19 =	vadd.f32 $1.000000000e+00, v5;
	v7 =	vpop (erf);
	(erf) = vpow2.f32 v43  }
0x14c: {  	v25 =	vld [tilespmem:s11+$0xFFFFFFA0];
	v59 =	vadd.f32 $1.000000000e+00, v28;
	v0 =	vadd.f32 v12, v0;
	v8 =	vpop (erf);
	(erf) = vpow2.f32 v2  }
0x14d: {  	v33 =	vld [tilespmem:s11+$0xFFFFFF00];
	v55 =	vadd.f32 $1.000000000e+00, v29;
	v62 =	vadd.f32 v49, v58;
	v22 =	vpop (erf);
	(erf) = vpow2.f32 v3  }
0x14e: {  	v36 =	vld [tilespmem:s11+$0xFFFFFF30];
	v9 =	vadd.f32 v10, v9;
	v0 =	vadd.f32 v14, v0;
	v12 =	vpop (erf);
	(erf) = vpow2.f32 v51  }
0x14f: {  	v39 =	vld [tilespmem:s11+$0xFFFFFF60];
	v11 =	vadd.f32 v11, v15;
	v32 =	vadd.f32 $1.000000000e+00, v4;
	(erf) = vrcp.f32 v19;
	v19 =	vpop (erf)  }
0x150: {  	v40 =	vld [tilespmem:s11+$0xFFFFFF70];
	v21 =	vadd.f32 $1.000000000e+00, v6;
	v61 =	vadd.f32 $1.000000000e+00, v7;
	(erf) = vrcp.f32 v30;
	v15 =	vpop (erf)  }
0x151: {  	v37 =	vld [tilespmem:s11+$0xFFFFFF40];
	v16 =	vadd.f32 v17, v16;
	v10 =	vadd.f32 $1.000000000e+00, v15;
	(erf) = vrcp.f32 v41;
	v15 =	vpop (erf)  }
0x152: {  	v34 =	vld [tilespmem:s11+$0xFFFFFF10];
	v2 =	vadd.f32 v62, v13;
	v51 =	vadd.f32 $1.000000000e+00, v15;
	(erf) = vrcp.f32 v52;
	v15 =	vpop (erf)  }
0x153: {  	v38 =	vld [tilespmem:s11+$0xFFFFFF50];
	v63 =	vadd.f32 $1.000000000e+00, v8;
	v3 =	vadd.f32 $1.000000000e+00, v22;
	(erf) = vrcp.f32 v1;
	v54 =	vpop (erf)  }
0x154: {  	v27 =	vld [tilespmem:s11+$0xFFFFFFB0];
	v12 =	vadd.f32 $1.000000000e+00, v12;
	v49 =	vadd.f32 $1.000000000e+00, v19;
	(erf) = vrcp.f32 v57;
	v13 =	vpop (erf)  }
0x155: {  	v24 =	vld [tilespmem:s11+$0xFFFFFF90];
	v19 =	vadd.f32 v20, v18;
	v18 =	vadd.f32 $1.000000000e+00, v13;
	(erf) = vrcp.f32 v59;
	v13 =	vpop (erf)  }
0x156: {  	v23 =	vld [tilespmem:s11+$0xFFFFFF80];
	v53 =	vadd.f32 $1.000000000e+00, v15;
	v15 =	vadd.f32 v9, v11;
	(erf) = vrcp.f32 v55;
	v9 =	vpop (erf)  }
0x157: {  	v60 =	vld [tilespmem:s11+$0xFFFFFFF0];
	v31 =	vadd.f32 v19, v16;
	v19 =	vadd.f32 $1.000000000e+00, v9;
	(erf) = vrcp.f32 v48;
	v9 =	vpop (erf)  }
0x158: {  	v26 =	vld [tilespmem:s11+$0xFFFFFFC0];
	v30 =	vadd.f32 v0, v2;
	v1 =	vadd.f32 $1.000000000e+00, v54;
	v55 =	vpop (erf);
	(erf) = vrcp.f32 v32  }
0x159: {  	v28 =	vld [tilespmem:s11+$0xFFFFFFD0];
	v17 =	vadd.f32 $1.000000000e+00, v13;
	v0 =	vadd.f32 $-5.000000000e-01, v55;
	v56 =	vpop (erf);
	(erf) = vrcp.f32 v21  }
0x15a: {  	v29 =	vld [tilespmem:s11+$0xFFFFFFE0];
	v22 =	vadd.f32 $1.000000000e+00, v9;
	v2 =	vadd.f32 $-5.000000000e-01, v56;
	v9 =	vpop (erf);
	(erf) = vrcp.f32 v61  }
0x15b: {  	v50 =	vld [tilespmem:s11+$0x0];
	v20 =	vmul.f32 v0, v33;
	v57 =	vadd.f32 $-5.000000000e-01, v9;
	v9 =	vpop (erf);
	(erf) = vrcp.f32 v63  }
0x15c: {  	s14 =	sadd.s32 $0x4, s14;
	v47 =	vld [tilespmem:s11+$0x10];
	v21 =	vmul.f32 v2, v34;
	v58 =	vadd.f32 $-5.000000000e-01, v9;
	v9 =	vpop (erf);
	(erf) = vrcp.f32 v3  }
0x15d: {  	p0 =	slt.u32 s14, $0x7C;
	v4 =	vld [tilespmem:s11+$0x20];
	v11 =	vmul.f32 v57, v35;
	v59 =	vadd.f32 $-5.000000000e-01, v9;
	v3 =	vpop (erf);
	(erf) = vrcp.f32 v12  }
.Ltmp0:
0x15e: {  	v46 =	vld [tilespmem:s11+$0x30];
	v13 =	vmul.f32 v58, v36;
	v61 =	vadd.f32 $-5.000000000e-01, v3;
	v3 =	vpop (erf);
	(erf) = vrcp.f32 v49;
	(pc) =	sbr.rel @p0 .LBB2_2-.Ltmp0, $4  }
0x15f: {  	v5 =	vld [tilespmem:s11+$0x40];
	v9 =	vmul.f32 v59, v37;
	v14 =	vadd.f32 $-5.000000000e-01, v3;
	v3 =	vpop (erf);
	(erf) = vrcp.f32 v10  }
0x160: {  	v6 =	vld [tilespmem:s11+$0x50];
	v12 =	vmul.f32 v61, v38;
	v62 =	vadd.f32 $-5.000000000e-01, v3;
	v3 =	vpop (erf);
	(erf) = vrcp.f32 v51  }
0x161: {  	v7 =	vld [tilespmem:s11+$0x60];
	v10 =	vmul.f32 v14, v39;
	v16 =	vadd.f32 $-5.000000000e-01, v3;
	v63 =	vpop (erf);
	(erf) = vrcp.f32 v53  }
0x162: {  	s15 =	sadd.s32 $0x200, s15;
	v8 =	vld [tilespmem:s11+$0x70];
	v14 =	vmul.f32 v62, v40;
	v32 =	vadd.f32 $-5.000000000e-01, v63;
	v33 =	vpop (erf);
	(erf) = vrcp.f32 v1  }
0x163: {  	v0 =	vpop (erf);
	(erf) = vrcp.f32 v18;
	v45 =	vadd.f32 $-5.000000000e-01, v33  }
0x164: {  	v16 =	vmul.f32 v16, v23;
	v20 =	vadd.f32 v21, v20;
	v1 =	vpop (erf);
	(erf) = vrcp.f32 v17  }
0x165: {  	v11 =	vadd.f32 v13, v11;
	v9 =	vadd.f32 v12, v9;
	v2 =	vpop (erf);
	(erf) = vrcp.f32 v19  }
0x166: {  	v0 =	vadd.f32 $-5.000000000e-01, v0;
	v10 =	vadd.f32 v14, v10;
	v3 =	vpop (erf);
	(erf) = vrcp.f32 v22  }
0x167: {  	v51 =	vmul.f32 v32, v24;
	v1 =	vadd.f32 $-5.000000000e-01, v1;
	v2 =	vadd.f32 $-5.000000000e-01, v2;
	v44 =	vpop (erf)  }
0x168: {  	v18 =	vmul.f32 v45, v25;
	v0 =	vmul.f32 v0, v27;
	v3 =	vadd.f32 $-5.000000000e-01, v3;
	v48 =	vpop (erf)  }
0x169: {  	v1 =	vmul.f32 v1, v26;
	v17 =	vadd.f32 $-5.000000000e-01, v44;
	v2 =	vmul.f32 v2, v28;
	v49 =	vpop (erf)  }
0x16a: {  	v0 =	vadd.f32 v0, v18;
	v19 =	vadd.f32 $-5.000000000e-01, v48;
	v3 =	vmul.f32 v3, v29;
	v52 =	vpop (erf)  }
0x16b: {  	v22 =	vadd.f32 $-5.000000000e-01, v49;
	v17 =	vmul.f32 v17, v60;
	v60 =	vadd.f32 v51, v16;
	v53 =	vpop (erf)  }
0x16c: {  	v1 =	vadd.f32 v2, v1;
	v24 =	vadd.f32 $-5.000000000e-01, v52;
	v54 =	vpop (erf)  }
0x16d: {  	v21 =	vadd.f32 $-5.000000000e-01, v53;
	v3 =	vadd.f32 v17, v3;
	v55 =	vpop (erf)  }
0x16e: {  	v19 =	vmul.f32 v19, v50;
	v0 =	vadd.f32 v0, v60;
	v25 =	vadd.f32 $-5.000000000e-01, v54;
	v56 =	vpop (erf)  }
0x16f: {  	v59 =	vmul.f32 v24, v4;
	v26 =	vadd.f32 $-5.000000000e-01, v55;
	v4 =	vmul.f32 v21, v46;
	v57 =	vpop (erf)  }
0x170: {  	v58 =	vmul.f32 v22, v47;
	v27 =	vadd.f32 $-5.000000000e-01, v56;
	v28 =	vadd.f32 $-5.000000000e-01, v57  }
0x171: {  	v5 =	vmul.f32 v25, v5;
	v6 =	vmul.f32 v26, v6;
	v4 =	vadd.f32 v4, v59  }
0x172: {  	v7 =	vmul.f32 v27, v7;
	v2 =	vmul.f32 v28, v8;
	v8 =	vadd.f32 v58, v19  }
0x173: {  	v5 =	vadd.f32 v6, v5;
	v6 =	vadd.f32 v11, v20  }
0x174: {  	v2 =	vadd.f32 v2, v7;
	v7 =	vadd.f32 v10, v9  }
0x175: {  	(xrf2) =	vadd.scan.msk.f32 $0xffff, v15;
	v1 =	vadd.f32 v3, v1;
	v3 =	vadd.f32 v4, v8  }
0x176: {  	(xrf2) =	vadd.scan.msk.f32 $0xffff, v31;
	v2 =	vadd.f32 v2, v5;
	v4 =	vadd.f32 v7, v6  }
0x177: {  	(xrf2) =	vadd.scan.msk.f32 $0xffff, v30;
	v0 =	vadd.f32 v1, v0  }
0x178: {  	v1 =	vadd.f32 v2, v3;
	(xrf2) =	vadd.scan.msk.f32 $0xffff, v4  }
0x179: {  	(xrf2) =	vadd.scan.msk.f32 $0xffff, v0  }
0x17a: {  	(xrf2) =	vadd.scan.msk.f32 $0xffff, v1;
	_ =	sdelay $0x4  }
0x17b: {  	v0, _, _ =	vpop (xrf2)  }
0x17c: {  	[tilespmem:s12+$0xFFFFFFFE] =	vst.msk vm0, v0;
	v1, _, _ =	vpop (xrf2)  }
0x17d: {  	v0, _, _ =	vpop (xrf2);
	[tilespmem:s12+$0xFFFFFFFF] =	vst.msk vm0, v1  }
0x17e: {  	[tilespmem:s12+$0x0] =	vst.msk vm0, v0;
	v1, _, _ =	vpop (xrf2)  }
0x17f: {  	[tilespmem:s13+$0xFFFFFFFE] =	vst.msk vm0, v1;
	v0, _, _ =	vpop (xrf2)  }
0x180: {  	[tilespmem:s13+$0xFFFFFFFF] =	vst.msk vm0, v0;
	v0, _, _ =	vpop (xrf2)  }
0x181: {  	[tilespmem:s13+$0x0] =	vst.msk vm0, v0  }
0x182: {  	s11 =	rddreg [dreg:$0x11]  }
0x183: {  	[tilespmem:s16], [sflag:$0x5] =	stream.linear.gather [hbm4b:s11+s4], $0x4000, $0x38;
	[tilespmem:$0x18B00] =	vst v63  }
0x184: {  	_ =	swait.ge [sflag:s0], $0x80  }
0x185: {  	[sflag:s0] =	ssyncset.done $0x0  }
0x186: {  	[sflag:s0] =	ssyncadd.s32 $0xFFFFFF80  }
0x187: {  	_ =	swait.ge [sflag:s0], $0x80  }
0x188: {  	[sflag:s0] =	ssyncset.done $0x0  }
0x189: {  	[sflag:s0] =	ssyncadd.s32 $0xFFFFFF80  }
0x18a: {  	_ =	swait.ge [sflag:s0], $0x80  }
0x18b: {  	[sflag:s0] =	ssyncset.done $0x0  }
0x18c: {  	[sflag:s0] =	ssyncadd.s32 $0xFFFFFF80  }
0x18d: {  	_ =	swait.ge [sflag:s0], $0x80  }
0x18e: {  	[sflag:s0] =	ssyncset.done $0x0  }
0x18f: {  	[sflag:s0] =	ssyncadd.s32 $0xFFFFFF80  }
0x190: {  	_ =	swait.ge [sflag:s0], $0x80  }
0x191: {  	[sflag:s0] =	ssyncset.done $0x0  }
0x192: {  	[sflag:s0] =	ssyncadd.s32 $0xFFFFFF80  }
0x193: {  	_ =	swait.ge [sflag:s0], $0x80  }
0x194: {  	[sflag:s0] =	ssyncset.done $0x0  }
0x195: {  	[sflag:s0] =	ssyncadd.s32 $0xFFFFFF80  }
0x196: {  	_ =	swait.ge [sflag:s0], $0x80  }
0x197: {  	[sflag:s0] =	ssyncset.done $0x0  }
0x198: {  	[sflag:s0] =	ssyncadd.s32 $0xFFFFFF80  }
0x199: {  	_ =	swait.ge [sflag:s0], $0x80  }
0x19a: {  	[sflag:s0] =	ssyncset.done $0x0  }
0x19b: {  	s16 =	simm.s32 $0x18400;
	[sflag:s0] =	ssyncadd.s32 $0xFFFFFF80  }
0x19c: {  	v0 =	vld [tilespmem:s16+$0x0]  }
0x19d: {  	s18 =	simm.s32 $0x18600  }
0x19e: {  	s19 =	simm.s32 $0x18A00;
	v1 =	vld [tilespmem:s18+$0x0]  }
0x19f: {  	v2 =	vld [tilespmem:s19+$0x0];
	_ =	sdelay $0x1  }
0x1a0: {  	v0 =	vsub.f32 $0.0e+00, v0;
	_ =	sdelay $0x1  }
0x1a1: {  	v0 =	vmul.f32 $1.442695020e+00, v0  }
0x1a2: {  	s13 =	simm.s32 $0x18410;
	v1 =	vsub.f32 $0.0e+00, v1;
	v2 =	vmul.f32 $-1.999999960e-02, v2  }
0x1a3: {  	s14 =	simm.s32 $0x18610;
	v3 =	vld [tilespmem:s13+$0x0];
	(erf) = vpow2.f32 v0  }
0x1a4: {  	s15 =	simm.s32 $0x18A10;
	v1 =	vmul.f32 $1.442695020e+00, v1;
	v2 =	vadd.f32 $0.0e+00, v2;
	v0 =	vld [tilespmem:s14+$0x0]  }
0x1a5: {  	v4 =	vld [tilespmem:s15+$0x0]  }
0x1a6: {  	v2 =	vmul.f32 $1.442695020e+00, v2;
	(erf) = vpow2.f32 v1;
	_ =	sdelay $0x1  }
0x1a7: {  	v1 =	vsub.f32 $0.0e+00, v3;
	(erf) = vpow2.f32 v2  }
0x1a8: {  	s16 =	simm.s32 $0x18420;
	v0 =	vsub.f32 $0.0e+00, v0  }
0x1a9: {  	s19 =	simm.s32 $0x18A20;
	v3 =	vld [tilespmem:s16+$0x0];
	v2 =	vmul.f32 $-1.999999960e-02, v4;
	v1 =	vmul.f32 $1.442695020e+00, v1  }
0x1aa: {  	s18 =	simm.s32 $0x18620;
	v5 =	vld [tilespmem:s19+$0x0];
	v0 =	vmul.f32 $1.442695020e+00, v0  }
0x1ab: {  	v2 =	vadd.f32 $0.0e+00, v2;
	(erf) = vpow2.f32 v1;
	v1 =	vld [tilespmem:s18+$0x0];
	v4 =	vpop (erf)  }
0x1ac: {  	(erf) = vpow2.f32 v0;
	v0 =	vadd.f32 $1.000000000e+00, v4  }
0x1ad: {  	v2 =	vmul.f32 $1.442695020e+00, v2  }
0x1ae: {  	s12 =	simm.s32 $0x18430;
	v3 =	vsub.f32 $0.0e+00, v3;
	v4 =	vpop (erf);
	(erf) = vrcp.f32 v0  }
0x1af: {  	v4 =	vadd.f32 $1.000000000e+00, v4;
	(erf) = vpow2.f32 v2;
	v2 =	vld [tilespmem:s12+$0x0]  }
0x1b0: {  	v0 =	vsub.f32 $0.0e+00, v1;
	v1 =	vmul.f32 $1.442695020e+00, v3;
	v3 =	vmul.f32 $-1.999999960e-02, v5;
	v5 =	vpop (erf)  }
0x1b1: {  	s13 =	simm.s32 $0x18A30;
	v5 =	vadd.f32 $1.000000000e+00, v5;
	(erf) = vrcp.f32 v4  }
0x1b2: {  	s14 =	simm.s32 $0x18630;
	v4 =	vld [tilespmem:s13+$0x0];
	v0 =	vmul.f32 $1.442695020e+00, v0;
	v3 =	vadd.f32 $0.0e+00, v3;
	(erf) = vpow2.f32 v1  }
0x1b3: {  	v1 =	vld [tilespmem:s14+$0x0]  }
0x1b4: {  	v6 =	vpop (erf);
	(erf) = vpow2.f32 v0;
	v3 =	vmul.f32 $1.442695020e+00, v3;
	v2 =	vsub.f32 $0.0e+00, v2  }
0x1b5: {  	v0 =	vadd.f32 $1.000000000e+00, v6  }
0x1b6: {  	s16 =	simm.s32 $0x18440;
	(erf) = vrcp.f32 v5;
	v5 =	vpop (erf);
	v2 =	vmul.f32 $1.442695020e+00, v2  }
0x1b7: {  	s15 =	simm.s32 $0x18A40;
	v6 =	vld [tilespmem:s16+$0x0];
	(erf) = vrcp.f32 v0;
	v4 =	vmul.f32 $-1.999999960e-02, v4;
	v5 =	vadd.f32 $1.000000000e+00, v5  }
0x1b8: {  	v0 =	vld [tilespmem:s15+$0x0];
	(erf) = vpow2.f32 v3;
	v1 =	vsub.f32 $0.0e+00, v1;
	v3 =	vpop (erf)  }
0x1b9: {  	s18 =	simm.s32 $0x18640;
	(erf) = vrcp.f32 v5;
	v4 =	vadd.f32 $0.0e+00, v4;
	v7 =	vpop (erf);
	v3 =	vmul.f32 $4.000000060e-01, v3  }
0x1ba: {  	v5 =	vld [tilespmem:s18+$0x0];
	v1 =	vmul.f32 $1.442695020e+00, v1;
	(erf) = vpow2.f32 v2;
	v2 =	vpop (erf)  }
0x1bb: {  	v7 =	vadd.f32 $1.000000000e+00, v7;
	v4 =	vmul.f32 $1.442695020e+00, v4;
	v3 =	vsub.f32 $1.000000000e+00, v3;
	v8 =	vpop (erf)  }
0x1bc: {  	(erf) = vpow2.f32 v1;
	v2 =	vmul.f32 $4.000000060e-01, v2;
	v1 =	vadd.f32 $1.000000000e+00, v8  }
0x1bd: {  	v8 =	vpop (erf);
	(erf) = vrcp.f32 v7;
	v7 =	vmul.f32 $-1.999999960e-02, v0;
	v0 =	vsub.f32 $0.0e+00, v6  }
0x1be: {  	v3 =	vsub.f32 v3, v2  }
0x1bf: {  	s19 =	simm.s32 $0x18A50;
	v5 =	vsub.f32 $0.0e+00, v5;
	v6 =	vpop (erf);
	v0 =	vmul.f32 $1.442695020e+00, v0  }
0x1c0: {  	v8 =	vadd.f32 $1.000000000e+00, v8;
	(erf) = vrcp.f32 v1;
	v1 =	vmul.f32 v3, v6;
	v3 =	vld [tilespmem:s19+$0x0]  }
0x1c1: {  	v5 =	vmul.f32 $1.442695020e+00, v5;
	(erf) = vpow2.f32 v4;
	v4 =	vpop (erf)  }
0x1c2: {  	s12 =	simm.s32 $0x18450;
	v61 =	vpop (erf);
	(erf) = vrcp.f32 v8;
	v4 =	vmul.f32 $4.000000060e-01, v4  }
0x1c3: {  	v7 =	vadd.f32 $0.0e+00, v7;
	v6 =	vld [tilespmem:s12+$0x0];
	(erf) = vpow2.f32 v0;
	v8 =	vadd.f32 $1.000000000e+00, v61;
	v0 =	vpop (erf)  }
0x1c4: {  	s13 =	simm.s32 $0x18650;
	v1 =	vadd.f32 v1, v2;
	v4 =	vsub.f32 $1.000000000e+00, v4;
	(erf) = vpow2.f32 v5;
	v2 =	vpop (erf)  }
0x1c5: {  	v0 =	vmul.f32 $4.000000060e-01, v0;
	v62 =	vadd.f32 $1.000000000e+00, v2;
	v2 =	vmul.f32 $-1.999999960e-02, v3;
	v3 =	vld [tilespmem:s13+$0x0]  }
0x1c6: {  	v63 =	vpop (erf);
	(erf) = vrcp.f32 v8  }
0x1c7: {  	v8 =	vsub.f32 v4, v0  }
0x1c8: {  	s11 =	simm.s32 $0x18800;
	v5 =	vsub.f32 $0.0e+00, v6;
	v4 =	vmul.f32 $1.442695020e+00, v7;
	v7 =	vpop (erf);
	(erf) = vrcp.f32 v62  }
0x1c9: {  	s14 =	simm.s32 $0x50;
	s15 =	simm.s32 $0x18A60;
	[tilespmem:s11+$0x0] =	vst v1;
	v6 =	vadd.f32 $1.000000000e+00, v63;
	v1 =	vmul.f32 v8, v7  }
.LBB2_4:
0x1ca: {  	v7 =	vld [tilespmem:s15+$0x0];
	v10 =	vmul.f32 $1.442695020e+00, v5;
	v3 =	vsub.f32 $0.0e+00, v3;
	s12 =	sadd.s32 $0x10, s12;
	(erf) = vpow2.f32 v4;
	v4 =	vpop (erf)  }
0x1cb: {  	s14 =	sadd.s32 $0x10, s14;
	v8 =	vld [tilespmem:s12+$0x0];
	v9 =	vpop (erf);
	v4 =	vmul.f32 $4.000000060e-01, v4;
	v1 =	vadd.f32 v1, v0;
	(erf) = vrcp.f32 v6  }
0x1cc: {  	s13 =	sadd.s32 $0x10, s13;
	s11 =	sadd.s32 $0x10, s11;
	p0 =	slt.u32 s14, $0x70;
	v11 =	vmul.f32 $1.442695020e+00, v3;
	(erf) = vpow2.f32 v10;
	v0 =	vpop (erf)  }
.Ltmp1:
0x1cd: {  	v9 =	vadd.f32 $1.000000000e+00, v9;
	v4 =	vsub.f32 $1.000000000e+00, v4;
	v3 =	vld [tilespmem:s13+$0x0];
	v5 =	vpop (erf);
	v0 =	vmul.f32 $4.000000060e-01, v0;
	[tilespmem:s11+$0x0] =	vst v1;
	(pc) =	sbr.rel @p0 .LBB2_4-.Ltmp1, $4  }
0x1ce: {  	v12 =	vadd.f32 $0.0e+00, v2;
	(erf) = vpow2.f32 v11  }
0x1cf: {  	v10 =	vadd.f32 $1.000000000e+00, v5;
	v6 =	vpop (erf);
	(erf) = vrcp.f32 v9;
	v9 =	vsub.f32 v4, v0  }
0x1d0: {  	v2 =	vmul.f32 $-1.999999960e-02, v7;
	v5 =	vsub.f32 $0.0e+00, v8;
	v4 =	vmul.f32 $1.442695020e+00, v12;
	v1 =	vpop (erf)  }
0x1d1: {  	s15 =	sadd.s32 $0x10, s15;
	v6 =	vadd.f32 $1.000000000e+00, v6;
	(erf) = vrcp.f32 v10;
	v1 =	vmul.f32 v9, v1  }
0x1d2: {  	v5 =	vmul.f32 $1.442695020e+00, v5  }
0x1d3: {  	v3 =	vsub.f32 $0.0e+00, v3;
	(erf) = vpow2.f32 v4  }
0x1d4: {  	v4 =	vpop (erf);
	(erf) = vrcp.f32 v6  }
0x1d5: {  	v6 =	vpop (erf);
	v3 =	vmul.f32 $1.442695020e+00, v3;
	(erf) = vpow2.f32 v5  }
0x1d6: {  	v6 =	vadd.f32 $1.000000000e+00, v6;
	v5 =	vpop (erf)  }
0x1d7: {  	v7 =	vpop (erf);
	(erf) = vpow2.f32 v3  }
0x1d8: {  	v2 =	vadd.f32 $0.0e+00, v2;
	v3 =	vadd.f32 $1.000000000e+00, v7  }
0x1d9: {  	v7 =	vpop (erf)  }
0x1da: {  	v2 =	vmul.f32 $1.442695020e+00, v2;
	(erf) = vrcp.f32 v6;
	v6 =	vpop (erf)  }
0x1db: {  	(erf) = vrcp.f32 v3;
	v48 =	vpop (erf)  }
0x1dc: {  	(erf) = vpow2.f32 v2;
	v3 =	vpop (erf)  }
0x1dd: {  	v7 =	vadd.f32 $1.000000000e+00, v7;
	v8 =	vpop (erf)  }
0x1de: {  	v9 =	vpop (erf)  }
0x1df: {  	(erf) = vrcp.f32 v7;
	v3 =	vadd.f32 $1.000000000e+00, v3;
	v7 =	vadd.f32 $1.000000000e+00, v9  }
0x1e0: {  	v9 =	vpop (erf)  }
0x1e1: {  	(erf) = vrcp.f32 v3;
	v3 =	vadd.f32 $1.000000000e+00, v9;
	_ =	sdelay $0x1  }
0x1e2: {  	(erf) = vrcp.f32 v7;
	v7 =	vpop (erf)  }
0x1e3: {  	v9 =	vpop (erf)  }
0x1e4: {  	(erf) = vrcp.f32 v3;
	v3 =	vpop (erf)  }
0x1e5: {  	v3 =	vadd.f32 $1.000000000e+00, v3;
	_ =	sdelay $0x1  }
0x1e6: {  	(erf) = vrcp.f32 v3;
	v3 =	vmul.f32 $4.000000060e-01, v4;
	_ =	sdelay $0x1  }
0x1e7: {  	v5 =	vmul.f32 $4.000000060e-01, v5;
	v9 =	vmul.f32 $4.000000060e-01, v9;
	v4 =	vpop (erf);
	v3 =	vsub.f32 $1.000000000e+00, v3  }
0x1e8: {  	v2 =	vmul.f32 $4.000000060e-01, v48;
	v10 =	vpop (erf)  }
0x1e9: {  	v9 =	vsub.f32 $1.000000000e+00, v9;
	v4 =	vmul.f32 $4.000000060e-01, v4;
	v11 =	vpop (erf);
	v3 =	vsub.f32 v3, v5  }
0x1ea: {  	v2 =	vsub.f32 $1.000000000e+00, v2;
	v8 =	vmul.f32 $4.000000060e-01, v8;
	v11 =	vmul.f32 $4.000000060e-01, v11  }
0x1eb: {  	v12 =	vpop (erf);
	v3 =	vmul.f32 v3, v6;
	v6 =	vsub.f32 v9, v4  }
0x1ec: {  	v2 =	vsub.f32 v2, v8;
	v11 =	vsub.f32 $1.000000000e+00, v11;
	v12 =	vmul.f32 $4.000000060e-01, v12;
	_ =	sdelay $0x1  }
0x1ed: {  	v0 =	vadd.f32 v1, v0;
	v49 =	vmul.f32 v2, v7;
	v50 =	vsub.f32 v11, v12  }
0x1ee: {  	s11 =	sadd.s32 $0x10, s11;
	v3 =	vadd.f32 v3, v5;
	v5 =	vmul.f32 v6, v10;
	v6 =	vpop (erf)  }
0x1ef: {  	[tilespmem:s11+$0x0] =	vst v0;
	s11 =	sadd.s32 $0x10, s11;
	v51 =	vadd.f32 v49, v8;
	v52 =	vmul.f32 v50, v6  }
0x1f0: {  	[tilespmem:s11+$0x0] =	vst v3;
	s11 =	sadd.s32 $0x10, s11;
	v53 =	vadd.f32 v5, v4  }
0x1f1: {  	[tilespmem:s11+$0x0] =	vst v51;
	s11 =	sadd.s32 $0x10, s11;
	v54 =	vadd.f32 v52, v12  }
0x1f2: {  	[tilespmem:s11+$0x0] =	vst v53;
	s11 =	sadd.s32 $0x10, s11  }
0x1f3: {  	[tilespmem:s11+$0x0] =	vst v54  }
0x1f4: {  	s12 =	simm.s32 $0x18800;
	s11 =	rddreg [dreg:$0x12]  }
0x1f5: {  	[hbm4b:s11+s4] =	stream.linear.scatter [tilespmem:s12], [sflag:$0x9], $0x80, $0x38;
	[tilespmem:$0x18B00] =	vst v63  }
0x1f6: {  	_ =	swait.ge [sflag:s3], $0x4000  }
0x1f7: {  	[sflag:s3] =	ssyncset.done $0x0  }
0x1f8: {  	[sflag:s3] =	ssyncadd.s32 $0xFFFFC000  }
0x1f9: {  	_ =	swait.ge [sflag:s6], $0x4000  }
0x1fa: {  	[sflag:s6] =	ssyncset.done $0x0  }
0x1fb: {  	s18 =	simm.s32 $0x4500;
	[sflag:s6] =	ssyncadd.s32 $0xFFFFC000  }
0x1fc: {  	v55 =	vld [tilespmem:s18+$0x80]  }
0x1fd: {  	v56 =	vld [tilespmem:s18+$0x90]  }
0x1fe: {  	v57 =	vld [tilespmem:s18+$0xA0]  }
0x1ff: {  	v3 =	vld [tilespmem:s18+$0xB0]  }
0x200: {  	v4 =	vld [tilespmem:s18+$0xC0]  }
0x201: {  	v5 =	vld [tilespmem:s18+$0xD0];
	v0 =	vsub.f32 $0.0e+00, v55  }
0x202: {  	v6 =	vld [tilespmem:s18+$0xE0];
	v1 =	vsub.f32 $0.0e+00, v56  }
0x203: {  	v7 =	vld [tilespmem:s18+$0xF0];
	v2 =	vsub.f32 $0.0e+00, v57;
	v0 =	vmul.f32 $1.442695020e+00, v0  }
0x204: {  	v3 =	vsub.f32 $0.0e+00, v3;
	v1 =	vmul.f32 $1.442695020e+00, v1  }
0x205: {  	v4 =	vsub.f32 $0.0e+00, v4;
	v2 =	vmul.f32 $1.442695020e+00, v2;
	(erf) = vpow2.f32 v0  }
0x206: {  	v58 =	vld [tilespmem:s18+$0xFFFFFF10];
	v5 =	vsub.f32 $0.0e+00, v5;
	v3 =	vmul.f32 $1.442695020e+00, v3;
	(erf) = vpow2.f32 v1  }
0x207: {  	v59 =	vld [tilespmem:s18+$0xFFFFFF20];
	v6 =	vsub.f32 $0.0e+00, v6;
	v4 =	vmul.f32 $1.442695020e+00, v4;
	(erf) = vpow2.f32 v2  }
0x208: {  	v60 =	vmul.f32 $1.442695020e+00, v5;
	v5 =	vsub.f32 $0.0e+00, v7;
	(erf) = vpow2.f32 v3  }
0x209: {  	v3 =	vmul.f32 $1.442695020e+00, v6;
	(erf) = vpow2.f32 v4  }
0x20a: {  	v4 =	vmul.f32 $1.442695020e+00, v5;
	(erf) = vpow2.f32 v60  }
0x20b: {  	v0 =	vsub.f32 $0.0e+00, v58;
	(erf) = vpow2.f32 v3  }
0x20c: {  	v1 =	vsub.f32 $0.0e+00, v59;
	(erf) = vpow2.f32 v4  }
0x20d: {  	v8 =	vld [tilespmem:s18+$0xFFFFFF80];
	v0 =	vmul.f32 $1.442695020e+00, v0  }
0x20e: {  	v1 =	vmul.f32 $1.442695020e+00, v1;
	v61 =	vpop (erf)  }
0x20f: {  	(erf) = vpow2.f32 v0;
	v62 =	vadd.f32 $1.000000000e+00, v61;
	v63 =	vpop (erf)  }
0x210: {  	v3 =	vld [tilespmem:s18+$0xFFFFFF30];
	(erf) = vpow2.f32 v1;
	v32 =	vadd.f32 $1.000000000e+00, v63;
	v33 =	vpop (erf)  }
0x211: {  	v4 =	vld [tilespmem:s18+$0xFFFFFF40];
	v2 =	vadd.f32 $1.000000000e+00, v33;
	(erf) = vrcp.f32 v62;
	v34 =	vpop (erf)  }
0x212: {  	v8 =	vsub.f32 $0.0e+00, v8;
	v5 =	vld [tilespmem:s18+$0xFFFFFF50];
	v0 =	vadd.f32 $1.000000000e+00, v34;
	(erf) = vrcp.f32 v32;
	v35 =	vpop (erf)  }
0x213: {  	v6 =	vld [tilespmem:s18+$0xFFFFFF60];
	v1 =	vadd.f32 $1.000000000e+00, v35;
	(erf) = vrcp.f32 v2;
	v36 =	vpop (erf)  }
0x214: {  	v7 =	vld [tilespmem:s18+$0xFFFFFF70];
	v8 =	vmul.f32 $1.442695020e+00, v8;
	v2 =	vadd.f32 $1.000000000e+00, v36;
	(erf) = vrcp.f32 v0;
	v37 =	vpop (erf)  }
0x215: {  	v9 =	vld [tilespmem:s18+$0xFFFFFF90];
	v3 =	vsub.f32 $0.0e+00, v3;
	v0 =	vadd.f32 $1.000000000e+00, v37;
	(erf) = vrcp.f32 v1;
	v38 =	vpop (erf)  }
0x216: {  	v40 =	vld [tilespmem:s18+$0xFFFFFF00];
	v4 =	vsub.f32 $0.0e+00, v4;
	v1 =	vadd.f32 $1.000000000e+00, v38;
	(erf) = vrcp.f32 v2  }
0x217: {  	v39 =	vmul.f32 $1.442695020e+00, v3;
	v3 =	vsub.f32 $0.0e+00, v5;
	v5 =	vld [tilespmem:s18+$0xFFFFFFA0];
	(erf) = vrcp.f32 v0  }
0x218: {  	v41 =	vld [tilespmem:s18+$0xFFFFFFB0];
	v6 =	vsub.f32 $0.0e+00, v6;
	v4 =	vmul.f32 $1.442695020e+00, v4;
	v10 =	vpop (erf);
	(erf) = vrcp.f32 v1  }
0x219: {  	v42 =	vld [tilespmem:s18+$0xFFFFFFC0];
	v7 =	vsub.f32 $0.0e+00, v7;
	v3 =	vmul.f32 $1.442695020e+00, v3;
	v11 =	vpop (erf);
	(erf) = vpow2.f32 v39  }
0x21a: {  	v9 =	vsub.f32 $0.0e+00, v9;
	v6 =	vmul.f32 $1.442695020e+00, v6;
	v12 =	vpop (erf);
	(erf) = vpow2.f32 v4;
	v4 =	vld [tilespmem:s18+$0xFFFFFFD0]  }
0x21b: {  	v7 =	vmul.f32 $1.442695020e+00, v7;
	v0 =	vsub.f32 $0.0e+00, v40;
	v13 =	vpop (erf);
	(erf) = vpow2.f32 v3;
	v3 =	vld [tilespmem:s18+$0xFFFFFFE0]  }
0x21c: {  	v9 =	vmul.f32 $1.442695020e+00, v9;
	v5 =	vsub.f32 $0.0e+00, v5;
	v14 =	vpop (erf);
	(erf) = vpow2.f32 v6;
	v6 =	vld [tilespmem:s18+$0xFFFFFFF0]  }
0x21d: {  	v1 =	vsub.f32 $0.0e+00, v41;
	v0 =	vmul.f32 $1.442695020e+00, v0;
	v15 =	vpop (erf);
	(erf) = vpow2.f32 v7;
	v7 =	vld [tilespmem:s18+$0x0]  }
0x21e: {  	v5 =	vmul.f32 $1.442695020e+00, v5;
	v16 =	vpop (erf);
	(erf) = vpow2.f32 v8;
	v8 =	vld [tilespmem:s18+$0x10]  }
0x21f: {  	v2 =	vsub.f32 $0.0e+00, v42;
	v1 =	vmul.f32 $1.442695020e+00, v1;
	v17 =	vpop (erf);
	(erf) = vpow2.f32 v9;
	v9 =	vld [tilespmem:s18+$0x20]  }
0x220: {  	v4 =	vsub.f32 $0.0e+00, v4;
	v18 =	vpop (erf);
	(erf) = vpow2.f32 v0;
	v43 =	vsub.f32 $0.0e+00, v3;
	v3 =	vld [tilespmem:s18+$0x30]  }
0x221: {  	v2 =	vmul.f32 $1.442695020e+00, v2;
	v19 =	vpop (erf);
	(erf) = vpow2.f32 v5;
	v5 =	vsub.f32 $0.0e+00, v6;
	v6 =	vld [tilespmem:s18+$0x40]  }
0x222: {  	v4 =	vmul.f32 $1.442695020e+00, v4;
	v20 =	vpop (erf);
	(erf) = vpow2.f32 v1;
	v44 =	vsub.f32 $0.0e+00, v7;
	v7 =	vld [tilespmem:s18+$0x50]  }
0x223: {  	v0 =	vmul.f32 $1.442695020e+00, v43;
	v21 =	vpop (erf);
	(erf) = vpow2.f32 v2;
	v45 =	vsub.f32 $0.0e+00, v8;
	v8 =	vld [tilespmem:s18+$0x60]  }
0x224: {  	v5 =	vmul.f32 $1.442695020e+00, v5;
	v22 =	vpop (erf);
	(erf) = vpow2.f32 v4;
	v4 =	vsub.f32 $0.0e+00, v9;
	v9 =	vld [tilespmem:s18+$0x70]  }
0x225: {  	s13 =	simm.s32 $0x4700;
	v1 =	vmul.f32 $1.442695020e+00, v44;
	v23 =	vpop (erf);
	(erf) = vpow2.f32 v0;
	v46 =	vsub.f32 $0.0e+00, v3  }
0x226: {  	v57 =	vld [tilespmem:s13+$0xFFFFFF20];
	v2 =	vmul.f32 $1.442695020e+00, v45;
	v3 =	vpop (erf);
	(erf) = vpow2.f32 v5;
	v5 =	vsub.f32 $0.0e+00, v6  }
0x227: {  	v4 =	vmul.f32 $1.442695020e+00, v4;
	v6 =	vpop (erf);
	(erf) = vpow2.f32 v1;
	v47 =	vsub.f32 $0.0e+00, v7  }
0x228: {  	v7 =	vpop (erf);
	(erf) = vpow2.f32 v2;
	v48 =	vmul.f32 $1.442695020e+00, v5;
	v5 =	vsub.f32 $0.0e+00, v8  }
0x229: {  	v0 =	vmul.f32 $1.442695020e+00, v46;
	v8 =	vpop (erf);
	(erf) = vpow2.f32 v4;
	v4 =	vsub.f32 $0.0e+00, v9;
	_ =	sdelay $0x1  }
0x22a: {  	v35 =	vsub.f32 $0.0e+00, v57;
	v40 =	vld [tilespmem:s13+$0xFFFFFF40];
	v1 =	vmul.f32 $1.442695020e+00, v47;
	v9 =	vpop (erf);
	(erf) = vpow2.f32 v0  }
0x22b: {  	s19 =	simm.s32 $0x14500;
	v49 =	vmul.f32 $1.442695020e+00, v5;
	v8 =	vadd.f32 $1.000000000e+00, v8;
	v5 =	vpop (erf);
	(erf) = vpow2.f32 v48  }
0x22c: {  	v52 =	vld [tilespmem:s19+$0x80];
	v51 =	vadd.f32 $1.000000000e+00, v10;
	v50 =	vmul.f32 $1.442695020e+00, v4;
	v4 =	vpop (erf);
	(erf) = vpow2.f32 v1  }
0x22d: {  	v11 =	vadd.f32 $1.000000000e+00, v11;
	v12 =	vadd.f32 $-5.000000000e-01, v12;
	v10 =	vpop (erf);
	(erf) = vpow2.f32 v49  }
0x22e: {  	v25 =	vld [tilespmem:s19+$0xA0];
	v13 =	vadd.f32 $-5.000000000e-01, v13;
	v20 =	vadd.f32 $1.000000000e+00, v20;
	v24 =	vpop (erf);
	(erf) = vpow2.f32 v50  }
0x22f: {  	v53 =	vld [tilespmem:s19+$0x90];
	v40 =	vsub.f32 $0.0e+00, v40;
	v21 =	vadd.f32 $1.000000000e+00, v21;
	(erf) = vrcp.f32 v8;
	v8 =	vpop (erf)  }
0x230: {  	v26 =	vld [tilespmem:s19+$0xB0];
	v14 =	vadd.f32 $-5.000000000e-01, v14;
	v15 =	vadd.f32 $-5.000000000e-01, v15;
	(erf) = vrcp.f32 v51;
	v54 =	vpop (erf)  }
0x231: {  	v0 =	vmul.f32 v12, v52;
	v12 =	vadd.f32 $1.000000000e+00, v23;
	(erf) = vrcp.f32 v11;
	v11 =	vpop (erf)  }
0x232: {  	v22 =	vadd.f32 $1.000000000e+00, v22;
	v3 =	vadd.f32 $1.000000000e+00, v3;
	(erf) = vrcp.f32 v20;
	v20 =	vpop (erf)  }
0x233: {  	v14 =	vmul.f32 v14, v25;
	v6 =	vadd.f32 $1.000000000e+00, v6;
	(erf) = vrcp.f32 v21;
	v21 =	vpop (erf)  }
0x234: {  	v16 =	vadd.f32 $-5.000000000e-01, v16;
	v2 =	vmul.f32 v13, v53;
	v23 =	vld [tilespmem:s19+$0xC0];
	(erf) = vrcp.f32 v22;
	v13 =	vpop (erf)  }
0x235: {  	v17 =	vadd.f32 $-5.000000000e-01, v17;
	v15 =	vmul.f32 v15, v26;
	v22 =	vld [tilespmem:s19+$0xD0];
	(erf) = vrcp.f32 v12;
	v12 =	vpop (erf)  }
0x236: {  	v27 =	vld [tilespmem:s19+$0xE0];
	v18 =	vadd.f32 $-5.000000000e-01, v18;
	v7 =	vadd.f32 $1.000000000e+00, v7;
	(erf) = vrcp.f32 v3;
	v3 =	vpop (erf)  }
0x237: {  	v25 =	vld [tilespmem:s19+$0xF0];
	v19 =	vadd.f32 $-5.000000000e-01, v19;
	v9 =	vadd.f32 $1.000000000e+00, v9;
	(erf) = vrcp.f32 v6;
	v6 =	vpop (erf)  }
0x238: {  	v0 =	vadd.f32 v2, v0;
	v5 =	vadd.f32 $1.000000000e+00, v5;
	v26 =	vpop (erf);
	(erf) = vrcp.f32 v7  }
0x239: {  	v4 =	vadd.f32 $1.000000000e+00, v4;
	v7 =	vmul.f32 v16, v23;
	v16 =	vpop (erf);
	(erf) = vrcp.f32 v9  }
0x23a: {  	v10 =	vadd.f32 $1.000000000e+00, v10;
	v9 =	vmul.f32 v17, v22;
	v17 =	vpop (erf);
	(erf) = vrcp.f32 v5  }
0x23b: {  	v5 =	vmul.f32 v18, v27;
	v18 =	vadd.f32 $1.000000000e+00, v24;
	v22 =	vpop (erf);
	(erf) = vrcp.f32 v4  }
0x23c: {  	v8 =	vadd.f32 $1.000000000e+00, v8;
	v4 =	vmul.f32 v19, v25;
	v19 =	vpop (erf);
	(erf) = vrcp.f32 v10  }
0x23d: {  	v1 =	vadd.f32 $1.000000000e+00, v54;
	v11 =	vadd.f32 $1.000000000e+00, v11;
	v55 =	vpop (erf);
	(erf) = vrcp.f32 v18  }
0x23e: {  	v3 =	vadd.f32 $1.000000000e+00, v3;
	v10 =	vadd.f32 v15, v14;
	v14 =	vpop (erf);
	(erf) = vrcp.f32 v8;
	v8 =	vld [tilespmem:s13+$0x80]  }
0x23f: {  	v56 =	vld [tilespmem:s13+$0x90];
	v7 =	vadd.f32 v9, v7;
	v9 =	vadd.f32 $1.000000000e+00, v20;
	v15 =	vpop (erf);
	(erf) = vrcp.f32 v1  }
0x240: {  	v4 =	vadd.f32 v4, v5;
	v5 =	vadd.f32 $1.000000000e+00, v21;
	v18 =	vpop (erf);
	(erf) = vrcp.f32 v11;
	v11 =	vld [tilespmem:s13+$0xA0]  }
0x241: {  	v0 =	vadd.f32 v10, v0;
	v10 =	vadd.f32 $1.000000000e+00, v13;
	v20 =	vpop (erf);
	(erf) = vrcp.f32 v9  }
0x242: {  	v13 =	vadd.f32 v4, v7;
	v4 =	vadd.f32 $1.000000000e+00, v12;
	v9 =	vld [tilespmem:s13+$0xB0];
	v12 =	vpop (erf);
	(erf) = vrcp.f32 v5  }
0x243: {  	v6 =	vadd.f32 $1.000000000e+00, v6;
	v5 =	vld [tilespmem:s13+$0xC0];
	v24 =	vpop (erf);
	(erf) = vrcp.f32 v10;
	v7 =	vsub.f32 $0.0e+00, v8  }
0x244: {  	v16 =	vadd.f32 $-5.000000000e-01, v16;
	v1 =	vsub.f32 $0.0e+00, v56;
	v10 =	vld [tilespmem:s13+$0xD0];
	v25 =	vpop (erf);
	(erf) = vrcp.f32 v4  }
0x245: {  	v4 =	vld [tilespmem:s13+$0xE0];
	v27 =	vpop (erf);
	(erf) = vrcp.f32 v3;
	v3 =	vmul.f32 $1.442695020e+00, v7;
	v7 =	vsub.f32 $0.0e+00, v11  }
0x246: {  	v17 =	vadd.f32 $-5.000000000e-01, v17;
	v21 =	vld [tilespmem:s19+$0xFFFFFF10];
	v19 =	vadd.f32 $-5.000000000e-01, v19;
	v1 =	vmul.f32 $1.442695020e+00, v1  }
0x247: {  	v11 =	vld [tilespmem:s13+$0xF0];
	v28 =	vpop (erf);
	(erf) = vrcp.f32 v6;
	v6 =	vsub.f32 $0.0e+00, v9;
	v7 =	vmul.f32 $1.442695020e+00, v7  }
0x248: {  	v29 =	vld [tilespmem:s19+$0xFFFFFF20];
	v2 =	vadd.f32 $-5.000000000e-01, v55;
	v14 =	vadd.f32 $-5.000000000e-01, v14;
	v9 =	vpop (erf);
	(erf) = vpow2.f32 v3  }
0x249: {  	v30 =	vld [tilespmem:s13+$0xFFFFFF10];
	v5 =	vsub.f32 $0.0e+00, v5;
	v8 =	vpop (erf);
	v3 =	vmul.f32 $1.442695020e+00, v6;
	(erf) = vpow2.f32 v1  }
0x24a: {  	v23 =	vld [tilespmem:s19+$0xFFFFFF00];
	v6 =	vsub.f32 $0.0e+00, v10;
	v10 =	vpop (erf);
	v4 =	vsub.f32 $0.0e+00, v4;
	(erf) = vpow2.f32 v7  }
0x24b: {  	v58 =	vld [tilespmem:s19+$0xFFFFFF60];
	v37 =	vmul.f32 v16, v21;
	v7 =	vpop (erf);
	(erf) = vpow2.f32 v3;
	v3 =	vadd.f32 $-5.000000000e-01, v26  }
0x24c: {  	v59 =	vld [tilespmem:s19+$0xFFFFFFB0];
	v31 =	vmul.f32 $1.442695020e+00, v5;
	v11 =	vsub.f32 $0.0e+00, v11;
	v4 =	vmul.f32 $1.442695020e+00, v4  }
0x24d: {  	v41 =	vld [tilespmem:s13+$0xFFFFFF60];
	v0 =	vadd.f32 v13, v0;
	v16 =	vmul.f32 v17, v29;
	v33 =	vmul.f32 $1.442695020e+00, v6;
	v5 =	vpop (erf)  }
0x24e: {  	v32 =	vld [tilespmem:s19+$0xFFFFFF30];
	v13 =	vadd.f32 $-5.000000000e-01, v22;
	(erf) = vpow2.f32 v31;
	v11 =	vmul.f32 $1.442695020e+00, v11;
	v6 =	vpop (erf)  }
0x24f: {  	v63 =	vld [tilespmem:s13+$0xFFFFFF50];
	v26 =	vsub.f32 $0.0e+00, v30;
	(erf) = vpow2.f32 v33;
	v23 =	vmul.f32 v3, v23;
	v3 =	vpop (erf)  }
0x250: {  	v36 =	vld [tilespmem:s19+$0xFFFFFF80];
	v17 =	vmul.f32 $1.442695020e+00, v35;
	v45 =	vadd.f32 $-5.000000000e-01, v24;
	(erf) = vpow2.f32 v4;
	v4 =	vpop (erf)  }
0x251: {  	v60 =	vld [tilespmem:s19+$0xFFFFFFC0];
	v44 =	vadd.f32 $-5.000000000e-01, v18;
	(erf) = vpow2.f32 v11;
	v11 =	vmul.f32 $1.442695020e+00, v26;
	v1 =	vpop (erf)  }
0x252: {  	v61 =	vld [tilespmem:s19+$0xFFFFFFE0];
	v20 =	vadd.f32 $-5.000000000e-01, v20;
	v24 =	vmul.f32 v45, v59;
	v59 =	vsub.f32 $0.0e+00, v41;
	v21 =	vpop (erf)  }
0x253: {  	v45 =	vld [tilespmem:s19+$0x50];
	v26 =	vmul.f32 v13, v32;
	(erf) = vpow2.f32 v11;
	v11 =	vadd.f32 $1.000000000e+00, v21;
	v21 =	vpop (erf)  }
0x254: {  	v34 =	vld [tilespmem:s19+$0xFFFFFF40];
	v9 =	vadd.f32 $-5.000000000e-01, v9;
	v13 =	vadd.f32 $1.000000000e+00, v21  }
0x255: {  	v18 =	vmul.f32 v44, v36;
	v33 =	vsub.f32 $0.0e+00, v63;
	v16 =	vadd.f32 v26, v16;
	v26 =	vld [tilespmem:s19+$0x40]  }
0x256: {  	v8 =	vadd.f32 $-5.000000000e-01, v8;
	v31 =	vld [tilespmem:s19+$0xFFFFFF50];
	v3 =	vadd.f32 $-5.000000000e-01, v3;
	(erf) = vpow2.f32 v17;
	v17 =	vpop (erf)  }
0x257: {  	s11 =	simm.s32 $0x14700;
	v38 =	vld [tilespmem:s19+$0xFFFFFF90];
	v33 =	vmul.f32 $1.442695020e+00, v33;
	v17 =	vadd.f32 $1.000000000e+00, v17;
	(erf) = vrcp.f32 v11;
	v21 =	vpop (erf)  }
0x258: {  	v42 =	vld [tilespmem:s11+$0xF0];
	v6 =	vadd.f32 $-5.000000000e-01, v6;
	v3 =	vmul.f32 v3, v45;
	(erf) = vrcp.f32 v13;
	v13 =	vpop (erf)  }
0x259: {  	v56 =	vld [tilespmem:s13+$0xFFFFFF80];
	v11 =	vmul.f32 v19, v34;
	v19 =	vadd.f32 $1.000000000e+00, v21;
	v21 =	vadd.f32 $1.000000000e+00, v13  }
0x25a: {  	v10 =	vadd.f32 $-5.000000000e-01, v10;
	v30 =	vld [tilespmem:s19+$0xFFFFFF70];
	(erf) = vrcp.f32 v17;
	v6 =	vmul.f32 v6, v26  }
0x25b: {  	v7 =	vadd.f32 $-5.000000000e-01, v7;
	(erf) = vrcp.f32 v19;
	v17 =	vpop (erf);
	v13 =	vmul.f32 v2, v31;
	v31 =	vld [tilespmem:s13+$0xFFFFFF30]  }
0x25c: {  	v29 =	vld [tilespmem:s19+$0xFFFFFFA0];
	v19 =	vadd.f32 $-5.000000000e-01, v15;
	v15 =	vmul.f32 v14, v58;
	v62 =	vadd.f32 $1.000000000e+00, v17;
	v17 =	vpop (erf)  }
0x25d: {  	v39 =	vld [tilespmem:s19+$0xFFFFFFD0];
	v58 =	vmul.f32 $1.442695020e+00, v40;
	v17 =	vadd.f32 $1.000000000e+00, v17;
	(erf) = vrcp.f32 v21;
	v21 =	vpop (erf)  }
0x25e: {  	v46 =	vld [tilespmem:s11+$0xB0];
	v2 =	vadd.f32 v37, v23;
	(erf) = vrcp.f32 v62;
	v22 =	vadd.f32 $1.000000000e+00, v21  }
0x25f: {  	v49 =	vld [tilespmem:s11+$0xD0];
	v37 =	vsub.f32 $0.0e+00, v56;
	(erf) = vrcp.f32 v17;
	v17 =	vadd.f32 $-5.000000000e-01, v12  }
0x260: {  	v21 =	vmul.f32 v19, v30;
	v14 =	vpop (erf);
	v30 =	vld [tilespmem:s11+$0x80];
	v31 =	vsub.f32 $0.0e+00, v31;
	(erf) = vrcp.f32 v22  }
0x261: {  	v54 =	vld [tilespmem:s13+$0xFFFFFF70];
	v40 =	vmul.f32 $1.442695020e+00, v37;
	v12 =	vpop (erf);
	v19 =	vmul.f32 v17, v29;
	v17 =	vadd.f32 $-5.000000000e-01, v25  }
0x262: {  	v25 =	vadd.f32 $-5.000000000e-01, v27;
	v27 =	vld [tilespmem:s11+$0xA0];
	v22 =	vmul.f32 v20, v38;
	v29 =	vpop (erf);
	v31 =	vmul.f32 $1.442695020e+00, v31  }
0x263: {  	v20 =	vld [tilespmem:s11+$0x90];
	v47 =	vpop (erf);
	v23 =	vmul.f32 v17, v60;
	v17 =	vadd.f32 $-5.000000000e-01, v28;
	v29 =	vadd.f32 $-5.000000000e-01, v29  }
0x264: {  	v51 =	vld [tilespmem:s11+$0xE0];
	v5 =	vadd.f32 $-5.000000000e-01, v5;
	v25 =	vmul.f32 v25, v39;
	v48 =	vpop (erf);
	(erf) = vpow2.f32 v31  }
0x265: {  	v28 =	vld [tilespmem:s11+$0xC0];
	v36 =	vadd.f32 $-5.000000000e-01, v47;
	v50 =	vpop (erf);
	v17 =	vmul.f32 v17, v61;
	v29 =	vmul.f32 v29, v30  }
0x266: {  	v62 =	vld [tilespmem:s13+$0xFFFFFFA0];
	v32 =	vadd.f32 $-5.000000000e-01, v48;
	(erf) = vpow2.f32 v58;
	v61 =	vmul.f32 $1.442695020e+00, v59;
	v52 =	vpop (erf)  }
0x267: {  	v60 =	vld [tilespmem:s13+$0xFFFFFF00];
	v38 =	vadd.f32 $-5.000000000e-01, v50;
	(erf) = vpow2.f32 v33;
	v31 =	vpop (erf);
	v39 =	vadd.f32 $-5.000000000e-01, v52  }
0x268: {  	v30 =	vld [tilespmem:s19+$0xFFFFFFF0];
	v20 =	vmul.f32 v36, v20;
	v27 =	vmul.f32 v32, v27;
	v32 =	vsub.f32 $0.0e+00, v54;
	v53 =	vpop (erf)  }
0x269: {  	v57 =	vld [tilespmem:s13+$0xFFFFFF90];
	v31 =	vadd.f32 $-5.000000000e-01, v31;
	v35 =	vmul.f32 v38, v46;
	(erf) = vpow2.f32 v61;
	v55 =	vpop (erf)  }
0x26a: {  	v41 =	vld [tilespmem:s13+$0xFFFFFFC0];
	v36 =	vadd.f32 $-5.000000000e-01, v53;
	v28 =	vmul.f32 v39, v28;
	v38 =	vadd.f32 $-5.000000000e-01, v55  }
0x26b: {  	v63 =	vld [tilespmem:s13+$0xFFFFFFB0];
	v33 =	vsub.f32 $0.0e+00, v62;
	v32 =	vmul.f32 $1.442695020e+00, v32;
	v31 =	vmul.f32 v31, v49  }
0x26c: {  	v20 =	vadd.f32 v20, v29;
	v29 =	vld [tilespmem:s19+$0x0];
	v34 =	vmul.f32 v36, v51;
	v38 =	vmul.f32 v38, v42  }
0x26d: {  	v27 =	vadd.f32 v35, v27;
	v35 =	vsub.f32 $0.0e+00, v60;
	v9 =	vmul.f32 v9, v30;
	v30 =	vld [tilespmem:s13+$0xFFFFFFE0]  }
0x26e: {  	v33 =	vmul.f32 $1.442695020e+00, v33;
	v28 =	vadd.f32 v31, v28;
	v31 =	vld [tilespmem:s19+$0x10];
	v34 =	vadd.f32 v38, v34  }
0x26f: {  	v36 =	vsub.f32 $0.0e+00, v57;
	(erf) = vpow2.f32 v32;
	v32 =	vsub.f32 $0.0e+00, v41;
	v42 =	vld [tilespmem:s13+$0xFFFFFFD0]  }
0x270: {  	v20 =	vadd.f32 v27, v20;
	(erf) = vpow2.f32 v40;
	v27 =	vadd.f32 v34, v28;
	v28 =	vld [tilespmem:s19+$0x20]  }
0x271: {  	v44 =	vld [tilespmem:s13+$0xFFFFFFF0];
	v43 =	vsub.f32 $0.0e+00, v63;
	v35 =	vmul.f32 $1.442695020e+00, v35;
	v36 =	vmul.f32 $1.442695020e+00, v36  }
0x272: {  	v4 =	vadd.f32 $-5.000000000e-01, v4;
	v32 =	vmul.f32 $1.442695020e+00, v32;
	v8 =	vmul.f32 v8, v29;
	v29 =	vld [tilespmem:s13+$0x0]  }
0x273: {  	(erf) = vpow2.f32 v36;
	v36 =	vmul.f32 $1.442695020e+00, v43;
	v20 =	vadd.f32 v27, v20;
	v27 =	vld [tilespmem:s19+$0x30]  }
0x274: {  	(erf) = vpow2.f32 v35;
	v10 =	vmul.f32 v10, v31;
	v31 =	vld [tilespmem:s13+$0x10];
	v34 =	vsub.f32 $0.0e+00, v42  }
0x275: {  	v30 =	vsub.f32 $0.0e+00, v30;
	(erf) = vpow2.f32 v33;
	v7 =	vmul.f32 v7, v28;
	v28 =	vld [tilespmem:s13+$0x20]  }
0x276: {  	v1 =	vadd.f32 $-5.000000000e-01, v1;
	(erf) = vpow2.f32 v36;
	v34 =	vmul.f32 $1.442695020e+00, v34  }
0x277: {  	v26 =	vld [tilespmem:s13+$0x30];
	v35 =	vsub.f32 $0.0e+00, v44;
	v30 =	vmul.f32 $1.442695020e+00, v30;
	(erf) = vpow2.f32 v32  }
0x278: {  	v29 =	vsub.f32 $0.0e+00, v29;
	(erf) = vpow2.f32 v34;
	v5 =	vmul.f32 v5, v27;
	v27 =	vld [tilespmem:s19+$0x70]  }
0x279: {  	v47 =	vpop (erf);
	v35 =	vmul.f32 $1.442695020e+00, v35;
	v31 =	vsub.f32 $0.0e+00, v31;
	(erf) = vpow2.f32 v30;
	v30 =	vld [tilespmem:s13+$0x40]  }
0x27a: {  	v3 =	vadd.f32 v3, v6;
	v49 =	vld [tilespmem:s13+$0x50];
	v29 =	vmul.f32 $1.442695020e+00, v29;
	v28 =	vsub.f32 $0.0e+00, v28  }
0x27b: {  	v11 =	vadd.f32 v13, v11;
	v48 =	vpop (erf);
	v13 =	vmul.f32 $1.442695020e+00, v31;
	(erf) = vpow2.f32 v35  }
0x27c: {  	v15 =	vadd.f32 v21, v15;
	v50 =	vpop (erf);
	(erf) = vpow2.f32 v29;
	v28 =	vmul.f32 $1.442695020e+00, v28  }
0x27d: {  	v29 =	vld [tilespmem:s13+$0x60];
	v1 =	vmul.f32 v1, v27;
	v27 =	vpop (erf);
	(erf) = vpow2.f32 v13;
	v13 =	vsub.f32 $0.0e+00, v26  }
0x27e: {  	v21 =	vld [tilespmem:s13+$0x70];
	v18 =	vadd.f32 v22, v18;
	v22 =	vpop (erf);
	(erf) = vpow2.f32 v28;
	v28 =	vsub.f32 $0.0e+00, v30  }
0x27f: {  	v2 =	vadd.f32 v16, v2;
	v13 =	vmul.f32 $1.442695020e+00, v13;
	v30 =	vsub.f32 $0.0e+00, v49  }
0x280: {  	v14 =	vadd.f32 $1.000000000e+00, v14;
	v12 =	vadd.f32 $1.000000000e+00, v12;
	v26 =	vpop (erf);
	v28 =	vmul.f32 $1.442695020e+00, v28  }
0x281: {  	v19 =	vadd.f32 v24, v19;
	v11 =	vadd.f32 v15, v11;
	v46 =	vld [tilespmem:s19+$0x60];
	v24 =	vpop (erf);
	v30 =	vmul.f32 $1.442695020e+00, v30  }
0x282: {  	v25 =	vadd.f32 v25, v23;
	v29 =	vsub.f32 $0.0e+00, v29;
	v23 =	vpop (erf)  }
0x283: {  	v18 =	vadd.f32 v19, v18;
	v21 =	vsub.f32 $0.0e+00, v21;
	(erf) = vpow2.f32 v13;
	v13 =	vpop (erf)  }
0x284: {  	v15 =	vadd.f32 v11, v2;
	v29 =	vmul.f32 $1.442695020e+00, v29;
	(erf) = vpow2.f32 v28;
	v28 =	vpop (erf)  }
0x285: {  	v21 =	vmul.f32 $1.442695020e+00, v21;
	v9 =	vadd.f32 v9, v17;
	(erf) = vpow2.f32 v30;
	v30 =	vpop (erf)  }
0x286: {  	v52 =	vld [tilespmem:s11+$0xFFFFFF60];
	v4 =	vmul.f32 v4, v46;
	v23 =	vadd.f32 $1.000000000e+00, v23;
	(erf) = vpow2.f32 v29;
	v17 =	vpop (erf)  }
0x287: {  	v53 =	vld [tilespmem:s11+$0xFFFFFF70];
	v9 =	vadd.f32 v9, v25;
	v8 =	vadd.f32 v10, v8;
	v10 =	vpop (erf);
	(erf) = vpow2.f32 v21  }
0x288: {  	v60 =	vld [tilespmem:s11+$0xFFFFFFF0];
	v33 =	vadd.f32 $1.000000000e+00, v48;
	v5 =	vadd.f32 v5, v7;
	(erf) = vrcp.f32 v23;
	v7 =	vpop (erf)  }
0x289: {  	v51 =	vld [tilespmem:s11+$0xFFFFFF20];
	v32 =	vadd.f32 $1.000000000e+00, v50;
	v31 =	vadd.f32 $1.000000000e+00, v47;
	(erf) = vrcp.f32 v14;
	v6 =	vpop (erf)  }
0x28a: {  	v46 =	vld [tilespmem:s11+$0x30];
	v5 =	vadd.f32 v5, v8;
	v1 =	vadd.f32 v1, v4;
	(erf) = vrcp.f32 v12;
	v4 =	vpop (erf)  }
0x28b: {  	v25 =	vld [tilespmem:s11+$0xFFFFFFA0];
	v22 =	vadd.f32 $1.000000000e+00, v22;
	v26 =	vadd.f32 $1.000000000e+00, v26;
	(erf) = vrcp.f32 v31;
	v16 =	vpop (erf)  }
0x28c: {  	v42 =	vld [tilespmem:s11+$0xFFFFFF50];
	v13 =	vadd.f32 $1.000000000e+00, v13;
	v23 =	vadd.f32 $1.000000000e+00, v27;
	(erf) = vrcp.f32 v33;
	v43 =	vpop (erf)  }
0x28d: {  	v50 =	vld [tilespmem:s11+$0x0];
	v28 =	vadd.f32 $1.000000000e+00, v28;
	v30 =	vadd.f32 $1.000000000e+00, v30;
	(erf) = vrcp.f32 v32;
	v19 =	vpop (erf)  }
0x28e: {  	(xrf2) =	vadd.scan.msk.f32 $0xffff, v0;
	v47 =	vld [tilespmem:s11+$0x10];
	v55 =	vadd.f32 $1.000000000e+00, v17;
	v17 =	vadd.f32 v1, v3;
	(erf) = vrcp.f32 v23;
	v54 =	vpop (erf)  }
0x28f: {  	v29 =	vld [tilespmem:s11+$0xFFFFFF00];
	v27 =	vadd.f32 $1.000000000e+00, v24;
	v10 =	vadd.f32 $1.000000000e+00, v10;
	(erf) = vrcp.f32 v22;
	v22 =	vpop (erf)  }
0x290: {  	v21 =	vld [tilespmem:s11+$0xFFFFFF10];
	v7 =	vadd.f32 $1.000000000e+00, v7;
	v6 =	vadd.f32 $1.000000000e+00, v6;
	v56 =	vpop (erf)  }
0x291: {  	v24 =	vld [tilespmem:s11+$0xFFFFFF90];
	v61 =	vadd.f32 $1.000000000e+00, v4;
	v31 =	vadd.f32 v9, v18;
	(erf) = vrcp.f32 v26;
	v8 =	vpop (erf)  }
0x292: {  	(xrf2) =	vadd.scan.msk.f32 $0xffff, v20;
	v14 =	vld [tilespmem:s11+$0xFFFFFF30];
	v33 =	vadd.f32 $1.000000000e+00, v43;
	(erf) = vrcp.f32 v27;
	v57 =	vadd.f32 $-5.000000000e-01, v8;
	v3 =	vpop (erf)  }
0x293: {  	v12 =	vld [tilespmem:s11+$0xFFFFFF40];
	v18 =	vadd.f32 $1.000000000e+00, v19;
	(erf) = vrcp.f32 v13;
	v58 =	vadd.f32 $-5.000000000e-01, v3;
	v3 =	vpop (erf)  }
0x294: {  	v23 =	vld [tilespmem:s11+$0xFFFFFF80];
	(erf) = vrcp.f32 v28;
	v20 =	vmul.f32 v57, v29;
	v59 =	vadd.f32 $-5.000000000e-01, v3;
	v3 =	vpop (erf)  }
0x295: {  	v26 =	vld [tilespmem:s11+$0xFFFFFFC0];
	v19 =	vadd.f32 $1.000000000e+00, v22;
	(erf) = vrcp.f32 v30;
	v21 =	vmul.f32 v58, v21;
	v8 =	vpop (erf)  }
0x296: {  	v27 =	vld [tilespmem:s11+$0xFFFFFFB0];
	v3 =	vadd.f32 $-5.000000000e-01, v3;
	(erf) = vrcp.f32 v55;
	v4 =	vadd.f32 $-5.000000000e-01, v8;
	v8 =	vpop (erf)  }
0x297: {  	v28 =	vld [tilespmem:s11+$0xFFFFFFD0];
	v30 =	vadd.f32 v17, v5;
	v11 =	vmul.f32 v59, v51;
	(erf) = vrcp.f32 v10;
	v10 =	vpop (erf)  }
0x298: {  	v29 =	vld [tilespmem:s11+$0xFFFFFFE0];
	v13 =	vmul.f32 v3, v14;
	v8 =	vadd.f32 $-5.000000000e-01, v8;
	(erf) = vrcp.f32 v7;
	v7, _, _ =	vpop (xrf2)  }
0x299: {  	v5 =	vld [tilespmem:s11+$0x40];
	v14 =	vadd.f32 $1.000000000e+00, v16;
	v10 =	vadd.f32 $-5.000000000e-01, v10;
	(erf) = vrcp.f32 v6;
	v6 =	vpop (erf)  }
0x29a: {  	s12 =	simm.s32 $0x18A02;
	v9 =	vmul.f32 v4, v12;
	v4 =	vld [tilespmem:s11+$0x20];
	v12 =	vmul.f32 v8, v42;
	v16 =	vadd.f32 $-5.000000000e-01, v6;
	v62 =	vpop (erf)  }
0x29b: {  	v22 =	vadd.f32 $1.000000000e+00, v56;
	[tilespmem:s12+$0x1] =	vst.msk vm0, v7;
	v7 =	vld [tilespmem:s11+$0x60];
	(erf) = vrcp.f32 v61;
	v10 =	vmul.f32 v10, v52;
	v63 =	vpop (erf)  }
0x29c: {  	s13 =	simm.s32 $0x18A06;
	v17 =	vadd.f32 $1.000000000e+00, v54;
	v6 =	vld [tilespmem:s11+$0x50];
	(erf) = vrcp.f32 v14;
	v8, _, _ =	vpop (xrf2);
	v14 =	vmul.f32 v16, v53  }
0x29d: {  	s14 =	simm.s32 $0x4;
	s15 =	simm.s32 $0x4900;
	v16 =	vadd.f32 $-5.000000000e-01, v62;
	v32 =	vadd.f32 $-5.000000000e-01, v63;
	(erf) = vrcp.f32 v33;
	v33 =	vpop (erf);
	[tilespmem:s13+$0x1] =	vst.msk vm0, v8;
	v8 =	vld [tilespmem:s11+$0x70]  }
.LBB2_6:
0x29e: {  	v34 =	vld [tilespmem:s15+$0x80]  }
0x29f: {  	v35 =	vld [tilespmem:s15+$0x90]  }
0x2a0: {  	v49 =	vpop (erf);
	(erf) = vrcp.f32 v18;
	v53 =	vld [tilespmem:s15+$0xA0]  }
0x2a1: {  	v55 =	vld [tilespmem:s15+$0xB0];
	v52 =	vpop (erf);
	(erf) = vrcp.f32 v17  }
0x2a2: {  	v36 =	vld [tilespmem:s15+$0xD0];
	v56 =	vadd.f32 v21, v20;
	v1 =	vadd.f32 $-5.000000000e-01, v52;
	v0 =	vmul.f32 v16, v23  }
0x2a3: {  	(xrf2) =	vadd.scan.msk.f32 $0xffff, v15;
	v15 =	vmovc v14;
	v23 =	vadd.f32 $-5.000000000e-01, v33;
	v51 =	vmul.f32 v32, v24;
	v24 =	vadd.f32 $-5.000000000e-01, v49  }
0x2a4: {  	v58 =	vld [tilespmem:s15+$0xE0];
	v20 =	vmul.f32 v1, v26;
	v14 =	vmovc v7;
	v7 =	vmovc v4;
	v34 =	vsub.f32 $0.0e+00, v34;
	v57 =	vsub.f32 $0.0e+00, v35  }
0x2a5: {  	v59 =	vld [tilespmem:s15+$0xF0];
	v33 =	vsub.f32 $0.0e+00, v53;
	v54 =	vmul.f32 v23, v25;
	v25 =	vpop (erf);
	(erf) = vrcp.f32 v19  }
0x2a6: {  	v19 =	vmul.f32 v24, v27;
	v27 =	vld [tilespmem:s15+$0xC0];
	v24 =	vadd.f32 $-5.000000000e-01, v25;
	v25 =	vpop (erf);
	(erf) = vrcp.f32 v22  }
0x2a7: {  	v37 =	vld [tilespmem:s15+$0xFFFFFF10];
	v4 =	vmov v50;
	v32 =	vsub.f32 $0.0e+00, v55;
	v36 =	vsub.f32 $0.0e+00, v36;
	v23 =	vpop (erf)  }
0x2a8: {  	v39 =	vld [tilespmem:s15+$0xFFFFFF20];
	(xrf2) =	vadd.scan.msk.f32 $0xffff, v31;
	v31 =	vmul.f32 $1.442695020e+00, v34;
	v22 =	vadd.f32 $-5.000000000e-01, v25;
	v25 =	vadd.f32 $-5.000000000e-01, v23;
	v23 =	vpop (erf)  }
0x2a9: {  	v41 =	vld [tilespmem:s15+$0xFFFFFF30];
	v38 =	vmul.f32 $1.442695020e+00, v57;
	v33 =	vmul.f32 $1.442695020e+00, v33;
	v26 =	vadd.f32 $-5.000000000e-01, v23;
	v23 =	vpop (erf)  }
0x2aa: {  	v62 =	vld [tilespmem:s15+$0xFFFFFF40];
	v21 =	vmul.f32 v24, v28;
	v22 =	vmul.f32 v22, v29;
	v28 =	vadd.f32 $-5.000000000e-01, v23;
	v23 =	vpop (erf)  }
0x2ab: {  	v42 =	vld [tilespmem:s15+$0xFFFFFF60];
	v40 =	vsub.f32 $0.0e+00, v27;
	v29 =	vadd.f32 $-5.000000000e-01, v23;
	v23 =	vpop (erf);
	(erf) = vpow2.f32 v31  }
0x2ac: {  	v44 =	vld [tilespmem:s15+$0xFFFFFFA0];
	v35 =	vsub.f32 $0.0e+00, v58;
	v61 =	vmul.f32 $1.442695020e+00, v32;
	v24 =	vpop (erf);
	(erf) = vpow2.f32 v38  }
0x2ad: {  	v43 =	vld [tilespmem:s15+$0xFFFFFF70];
	v37 =	vsub.f32 $0.0e+00, v37;
	v63 =	vmul.f32 $1.442695020e+00, v40;
	v27 =	vpop (erf);
	(erf) = vpow2.f32 v33  }
0x2ae: {  	v50 =	vld [tilespmem:s15+$0x20];
	v36 =	vmul.f32 $1.442695020e+00, v36;
	v34 =	vsub.f32 $0.0e+00, v59;
	v31 =	vpop (erf);
	(erf) = vpow2.f32 v61  }
0x2af: {  	[tilespmem:$0x1FFB0] =	vst v56;
	v39 =	vsub.f32 $0.0e+00, v39;
	v53 =	vld [tilespmem:s15+$0xFFFFFF80];
	v35 =	vmul.f32 $1.442695020e+00, v35;
	v32 =	vpop (erf);
	(erf) = vpow2.f32 v63  }
0x2b0: {  	v45 =	vld [tilespmem:s15+$0xFFFFFF50];
	v52 =	vsub.f32 $0.0e+00, v41;
	[tilespmem:$0x1FF80] =	vst v0;
	v49 =	vmul.f32 $1.442695020e+00, v34;
	(erf) = vpow2.f32 v36  }
0x2b1: {  	v55 =	vld [tilespmem:s15+$0xFFFFFF90];
	v44 =	vsub.f32 $0.0e+00, v44;
	[tilespmem:$0x1FF90] =	vst v51;
	v51 =	vmul.f32 $1.442695020e+00, v37;
	v48, _, _ =	vpop (xrf2);
	(erf) = vpow2.f32 v35  }
0x2b2: {  	v39 =	vmul.f32 $1.442695020e+00, v39;
	v57 =	vsub.f32 $0.0e+00, v42;
	[tilespmem:$0x1FFA0] =	vst v54;
	v56, _, _ =	vpop (xrf2);
	(erf) = vpow2.f32 v49  }
0x2b3: {  	v17 =	vmovc v12;
	v12 =	vmovc v46;
	v54 =	vsub.f32 $0.0e+00, v62;
	v0 =	vsub.f32 $0.0e+00, v50;
	[tilespmem:s12+$0xFFFFFFFF] =	vst.msk vm0, v56;
	(erf) = vpow2.f32 v51  }
0x2b4: {  	v34 =	vsub.f32 $0.0e+00, v53;
	(xrf2) =	vadd.scan.msk.f32 $0xffff, v30;
	v30 =	vsub.f32 $0.0e+00, v43;
	v58 =	vld [tilespmem:s15+$0xFFFFFFB0];
	(erf) = vpow2.f32 v39;
	v59 =	vpop (erf)  }
0x2b5: {  	v41 =	vmul.f32 $1.442695020e+00, v52;
	v52 =	vld [tilespmem:s15+$0xFFFFFFD0];
	v33 =	vsub.f32 $0.0e+00, v45;
	v49 =	vadd.f32 $1.000000000e+00, v59;
	v51 =	vpop (erf)  }
0x2b6: {  	v37 =	vmul.f32 $1.442695020e+00, v57;
	v38 =	vsub.f32 $0.0e+00, v55;
	v61 =	vld [tilespmem:s15+$0xFFFFFFC0];
	v53 =	vadd.f32 $1.000000000e+00, v51;
	v45 =	vpop (erf)  }
0x2b7: {  	v63 =	vld [tilespmem:s15+$0xFFFFFFF0];
	v36 =	vmul.f32 $1.442695020e+00, v33;
	v2 =	vadd.f32 $1.000000000e+00, v45;
	(erf) = vrcp.f32 v49;
	v62 =	vpop (erf)  }
0x2b8: {  	v35 =	vmul.f32 $1.442695020e+00, v54;
	v54 =	vld [tilespmem:s15+$0xFFFFFFE0];
	v55 =	vadd.f32 $1.000000000e+00, v62;
	(erf) = vrcp.f32 v53;
	v56 =	vpop (erf)  }
0x2b9: {  	v42 =	vsub.f32 $0.0e+00, v58;
	v51 =	vld [tilespmem:s15+$0x30];
	v57 =	vadd.f32 $1.000000000e+00, v56;
	(erf) = vrcp.f32 v2;
	v58 =	vpop (erf)  }
0x2ba: {  	v40 =	vsub.f32 $0.0e+00, v52;
	v49 =	vld [tilespmem:s15+$0x10];
	v45 =	vadd.f32 $1.000000000e+00, v58;
	(erf) = vrcp.f32 v55;
	v59 =	vpop (erf)  }
0x2bb: {  	[tilespmem:s12+$0xFFFFFFFE] =	vst.msk vm0, v48;
	v48 =	vld [tilespmem:s15+$0x0];
	v33 =	vsub.f32 $0.0e+00, v61;
	v39 =	vadd.f32 $1.000000000e+00, v59;
	(erf) = vrcp.f32 v57;
	v61 =	vpop (erf)  }
0x2bc: {  	v50 =	vmul.f32 $1.442695020e+00, v40;
	v62 =	vadd.f32 $1.000000000e+00, v61;
	v52 =	vpop (erf);
	(erf) = vrcp.f32 v45  }
0x2bd: {  	s11 =	sadd.s32 $0x200, s11;
	v46 =	vsub.f32 $0.0e+00, v54;
	v54 =	vld [tilespmem:s15+$0x40];
	v53 =	vmul.f32 $1.442695020e+00, v30;
	v55 =	vpop (erf);
	(erf) = vrcp.f32 v39  }
0x2be: {  	v18 =	vmovc v8;
	v30 =	vsub.f32 $0.0e+00, v63;
	v56 =	vmul.f32 $1.442695020e+00, v34;
	v59 =	vld [tilespmem:s11+$0x90];
	(erf) = vrcp.f32 v62  }
0x2bf: {  	v63, _, _ =	vpop (xrf2);
	v57 =	vmul.f32 $1.442695020e+00, v38;
	v2 =	vsub.f32 $0.0e+00, v51;
	v51 =	vld [tilespmem:s11+$0xB0];
	v38 =	vsub.f32 $0.0e+00, v49  }
0x2c0: {  	v34 =	vsub.f32 $0.0e+00, v48;
	v48 =	vmul.f32 $1.442695020e+00, v46;
	v58 =	vmul.f32 $1.442695020e+00, v44;
	v39 =	vld [tilespmem:s11+$0x80];
	v1 =	vpop (erf)  }
0x2c1: {  	v8 =	vmov v47;
	v47 =	vmul.f32 $1.442695020e+00, v30;
	v49 =	vmul.f32 $1.442695020e+00, v33;
	v61 =	vld [tilespmem:s11+$0xA0];
	v62 =	vpop (erf)  }
0x2c2: {  	[tilespmem:s12+$0x0] =	vst.msk vm0, v63;
	v45 =	vmul.f32 $1.442695020e+00, v34;
	v34 =	vsub.f32 $0.0e+00, v54;
	v54 =	vld [tilespmem:s11+$0xC0];
	v30 =	vadd.f32 $1.000000000e+00, v52;
	v63 =	vpop (erf)  }
0x2c3: {  	v33 =	vld [tilespmem:s11+$0xD0];
	v46 =	vmul.f32 $1.442695020e+00, v38;
	v40 =	vadd.f32 $-5.000000000e-01, v1;
	v52 =	vadd.f32 $-5.000000000e-01, v62;
	v38 =	vpop (erf)  }
0x2c4: {  	v44 =	vmul.f32 $1.442695020e+00, v0;
	v43 =	vmul.f32 $1.442695020e+00, v34;
	v62 =	vld [tilespmem:s11+$0xE0];
	v34 =	vadd.f32 $-5.000000000e-01, v63;
	v0 =	vpop (erf)  }
0x2c5: {  	v63 =	vld [tilespmem:s11+$0xF0];
	v39 =	vmul.f32 v40, v39;
	v38 =	vadd.f32 $-5.000000000e-01, v38;
	v40 =	vmul.f32 v52, v59;
	v1 =	vpop (erf)  }
0x2c6: {  	v0 =	vadd.f32 $-5.000000000e-01, v0;
	(erf) = vpow2.f32 v41;
	v61 =	vmul.f32 v34, v61;
	v41 =	vpop (erf)  }
0x2c7: {  	v1 =	vadd.f32 $-5.000000000e-01, v1;
	v38 =	vmul.f32 v38, v51;
	v52 =	vadd.f32 $-5.000000000e-01, v41;
	v41 =	vpop (erf)  }
0x2c8: {  	v0 =	vmul.f32 v0, v54;
	(erf) = vpow2.f32 v35;
	v34 =	vadd.f32 $-5.000000000e-01, v41  }
0x2c9: {  	v51 =	vld [tilespmem:s15+$0xFFFFFF00];
	v41 =	vadd.f32 $1.000000000e+00, v55;
	v1 =	vmul.f32 v1, v33;
	(erf) = vpow2.f32 v36  }
0x2ca: {  	v55 =	vadd.f32 $-5.000000000e-01, v23;
	v52 =	vmul.f32 v52, v62;
	v63 =	vmul.f32 v34, v63  }
0x2cb: {  	v23 =	vadd.f32 v40, v39;
	v38 =	vadd.f32 v38, v61;
	(erf) = vpow2.f32 v37  }
0x2cc: {  	v0 =	vadd.f32 v1, v0;
	v61 =	vadd.f32 v63, v52  }
0x2cd: {  	v11 =	vadd.f32 v13, v11;
	v23 =	vadd.f32 v38, v23  }
0x2ce: {  	v16 =	vmovc v9;
	v3 =	vld [tilespmem:s15+$0x60];
	(erf) = vpow2.f32 v53;
	v62 =	vsub.f32 $0.0e+00, v51;
	v0 =	vadd.f32 v61, v0  }
0x2cf: {  	v9 =	vmovc v5;
	v5 =	vmovc v10;
	v10 =	vmov v6;
	v6 =	vmul.f32 $1.442695020e+00, v42;
	v42 =	vmul.f32 $1.442695020e+00, v2;
	v59 =	vld [tilespmem:s15+$0x70]  }
0x2d0: {  	v2 =	vld [tilespmem:s15+$0x50];
	v62 =	vmul.f32 $1.442695020e+00, v62;
	v61 =	vpop (erf);
	v0 =	vadd.f32 v0, v23;
	(erf) = vpow2.f32 v56  }
0x2d1: {  	v13 =	vmul.f32 v26, v4;
	v31 =	vadd.f32 $-5.000000000e-01, v31;
	(erf) = vpow2.f32 v57  }
0x2d2: {  	v32 =	vadd.f32 $-5.000000000e-01, v32;
	v54 =	vmul.f32 v25, v60;
	v60 =	vpop (erf);
	(xrf2) =	vadd.scan.msk.f32 $0xffff, v0;
	(erf) = vpow2.f32 v62  }
0x2d3: {  	v3 =	vsub.f32 $0.0e+00, v3;
	v26 =	vpop (erf);
	(erf) = vpow2.f32 v58;
	v58 =	vmul.f32 v29, v7;
	v7 =	vld [tilespmem:$0x1FF90]  }
0x2d4: {  	v63 =	vsub.f32 $0.0e+00, v59;
	v56 =	vmul.f32 v28, v8;
	v28 =	vpop (erf);
	(erf) = vpow2.f32 v6;
	v6 =	vld [tilespmem:$0x1FF80]  }
0x2d5: {  	v31 =	vmul.f32 v31, v14;
	v14 =	vmul.f32 v32, v18;
	v2 =	vsub.f32 $0.0e+00, v2  }
0x2d6: {  	v3 =	vmul.f32 $1.442695020e+00, v3;
	v51 =	vmul.f32 $1.442695020e+00, v63;
	v63 =	vadd.f32 $-5.000000000e-01, v24  }
0x2d7: {  	v18 =	vadd.f32 v21, v20;
	v2 =	vmul.f32 $1.442695020e+00, v2;
	v29 =	vpop (erf);
	(erf) = vpow2.f32 v49  }
0x2d8: {  	v14 =	vadd.f32 v14, v31;
	v0 =	vmul.f32 v63, v9;
	(erf) = vpow2.f32 v50  }
0x2d9: {  	v9 =	vadd.f32 v17, v16;
	v4 =	vpop (erf);
	(erf) = vpow2.f32 v48;
	v16 =	vadd.f32 v7, v6;
	v6 =	vld [tilespmem:$0x1FFA0]  }
0x2da: {  	v20 =	vadd.f32 v54, v22;
	v53 =	vadd.f32 $-5.000000000e-01, v27;
	(erf) = vpow2.f32 v47  }
0x2db: {  	v49 =	vmul.f32 v55, v12;
	v48 =	vadd.f32 $1.000000000e+00, v4;
	v4 =	vpop (erf);
	(erf) = vpow2.f32 v45  }
0x2dc: {  	s12 =	smov.u32 s13;
	s13 =	sadd.s32 $0x4, s13;
	v12 =	vmul.f32 v53, v10;
	v10 =	vadd.f32 v15, v5;
	(erf) = vpow2.f32 v46;
	v5, _, _ =	vpop (xrf2)  }
0x2dd: {  	v52 =	vadd.f32 $1.000000000e+00, v61;
	v1 =	vadd.f32 $1.000000000e+00, v60;
	[tilespmem:s13+$0x1] =	vst.msk vm0, v5;
	v5 =	vpop (erf);
	(erf) = vpow2.f32 v44  }
0x2de: {  	v13 =	vadd.f32 v56, v13;
	v15 =	vld [tilespmem:$0x1FFB0];
	v17 =	vadd.f32 v19, v6;
	v6 =	vpop (erf);
	(erf) = vpow2.f32 v42  }
0x2df: {  	v35 =	vld [tilespmem:s11+$0xFFFFFF20];
	v57 =	vadd.f32 $1.000000000e+00, v26;
	v19 =	vadd.f32 $1.000000000e+00, v5;
	v7 =	vpop (erf);
	(erf) = vpow2.f32 v43  }
0x2e0: {  	v25 =	vld [tilespmem:s11+$0xFFFFFFA0];
	v59 =	vadd.f32 $1.000000000e+00, v28;
	v0 =	vadd.f32 v12, v0;
	v8 =	vpop (erf);
	(erf) = vpow2.f32 v2  }
0x2e1: {  	v33 =	vld [tilespmem:s11+$0xFFFFFF00];
	v55 =	vadd.f32 $1.000000000e+00, v29;
	v62 =	vadd.f32 v49, v58;
	v22 =	vpop (erf);
	(erf) = vpow2.f32 v3  }
0x2e2: {  	v36 =	vld [tilespmem:s11+$0xFFFFFF30];
	v9 =	vadd.f32 v10, v9;
	v0 =	vadd.f32 v14, v0;
	v12 =	vpop (erf);
	(erf) = vpow2.f32 v51  }
0x2e3: {  	v39 =	vld [tilespmem:s11+$0xFFFFFF60];
	v11 =	vadd.f32 v11, v15;
	v32 =	vadd.f32 $1.000000000e+00, v4;
	(erf) = vrcp.f32 v19;
	v19 =	vpop (erf)  }
0x2e4: {  	v40 =	vld [tilespmem:s11+$0xFFFFFF70];
	v21 =	vadd.f32 $1.000000000e+00, v6;
	v61 =	vadd.f32 $1.000000000e+00, v7;
	(erf) = vrcp.f32 v30;
	v15 =	vpop (erf)  }
0x2e5: {  	v37 =	vld [tilespmem:s11+$0xFFFFFF40];
	v16 =	vadd.f32 v17, v16;
	v10 =	vadd.f32 $1.000000000e+00, v15;
	(erf) = vrcp.f32 v41;
	v15 =	vpop (erf)  }
0x2e6: {  	v34 =	vld [tilespmem:s11+$0xFFFFFF10];
	v2 =	vadd.f32 v62, v13;
	v51 =	vadd.f32 $1.000000000e+00, v15;
	(erf) = vrcp.f32 v52;
	v15 =	vpop (erf)  }
0x2e7: {  	v38 =	vld [tilespmem:s11+$0xFFFFFF50];
	v63 =	vadd.f32 $1.000000000e+00, v8;
	v3 =	vadd.f32 $1.000000000e+00, v22;
	(erf) = vrcp.f32 v1;
	v54 =	vpop (erf)  }
0x2e8: {  	v27 =	vld [tilespmem:s11+$0xFFFFFFB0];
	v12 =	vadd.f32 $1.000000000e+00, v12;
	v49 =	vadd.f32 $1.000000000e+00, v19;
	(erf) = vrcp.f32 v57;
	v13 =	vpop (erf)  }
0x2e9: {  	v24 =	vld [tilespmem:s11+$0xFFFFFF90];
	v19 =	vadd.f32 v20, v18;
	v18 =	vadd.f32 $1.000000000e+00, v13;
	(erf) = vrcp.f32 v59;
	v13 =	vpop (erf)  }
0x2ea: {  	v23 =	vld [tilespmem:s11+$0xFFFFFF80];
	v53 =	vadd.f32 $1.000000000e+00, v15;
	v15 =	vadd.f32 v9, v11;
	(erf) = vrcp.f32 v55;
	v9 =	vpop (erf)  }
0x2eb: {  	v60 =	vld [tilespmem:s11+$0xFFFFFFF0];
	v31 =	vadd.f32 v19, v16;
	v19 =	vadd.f32 $1.000000000e+00, v9;
	(erf) = vrcp.f32 v48;
	v9 =	vpop (erf)  }
0x2ec: {  	v26 =	vld [tilespmem:s11+$0xFFFFFFC0];
	v30 =	vadd.f32 v0, v2;
	v1 =	vadd.f32 $1.000000000e+00, v54;
	v55 =	vpop (erf);
	(erf) = vrcp.f32 v32  }
0x2ed: {  	v28 =	vld [tilespmem:s11+$0xFFFFFFD0];
	v17 =	vadd.f32 $1.000000000e+00, v13;
	v0 =	vadd.f32 $-5.000000000e-01, v55;
	v56 =	vpop (erf);
	(erf) = vrcp.f32 v21  }
0x2ee: {  	v29 =	vld [tilespmem:s11+$0xFFFFFFE0];
	v22 =	vadd.f32 $1.000000000e+00, v9;
	v2 =	vadd.f32 $-5.000000000e-01, v56;
	v9 =	vpop (erf);
	(erf) = vrcp.f32 v61  }
0x2ef: {  	v50 =	vld [tilespmem:s11+$0x0];
	v20 =	vmul.f32 v0, v33;
	v57 =	vadd.f32 $-5.000000000e-01, v9;
	v9 =	vpop (erf);
	(erf) = vrcp.f32 v63  }
0x2f0: {  	s14 =	sadd.s32 $0x4, s14;
	v47 =	vld [tilespmem:s11+$0x10];
	v21 =	vmul.f32 v2, v34;
	v58 =	vadd.f32 $-5.000000000e-01, v9;
	v9 =	vpop (erf);
	(erf) = vrcp.f32 v3  }
0x2f1: {  	p0 =	slt.u32 s14, $0x7C;
	v4 =	vld [tilespmem:s11+$0x20];
	v11 =	vmul.f32 v57, v35;
	v59 =	vadd.f32 $-5.000000000e-01, v9;
	v3 =	vpop (erf);
	(erf) = vrcp.f32 v12  }
.Ltmp2:
0x2f2: {  	v46 =	vld [tilespmem:s11+$0x30];
	v13 =	vmul.f32 v58, v36;
	v61 =	vadd.f32 $-5.000000000e-01, v3;
	v3 =	vpop (erf);
	(erf) = vrcp.f32 v49;
	(pc) =	sbr.rel @p0 .LBB2_6-.Ltmp2, $4  }
0x2f3: {  	v5 =	vld [tilespmem:s11+$0x40];
	v9 =	vmul.f32 v59, v37;
	v14 =	vadd.f32 $-5.000000000e-01, v3;
	v3 =	vpop (erf);
	(erf) = vrcp.f32 v10  }
0x2f4: {  	v6 =	vld [tilespmem:s11+$0x50];
	v12 =	vmul.f32 v61, v38;
	v62 =	vadd.f32 $-5.000000000e-01, v3;
	v3 =	vpop (erf);
	(erf) = vrcp.f32 v51  }
0x2f5: {  	v7 =	vld [tilespmem:s11+$0x60];
	v10 =	vmul.f32 v14, v39;
	v16 =	vadd.f32 $-5.000000000e-01, v3;
	v63 =	vpop (erf);
	(erf) = vrcp.f32 v53  }
0x2f6: {  	s15 =	sadd.s32 $0x200, s15;
	v8 =	vld [tilespmem:s11+$0x70];
	v14 =	vmul.f32 v62, v40;
	v32 =	vadd.f32 $-5.000000000e-01, v63;
	v33 =	vpop (erf);
	(erf) = vrcp.f32 v1  }
0x2f7: {  	v0 =	vpop (erf);
	(erf) = vrcp.f32 v18;
	v45 =	vadd.f32 $-5.000000000e-01, v33  }
0x2f8: {  	v16 =	vmul.f32 v16, v23;
	v20 =	vadd.f32 v21, v20;
	v1 =	vpop (erf);
	(erf) = vrcp.f32 v17  }
0x2f9: {  	v11 =	vadd.f32 v13, v11;
	v9 =	vadd.f32 v12, v9;
	v2 =	vpop (erf);
	(erf) = vrcp.f32 v19  }
0x2fa: {  	v0 =	vadd.f32 $-5.000000000e-01, v0;
	v10 =	vadd.f32 v14, v10;
	v3 =	vpop (erf);
	(erf) = vrcp.f32 v22  }
0x2fb: {  	v51 =	vmul.f32 v32, v24;
	v1 =	vadd.f32 $-5.000000000e-01, v1;
	v2 =	vadd.f32 $-5.000000000e-01, v2;
	v44 =	vpop (erf)  }
0x2fc: {  	v18 =	vmul.f32 v45, v25;
	v0 =	vmul.f32 v0, v27;
	v3 =	vadd.f32 $-5.000000000e-01, v3;
	v48 =	vpop (erf)  }
0x2fd: {  	v1 =	vmul.f32 v1, v26;
	v17 =	vadd.f32 $-5.000000000e-01, v44;
	v2 =	vmul.f32 v2, v28;
	v49 =	vpop (erf)  }
0x2fe: {  	v0 =	vadd.f32 v0, v18;
	v19 =	vadd.f32 $-5.000000000e-01, v48;
	v3 =	vmul.f32 v3, v29;
	v52 =	vpop (erf)  }
0x2ff: {  	v22 =	vadd.f32 $-5.000000000e-01, v49;
	v17 =	vmul.f32 v17, v60;
	v60 =	vadd.f32 v51, v16;
	v53 =	vpop (erf)  }
0x300: {  	v1 =	vadd.f32 v2, v1;
	v24 =	vadd.f32 $-5.000000000e-01, v52;
	v54 =	vpop (erf)  }
0x301: {  	v21 =	vadd.f32 $-5.000000000e-01, v53;
	v3 =	vadd.f32 v17, v3;
	v55 =	vpop (erf)  }
0x302: {  	v19 =	vmul.f32 v19, v50;
	v0 =	vadd.f32 v0, v60;
	v25 =	vadd.f32 $-5.000000000e-01, v54;
	v56 =	vpop (erf)  }
0x303: {  	v59 =	vmul.f32 v24, v4;
	v26 =	vadd.f32 $-5.000000000e-01, v55;
	v4 =	vmul.f32 v21, v46;
	v57 =	vpop (erf)  }
0x304: {  	v58 =	vmul.f32 v22, v47;
	v27 =	vadd.f32 $-5.000000000e-01, v56;
	v28 =	vadd.f32 $-5.000000000e-01, v57  }
0x305: {  	v5 =	vmul.f32 v25, v5;
	v6 =	vmul.f32 v26, v6;
	v4 =	vadd.f32 v4, v59  }
0x306: {  	v7 =	vmul.f32 v27, v7;
	v2 =	vmul.f32 v28, v8;
	v8 =	vadd.f32 v58, v19  }
0x307: {  	v5 =	vadd.f32 v6, v5;
	v6 =	vadd.f32 v11, v20  }
0x308: {  	v2 =	vadd.f32 v2, v7;
	v7 =	vadd.f32 v10, v9  }
0x309: {  	(xrf2) =	vadd.scan.msk.f32 $0xffff, v15;
	v1 =	vadd.f32 v3, v1;
	v3 =	vadd.f32 v4, v8  }
0x30a: {  	(xrf2) =	vadd.scan.msk.f32 $0xffff, v31;
	v2 =	vadd.f32 v2, v5;
	v4 =	vadd.f32 v7, v6  }
0x30b: {  	(xrf2) =	vadd.scan.msk.f32 $0xffff, v30;
	v0 =	vadd.f32 v1, v0  }
0x30c: {  	v1 =	vadd.f32 v2, v3;
	(xrf2) =	vadd.scan.msk.f32 $0xffff, v4  }
0x30d: {  	(xrf2) =	vadd.scan.msk.f32 $0xffff, v0  }
0x30e: {  	(xrf2) =	vadd.scan.msk.f32 $0xffff, v1;
	_ =	sdelay $0x4  }
0x30f: {  	v0, _, _ =	vpop (xrf2)  }
0x310: {  	[tilespmem:s12+$0xFFFFFFFE] =	vst.msk vm0, v0;
	v1, _, _ =	vpop (xrf2)  }
0x311: {  	v0, _, _ =	vpop (xrf2);
	[tilespmem:s12+$0xFFFFFFFF] =	vst.msk vm0, v1  }
0x312: {  	[tilespmem:s12+$0x0] =	vst.msk vm0, v0;
	v1, _, _ =	vpop (xrf2)  }
0x313: {  	[tilespmem:s13+$0xFFFFFFFE] =	vst.msk vm0, v1;
	v0, _, _ =	vpop (xrf2)  }
0x314: {  	[tilespmem:s13+$0xFFFFFFFF] =	vst.msk vm0, v0;
	v0, _, _ =	vpop (xrf2)  }
0x315: {  	[tilespmem:s13+$0x0] =	vst.msk vm0, v0  }
0x316: {  	s12 =	simm.s32 $0x18480;
	s11 =	rddreg [dreg:$0x13]  }
0x317: {  	[tilespmem:s17], [sflag:$0x6] =	stream.linear.gather [hbm4b:s11+s4], $0x4000, $0x38;
	[tilespmem:$0x18B00] =	vst v63  }
0x318: {  	v0 =	vld [tilespmem:s12+$0x0]  }
0x319: {  	s13 =	simm.s32 $0x18680  }
0x31a: {  	s14 =	simm.s32 $0x18A00;
	v1 =	vld [tilespmem:s13+$0x0]  }
0x31b: {  	v2 =	vld [tilespmem:s14+$0x0];
	_ =	sdelay $0x1  }
0x31c: {  	v0 =	vsub.f32 $0.0e+00, v0;
	_ =	sdelay $0x1  }
0x31d: {  	v0 =	vmul.f32 $1.442695020e+00, v0  }
0x31e: {  	s15 =	simm.s32 $0x18490;
	v1 =	vsub.f32 $0.0e+00, v1;
	v2 =	vmul.f32 $-1.999999960e-02, v2  }
0x31f: {  	s16 =	simm.s32 $0x18690;
	v3 =	vld [tilespmem:s15+$0x0];
	(erf) = vpow2.f32 v0  }
0x320: {  	s17 =	simm.s32 $0x18A10;
	v1 =	vmul.f32 $1.442695020e+00, v1;
	v2 =	vadd.f32 $0.0e+00, v2;
	v0 =	vld [tilespmem:s16+$0x0]  }
0x321: {  	v4 =	vld [tilespmem:s17+$0x0]  }
0x322: {  	v2 =	vmul.f32 $1.442695020e+00, v2;
	(erf) = vpow2.f32 v1;
	_ =	sdelay $0x1  }
0x323: {  	v1 =	vsub.f32 $0.0e+00, v3;
	(erf) = vpow2.f32 v2  }
0x324: {  	s18 =	simm.s32 $0x184A0;
	v0 =	vsub.f32 $0.0e+00, v0  }
0x325: {  	s12 =	simm.s32 $0x18A20;
	v3 =	vld [tilespmem:s18+$0x0];
	v2 =	vmul.f32 $-1.999999960e-02, v4;
	v1 =	vmul.f32 $1.442695020e+00, v1  }
0x326: {  	s19 =	simm.s32 $0x186A0;
	v5 =	vld [tilespmem:s12+$0x0];
	v0 =	vmul.f32 $1.442695020e+00, v0  }
0x327: {  	v2 =	vadd.f32 $0.0e+00, v2;
	(erf) = vpow2.f32 v1;
	v1 =	vld [tilespmem:s19+$0x0];
	v4 =	vpop (erf)  }
0x328: {  	(erf) = vpow2.f32 v0;
	v0 =	vadd.f32 $1.000000000e+00, v4  }
0x329: {  	v2 =	vmul.f32 $1.442695020e+00, v2  }
0x32a: {  	s13 =	simm.s32 $0x184B0;
	v3 =	vsub.f32 $0.0e+00, v3;
	v4 =	vpop (erf);
	(erf) = vrcp.f32 v0  }
0x32b: {  	v4 =	vadd.f32 $1.000000000e+00, v4;
	(erf) = vpow2.f32 v2;
	v2 =	vld [tilespmem:s13+$0x0]  }
0x32c: {  	v0 =	vsub.f32 $0.0e+00, v1;
	v1 =	vmul.f32 $1.442695020e+00, v3;
	v3 =	vmul.f32 $-1.999999960e-02, v5;
	v5 =	vpop (erf)  }
0x32d: {  	s14 =	simm.s32 $0x18A30;
	v5 =	vadd.f32 $1.000000000e+00, v5;
	(erf) = vrcp.f32 v4  }
0x32e: {  	s15 =	simm.s32 $0x186B0;
	v4 =	vld [tilespmem:s14+$0x0];
	v0 =	vmul.f32 $1.442695020e+00, v0;
	v3 =	vadd.f32 $0.0e+00, v3;
	(erf) = vpow2.f32 v1  }
0x32f: {  	v1 =	vld [tilespmem:s15+$0x0]  }
0x330: {  	v6 =	vpop (erf);
	(erf) = vpow2.f32 v0;
	v3 =	vmul.f32 $1.442695020e+00, v3;
	v2 =	vsub.f32 $0.0e+00, v2  }
0x331: {  	v0 =	vadd.f32 $1.000000000e+00, v6  }
0x332: {  	s17 =	simm.s32 $0x184C0;
	(erf) = vrcp.f32 v5;
	v5 =	vpop (erf);
	v2 =	vmul.f32 $1.442695020e+00, v2  }
0x333: {  	s16 =	simm.s32 $0x18A40;
	v6 =	vld [tilespmem:s17+$0x0];
	(erf) = vrcp.f32 v0;
	v4 =	vmul.f32 $-1.999999960e-02, v4;
	v5 =	vadd.f32 $1.000000000e+00, v5  }
0x334: {  	v0 =	vld [tilespmem:s16+$0x0];
	(erf) = vpow2.f32 v3;
	v1 =	vsub.f32 $0.0e+00, v1;
	v3 =	vpop (erf)  }
0x335: {  	s18 =	simm.s32 $0x186C0;
	(erf) = vrcp.f32 v5;
	v4 =	vadd.f32 $0.0e+00, v4;
	v7 =	vpop (erf);
	v3 =	vmul.f32 $4.000000060e-01, v3  }
0x336: {  	v5 =	vld [tilespmem:s18+$0x0];
	v1 =	vmul.f32 $1.442695020e+00, v1;
	(erf) = vpow2.f32 v2;
	v2 =	vpop (erf)  }
0x337: {  	v7 =	vadd.f32 $1.000000000e+00, v7;
	v4 =	vmul.f32 $1.442695020e+00, v4;
	v3 =	vsub.f32 $1.000000000e+00, v3;
	v8 =	vpop (erf)  }
0x338: {  	(erf) = vpow2.f32 v1;
	v2 =	vmul.f32 $4.000000060e-01, v2;
	v1 =	vadd.f32 $1.000000000e+00, v8  }
0x339: {  	v8 =	vpop (erf);
	(erf) = vrcp.f32 v7;
	v7 =	vmul.f32 $-1.999999960e-02, v0;
	v0 =	vsub.f32 $0.0e+00, v6  }
0x33a: {  	v3 =	vsub.f32 v3, v2  }
0x33b: {  	s19 =	simm.s32 $0x18A50;
	v5 =	vsub.f32 $0.0e+00, v5;
	v6 =	vpop (erf);
	v0 =	vmul.f32 $1.442695020e+00, v0  }
0x33c: {  	v8 =	vadd.f32 $1.000000000e+00, v8;
	(erf) = vrcp.f32 v1;
	v1 =	vmul.f32 v3, v6;
	v3 =	vld [tilespmem:s19+$0x0]  }
0x33d: {  	v5 =	vmul.f32 $1.442695020e+00, v5;
	(erf) = vpow2.f32 v4;
	v4 =	vpop (erf)  }
0x33e: {  	s12 =	simm.s32 $0x184D0;
	v61 =	vpop (erf);
	(erf) = vrcp.f32 v8;
	v4 =	vmul.f32 $4.000000060e-01, v4  }
0x33f: {  	v7 =	vadd.f32 $0.0e+00, v7;
	v6 =	vld [tilespmem:s12+$0x0];
	(erf) = vpow2.f32 v0;
	v8 =	vadd.f32 $1.000000000e+00, v61;
	v0 =	vpop (erf)  }
0x340: {  	s13 =	simm.s32 $0x186D0;
	v1 =	vadd.f32 v1, v2;
	v4 =	vsub.f32 $1.000000000e+00, v4;
	(erf) = vpow2.f32 v5;
	v2 =	vpop (erf)  }
0x341: {  	v0 =	vmul.f32 $4.000000060e-01, v0;
	v62 =	vadd.f32 $1.000000000e+00, v2;
	v2 =	vmul.f32 $-1.999999960e-02, v3;
	v3 =	vld [tilespmem:s13+$0x0]  }
0x342: {  	v63 =	vpop (erf);
	(erf) = vrcp.f32 v8  }
0x343: {  	v8 =	vsub.f32 v4, v0  }
0x344: {  	s11 =	simm.s32 $0x18880;
	v5 =	vsub.f32 $0.0e+00, v6;
	v4 =	vmul.f32 $1.442695020e+00, v7;
	v7 =	vpop (erf);
	(erf) = vrcp.f32 v62  }
0x345: {  	s14 =	simm.s32 $0x50;
	s15 =	simm.s32 $0x18A60;
	[tilespmem:s11+$0x0] =	vst v1;
	v6 =	vadd.f32 $1.000000000e+00, v63;
	v1 =	vmul.f32 v8, v7  }
.LBB2_8:
0x346: {  	v7 =	vld [tilespmem:s15+$0x0];
	v10 =	vmul.f32 $1.442695020e+00, v5;
	v3 =	vsub.f32 $0.0e+00, v3;
	s12 =	sadd.s32 $0x10, s12;
	(erf) = vpow2.f32 v4;
	v4 =	vpop (erf)  }
0x347: {  	s14 =	sadd.s32 $0x10, s14;
	v8 =	vld [tilespmem:s12+$0x0];
	v9 =	vpop (erf);
	v4 =	vmul.f32 $4.000000060e-01, v4;
	v1 =	vadd.f32 v1, v0;
	(erf) = vrcp.f32 v6  }
0x348: {  	s13 =	sadd.s32 $0x10, s13;
	s11 =	sadd.s32 $0x10, s11;
	p0 =	slt.u32 s14, $0x70;
	v11 =	vmul.f32 $1.442695020e+00, v3;
	(erf) = vpow2.f32 v10;
	v0 =	vpop (erf)  }
.Ltmp3:
0x349: {  	v9 =	vadd.f32 $1.000000000e+00, v9;
	v4 =	vsub.f32 $1.000000000e+00, v4;
	v3 =	vld [tilespmem:s13+$0x0];
	v5 =	vpop (erf);
	v0 =	vmul.f32 $4.000000060e-01, v0;
	[tilespmem:s11+$0x0] =	vst v1;
	(pc) =	sbr.rel @p0 .LBB2_8-.Ltmp3, $4  }
0x34a: {  	v12 =	vadd.f32 $0.0e+00, v2;
	(erf) = vpow2.f32 v11  }
0x34b: {  	v10 =	vadd.f32 $1.000000000e+00, v5;
	v6 =	vpop (erf);
	(erf) = vrcp.f32 v9;
	v9 =	vsub.f32 v4, v0  }
0x34c: {  	v2 =	vmul.f32 $-1.999999960e-02, v7;
	v5 =	vsub.f32 $0.0e+00, v8;
	v4 =	vmul.f32 $1.442695020e+00, v12;
	v1 =	vpop (erf)  }
0x34d: {  	s15 =	sadd.s32 $0x10, s15;
	v6 =	vadd.f32 $1.000000000e+00, v6;
	(erf) = vrcp.f32 v10;
	v1 =	vmul.f32 v9, v1  }
0x34e: {  	v5 =	vmul.f32 $1.442695020e+00, v5  }
0x34f: {  	v3 =	vsub.f32 $0.0e+00, v3;
	(erf) = vpow2.f32 v4  }
0x350: {  	v4 =	vpop (erf);
	(erf) = vrcp.f32 v6  }
0x351: {  	v6 =	vpop (erf);
	v3 =	vmul.f32 $1.442695020e+00, v3;
	(erf) = vpow2.f32 v5  }
0x352: {  	v6 =	vadd.f32 $1.000000000e+00, v6;
	v5 =	vpop (erf)  }
0x353: {  	v7 =	vpop (erf);
	(erf) = vpow2.f32 v3  }
0x354: {  	v2 =	vadd.f32 $0.0e+00, v2;
	v3 =	vadd.f32 $1.000000000e+00, v7  }
0x355: {  	v7 =	vpop (erf)  }
0x356: {  	v2 =	vmul.f32 $1.442695020e+00, v2;
	(erf) = vrcp.f32 v6;
	v6 =	vpop (erf)  }
0x357: {  	(erf) = vrcp.f32 v3;
	v48 =	vpop (erf)  }
0x358: {  	(erf) = vpow2.f32 v2;
	v3 =	vpop (erf)  }
0x359: {  	v7 =	vadd.f32 $1.000000000e+00, v7;
	v8 =	vpop (erf)  }
0x35a: {  	v9 =	vpop (erf)  }
0x35b: {  	(erf) = vrcp.f32 v7;
	v3 =	vadd.f32 $1.000000000e+00, v3;
	v7 =	vadd.f32 $1.000000000e+00, v9  }
0x35c: {  	v9 =	vpop (erf)  }
0x35d: {  	(erf) = vrcp.f32 v3;
	v3 =	vadd.f32 $1.000000000e+00, v9;
	_ =	sdelay $0x1  }
0x35e: {  	(erf) = vrcp.f32 v7;
	v7 =	vpop (erf)  }
0x35f: {  	v9 =	vpop (erf)  }
0x360: {  	(erf) = vrcp.f32 v3;
	v3 =	vpop (erf)  }
0x361: {  	v3 =	vadd.f32 $1.000000000e+00, v3;
	_ =	sdelay $0x1  }
0x362: {  	(erf) = vrcp.f32 v3;
	v3 =	vmul.f32 $4.000000060e-01, v4;
	_ =	sdelay $0x1  }
0x363: {  	v5 =	vmul.f32 $4.000000060e-01, v5;
	v9 =	vmul.f32 $4.000000060e-01, v9;
	v4 =	vpop (erf);
	v3 =	vsub.f32 $1.000000000e+00, v3  }
0x364: {  	v2 =	vmul.f32 $4.000000060e-01, v48;
	v10 =	vpop (erf)  }
0x365: {  	v9 =	vsub.f32 $1.000000000e+00, v9;
	v4 =	vmul.f32 $4.000000060e-01, v4;
	v11 =	vpop (erf);
	v3 =	vsub.f32 v3, v5  }
0x366: {  	v2 =	vsub.f32 $1.000000000e+00, v2;
	v8 =	vmul.f32 $4.000000060e-01, v8;
	v11 =	vmul.f32 $4.000000060e-01, v11  }
0x367: {  	v12 =	vpop (erf);
	v3 =	vmul.f32 v3, v6;
	v6 =	vsub.f32 v9, v4  }
0x368: {  	v2 =	vsub.f32 v2, v8;
	v11 =	vsub.f32 $1.000000000e+00, v11;
	v12 =	vmul.f32 $4.000000060e-01, v12;
	_ =	sdelay $0x1  }
0x369: {  	v0 =	vadd.f32 v1, v0;
	v49 =	vmul.f32 v2, v7;
	v50 =	vsub.f32 v11, v12  }
0x36a: {  	s11 =	sadd.s32 $0x10, s11;
	v3 =	vadd.f32 v3, v5;
	v5 =	vmul.f32 v6, v10;
	v6 =	vpop (erf)  }
0x36b: {  	[tilespmem:s11+$0x0] =	vst v0;
	s11 =	sadd.s32 $0x10, s11;
	v51 =	vadd.f32 v49, v8;
	v52 =	vmul.f32 v50, v6  }
0x36c: {  	[tilespmem:s11+$0x0] =	vst v3;
	s11 =	sadd.s32 $0x10, s11;
	v53 =	vadd.f32 v5, v4  }
0x36d: {  	[tilespmem:s11+$0x0] =	vst v51;
	s11 =	sadd.s32 $0x10, s11;
	v54 =	vadd.f32 v52, v12  }
0x36e: {  	[tilespmem:s11+$0x0] =	vst v53;
	s11 =	sadd.s32 $0x10, s11  }
0x36f: {  	[tilespmem:s11+$0x0] =	vst v54  }
0x370: {  	s12 =	simm.s32 $0x18880;
	s11 =	rddreg [dreg:$0x14]  }
0x371: {  	[hbm4b:s11+s4] =	stream.linear.scatter [tilespmem:s12], [sflag:$0x9], $0x80, $0x38;
	[tilespmem:$0x18B00] =	vst v63  }
0x372: {  	_ =	swait.ge [sflag:s7], $0x4000  }
0x373: {  	[sflag:s7] =	ssyncset.done $0x0  }
0x374: {  	[sflag:s7] =	ssyncadd.s32 $0xFFFFC000  }
0x375: {  	_ =	swait.ge [sflag:s29], $0x4000  }
0x376: {  	[sflag:s29] =	ssyncset.done $0x0  }
0x377: {  	s18 =	simm.s32 $0x8500;
	[sflag:s29] =	ssyncadd.s32 $0xFFFFC000  }
0x378: {  	v55 =	vld [tilespmem:s18+$0x80]  }
0x379: {  	v56 =	vld [tilespmem:s18+$0x90]  }
0x37a: {  	v57 =	vld [tilespmem:s18+$0xA0]  }
0x37b: {  	v3 =	vld [tilespmem:s18+$0xB0]  }
0x37c: {  	v4 =	vld [tilespmem:s18+$0xC0]  }
0x37d: {  	v5 =	vld [tilespmem:s18+$0xD0];
	v0 =	vsub.f32 $0.0e+00, v55  }
0x37e: {  	v6 =	vld [tilespmem:s18+$0xE0];
	v1 =	vsub.f32 $0.0e+00, v56  }
0x37f: {  	v7 =	vld [tilespmem:s18+$0xF0];
	v2 =	vsub.f32 $0.0e+00, v57;
	v0 =	vmul.f32 $1.442695020e+00, v0  }
0x380: {  	v3 =	vsub.f32 $0.0e+00, v3;
	v1 =	vmul.f32 $1.442695020e+00, v1  }
0x381: {  	v4 =	vsub.f32 $0.0e+00, v4;
	v2 =	vmul.f32 $1.442695020e+00, v2;
	(erf) = vpow2.f32 v0  }
0x382: {  	v58 =	vld [tilespmem:s18+$0xFFFFFF10];
	v5 =	vsub.f32 $0.0e+00, v5;
	v3 =	vmul.f32 $1.442695020e+00, v3;
	(erf) = vpow2.f32 v1  }
0x383: {  	v59 =	vld [tilespmem:s18+$0xFFFFFF20];
	v6 =	vsub.f32 $0.0e+00, v6;
	v4 =	vmul.f32 $1.442695020e+00, v4;
	(erf) = vpow2.f32 v2  }
0x384: {  	v60 =	vmul.f32 $1.442695020e+00, v5;
	v5 =	vsub.f32 $0.0e+00, v7;
	(erf) = vpow2.f32 v3  }
0x385: {  	v3 =	vmul.f32 $1.442695020e+00, v6;
	(erf) = vpow2.f32 v4  }
0x386: {  	v4 =	vmul.f32 $1.442695020e+00, v5;
	(erf) = vpow2.f32 v60  }
0x387: {  	v0 =	vsub.f32 $0.0e+00, v58;
	(erf) = vpow2.f32 v3  }
0x388: {  	v1 =	vsub.f32 $0.0e+00, v59;
	(erf) = vpow2.f32 v4  }
0x389: {  	v8 =	vld [tilespmem:s18+$0xFFFFFF80];
	v0 =	vmul.f32 $1.442695020e+00, v0  }
0x38a: {  	v1 =	vmul.f32 $1.442695020e+00, v1;
	v61 =	vpop (erf)  }
0x38b: {  	(erf) = vpow2.f32 v0;
	v62 =	vadd.f32 $1.000000000e+00, v61;
	v63 =	vpop (erf)  }
0x38c: {  	v3 =	vld [tilespmem:s18+$0xFFFFFF30];
	(erf) = vpow2.f32 v1;
	v32 =	vadd.f32 $1.000000000e+00, v63;
	v33 =	vpop (erf)  }
0x38d: {  	v4 =	vld [tilespmem:s18+$0xFFFFFF40];
	v2 =	vadd.f32 $1.000000000e+00, v33;
	(erf) = vrcp.f32 v62;
	v34 =	vpop (erf)  }
0x38e: {  	v8 =	vsub.f32 $0.0e+00, v8;
	v5 =	vld [tilespmem:s18+$0xFFFFFF50];
	v0 =	vadd.f32 $1.000000000e+00, v34;
	(erf) = vrcp.f32 v32;
	v35 =	vpop (erf)  }
0x38f: {  	v6 =	vld [tilespmem:s18+$0xFFFFFF60];
	v1 =	vadd.f32 $1.000000000e+00, v35;
	(erf) = vrcp.f32 v2;
	v36 =	vpop (erf)  }
0x390: {  	v7 =	vld [tilespmem:s18+$0xFFFFFF70];
	v8 =	vmul.f32 $1.442695020e+00, v8;
	v2 =	vadd.f32 $1.000000000e+00, v36;
	(erf) = vrcp.f32 v0;
	v37 =	vpop (erf)  }
0x391: {  	v9 =	vld [tilespmem:s18+$0xFFFFFF90];
	v3 =	vsub.f32 $0.0e+00, v3;
	v0 =	vadd.f32 $1.000000000e+00, v37;
	(erf) = vrcp.f32 v1;
	v38 =	vpop (erf)  }
0x392: {  	v40 =	vld [tilespmem:s18+$0xFFFFFF00];
	v4 =	vsub.f32 $0.0e+00, v4;
	v1 =	vadd.f32 $1.000000000e+00, v38;
	(erf) = vrcp.f32 v2  }
0x393: {  	v39 =	vmul.f32 $1.442695020e+00, v3;
	v3 =	vsub.f32 $0.0e+00, v5;
	v5 =	vld [tilespmem:s18+$0xFFFFFFA0];
	(erf) = vrcp.f32 v0  }
0x394: {  	v41 =	vld [tilespmem:s18+$0xFFFFFFB0];
	v6 =	vsub.f32 $0.0e+00, v6;
	v4 =	vmul.f32 $1.442695020e+00, v4;
	v10 =	vpop (erf);
	(erf) = vrcp.f32 v1  }
0x395: {  	v42 =	vld [tilespmem:s18+$0xFFFFFFC0];
	v7 =	vsub.f32 $0.0e+00, v7;
	v3 =	vmul.f32 $1.442695020e+00, v3;
	v11 =	vpop (erf);
	(erf) = vpow2.f32 v39  }
0x396: {  	v9 =	vsub.f32 $0.0e+00, v9;
	v6 =	vmul.f32 $1.442695020e+00, v6;
	v12 =	vpop (erf);
	(erf) = vpow2.f32 v4;
	v4 =	vld [tilespmem:s18+$0xFFFFFFD0]  }
0x397: {  	v7 =	vmul.f32 $1.442695020e+00, v7;
	v0 =	vsub.f32 $0.0e+00, v40;
	v13 =	vpop (erf);
	(erf) = vpow2.f32 v3;
	v3 =	vld [tilespmem:s18+$0xFFFFFFE0]  }
0x398: {  	v9 =	vmul.f32 $1.442695020e+00, v9;
	v5 =	vsub.f32 $0.0e+00, v5;
	v14 =	vpop (erf);
	(erf) = vpow2.f32 v6;
	v6 =	vld [tilespmem:s18+$0xFFFFFFF0]  }
0x399: {  	v1 =	vsub.f32 $0.0e+00, v41;
	v0 =	vmul.f32 $1.442695020e+00, v0;
	v15 =	vpop (erf);
	(erf) = vpow2.f32 v7;
	v7 =	vld [tilespmem:s18+$0x0]  }
0x39a: {  	v5 =	vmul.f32 $1.442695020e+00, v5;
	v16 =	vpop (erf);
	(erf) = vpow2.f32 v8;
	v8 =	vld [tilespmem:s18+$0x10]  }
0x39b: {  	v2 =	vsub.f32 $0.0e+00, v42;
	v1 =	vmul.f32 $1.442695020e+00, v1;
	v17 =	vpop (erf);
	(erf) = vpow2.f32 v9;
	v9 =	vld [tilespmem:s18+$0x20]  }
0x39c: {  	v4 =	vsub.f32 $0.0e+00, v4;
	v18 =	vpop (erf);
	(erf) = vpow2.f32 v0;
	v43 =	vsub.f32 $0.0e+00, v3;
	v3 =	vld [tilespmem:s18+$0x30]  }
0x39d: {  	v2 =	vmul.f32 $1.442695020e+00, v2;
	v19 =	vpop (erf);
	(erf) = vpow2.f32 v5;
	v5 =	vsub.f32 $0.0e+00, v6;
	v6 =	vld [tilespmem:s18+$0x40]  }
0x39e: {  	v4 =	vmul.f32 $1.442695020e+00, v4;
	v20 =	vpop (erf);
	(erf) = vpow2.f32 v1;
	v44 =	vsub.f32 $0.0e+00, v7;
	v7 =	vld [tilespmem:s18+$0x50]  }
0x39f: {  	v0 =	vmul.f32 $1.442695020e+00, v43;
	v21 =	vpop (erf);
	(erf) = vpow2.f32 v2;
	v45 =	vsub.f32 $0.0e+00, v8;
	v8 =	vld [tilespmem:s18+$0x60]  }
0x3a0: {  	v5 =	vmul.f32 $1.442695020e+00, v5;
	v22 =	vpop (erf);
	(erf) = vpow2.f32 v4;
	v4 =	vsub.f32 $0.0e+00, v9;
	v9 =	vld [tilespmem:s18+$0x70]  }
0x3a1: {  	s13 =	simm.s32 $0x8700;
	v1 =	vmul.f32 $1.442695020e+00, v44;
	v23 =	vpop (erf);
	(erf) = vpow2.f32 v0;
	v46 =	vsub.f32 $0.0e+00, v3  }
0x3a2: {  	v57 =	vld [tilespmem:s13+$0xFFFFFF20];
	v2 =	vmul.f32 $1.442695020e+00, v45;
	v3 =	vpop (erf);
	(erf) = vpow2.f32 v5;
	v5 =	vsub.f32 $0.0e+00, v6  }
0x3a3: {  	v4 =	vmul.f32 $1.442695020e+00, v4;
	v6 =	vpop (erf);
	(erf) = vpow2.f32 v1;
	v47 =	vsub.f32 $0.0e+00, v7  }
0x3a4: {  	v7 =	vpop (erf);
	(erf) = vpow2.f32 v2;
	v48 =	vmul.f32 $1.442695020e+00, v5;
	v5 =	vsub.f32 $0.0e+00, v8  }
0x3a5: {  	v0 =	vmul.f32 $1.442695020e+00, v46;
	v8 =	vpop (erf);
	(erf) = vpow2.f32 v4;
	v4 =	vsub.f32 $0.0e+00, v9;
	_ =	sdelay $0x1  }
0x3a6: {  	v35 =	vsub.f32 $0.0e+00, v57;
	v40 =	vld [tilespmem:s13+$0xFFFFFF40];
	v1 =	vmul.f32 $1.442695020e+00, v47;
	v9 =	vpop (erf);
	(erf) = vpow2.f32 v0  }
0x3a7: {  	s19 =	simm.s32 $0x10500;
	v49 =	vmul.f32 $1.442695020e+00, v5;
	v8 =	vadd.f32 $1.000000000e+00, v8;
	v5 =	vpop (erf);
	(erf) = vpow2.f32 v48  }
0x3a8: {  	v52 =	vld [tilespmem:s19+$0x80];
	v51 =	vadd.f32 $1.000000000e+00, v10;
	v50 =	vmul.f32 $1.442695020e+00, v4;
	v4 =	vpop (erf);
	(erf) = vpow2.f32 v1  }
0x3a9: {  	v11 =	vadd.f32 $1.000000000e+00, v11;
	v12 =	vadd.f32 $-5.000000000e-01, v12;
	v10 =	vpop (erf);
	(erf) = vpow2.f32 v49  }
0x3aa: {  	v25 =	vld [tilespmem:s19+$0xA0];
	v13 =	vadd.f32 $-5.000000000e-01, v13;
	v20 =	vadd.f32 $1.000000000e+00, v20;
	v24 =	vpop (erf);
	(erf) = vpow2.f32 v50  }
0x3ab: {  	v53 =	vld [tilespmem:s19+$0x90];
	v40 =	vsub.f32 $0.0e+00, v40;
	v21 =	vadd.f32 $1.000000000e+00, v21;
	(erf) = vrcp.f32 v8;
	v8 =	vpop (erf)  }
0x3ac: {  	v26 =	vld [tilespmem:s19+$0xB0];
	v14 =	vadd.f32 $-5.000000000e-01, v14;
	v15 =	vadd.f32 $-5.000000000e-01, v15;
	(erf) = vrcp.f32 v51;
	v54 =	vpop (erf)  }
0x3ad: {  	v0 =	vmul.f32 v12, v52;
	v12 =	vadd.f32 $1.000000000e+00, v23;
	(erf) = vrcp.f32 v11;
	v11 =	vpop (erf)  }
0x3ae: {  	v22 =	vadd.f32 $1.000000000e+00, v22;
	v3 =	vadd.f32 $1.000000000e+00, v3;
	(erf) = vrcp.f32 v20;
	v20 =	vpop (erf)  }
0x3af: {  	v14 =	vmul.f32 v14, v25;
	v6 =	vadd.f32 $1.000000000e+00, v6;
	(erf) = vrcp.f32 v21;
	v21 =	vpop (erf)  }
0x3b0: {  	v16 =	vadd.f32 $-5.000000000e-01, v16;
	v2 =	vmul.f32 v13, v53;
	v23 =	vld [tilespmem:s19+$0xC0];
	(erf) = vrcp.f32 v22;
	v13 =	vpop (erf)  }
0x3b1: {  	v17 =	vadd.f32 $-5.000000000e-01, v17;
	v15 =	vmul.f32 v15, v26;
	v22 =	vld [tilespmem:s19+$0xD0];
	(erf) = vrcp.f32 v12;
	v12 =	vpop (erf)  }
0x3b2: {  	v27 =	vld [tilespmem:s19+$0xE0];
	v18 =	vadd.f32 $-5.000000000e-01, v18;
	v7 =	vadd.f32 $1.000000000e+00, v7;
	(erf) = vrcp.f32 v3;
	v3 =	vpop (erf)  }
0x3b3: {  	v25 =	vld [tilespmem:s19+$0xF0];
	v19 =	vadd.f32 $-5.000000000e-01, v19;
	v9 =	vadd.f32 $1.000000000e+00, v9;
	(erf) = vrcp.f32 v6;
	v6 =	vpop (erf)  }
0x3b4: {  	v0 =	vadd.f32 v2, v0;
	v5 =	vadd.f32 $1.000000000e+00, v5;
	v26 =	vpop (erf);
	(erf) = vrcp.f32 v7  }
0x3b5: {  	v4 =	vadd.f32 $1.000000000e+00, v4;
	v7 =	vmul.f32 v16, v23;
	v16 =	vpop (erf);
	(erf) = vrcp.f32 v9  }
0x3b6: {  	v10 =	vadd.f32 $1.000000000e+00, v10;
	v9 =	vmul.f32 v17, v22;
	v17 =	vpop (erf);
	(erf) = vrcp.f32 v5  }
0x3b7: {  	v5 =	vmul.f32 v18, v27;
	v18 =	vadd.f32 $1.000000000e+00, v24;
	v22 =	vpop (erf);
	(erf) = vrcp.f32 v4  }
0x3b8: {  	v8 =	vadd.f32 $1.000000000e+00, v8;
	v4 =	vmul.f32 v19, v25;
	v19 =	vpop (erf);
	(erf) = vrcp.f32 v10  }
0x3b9: {  	v1 =	vadd.f32 $1.000000000e+00, v54;
	v11 =	vadd.f32 $1.000000000e+00, v11;
	v55 =	vpop (erf);
	(erf) = vrcp.f32 v18  }
0x3ba: {  	v3 =	vadd.f32 $1.000000000e+00, v3;
	v10 =	vadd.f32 v15, v14;
	v14 =	vpop (erf);
	(erf) = vrcp.f32 v8;
	v8 =	vld [tilespmem:s13+$0x80]  }
0x3bb: {  	v56 =	vld [tilespmem:s13+$0x90];
	v7 =	vadd.f32 v9, v7;
	v9 =	vadd.f32 $1.000000000e+00, v20;
	v15 =	vpop (erf);
	(erf) = vrcp.f32 v1  }
0x3bc: {  	v4 =	vadd.f32 v4, v5;
	v5 =	vadd.f32 $1.000000000e+00, v21;
	v18 =	vpop (erf);
	(erf) = vrcp.f32 v11;
	v11 =	vld [tilespmem:s13+$0xA0]  }
0x3bd: {  	v0 =	vadd.f32 v10, v0;
	v10 =	vadd.f32 $1.000000000e+00, v13;
	v20 =	vpop (erf);
	(erf) = vrcp.f32 v9  }
0x3be: {  	v13 =	vadd.f32 v4, v7;
	v4 =	vadd.f32 $1.000000000e+00, v12;
	v9 =	vld [tilespmem:s13+$0xB0];
	v12 =	vpop (erf);
	(erf) = vrcp.f32 v5  }
0x3bf: {  	v6 =	vadd.f32 $1.000000000e+00, v6;
	v5 =	vld [tilespmem:s13+$0xC0];
	v24 =	vpop (erf);
	(erf) = vrcp.f32 v10;
	v7 =	vsub.f32 $0.0e+00, v8  }
0x3c0: {  	v16 =	vadd.f32 $-5.000000000e-01, v16;
	v1 =	vsub.f32 $0.0e+00, v56;
	v10 =	vld [tilespmem:s13+$0xD0];
	v25 =	vpop (erf);
	(erf) = vrcp.f32 v4  }
0x3c1: {  	v4 =	vld [tilespmem:s13+$0xE0];
	v27 =	vpop (erf);
	(erf) = vrcp.f32 v3;
	v3 =	vmul.f32 $1.442695020e+00, v7;
	v7 =	vsub.f32 $0.0e+00, v11  }
0x3c2: {  	v17 =	vadd.f32 $-5.000000000e-01, v17;
	v21 =	vld [tilespmem:s19+$0xFFFFFF10];
	v19 =	vadd.f32 $-5.000000000e-01, v19;
	v1 =	vmul.f32 $1.442695020e+00, v1  }
0x3c3: {  	v11 =	vld [tilespmem:s13+$0xF0];
	v28 =	vpop (erf);
	(erf) = vrcp.f32 v6;
	v6 =	vsub.f32 $0.0e+00, v9;
	v7 =	vmul.f32 $1.442695020e+00, v7  }
0x3c4: {  	v29 =	vld [tilespmem:s19+$0xFFFFFF20];
	v2 =	vadd.f32 $-5.000000000e-01, v55;
	v14 =	vadd.f32 $-5.000000000e-01, v14;
	v9 =	vpop (erf);
	(erf) = vpow2.f32 v3  }
0x3c5: {  	v30 =	vld [tilespmem:s13+$0xFFFFFF10];
	v5 =	vsub.f32 $0.0e+00, v5;
	v8 =	vpop (erf);
	v3 =	vmul.f32 $1.442695020e+00, v6;
	(erf) = vpow2.f32 v1  }
0x3c6: {  	v23 =	vld [tilespmem:s19+$0xFFFFFF00];
	v6 =	vsub.f32 $0.0e+00, v10;
	v10 =	vpop (erf);
	v4 =	vsub.f32 $0.0e+00, v4;
	(erf) = vpow2.f32 v7  }
0x3c7: {  	v58 =	vld [tilespmem:s19+$0xFFFFFF60];
	v37 =	vmul.f32 v16, v21;
	v7 =	vpop (erf);
	(erf) = vpow2.f32 v3;
	v3 =	vadd.f32 $-5.000000000e-01, v26  }
0x3c8: {  	v59 =	vld [tilespmem:s19+$0xFFFFFFB0];
	v31 =	vmul.f32 $1.442695020e+00, v5;
	v11 =	vsub.f32 $0.0e+00, v11;
	v4 =	vmul.f32 $1.442695020e+00, v4  }
0x3c9: {  	v41 =	vld [tilespmem:s13+$0xFFFFFF60];
	v0 =	vadd.f32 v13, v0;
	v16 =	vmul.f32 v17, v29;
	v33 =	vmul.f32 $1.442695020e+00, v6;
	v5 =	vpop (erf)  }
0x3ca: {  	v32 =	vld [tilespmem:s19+$0xFFFFFF30];
	v13 =	vadd.f32 $-5.000000000e-01, v22;
	(erf) = vpow2.f32 v31;
	v11 =	vmul.f32 $1.442695020e+00, v11;
	v6 =	vpop (erf)  }
0x3cb: {  	v63 =	vld [tilespmem:s13+$0xFFFFFF50];
	v26 =	vsub.f32 $0.0e+00, v30;
	(erf) = vpow2.f32 v33;
	v23 =	vmul.f32 v3, v23;
	v3 =	vpop (erf)  }
0x3cc: {  	v36 =	vld [tilespmem:s19+$0xFFFFFF80];
	v17 =	vmul.f32 $1.442695020e+00, v35;
	v45 =	vadd.f32 $-5.000000000e-01, v24;
	(erf) = vpow2.f32 v4;
	v4 =	vpop (erf)  }
0x3cd: {  	v60 =	vld [tilespmem:s19+$0xFFFFFFC0];
	v44 =	vadd.f32 $-5.000000000e-01, v18;
	(erf) = vpow2.f32 v11;
	v11 =	vmul.f32 $1.442695020e+00, v26;
	v1 =	vpop (erf)  }
0x3ce: {  	v61 =	vld [tilespmem:s19+$0xFFFFFFE0];
	v20 =	vadd.f32 $-5.000000000e-01, v20;
	v24 =	vmul.f32 v45, v59;
	v59 =	vsub.f32 $0.0e+00, v41;
	v21 =	vpop (erf)  }
0x3cf: {  	v45 =	vld [tilespmem:s19+$0x50];
	v26 =	vmul.f32 v13, v32;
	(erf) = vpow2.f32 v11;
	v11 =	vadd.f32 $1.000000000e+00, v21;
	v21 =	vpop (erf)  }
0x3d0: {  	v34 =	vld [tilespmem:s19+$0xFFFFFF40];
	v9 =	vadd.f32 $-5.000000000e-01, v9;
	v13 =	vadd.f32 $1.000000000e+00, v21  }
0x3d1: {  	v18 =	vmul.f32 v44, v36;
	v33 =	vsub.f32 $0.0e+00, v63;
	v16 =	vadd.f32 v26, v16;
	v26 =	vld [tilespmem:s19+$0x40]  }
0x3d2: {  	v8 =	vadd.f32 $-5.000000000e-01, v8;
	v31 =	vld [tilespmem:s19+$0xFFFFFF50];
	v3 =	vadd.f32 $-5.000000000e-01, v3;
	(erf) = vpow2.f32 v17;
	v17 =	vpop (erf)  }
0x3d3: {  	s11 =	simm.s32 $0x10700;
	v38 =	vld [tilespmem:s19+$0xFFFFFF90];
	v33 =	vmul.f32 $1.442695020e+00, v33;
	v17 =	vadd.f32 $1.000000000e+00, v17;
	(erf) = vrcp.f32 v11;
	v21 =	vpop (erf)  }
0x3d4: {  	v42 =	vld [tilespmem:s11+$0xF0];
	v6 =	vadd.f32 $-5.000000000e-01, v6;
	v3 =	vmul.f32 v3, v45;
	(erf) = vrcp.f32 v13;
	v13 =	vpop (erf)  }
0x3d5: {  	v56 =	vld [tilespmem:s13+$0xFFFFFF80];
	v11 =	vmul.f32 v19, v34;
	v19 =	vadd.f32 $1.000000000e+00, v21;
	v21 =	vadd.f32 $1.000000000e+00, v13  }
0x3d6: {  	v10 =	vadd.f32 $-5.000000000e-01, v10;
	v30 =	vld [tilespmem:s19+$0xFFFFFF70];
	(erf) = vrcp.f32 v17;
	v6 =	vmul.f32 v6, v26  }
0x3d7: {  	v7 =	vadd.f32 $-5.000000000e-01, v7;
	(erf) = vrcp.f32 v19;
	v17 =	vpop (erf);
	v13 =	vmul.f32 v2, v31;
	v31 =	vld [tilespmem:s13+$0xFFFFFF30]  }
0x3d8: {  	v29 =	vld [tilespmem:s19+$0xFFFFFFA0];
	v19 =	vadd.f32 $-5.000000000e-01, v15;
	v15 =	vmul.f32 v14, v58;
	v62 =	vadd.f32 $1.000000000e+00, v17;
	v17 =	vpop (erf)  }
0x3d9: {  	v39 =	vld [tilespmem:s19+$0xFFFFFFD0];
	v58 =	vmul.f32 $1.442695020e+00, v40;
	v17 =	vadd.f32 $1.000000000e+00, v17;
	(erf) = vrcp.f32 v21;
	v21 =	vpop (erf)  }
0x3da: {  	v46 =	vld [tilespmem:s11+$0xB0];
	v2 =	vadd.f32 v37, v23;
	(erf) = vrcp.f32 v62;
	v22 =	vadd.f32 $1.000000000e+00, v21  }
0x3db: {  	v49 =	vld [tilespmem:s11+$0xD0];
	v37 =	vsub.f32 $0.0e+00, v56;
	(erf) = vrcp.f32 v17;
	v17 =	vadd.f32 $-5.000000000e-01, v12  }
0x3dc: {  	v21 =	vmul.f32 v19, v30;
	v14 =	vpop (erf);
	v30 =	vld [tilespmem:s11+$0x80];
	v31 =	vsub.f32 $0.0e+00, v31;
	(erf) = vrcp.f32 v22  }
0x3dd: {  	v54 =	vld [tilespmem:s13+$0xFFFFFF70];
	v40 =	vmul.f32 $1.442695020e+00, v37;
	v12 =	vpop (erf);
	v19 =	vmul.f32 v17, v29;
	v17 =	vadd.f32 $-5.000000000e-01, v25  }
0x3de: {  	v25 =	vadd.f32 $-5.000000000e-01, v27;
	v27 =	vld [tilespmem:s11+$0xA0];
	v22 =	vmul.f32 v20, v38;
	v29 =	vpop (erf);
	v31 =	vmul.f32 $1.442695020e+00, v31  }
0x3df: {  	v20 =	vld [tilespmem:s11+$0x90];
	v47 =	vpop (erf);
	v23 =	vmul.f32 v17, v60;
	v17 =	vadd.f32 $-5.000000000e-01, v28;
	v29 =	vadd.f32 $-5.000000000e-01, v29  }
0x3e0: {  	v51 =	vld [tilespmem:s11+$0xE0];
	v5 =	vadd.f32 $-5.000000000e-01, v5;
	v25 =	vmul.f32 v25, v39;
	v48 =	vpop (erf);
	(erf) = vpow2.f32 v31  }
0x3e1: {  	v28 =	vld [tilespmem:s11+$0xC0];
	v36 =	vadd.f32 $-5.000000000e-01, v47;
	v50 =	vpop (erf);
	v17 =	vmul.f32 v17, v61;
	v29 =	vmul.f32 v29, v30  }
0x3e2: {  	v62 =	vld [tilespmem:s13+$0xFFFFFFA0];
	v32 =	vadd.f32 $-5.000000000e-01, v48;
	(erf) = vpow2.f32 v58;
	v61 =	vmul.f32 $1.442695020e+00, v59;
	v52 =	vpop (erf)  }
0x3e3: {  	v60 =	vld [tilespmem:s13+$0xFFFFFF00];
	v38 =	vadd.f32 $-5.000000000e-01, v50;
	(erf) = vpow2.f32 v33;
	v31 =	vpop (erf);
	v39 =	vadd.f32 $-5.000000000e-01, v52  }
0x3e4: {  	v30 =	vld [tilespmem:s19+$0xFFFFFFF0];
	v20 =	vmul.f32 v36, v20;
	v27 =	vmul.f32 v32, v27;
	v32 =	vsub.f32 $0.0e+00, v54;
	v53 =	vpop (erf)  }
0x3e5: {  	v57 =	vld [tilespmem:s13+$0xFFFFFF90];
	v31 =	vadd.f32 $-5.000000000e-01, v31;
	v35 =	vmul.f32 v38, v46;
	(erf) = vpow2.f32 v61;
	v55 =	vpop (erf)  }
0x3e6: {  	v41 =	vld [tilespmem:s13+$0xFFFFFFC0];
	v36 =	vadd.f32 $-5.000000000e-01, v53;
	v28 =	vmul.f32 v39, v28;
	v38 =	vadd.f32 $-5.000000000e-01, v55  }
0x3e7: {  	v63 =	vld [tilespmem:s13+$0xFFFFFFB0];
	v33 =	vsub.f32 $0.0e+00, v62;
	v32 =	vmul.f32 $1.442695020e+00, v32;
	v31 =	vmul.f32 v31, v49  }
0x3e8: {  	v20 =	vadd.f32 v20, v29;
	v29 =	vld [tilespmem:s19+$0x0];
	v34 =	vmul.f32 v36, v51;
	v38 =	vmul.f32 v38, v42  }
0x3e9: {  	v27 =	vadd.f32 v35, v27;
	v35 =	vsub.f32 $0.0e+00, v60;
	v9 =	vmul.f32 v9, v30;
	v30 =	vld [tilespmem:s13+$0xFFFFFFE0]  }
0x3ea: {  	v33 =	vmul.f32 $1.442695020e+00, v33;
	v28 =	vadd.f32 v31, v28;
	v31 =	vld [tilespmem:s19+$0x10];
	v34 =	vadd.f32 v38, v34  }
0x3eb: {  	v36 =	vsub.f32 $0.0e+00, v57;
	(erf) = vpow2.f32 v32;
	v32 =	vsub.f32 $0.0e+00, v41;
	v42 =	vld [tilespmem:s13+$0xFFFFFFD0]  }
0x3ec: {  	v20 =	vadd.f32 v27, v20;
	(erf) = vpow2.f32 v40;
	v27 =	vadd.f32 v34, v28;
	v28 =	vld [tilespmem:s19+$0x20]  }
0x3ed: {  	v44 =	vld [tilespmem:s13+$0xFFFFFFF0];
	v43 =	vsub.f32 $0.0e+00, v63;
	v35 =	vmul.f32 $1.442695020e+00, v35;
	v36 =	vmul.f32 $1.442695020e+00, v36  }
0x3ee: {  	v4 =	vadd.f32 $-5.000000000e-01, v4;
	v32 =	vmul.f32 $1.442695020e+00, v32;
	v8 =	vmul.f32 v8, v29;
	v29 =	vld [tilespmem:s13+$0x0]  }
0x3ef: {  	(erf) = vpow2.f32 v36;
	v36 =	vmul.f32 $1.442695020e+00, v43;
	v20 =	vadd.f32 v27, v20;
	v27 =	vld [tilespmem:s19+$0x30]  }
0x3f0: {  	(erf) = vpow2.f32 v35;
	v10 =	vmul.f32 v10, v31;
	v31 =	vld [tilespmem:s13+$0x10];
	v34 =	vsub.f32 $0.0e+00, v42  }
0x3f1: {  	v30 =	vsub.f32 $0.0e+00, v30;
	(erf) = vpow2.f32 v33;
	v7 =	vmul.f32 v7, v28;
	v28 =	vld [tilespmem:s13+$0x20]  }
0x3f2: {  	v1 =	vadd.f32 $-5.000000000e-01, v1;
	(erf) = vpow2.f32 v36;
	v34 =	vmul.f32 $1.442695020e+00, v34  }
0x3f3: {  	v26 =	vld [tilespmem:s13+$0x30];
	v35 =	vsub.f32 $0.0e+00, v44;
	v30 =	vmul.f32 $1.442695020e+00, v30;
	(erf) = vpow2.f32 v32  }
0x3f4: {  	v29 =	vsub.f32 $0.0e+00, v29;
	(erf) = vpow2.f32 v34;
	v5 =	vmul.f32 v5, v27;
	v27 =	vld [tilespmem:s19+$0x70]  }
0x3f5: {  	v47 =	vpop (erf);
	v35 =	vmul.f32 $1.442695020e+00, v35;
	v31 =	vsub.f32 $0.0e+00, v31;
	(erf) = vpow2.f32 v30;
	v30 =	vld [tilespmem:s13+$0x40]  }
0x3f6: {  	v3 =	vadd.f32 v3, v6;
	v49 =	vld [tilespmem:s13+$0x50];
	v29 =	vmul.f32 $1.442695020e+00, v29;
	v28 =	vsub.f32 $0.0e+00, v28  }
0x3f7: {  	v11 =	vadd.f32 v13, v11;
	v48 =	vpop (erf);
	v13 =	vmul.f32 $1.442695020e+00, v31;
	(erf) = vpow2.f32 v35  }
0x3f8: {  	v15 =	vadd.f32 v21, v15;
	v50 =	vpop (erf);
	(erf) = vpow2.f32 v29;
	v28 =	vmul.f32 $1.442695020e+00, v28  }
0x3f9: {  	v29 =	vld [tilespmem:s13+$0x60];
	v1 =	vmul.f32 v1, v27;
	v27 =	vpop (erf);
	(erf) = vpow2.f32 v13;
	v13 =	vsub.f32 $0.0e+00, v26  }
0x3fa: {  	v21 =	vld [tilespmem:s13+$0x70];
	v18 =	vadd.f32 v22, v18;
	v22 =	vpop (erf);
	(erf) = vpow2.f32 v28;
	v28 =	vsub.f32 $0.0e+00, v30  }
0x3fb: {  	v2 =	vadd.f32 v16, v2;
	v13 =	vmul.f32 $1.442695020e+00, v13;
	v30 =	vsub.f32 $0.0e+00, v49  }
0x3fc: {  	v14 =	vadd.f32 $1.000000000e+00, v14;
	v12 =	vadd.f32 $1.000000000e+00, v12;
	v26 =	vpop (erf);
	v28 =	vmul.f32 $1.442695020e+00, v28  }
0x3fd: {  	v19 =	vadd.f32 v24, v19;
	v11 =	vadd.f32 v15, v11;
	v46 =	vld [tilespmem:s19+$0x60];
	v24 =	vpop (erf);
	v30 =	vmul.f32 $1.442695020e+00, v30  }
0x3fe: {  	v25 =	vadd.f32 v25, v23;
	v29 =	vsub.f32 $0.0e+00, v29;
	v23 =	vpop (erf)  }
0x3ff: {  	v18 =	vadd.f32 v19, v18;
	v21 =	vsub.f32 $0.0e+00, v21;
	(erf) = vpow2.f32 v13;
	v13 =	vpop (erf)  }
0x400: {  	v15 =	vadd.f32 v11, v2;
	v29 =	vmul.f32 $1.442695020e+00, v29;
	(erf) = vpow2.f32 v28;
	v28 =	vpop (erf)  }
0x401: {  	v21 =	vmul.f32 $1.442695020e+00, v21;
	v9 =	vadd.f32 v9, v17;
	(erf) = vpow2.f32 v30;
	v30 =	vpop (erf)  }
0x402: {  	v52 =	vld [tilespmem:s11+$0xFFFFFF60];
	v4 =	vmul.f32 v4, v46;
	v23 =	vadd.f32 $1.000000000e+00, v23;
	(erf) = vpow2.f32 v29;
	v17 =	vpop (erf)  }
0x403: {  	v53 =	vld [tilespmem:s11+$0xFFFFFF70];
	v9 =	vadd.f32 v9, v25;
	v8 =	vadd.f32 v10, v8;
	v10 =	vpop (erf);
	(erf) = vpow2.f32 v21  }
0x404: {  	v60 =	vld [tilespmem:s11+$0xFFFFFFF0];
	v33 =	vadd.f32 $1.000000000e+00, v48;
	v5 =	vadd.f32 v5, v7;
	(erf) = vrcp.f32 v23;
	v7 =	vpop (erf)  }
0x405: {  	v51 =	vld [tilespmem:s11+$0xFFFFFF20];
	v32 =	vadd.f32 $1.000000000e+00, v50;
	v31 =	vadd.f32 $1.000000000e+00, v47;
	(erf) = vrcp.f32 v14;
	v6 =	vpop (erf)  }
0x406: {  	v46 =	vld [tilespmem:s11+$0x30];
	v5 =	vadd.f32 v5, v8;
	v1 =	vadd.f32 v1, v4;
	(erf) = vrcp.f32 v12;
	v4 =	vpop (erf)  }
0x407: {  	v25 =	vld [tilespmem:s11+$0xFFFFFFA0];
	v22 =	vadd.f32 $1.000000000e+00, v22;
	v26 =	vadd.f32 $1.000000000e+00, v26;
	(erf) = vrcp.f32 v31;
	v16 =	vpop (erf)  }
0x408: {  	v42 =	vld [tilespmem:s11+$0xFFFFFF50];
	v13 =	vadd.f32 $1.000000000e+00, v13;
	v23 =	vadd.f32 $1.000000000e+00, v27;
	(erf) = vrcp.f32 v33;
	v43 =	vpop (erf)  }
0x409: {  	v50 =	vld [tilespmem:s11+$0x0];
	v28 =	vadd.f32 $1.000000000e+00, v28;
	v30 =	vadd.f32 $1.000000000e+00, v30;
	(erf) = vrcp.f32 v32;
	v19 =	vpop (erf)  }
0x40a: {  	(xrf2) =	vadd.scan.msk.f32 $0xffff, v0;
	v47 =	vld [tilespmem:s11+$0x10];
	v55 =	vadd.f32 $1.000000000e+00, v17;
	v17 =	vadd.f32 v1, v3;
	(erf) = vrcp.f32 v23;
	v54 =	vpop (erf)  }
0x40b: {  	v29 =	vld [tilespmem:s11+$0xFFFFFF00];
	v27 =	vadd.f32 $1.000000000e+00, v24;
	v10 =	vadd.f32 $1.000000000e+00, v10;
	(erf) = vrcp.f32 v22;
	v22 =	vpop (erf)  }
0x40c: {  	v21 =	vld [tilespmem:s11+$0xFFFFFF10];
	v7 =	vadd.f32 $1.000000000e+00, v7;
	v6 =	vadd.f32 $1.000000000e+00, v6;
	v56 =	vpop (erf)  }
0x40d: {  	v24 =	vld [tilespmem:s11+$0xFFFFFF90];
	v61 =	vadd.f32 $1.000000000e+00, v4;
	v31 =	vadd.f32 v9, v18;
	(erf) = vrcp.f32 v26;
	v8 =	vpop (erf)  }
0x40e: {  	(xrf2) =	vadd.scan.msk.f32 $0xffff, v20;
	v14 =	vld [tilespmem:s11+$0xFFFFFF30];
	v33 =	vadd.f32 $1.000000000e+00, v43;
	(erf) = vrcp.f32 v27;
	v57 =	vadd.f32 $-5.000000000e-01, v8;
	v3 =	vpop (erf)  }
0x40f: {  	v12 =	vld [tilespmem:s11+$0xFFFFFF40];
	v18 =	vadd.f32 $1.000000000e+00, v19;
	(erf) = vrcp.f32 v13;
	v58 =	vadd.f32 $-5.000000000e-01, v3;
	v3 =	vpop (erf)  }
0x410: {  	v23 =	vld [tilespmem:s11+$0xFFFFFF80];
	(erf) = vrcp.f32 v28;
	v20 =	vmul.f32 v57, v29;
	v59 =	vadd.f32 $-5.000000000e-01, v3;
	v3 =	vpop (erf)  }
0x411: {  	v26 =	vld [tilespmem:s11+$0xFFFFFFC0];
	v19 =	vadd.f32 $1.000000000e+00, v22;
	(erf) = vrcp.f32 v30;
	v21 =	vmul.f32 v58, v21;
	v8 =	vpop (erf)  }
0x412: {  	v27 =	vld [tilespmem:s11+$0xFFFFFFB0];
	v3 =	vadd.f32 $-5.000000000e-01, v3;
	(erf) = vrcp.f32 v55;
	v4 =	vadd.f32 $-5.000000000e-01, v8;
	v8 =	vpop (erf)  }
0x413: {  	v28 =	vld [tilespmem:s11+$0xFFFFFFD0];
	v30 =	vadd.f32 v17, v5;
	v11 =	vmul.f32 v59, v51;
	(erf) = vrcp.f32 v10;
	v10 =	vpop (erf)  }
0x414: {  	v29 =	vld [tilespmem:s11+$0xFFFFFFE0];
	v13 =	vmul.f32 v3, v14;
	v8 =	vadd.f32 $-5.000000000e-01, v8;
	(erf) = vrcp.f32 v7;
	v7, _, _ =	vpop (xrf2)  }
0x415: {  	v5 =	vld [tilespmem:s11+$0x40];
	v14 =	vadd.f32 $1.000000000e+00, v16;
	v10 =	vadd.f32 $-5.000000000e-01, v10;
	(erf) = vrcp.f32 v6;
	v6 =	vpop (erf)  }
0x416: {  	s12 =	simm.s32 $0x18A02;
	v9 =	vmul.f32 v4, v12;
	v4 =	vld [tilespmem:s11+$0x20];
	v12 =	vmul.f32 v8, v42;
	v16 =	vadd.f32 $-5.000000000e-01, v6;
	v62 =	vpop (erf)  }
0x417: {  	v22 =	vadd.f32 $1.000000000e+00, v56;
	[tilespmem:s12+$0x1] =	vst.msk vm0, v7;
	v7 =	vld [tilespmem:s11+$0x60];
	(erf) = vrcp.f32 v61;
	v10 =	vmul.f32 v10, v52;
	v63 =	vpop (erf)  }
0x418: {  	s13 =	simm.s32 $0x18A06;
	v17 =	vadd.f32 $1.000000000e+00, v54;
	v6 =	vld [tilespmem:s11+$0x50];
	(erf) = vrcp.f32 v14;
	v8, _, _ =	vpop (xrf2);
	v14 =	vmul.f32 v16, v53  }
0x419: {  	s14 =	simm.s32 $0x4;
	s15 =	simm.s32 $0x8900;
	v16 =	vadd.f32 $-5.000000000e-01, v62;
	v32 =	vadd.f32 $-5.000000000e-01, v63;
	(erf) = vrcp.f32 v33;
	v33 =	vpop (erf);
	[tilespmem:s13+$0x1] =	vst.msk vm0, v8;
	v8 =	vld [tilespmem:s11+$0x70]  }
.LBB2_10:
0x41a: {  	v34 =	vld [tilespmem:s15+$0x80]  }
0x41b: {  	v49 =	vpop (erf);
	(erf) = vrcp.f32 v18;
	v35 =	vld [tilespmem:s15+$0x90]  }
0x41c: {  	v53 =	vld [tilespmem:s15+$0xA0];
	v52 =	vpop (erf);
	(erf) = vrcp.f32 v17  }
0x41d: {  	v55 =	vld [tilespmem:s15+$0xB0];
	(xrf2) =	vadd.scan.msk.f32 $0xffff, v15;
	v56 =	vadd.f32 v21, v20;
	v1 =	vadd.f32 $-5.000000000e-01, v52;
	v0 =	vmul.f32 v16, v23  }
0x41e: {  	v17 =	vmovc v12;
	v15 =	vmovc v14;
	v23 =	vadd.f32 $-5.000000000e-01, v33;
	v51 =	vmul.f32 v32, v24;
	v24 =	vadd.f32 $-5.000000000e-01, v49  }
0x41f: {  	v20 =	vmul.f32 v1, v26;
	v18 =	vmovc v8;
	v14 =	vmovc v7;
	v7 =	vmov v4;
	v34 =	vsub.f32 $0.0e+00, v34  }
0x420: {  	v36 =	vld [tilespmem:s15+$0xD0];
	v57 =	vsub.f32 $0.0e+00, v35;
	v54 =	vmul.f32 v23, v25;
	v25 =	vpop (erf);
	(erf) = vrcp.f32 v19  }
0x421: {  	v19 =	vmul.f32 v24, v27;
	v27 =	vld [tilespmem:s15+$0xC0];
	v24 =	vadd.f32 $-5.000000000e-01, v25;
	v25 =	vpop (erf);
	(erf) = vrcp.f32 v22  }
0x422: {  	v58 =	vld [tilespmem:s15+$0xE0];
	v4 =	vmov v50;
	v33 =	vsub.f32 $0.0e+00, v53;
	v32 =	vsub.f32 $0.0e+00, v55;
	v23 =	vpop (erf)  }
0x423: {  	v59 =	vld [tilespmem:s15+$0xF0];
	(xrf2) =	vadd.scan.msk.f32 $0xffff, v31;
	v31 =	vmul.f32 $1.442695020e+00, v34;
	v22 =	vadd.f32 $-5.000000000e-01, v25;
	v25 =	vadd.f32 $-5.000000000e-01, v23;
	v23 =	vpop (erf)  }
0x424: {  	v37 =	vld [tilespmem:s15+$0xFFFFFF10];
	v38 =	vmul.f32 $1.442695020e+00, v57;
	v33 =	vmul.f32 $1.442695020e+00, v33;
	v26 =	vadd.f32 $-5.000000000e-01, v23;
	v23 =	vpop (erf)  }
0x425: {  	v39 =	vld [tilespmem:s15+$0xFFFFFF20];
	v21 =	vmul.f32 v24, v28;
	v22 =	vmul.f32 v22, v29;
	v28 =	vadd.f32 $-5.000000000e-01, v23;
	v23 =	vpop (erf)  }
0x426: {  	v41 =	vld [tilespmem:s15+$0xFFFFFF30];
	v40 =	vsub.f32 $0.0e+00, v27;
	v29 =	vadd.f32 $-5.000000000e-01, v23;
	v23 =	vpop (erf);
	(erf) = vpow2.f32 v31  }
0x427: {  	v62 =	vld [tilespmem:s15+$0xFFFFFF40];
	v36 =	vsub.f32 $0.0e+00, v36;
	v61 =	vmul.f32 $1.442695020e+00, v32;
	v24 =	vpop (erf);
	(erf) = vpow2.f32 v38  }
0x428: {  	v42 =	vld [tilespmem:s15+$0xFFFFFF60];
	v35 =	vsub.f32 $0.0e+00, v58;
	v63 =	vmul.f32 $1.442695020e+00, v40;
	v27 =	vpop (erf);
	(erf) = vpow2.f32 v33  }
0x429: {  	v50 =	vld [tilespmem:s15+$0x20];
	v36 =	vmul.f32 $1.442695020e+00, v36;
	v34 =	vsub.f32 $0.0e+00, v59;
	v31 =	vpop (erf);
	(erf) = vpow2.f32 v61  }
0x42a: {  	v37 =	vsub.f32 $0.0e+00, v37;
	v53 =	vld [tilespmem:s15+$0xFFFFFF80];
	v35 =	vmul.f32 $1.442695020e+00, v35;
	v32 =	vpop (erf);
	(erf) = vpow2.f32 v63  }
0x42b: {  	v45 =	vld [tilespmem:s15+$0xFFFFFF50];
	[tilespmem:$0x1FF70] =	vst v56;
	v12 =	vmovc v46;
	v16 =	vmovc v9;
	v39 =	vsub.f32 $0.0e+00, v39;
	v49 =	vmul.f32 $1.442695020e+00, v34;
	(erf) = vpow2.f32 v36  }
0x42c: {  	v9 =	vmov v5;
	v55 =	vld [tilespmem:s15+$0xFFFFFF90];
	[tilespmem:$0x1FF50] =	vst v51;
	v51 =	vmul.f32 $1.442695020e+00, v37;
	v48, _, _ =	vpop (xrf2);
	(erf) = vpow2.f32 v35  }
0x42d: {  	v52 =	vsub.f32 $0.0e+00, v41;
	v39 =	vmul.f32 $1.442695020e+00, v39;
	[tilespmem:$0x1FF60] =	vst v54;
	v56, _, _ =	vpop (xrf2);
	(erf) = vpow2.f32 v49  }
0x42e: {  	v44 =	vld [tilespmem:s15+$0xFFFFFFA0];
	v8 =	vmovc v47;
	v5 =	vmovc v10;
	v57 =	vsub.f32 $0.0e+00, v42;
	v54 =	vsub.f32 $0.0e+00, v62;
	[tilespmem:s12+$0xFFFFFFFF] =	vst.msk vm0, v56;
	(erf) = vpow2.f32 v51  }
0x42f: {  	[tilespmem:$0x1FF40] =	vst v0;
	v0 =	vsub.f32 $0.0e+00, v50;
	v34 =	vsub.f32 $0.0e+00, v53;
	v58 =	vld [tilespmem:s15+$0xFFFFFFB0];
	(erf) = vpow2.f32 v39;
	v59 =	vpop (erf)  }
0x430: {  	v41 =	vmul.f32 $1.442695020e+00, v52;
	(xrf2) =	vadd.scan.msk.f32 $0xffff, v30;
	v52 =	vld [tilespmem:s15+$0xFFFFFFD0];
	v33 =	vsub.f32 $0.0e+00, v45;
	v49 =	vadd.f32 $1.000000000e+00, v59;
	v51 =	vpop (erf)  }
0x431: {  	v37 =	vmul.f32 $1.442695020e+00, v57;
	v38 =	vsub.f32 $0.0e+00, v55;
	v61 =	vld [tilespmem:s15+$0xFFFFFFC0];
	v53 =	vadd.f32 $1.000000000e+00, v51;
	v45 =	vpop (erf)  }
0x432: {  	v43 =	vld [tilespmem:s15+$0xFFFFFF70];
	v36 =	vmul.f32 $1.442695020e+00, v33;
	v2 =	vadd.f32 $1.000000000e+00, v45;
	(erf) = vrcp.f32 v49;
	v62 =	vpop (erf)  }
0x433: {  	v35 =	vmul.f32 $1.442695020e+00, v54;
	v54 =	vld [tilespmem:s15+$0xFFFFFFE0];
	v55 =	vadd.f32 $1.000000000e+00, v62;
	(erf) = vrcp.f32 v53;
	v56 =	vpop (erf)  }
0x434: {  	v63 =	vld [tilespmem:s15+$0xFFFFFFF0];
	v42 =	vsub.f32 $0.0e+00, v58;
	v57 =	vadd.f32 $1.000000000e+00, v56;
	(erf) = vrcp.f32 v2;
	v58 =	vpop (erf)  }
0x435: {  	v40 =	vsub.f32 $0.0e+00, v52;
	v49 =	vld [tilespmem:s15+$0x10];
	v45 =	vadd.f32 $1.000000000e+00, v58;
	(erf) = vrcp.f32 v55;
	v59 =	vpop (erf)  }
0x436: {  	[tilespmem:s12+$0xFFFFFFFE] =	vst.msk vm0, v48;
	v48 =	vld [tilespmem:s15+$0x0];
	v33 =	vsub.f32 $0.0e+00, v61;
	v39 =	vadd.f32 $1.000000000e+00, v59;
	(erf) = vrcp.f32 v57;
	v61 =	vpop (erf)  }
0x437: {  	v30 =	vsub.f32 $0.0e+00, v43;
	v51 =	vld [tilespmem:s15+$0x30];
	v62 =	vadd.f32 $1.000000000e+00, v61;
	v52 =	vpop (erf);
	(erf) = vrcp.f32 v45  }
0x438: {  	s11 =	sadd.s32 $0x200, s11;
	v50 =	vmul.f32 $1.442695020e+00, v40;
	v46 =	vsub.f32 $0.0e+00, v54;
	v45 =	vld [tilespmem:s15+$0x40];
	v54 =	vpop (erf);
	(erf) = vrcp.f32 v39  }
0x439: {  	v10 =	vmovc v6;
	v6 =	vmovc v60;
	v60 =	vld [tilespmem:s11+$0xA0];
	v44 =	vsub.f32 $0.0e+00, v44;
	v53 =	vmul.f32 $1.442695020e+00, v30;
	(erf) = vrcp.f32 v62  }
0x43a: {  	v30 =	vsub.f32 $0.0e+00, v63;
	v63, _, _ =	vpop (xrf2);
	v56 =	vmul.f32 $1.442695020e+00, v38;
	v58 =	vld [tilespmem:s11+$0x90];
	v38 =	vsub.f32 $0.0e+00, v49  }
0x43b: {  	v55 =	vmul.f32 $1.442695020e+00, v34;
	v34 =	vsub.f32 $0.0e+00, v48;
	v48 =	vmul.f32 $1.442695020e+00, v46;
	v39 =	vld [tilespmem:s11+$0x80];
	v1 =	vpop (erf)  }
0x43c: {  	v47 =	vmul.f32 $1.442695020e+00, v30;
	v57 =	vmul.f32 $1.442695020e+00, v44;
	v2 =	vsub.f32 $0.0e+00, v51;
	v51 =	vld [tilespmem:s11+$0xB0];
	v61 =	vpop (erf)  }
0x43d: {  	[tilespmem:s12+$0x0] =	vst.msk vm0, v63;
	v49 =	vmul.f32 $1.442695020e+00, v33;
	v46 =	vmul.f32 $1.442695020e+00, v34;
	v33 =	vld [tilespmem:s11+$0xD0];
	v34 =	vsub.f32 $0.0e+00, v45;
	v63 =	vpop (erf)  }
0x43e: {  	v44 =	vmul.f32 $1.442695020e+00, v0;
	v62 =	vld [tilespmem:s11+$0xC0];
	v45 =	vmul.f32 $1.442695020e+00, v38;
	v40 =	vadd.f32 $-5.000000000e-01, v1;
	v38 =	vpop (erf)  }
0x43f: {  	v30 =	vadd.f32 $1.000000000e+00, v52;
	v52 =	vadd.f32 $-5.000000000e-01, v61;
	v61 =	vld [tilespmem:s11+$0xE0];
	v43 =	vmul.f32 $1.442695020e+00, v34;
	v0 =	vpop (erf)  }
0x440: {  	v34 =	vadd.f32 $-5.000000000e-01, v63;
	v63 =	vld [tilespmem:s11+$0xF0];
	v39 =	vmul.f32 v40, v39;
	v38 =	vadd.f32 $-5.000000000e-01, v38;
	v1 =	vpop (erf)  }
0x441: {  	v40 =	vmul.f32 v52, v58;
	v0 =	vadd.f32 $-5.000000000e-01, v0;
	(erf) = vpow2.f32 v41;
	v41 =	vpop (erf)  }
0x442: {  	v60 =	vmul.f32 v34, v60;
	v1 =	vadd.f32 $-5.000000000e-01, v1;
	v52 =	vadd.f32 $-5.000000000e-01, v41;
	v41 =	vpop (erf)  }
0x443: {  	v38 =	vmul.f32 v38, v51;
	v0 =	vmul.f32 v0, v62;
	v34 =	vadd.f32 $-5.000000000e-01, v41  }
0x444: {  	(erf) = vpow2.f32 v35;
	v41 =	vadd.f32 $1.000000000e+00, v54;
	v1 =	vmul.f32 v1, v33  }
0x445: {  	v51 =	vld [tilespmem:s15+$0xFFFFFF00];
	v38 =	vadd.f32 v38, v60;
	v52 =	vmul.f32 v52, v61;
	v54 =	vmul.f32 v34, v63  }
0x446: {  	(erf) = vpow2.f32 v36;
	v61 =	vadd.f32 $-5.000000000e-01, v23;
	v23 =	vadd.f32 v40, v39  }
0x447: {  	v59 =	vmul.f32 $1.442695020e+00, v42;
	v0 =	vadd.f32 v1, v0;
	v52 =	vadd.f32 v54, v52  }
0x448: {  	v11 =	vadd.f32 v13, v11;
	v42 =	vmul.f32 $1.442695020e+00, v2;
	v2 =	vld [tilespmem:s15+$0x50];
	(erf) = vpow2.f32 v37  }
0x449: {  	(erf) = vpow2.f32 v53;
	v23 =	vadd.f32 v38, v23;
	v0 =	vadd.f32 v52, v0  }
0x44a: {  	v13 =	vmul.f32 v26, v4;
	v31 =	vadd.f32 $-5.000000000e-01, v31;
	v54 =	vsub.f32 $0.0e+00, v51  }
0x44b: {  	v32 =	vadd.f32 $-5.000000000e-01, v32;
	v3 =	vld [tilespmem:s15+$0x60];
	v60 =	vpop (erf);
	(erf) = vpow2.f32 v55;
	v0 =	vadd.f32 v0, v23  }
0x44c: {  	v31 =	vmul.f32 v31, v14;
	v62 =	vmul.f32 $1.442695020e+00, v54  }
0x44d: {  	v14 =	vmul.f32 v32, v18;
	v2 =	vsub.f32 $0.0e+00, v2;
	v58 =	vld [tilespmem:s15+$0x70];
	(erf) = vpow2.f32 v56;
	(xrf2) =	vadd.scan.msk.f32 $0xffff, v0  }
0x44e: {  	v54 =	vmul.f32 v25, v6;
	v6 =	vld [tilespmem:$0x1FF40];
	v52 =	vadd.f32 $1.000000000e+00, v60;
	(erf) = vpow2.f32 v62;
	v60 =	vpop (erf)  }
0x44f: {  	v26 =	vpop (erf);
	(erf) = vpow2.f32 v57;
	v57 =	vmul.f32 v29, v7;
	v7 =	vld [tilespmem:$0x1FF50]  }
0x450: {  	v18 =	vadd.f32 v21, v20;
	v3 =	vsub.f32 $0.0e+00, v3;
	v2 =	vmul.f32 $1.442695020e+00, v2  }
0x451: {  	v63 =	vadd.f32 $-5.000000000e-01, v24;
	v55 =	vmul.f32 v28, v8;
	v28 =	vpop (erf);
	(erf) = vpow2.f32 v59  }
0x452: {  	v14 =	vadd.f32 v14, v31;
	v3 =	vmul.f32 $1.442695020e+00, v3;
	v29 =	vpop (erf);
	(erf) = vpow2.f32 v49  }
0x453: {  	v58 =	vsub.f32 $0.0e+00, v58;
	v0 =	vmul.f32 v63, v9;
	(erf) = vpow2.f32 v50  }
0x454: {  	v9 =	vadd.f32 v17, v16;
	v16 =	vadd.f32 v7, v6;
	v6 =	vld [tilespmem:$0x1FF60];
	v4 =	vpop (erf);
	(erf) = vpow2.f32 v48  }
0x455: {  	v53 =	vadd.f32 $-5.000000000e-01, v27;
	v51 =	vmul.f32 $1.442695020e+00, v58;
	(erf) = vpow2.f32 v47  }
0x456: {  	v49 =	vmul.f32 v61, v12;
	v48 =	vadd.f32 $1.000000000e+00, v4;
	v4 =	vpop (erf);
	(erf) = vpow2.f32 v46  }
0x457: {  	s12 =	smov.u32 s13;
	s13 =	sadd.s32 $0x4, s13;
	v12 =	vmul.f32 v53, v10;
	v10 =	vadd.f32 v15, v5;
	(erf) = vpow2.f32 v45;
	v5, _, _ =	vpop (xrf2)  }
0x458: {  	v20 =	vadd.f32 v54, v22;
	v13 =	vadd.f32 v55, v13;
	[tilespmem:s13+$0x1] =	vst.msk vm0, v5;
	v5 =	vpop (erf);
	(erf) = vpow2.f32 v44  }
0x459: {  	v1 =	vadd.f32 $1.000000000e+00, v60;
	v15 =	vld [tilespmem:$0x1FF70];
	v17 =	vadd.f32 v19, v6;
	v6 =	vpop (erf);
	(erf) = vpow2.f32 v42  }
0x45a: {  	v35 =	vld [tilespmem:s11+$0xFFFFFF20];
	v56 =	vadd.f32 $1.000000000e+00, v26;
	v19 =	vadd.f32 $1.000000000e+00, v5;
	v7 =	vpop (erf);
	(erf) = vpow2.f32 v43  }
0x45b: {  	v33 =	vld [tilespmem:s11+$0xFFFFFF00];
	v58 =	vadd.f32 $1.000000000e+00, v28;
	v0 =	vadd.f32 v12, v0;
	v8 =	vpop (erf);
	(erf) = vpow2.f32 v2  }
0x45c: {  	v36 =	vld [tilespmem:s11+$0xFFFFFF30];
	v59 =	vadd.f32 $1.000000000e+00, v29;
	v62 =	vadd.f32 v49, v57;
	v22 =	vpop (erf);
	(erf) = vpow2.f32 v3  }
0x45d: {  	v37 =	vld [tilespmem:s11+$0xFFFFFF40];
	v9 =	vadd.f32 v10, v9;
	v0 =	vadd.f32 v14, v0;
	v12 =	vpop (erf);
	(erf) = vpow2.f32 v51  }
0x45e: {  	v39 =	vld [tilespmem:s11+$0xFFFFFF60];
	v11 =	vadd.f32 v11, v15;
	v32 =	vadd.f32 $1.000000000e+00, v4;
	(erf) = vrcp.f32 v19;
	v19 =	vpop (erf)  }
0x45f: {  	v40 =	vld [tilespmem:s11+$0xFFFFFF70];
	v16 =	vadd.f32 v17, v16;
	v21 =	vadd.f32 $1.000000000e+00, v6;
	(erf) = vrcp.f32 v30;
	v15 =	vpop (erf)  }
0x460: {  	v34 =	vld [tilespmem:s11+$0xFFFFFF10];
	v61 =	vadd.f32 $1.000000000e+00, v7;
	v10 =	vadd.f32 $1.000000000e+00, v15;
	(erf) = vrcp.f32 v41;
	v15 =	vpop (erf)  }
0x461: {  	v24 =	vld [tilespmem:s11+$0xFFFFFF90];
	v2 =	vadd.f32 v62, v13;
	v51 =	vadd.f32 $1.000000000e+00, v15;
	(erf) = vrcp.f32 v52;
	v15 =	vpop (erf)  }
0x462: {  	v27 =	vld [tilespmem:s11+$0xFFFFFFB0];
	v63 =	vadd.f32 $1.000000000e+00, v8;
	v3 =	vadd.f32 $1.000000000e+00, v22;
	(erf) = vrcp.f32 v1;
	v54 =	vpop (erf)  }
0x463: {  	v38 =	vld [tilespmem:s11+$0xFFFFFF50];
	v12 =	vadd.f32 $1.000000000e+00, v12;
	v49 =	vadd.f32 $1.000000000e+00, v19;
	(erf) = vrcp.f32 v56;
	v13 =	vpop (erf)  }
0x464: {  	v25 =	vld [tilespmem:s11+$0xFFFFFFA0];
	v19 =	vadd.f32 v20, v18;
	v18 =	vadd.f32 $1.000000000e+00, v13;
	(erf) = vrcp.f32 v58;
	v13 =	vpop (erf)  }
0x465: {  	v23 =	vld [tilespmem:s11+$0xFFFFFF80];
	v53 =	vadd.f32 $1.000000000e+00, v15;
	v15 =	vadd.f32 v9, v11;
	(erf) = vrcp.f32 v59;
	v9 =	vpop (erf)  }
0x466: {  	v60 =	vld [tilespmem:s11+$0xFFFFFFF0];
	v31 =	vadd.f32 v19, v16;
	v19 =	vadd.f32 $1.000000000e+00, v9;
	(erf) = vrcp.f32 v48;
	v9 =	vpop (erf)  }
0x467: {  	v26 =	vld [tilespmem:s11+$0xFFFFFFC0];
	v30 =	vadd.f32 v0, v2;
	v1 =	vadd.f32 $1.000000000e+00, v54;
	v55 =	vpop (erf);
	(erf) = vrcp.f32 v32  }
0x468: {  	v28 =	vld [tilespmem:s11+$0xFFFFFFD0];
	v17 =	vadd.f32 $1.000000000e+00, v13;
	v0 =	vadd.f32 $-5.000000000e-01, v55;
	v56 =	vpop (erf);
	(erf) = vrcp.f32 v21  }
0x469: {  	v29 =	vld [tilespmem:s11+$0xFFFFFFE0];
	v22 =	vadd.f32 $1.000000000e+00, v9;
	v2 =	vadd.f32 $-5.000000000e-01, v56;
	v9 =	vpop (erf);
	(erf) = vrcp.f32 v61  }
0x46a: {  	v50 =	vld [tilespmem:s11+$0x0];
	v20 =	vmul.f32 v0, v33;
	v57 =	vadd.f32 $-5.000000000e-01, v9;
	v9 =	vpop (erf);
	(erf) = vrcp.f32 v63  }
0x46b: {  	s14 =	sadd.s32 $0x4, s14;
	v47 =	vld [tilespmem:s11+$0x10];
	v21 =	vmul.f32 v2, v34;
	v58 =	vadd.f32 $-5.000000000e-01, v9;
	v9 =	vpop (erf);
	(erf) = vrcp.f32 v3  }
0x46c: {  	p0 =	slt.u32 s14, $0x7C;
	v4 =	vld [tilespmem:s11+$0x20];
	v11 =	vmul.f32 v57, v35;
	v59 =	vadd.f32 $-5.000000000e-01, v9;
	v3 =	vpop (erf);
	(erf) = vrcp.f32 v12  }
.Ltmp4:
0x46d: {  	v46 =	vld [tilespmem:s11+$0x30];
	v13 =	vmul.f32 v58, v36;
	v61 =	vadd.f32 $-5.000000000e-01, v3;
	v3 =	vpop (erf);
	(erf) = vrcp.f32 v49;
	(pc) =	sbr.rel @p0 .LBB2_10-.Ltmp4, $4  }
0x46e: {  	v5 =	vld [tilespmem:s11+$0x40];
	v9 =	vmul.f32 v59, v37;
	v14 =	vadd.f32 $-5.000000000e-01, v3;
	v3 =	vpop (erf);
	(erf) = vrcp.f32 v10  }
0x46f: {  	v6 =	vld [tilespmem:s11+$0x50];
	v12 =	vmul.f32 v61, v38;
	v62 =	vadd.f32 $-5.000000000e-01, v3;
	v3 =	vpop (erf);
	(erf) = vrcp.f32 v51  }
0x470: {  	s17 =	simm.s32 $0x18700;
	s16 =	simm.s32 $0x18900;
	v7 =	vld [tilespmem:s11+$0x60];
	v10 =	vmul.f32 v14, v39;
	v16 =	vadd.f32 $-5.000000000e-01, v3;
	v63 =	vpop (erf);
	(erf) = vrcp.f32 v53  }
0x471: {  	s18 =	simm.s32 $0x18A00;
	s19 =	simm.s32 $0x18500;
	s15 =	sadd.s32 $0x200, s15;
	v8 =	vld [tilespmem:s11+$0x70];
	v14 =	vmul.f32 v62, v40;
	v32 =	vadd.f32 $-5.000000000e-01, v63;
	v33 =	vpop (erf);
	(erf) = vrcp.f32 v1  }
0x472: {  	v0 =	vpop (erf);
	(erf) = vrcp.f32 v18;
	v45 =	vadd.f32 $-5.000000000e-01, v33  }
0x473: {  	v16 =	vmul.f32 v16, v23;
	v20 =	vadd.f32 v21, v20;
	v1 =	vpop (erf);
	(erf) = vrcp.f32 v17  }
0x474: {  	v11 =	vadd.f32 v13, v11;
	v9 =	vadd.f32 v12, v9;
	v2 =	vpop (erf);
	(erf) = vrcp.f32 v19  }
0x475: {  	v0 =	vadd.f32 $-5.000000000e-01, v0;
	v10 =	vadd.f32 v14, v10;
	v3 =	vpop (erf);
	(erf) = vrcp.f32 v22  }
0x476: {  	v51 =	vmul.f32 v32, v24;
	v1 =	vadd.f32 $-5.000000000e-01, v1;
	v2 =	vadd.f32 $-5.000000000e-01, v2;
	v44 =	vpop (erf)  }
0x477: {  	v18 =	vmul.f32 v45, v25;
	v0 =	vmul.f32 v0, v27;
	v3 =	vadd.f32 $-5.000000000e-01, v3;
	v48 =	vpop (erf)  }
0x478: {  	v1 =	vmul.f32 v1, v26;
	v17 =	vadd.f32 $-5.000000000e-01, v44;
	v2 =	vmul.f32 v2, v28;
	v49 =	vpop (erf)  }
0x479: {  	v0 =	vadd.f32 v0, v18;
	v19 =	vadd.f32 $-5.000000000e-01, v48;
	v3 =	vmul.f32 v3, v29;
	v52 =	vpop (erf)  }
0x47a: {  	v22 =	vadd.f32 $-5.000000000e-01, v49;
	v17 =	vmul.f32 v17, v60;
	v60 =	vadd.f32 v51, v16;
	v53 =	vpop (erf)  }
0x47b: {  	v1 =	vadd.f32 v2, v1;
	v24 =	vadd.f32 $-5.000000000e-01, v52;
	v54 =	vpop (erf)  }
0x47c: {  	v21 =	vadd.f32 $-5.000000000e-01, v53;
	v3 =	vadd.f32 v17, v3;
	v55 =	vpop (erf)  }
0x47d: {  	v19 =	vmul.f32 v19, v50;
	v0 =	vadd.f32 v0, v60;
	v25 =	vadd.f32 $-5.000000000e-01, v54;
	v56 =	vpop (erf)  }
0x47e: {  	v59 =	vmul.f32 v24, v4;
	v26 =	vadd.f32 $-5.000000000e-01, v55;
	v4 =	vmul.f32 v21, v46;
	v57 =	vpop (erf)  }
0x47f: {  	v58 =	vmul.f32 v22, v47;
	v27 =	vadd.f32 $-5.000000000e-01, v56;
	v28 =	vadd.f32 $-5.000000000e-01, v57  }
0x480: {  	v5 =	vmul.f32 v25, v5;
	v6 =	vmul.f32 v26, v6;
	v4 =	vadd.f32 v4, v59  }
0x481: {  	v7 =	vmul.f32 v27, v7;
	v2 =	vmul.f32 v28, v8;
	v8 =	vadd.f32 v58, v19  }
0x482: {  	v5 =	vadd.f32 v6, v5;
	v6 =	vadd.f32 v11, v20  }
0x483: {  	v2 =	vadd.f32 v2, v7;
	v7 =	vadd.f32 v10, v9  }
0x484: {  	(xrf2) =	vadd.scan.msk.f32 $0xffff, v15;
	v1 =	vadd.f32 v3, v1;
	v3 =	vadd.f32 v4, v8  }
0x485: {  	(xrf2) =	vadd.scan.msk.f32 $0xffff, v31;
	v2 =	vadd.f32 v2, v5;
	v4 =	vadd.f32 v7, v6  }
0x486: {  	(xrf2) =	vadd.scan.msk.f32 $0xffff, v30;
	v0 =	vadd.f32 v1, v0  }
0x487: {  	v1 =	vadd.f32 v2, v3;
	(xrf2) =	vadd.scan.msk.f32 $0xffff, v4  }
0x488: {  	(xrf2) =	vadd.scan.msk.f32 $0xffff, v0  }
0x489: {  	(xrf2) =	vadd.scan.msk.f32 $0xffff, v1;
	_ =	sdelay $0x4  }
0x48a: {  	v0, _, _ =	vpop (xrf2)  }
0x48b: {  	[tilespmem:s12+$0xFFFFFFFE] =	vst.msk vm0, v0;
	v1, _, _ =	vpop (xrf2)  }
0x48c: {  	v0, _, _ =	vpop (xrf2);
	[tilespmem:s12+$0xFFFFFFFF] =	vst.msk vm0, v1  }
0x48d: {  	[tilespmem:s12+$0x0] =	vst.msk vm0, v0;
	v1, _, _ =	vpop (xrf2)  }
0x48e: {  	[tilespmem:s13+$0xFFFFFFFE] =	vst.msk vm0, v1;
	v0, _, _ =	vpop (xrf2)  }
0x48f: {  	[tilespmem:s13+$0xFFFFFFFF] =	vst.msk vm0, v0;
	v0, _, _ =	vpop (xrf2)  }
0x490: {  	[tilespmem:s13+$0x0] =	vst.msk vm0, v0  }
0x491: {  	v0 =	vld [tilespmem:s19+$0x0];
	_ =	sdelay $0x1  }
0x492: {  	v1 =	vld [tilespmem:s17+$0x0]  }
0x493: {  	v2 =	vld [tilespmem:s18+$0x0];
	_ =	sdelay $0x1  }
0x494: {  	v0 =	vsub.f32 $0.0e+00, v0;
	_ =	sdelay $0x1  }
0x495: {  	v0 =	vmul.f32 $1.442695020e+00, v0  }
0x496: {  	s11 =	simm.s32 $0x18510;
	v1 =	vsub.f32 $0.0e+00, v1;
	v2 =	vmul.f32 $-1.999999960e-02, v2  }
0x497: {  	s14 =	simm.s32 $0x18710;
	v3 =	vld [tilespmem:s11+$0x0];
	(erf) = vpow2.f32 v0  }
0x498: {  	s15 =	simm.s32 $0x18A10;
	v1 =	vmul.f32 $1.442695020e+00, v1;
	v2 =	vadd.f32 $0.0e+00, v2;
	v0 =	vld [tilespmem:s14+$0x0]  }
0x499: {  	v4 =	vld [tilespmem:s15+$0x0]  }
0x49a: {  	v2 =	vmul.f32 $1.442695020e+00, v2;
	(erf) = vpow2.f32 v1;
	_ =	sdelay $0x1  }
0x49b: {  	v1 =	vsub.f32 $0.0e+00, v3;
	(erf) = vpow2.f32 v2  }
0x49c: {  	s17 =	simm.s32 $0x18520;
	v0 =	vsub.f32 $0.0e+00, v0  }
0x49d: {  	s19 =	simm.s32 $0x18A20;
	v3 =	vld [tilespmem:s17+$0x0];
	v2 =	vmul.f32 $-1.999999960e-02, v4;
	v1 =	vmul.f32 $1.442695020e+00, v1  }
0x49e: {  	s18 =	simm.s32 $0x18720;
	v5 =	vld [tilespmem:s19+$0x0];
	v0 =	vmul.f32 $1.442695020e+00, v0  }
0x49f: {  	v2 =	vadd.f32 $0.0e+00, v2;
	(erf) = vpow2.f32 v1;
	v1 =	vld [tilespmem:s18+$0x0];
	v4 =	vpop (erf)  }
0x4a0: {  	(erf) = vpow2.f32 v0;
	v0 =	vadd.f32 $1.000000000e+00, v4  }
0x4a1: {  	v2 =	vmul.f32 $1.442695020e+00, v2  }
0x4a2: {  	s12 =	simm.s32 $0x18530;
	v3 =	vsub.f32 $0.0e+00, v3;
	v4 =	vpop (erf);
	(erf) = vrcp.f32 v0  }
0x4a3: {  	v4 =	vadd.f32 $1.000000000e+00, v4;
	(erf) = vpow2.f32 v2;
	v2 =	vld [tilespmem:s12+$0x0]  }
0x4a4: {  	v0 =	vsub.f32 $0.0e+00, v1;
	v1 =	vmul.f32 $1.442695020e+00, v3;
	v3 =	vmul.f32 $-1.999999960e-02, v5;
	v5 =	vpop (erf)  }
0x4a5: {  	s13 =	simm.s32 $0x18A30;
	v5 =	vadd.f32 $1.000000000e+00, v5;
	(erf) = vrcp.f32 v4  }
0x4a6: {  	s14 =	simm.s32 $0x18730;
	v4 =	vld [tilespmem:s13+$0x0];
	v0 =	vmul.f32 $1.442695020e+00, v0;
	v3 =	vadd.f32 $0.0e+00, v3;
	(erf) = vpow2.f32 v1  }
0x4a7: {  	v1 =	vld [tilespmem:s14+$0x0]  }
0x4a8: {  	v6 =	vpop (erf);
	(erf) = vpow2.f32 v0;
	v3 =	vmul.f32 $1.442695020e+00, v3;
	v2 =	vsub.f32 $0.0e+00, v2  }
0x4a9: {  	v0 =	vadd.f32 $1.000000000e+00, v6  }
0x4aa: {  	s17 =	simm.s32 $0x18540;
	(erf) = vrcp.f32 v5;
	v5 =	vpop (erf);
	v2 =	vmul.f32 $1.442695020e+00, v2  }
0x4ab: {  	s15 =	simm.s32 $0x18A40;
	v6 =	vld [tilespmem:s17+$0x0];
	(erf) = vrcp.f32 v0;
	v4 =	vmul.f32 $-1.999999960e-02, v4;
	v5 =	vadd.f32 $1.000000000e+00, v5  }
0x4ac: {  	v0 =	vld [tilespmem:s15+$0x0];
	(erf) = vpow2.f32 v3;
	v1 =	vsub.f32 $0.0e+00, v1;
	v3 =	vpop (erf)  }
0x4ad: {  	s18 =	simm.s32 $0x18740;
	(erf) = vrcp.f32 v5;
	v4 =	vadd.f32 $0.0e+00, v4;
	v7 =	vpop (erf);
	v3 =	vmul.f32 $4.000000060e-01, v3  }
0x4ae: {  	v5 =	vld [tilespmem:s18+$0x0];
	v1 =	vmul.f32 $1.442695020e+00, v1;
	(erf) = vpow2.f32 v2;
	v2 =	vpop (erf)  }
0x4af: {  	v7 =	vadd.f32 $1.000000000e+00, v7;
	v4 =	vmul.f32 $1.442695020e+00, v4;
	v3 =	vsub.f32 $1.000000000e+00, v3;
	v8 =	vpop (erf)  }
0x4b0: {  	(erf) = vpow2.f32 v1;
	v2 =	vmul.f32 $4.000000060e-01, v2;
	v1 =	vadd.f32 $1.000000000e+00, v8  }
0x4b1: {  	v8 =	vpop (erf);
	(erf) = vrcp.f32 v7;
	v7 =	vmul.f32 $-1.999999960e-02, v0;
	v0 =	vsub.f32 $0.0e+00, v6  }
0x4b2: {  	v3 =	vsub.f32 v3, v2  }
0x4b3: {  	s19 =	simm.s32 $0x18A50;
	v5 =	vsub.f32 $0.0e+00, v5;
	v6 =	vpop (erf);
	v0 =	vmul.f32 $1.442695020e+00, v0  }
0x4b4: {  	v8 =	vadd.f32 $1.000000000e+00, v8;
	(erf) = vrcp.f32 v1;
	v1 =	vmul.f32 v3, v6;
	v3 =	vld [tilespmem:s19+$0x0]  }
0x4b5: {  	v5 =	vmul.f32 $1.442695020e+00, v5;
	(erf) = vpow2.f32 v4;
	v4 =	vpop (erf)  }
0x4b6: {  	s11 =	simm.s32 $0x18550;
	v61 =	vpop (erf);
	(erf) = vrcp.f32 v8;
	v4 =	vmul.f32 $4.000000060e-01, v4  }
0x4b7: {  	v7 =	vadd.f32 $0.0e+00, v7;
	v6 =	vld [tilespmem:s11+$0x0];
	(erf) = vpow2.f32 v0;
	v8 =	vadd.f32 $1.000000000e+00, v61;
	v0 =	vpop (erf)  }
0x4b8: {  	s12 =	simm.s32 $0x18750;
	v1 =	vadd.f32 v1, v2;
	v4 =	vsub.f32 $1.000000000e+00, v4;
	(erf) = vpow2.f32 v5;
	v2 =	vpop (erf)  }
0x4b9: {  	v0 =	vmul.f32 $4.000000060e-01, v0;
	v62 =	vadd.f32 $1.000000000e+00, v2;
	v2 =	vmul.f32 $-1.999999960e-02, v3;
	v3 =	vld [tilespmem:s12+$0x0]  }
0x4ba: {  	v63 =	vpop (erf);
	(erf) = vrcp.f32 v8  }
0x4bb: {  	v8 =	vsub.f32 v4, v0  }
0x4bc: {  	v5 =	vsub.f32 $0.0e+00, v6;
	v4 =	vmul.f32 $1.442695020e+00, v7;
	v7 =	vpop (erf);
	(erf) = vrcp.f32 v62  }
0x4bd: {  	s13 =	simm.s32 $0x50;
	s14 =	simm.s32 $0x18A60;
	[tilespmem:s16+$0x0] =	vst v1;
	v6 =	vadd.f32 $1.000000000e+00, v63;
	v1 =	vmul.f32 v8, v7  }
.LBB2_12:
0x4be: {  	v7 =	vld [tilespmem:s14+$0x0];
	v10 =	vmul.f32 $1.442695020e+00, v5;
	v3 =	vsub.f32 $0.0e+00, v3;
	s11 =	sadd.s32 $0x10, s11;
	(erf) = vpow2.f32 v4;
	v4 =	vpop (erf)  }
0x4bf: {  	s13 =	sadd.s32 $0x10, s13;
	v8 =	vld [tilespmem:s11+$0x0];
	v9 =	vpop (erf);
	v4 =	vmul.f32 $4.000000060e-01, v4;
	v1 =	vadd.f32 v1, v0;
	(erf) = vrcp.f32 v6  }
0x4c0: {  	s12 =	sadd.s32 $0x10, s12;
	s16 =	sadd.s32 $0x10, s16;
	p0 =	slt.u32 s13, $0x70;
	v11 =	vmul.f32 $1.442695020e+00, v3;
	(erf) = vpow2.f32 v10;
	v0 =	vpop (erf)  }
.Ltmp5:
0x4c1: {  	v9 =	vadd.f32 $1.000000000e+00, v9;
	v4 =	vsub.f32 $1.000000000e+00, v4;
	v3 =	vld [tilespmem:s12+$0x0];
	v5 =	vpop (erf);
	v0 =	vmul.f32 $4.000000060e-01, v0;
	[tilespmem:s16+$0x0] =	vst v1;
	(pc) =	sbr.rel @p0 .LBB2_12-.Ltmp5, $4  }
0x4c2: {  	v12 =	vadd.f32 $0.0e+00, v2;
	(erf) = vpow2.f32 v11  }
0x4c3: {  	v10 =	vadd.f32 $1.000000000e+00, v5;
	v6 =	vpop (erf);
	(erf) = vrcp.f32 v9;
	v9 =	vsub.f32 v4, v0  }
0x4c4: {  	v2 =	vmul.f32 $-1.999999960e-02, v7;
	v5 =	vsub.f32 $0.0e+00, v8;
	v4 =	vmul.f32 $1.442695020e+00, v12;
	v1 =	vpop (erf)  }
0x4c5: {  	s14 =	sadd.s32 $0x10, s14;
	v6 =	vadd.f32 $1.000000000e+00, v6;
	(erf) = vrcp.f32 v10;
	v1 =	vmul.f32 v9, v1  }
0x4c6: {  	v5 =	vmul.f32 $1.442695020e+00, v5  }
0x4c7: {  	v3 =	vsub.f32 $0.0e+00, v3;
	(erf) = vpow2.f32 v4  }
0x4c8: {  	v4 =	vpop (erf);
	(erf) = vrcp.f32 v6  }
0x4c9: {  	v6 =	vpop (erf);
	v3 =	vmul.f32 $1.442695020e+00, v3;
	(erf) = vpow2.f32 v5  }
0x4ca: {  	v6 =	vadd.f32 $1.000000000e+00, v6;
	v5 =	vpop (erf)  }
0x4cb: {  	v7 =	vpop (erf);
	(erf) = vpow2.f32 v3  }
0x4cc: {  	v2 =	vadd.f32 $0.0e+00, v2;
	v3 =	vadd.f32 $1.000000000e+00, v7  }
0x4cd: {  	v7 =	vpop (erf)  }
0x4ce: {  	v2 =	vmul.f32 $1.442695020e+00, v2;
	(erf) = vrcp.f32 v6;
	v6 =	vpop (erf)  }
0x4cf: {  	(erf) = vrcp.f32 v3;
	v48 =	vpop (erf)  }
0x4d0: {  	(erf) = vpow2.f32 v2;
	v3 =	vpop (erf)  }
0x4d1: {  	v7 =	vadd.f32 $1.000000000e+00, v7;
	v8 =	vpop (erf)  }
0x4d2: {  	v9 =	vpop (erf)  }
0x4d3: {  	(erf) = vrcp.f32 v7;
	v3 =	vadd.f32 $1.000000000e+00, v3;
	v7 =	vadd.f32 $1.000000000e+00, v9  }
0x4d4: {  	v9 =	vpop (erf)  }
0x4d5: {  	(erf) = vrcp.f32 v3;
	v3 =	vadd.f32 $1.000000000e+00, v9;
	_ =	sdelay $0x1  }
0x4d6: {  	(erf) = vrcp.f32 v7;
	v7 =	vpop (erf)  }
0x4d7: {  	v9 =	vpop (erf)  }
0x4d8: {  	(erf) = vrcp.f32 v3;
	v3 =	vpop (erf)  }
0x4d9: {  	v3 =	vadd.f32 $1.000000000e+00, v3;
	_ =	sdelay $0x1  }
0x4da: {  	(erf) = vrcp.f32 v3;
	v3 =	vmul.f32 $4.000000060e-01, v4;
	_ =	sdelay $0x1  }
0x4db: {  	v5 =	vmul.f32 $4.000000060e-01, v5;
	v9 =	vmul.f32 $4.000000060e-01, v9;
	v4 =	vpop (erf);
	v3 =	vsub.f32 $1.000000000e+00, v3  }
0x4dc: {  	v2 =	vmul.f32 $4.000000060e-01, v48;
	v10 =	vpop (erf)  }
0x4dd: {  	v9 =	vsub.f32 $1.000000000e+00, v9;
	v4 =	vmul.f32 $4.000000060e-01, v4;
	v11 =	vpop (erf);
	v3 =	vsub.f32 v3, v5  }
0x4de: {  	v2 =	vsub.f32 $1.000000000e+00, v2;
	v8 =	vmul.f32 $4.000000060e-01, v8;
	v11 =	vmul.f32 $4.000000060e-01, v11  }
0x4df: {  	v12 =	vpop (erf);
	v3 =	vmul.f32 v3, v6;
	v6 =	vsub.f32 v9, v4  }
0x4e0: {  	v2 =	vsub.f32 v2, v8;
	v11 =	vsub.f32 $1.000000000e+00, v11;
	v12 =	vmul.f32 $4.000000060e-01, v12;
	_ =	sdelay $0x1  }
0x4e1: {  	v0 =	vadd.f32 v1, v0;
	v49 =	vmul.f32 v2, v7;
	v50 =	vsub.f32 v11, v12  }
0x4e2: {  	s11 =	sadd.s32 $0x10, s16;
	v3 =	vadd.f32 v3, v5;
	v5 =	vmul.f32 v6, v10;
	v6 =	vpop (erf)  }
0x4e3: {  	[tilespmem:s11+$0x0] =	vst v0;
	s11 =	sadd.s32 $0x10, s11;
	v51 =	vadd.f32 v49, v8;
	v52 =	vmul.f32 v50, v6  }
0x4e4: {  	[tilespmem:s11+$0x0] =	vst v3;
	s11 =	sadd.s32 $0x10, s11;
	v53 =	vadd.f32 v5, v4  }
0x4e5: {  	[tilespmem:s11+$0x0] =	vst v51;
	s11 =	sadd.s32 $0x10, s11;
	v54 =	vadd.f32 v52, v12  }
0x4e6: {  	[tilespmem:s11+$0x0] =	vst v53;
	s11 =	sadd.s32 $0x10, s11  }
0x4e7: {  	s18 =	simm.s32 $0x18900;
	[tilespmem:s11+$0x0] =	vst v54  }
0x4e8: {  	[hbm4b:s20+s4] =	stream.linear.scatter [tilespmem:s18], [sflag:$0x9], $0x80, $0x38;
	[tilespmem:$0x18B00] =	vst v63  }
0x4e9: {  	_ =	swait.ge [sflag:s8], $0x4000  }
0x4ea: {  	[sflag:s8] =	ssyncset.done $0x0  }
0x4eb: {  	[sflag:s8] =	ssyncadd.s32 $0xFFFFC000  }
0x4ec: {  	_ =	swait.ge [sflag:s6], $0x4000  }
0x4ed: {  	[sflag:s6] =	ssyncset.done $0x0  }
0x4ee: {  	s19 =	simm.s32 $0xC500;
	[sflag:s6] =	ssyncadd.s32 $0xFFFFC000  }
0x4ef: {  	v55 =	vld [tilespmem:s19+$0x80]  }
0x4f0: {  	v56 =	vld [tilespmem:s19+$0x90]  }
0x4f1: {  	v57 =	vld [tilespmem:s19+$0xA0]  }
0x4f2: {  	v3 =	vld [tilespmem:s19+$0xB0]  }
0x4f3: {  	v4 =	vld [tilespmem:s19+$0xC0]  }
0x4f4: {  	v5 =	vld [tilespmem:s19+$0xD0];
	v0 =	vsub.f32 $0.0e+00, v55  }
0x4f5: {  	v6 =	vld [tilespmem:s19+$0xE0];
	v1 =	vsub.f32 $0.0e+00, v56  }
0x4f6: {  	v7 =	vld [tilespmem:s19+$0xF0];
	v2 =	vsub.f32 $0.0e+00, v57;
	v0 =	vmul.f32 $1.442695020e+00, v0  }
0x4f7: {  	v3 =	vsub.f32 $0.0e+00, v3;
	v1 =	vmul.f32 $1.442695020e+00, v1  }
0x4f8: {  	v4 =	vsub.f32 $0.0e+00, v4;
	v2 =	vmul.f32 $1.442695020e+00, v2;
	(erf) = vpow2.f32 v0  }
0x4f9: {  	v58 =	vld [tilespmem:s19+$0xFFFFFF10];
	v5 =	vsub.f32 $0.0e+00, v5;
	v3 =	vmul.f32 $1.442695020e+00, v3;
	(erf) = vpow2.f32 v1  }
0x4fa: {  	v59 =	vld [tilespmem:s19+$0xFFFFFF20];
	v6 =	vsub.f32 $0.0e+00, v6;
	v4 =	vmul.f32 $1.442695020e+00, v4;
	(erf) = vpow2.f32 v2  }
0x4fb: {  	v60 =	vmul.f32 $1.442695020e+00, v5;
	v5 =	vsub.f32 $0.0e+00, v7;
	(erf) = vpow2.f32 v3  }
0x4fc: {  	v3 =	vmul.f32 $1.442695020e+00, v6;
	(erf) = vpow2.f32 v4  }
0x4fd: {  	v4 =	vmul.f32 $1.442695020e+00, v5;
	(erf) = vpow2.f32 v60  }
0x4fe: {  	v0 =	vsub.f32 $0.0e+00, v58;
	(erf) = vpow2.f32 v3  }
0x4ff: {  	v1 =	vsub.f32 $0.0e+00, v59;
	(erf) = vpow2.f32 v4  }
0x500: {  	v8 =	vld [tilespmem:s19+$0xFFFFFF80];
	v0 =	vmul.f32 $1.442695020e+00, v0  }
0x501: {  	v1 =	vmul.f32 $1.442695020e+00, v1;
	v61 =	vpop (erf)  }
0x502: {  	(erf) = vpow2.f32 v0;
	v62 =	vadd.f32 $1.000000000e+00, v61;
	v63 =	vpop (erf)  }
0x503: {  	v3 =	vld [tilespmem:s19+$0xFFFFFF30];
	(erf) = vpow2.f32 v1;
	v32 =	vadd.f32 $1.000000000e+00, v63;
	v33 =	vpop (erf)  }
0x504: {  	v4 =	vld [tilespmem:s19+$0xFFFFFF40];
	v2 =	vadd.f32 $1.000000000e+00, v33;
	(erf) = vrcp.f32 v62;
	v34 =	vpop (erf)  }
0x505: {  	v8 =	vsub.f32 $0.0e+00, v8;
	v5 =	vld [tilespmem:s19+$0xFFFFFF50];
	v0 =	vadd.f32 $1.000000000e+00, v34;
	(erf) = vrcp.f32 v32;
	v35 =	vpop (erf)  }
0x506: {  	v6 =	vld [tilespmem:s19+$0xFFFFFF60];
	v1 =	vadd.f32 $1.000000000e+00, v35;
	(erf) = vrcp.f32 v2;
	v36 =	vpop (erf)  }
0x507: {  	v7 =	vld [tilespmem:s19+$0xFFFFFF70];
	v8 =	vmul.f32 $1.442695020e+00, v8;
	v2 =	vadd.f32 $1.000000000e+00, v36;
	(erf) = vrcp.f32 v0;
	v37 =	vpop (erf)  }
0x508: {  	v9 =	vld [tilespmem:s19+$0xFFFFFF90];
	v3 =	vsub.f32 $0.0e+00, v3;
	v0 =	vadd.f32 $1.000000000e+00, v37;
	(erf) = vrcp.f32 v1;
	v38 =	vpop (erf)  }
0x509: {  	v40 =	vld [tilespmem:s19+$0xFFFFFF00];
	v4 =	vsub.f32 $0.0e+00, v4;
	v1 =	vadd.f32 $1.000000000e+00, v38;
	(erf) = vrcp.f32 v2  }
0x50a: {  	v39 =	vmul.f32 $1.442695020e+00, v3;
	v3 =	vsub.f32 $0.0e+00, v5;
	v5 =	vld [tilespmem:s19+$0xFFFFFFA0];
	(erf) = vrcp.f32 v0  }
0x50b: {  	v41 =	vld [tilespmem:s19+$0xFFFFFFB0];
	v6 =	vsub.f32 $0.0e+00, v6;
	v4 =	vmul.f32 $1.442695020e+00, v4;
	v10 =	vpop (erf);
	(erf) = vrcp.f32 v1  }
0x50c: {  	v42 =	vld [tilespmem:s19+$0xFFFFFFC0];
	v7 =	vsub.f32 $0.0e+00, v7;
	v3 =	vmul.f32 $1.442695020e+00, v3;
	v11 =	vpop (erf);
	(erf) = vpow2.f32 v39  }
0x50d: {  	v9 =	vsub.f32 $0.0e+00, v9;
	v6 =	vmul.f32 $1.442695020e+00, v6;
	v12 =	vpop (erf);
	(erf) = vpow2.f32 v4;
	v4 =	vld [tilespmem:s19+$0xFFFFFFD0]  }
0x50e: {  	v7 =	vmul.f32 $1.442695020e+00, v7;
	v0 =	vsub.f32 $0.0e+00, v40;
	v13 =	vpop (erf);
	(erf) = vpow2.f32 v3;
	v3 =	vld [tilespmem:s19+$0xFFFFFFE0]  }
0x50f: {  	v9 =	vmul.f32 $1.442695020e+00, v9;
	v5 =	vsub.f32 $0.0e+00, v5;
	v14 =	vpop (erf);
	(erf) = vpow2.f32 v6;
	v6 =	vld [tilespmem:s19+$0xFFFFFFF0]  }
0x510: {  	v1 =	vsub.f32 $0.0e+00, v41;
	v0 =	vmul.f32 $1.442695020e+00, v0;
	v15 =	vpop (erf);
	(erf) = vpow2.f32 v7;
	v7 =	vld [tilespmem:s19+$0x0]  }
0x511: {  	v5 =	vmul.f32 $1.442695020e+00, v5;
	v16 =	vpop (erf);
	(erf) = vpow2.f32 v8;
	v8 =	vld [tilespmem:s19+$0x10]  }
0x512: {  	v2 =	vsub.f32 $0.0e+00, v42;
	v1 =	vmul.f32 $1.442695020e+00, v1;
	v17 =	vpop (erf);
	(erf) = vpow2.f32 v9;
	v9 =	vld [tilespmem:s19+$0x20]  }
0x513: {  	v4 =	vsub.f32 $0.0e+00, v4;
	v18 =	vpop (erf);
	(erf) = vpow2.f32 v0;
	v43 =	vsub.f32 $0.0e+00, v3;
	v3 =	vld [tilespmem:s19+$0x30]  }
0x514: {  	v2 =	vmul.f32 $1.442695020e+00, v2;
	v19 =	vpop (erf);
	(erf) = vpow2.f32 v5;
	v5 =	vsub.f32 $0.0e+00, v6;
	v6 =	vld [tilespmem:s19+$0x40]  }
0x515: {  	v4 =	vmul.f32 $1.442695020e+00, v4;
	v20 =	vpop (erf);
	(erf) = vpow2.f32 v1;
	v44 =	vsub.f32 $0.0e+00, v7;
	v7 =	vld [tilespmem:s19+$0x50]  }
0x516: {  	v0 =	vmul.f32 $1.442695020e+00, v43;
	v21 =	vpop (erf);
	(erf) = vpow2.f32 v2;
	v45 =	vsub.f32 $0.0e+00, v8;
	v8 =	vld [tilespmem:s19+$0x60]  }
0x517: {  	v5 =	vmul.f32 $1.442695020e+00, v5;
	v22 =	vpop (erf);
	(erf) = vpow2.f32 v4;
	v4 =	vsub.f32 $0.0e+00, v9;
	v9 =	vld [tilespmem:s19+$0x70]  }
0x518: {  	s13 =	simm.s32 $0xC700;
	v1 =	vmul.f32 $1.442695020e+00, v44;
	v23 =	vpop (erf);
	(erf) = vpow2.f32 v0;
	v46 =	vsub.f32 $0.0e+00, v3  }
0x519: {  	v57 =	vld [tilespmem:s13+$0xFFFFFF20];
	v2 =	vmul.f32 $1.442695020e+00, v45;
	v3 =	vpop (erf);
	(erf) = vpow2.f32 v5;
	v5 =	vsub.f32 $0.0e+00, v6  }
0x51a: {  	v4 =	vmul.f32 $1.442695020e+00, v4;
	v6 =	vpop (erf);
	(erf) = vpow2.f32 v1;
	v47 =	vsub.f32 $0.0e+00, v7  }
0x51b: {  	v7 =	vpop (erf);
	(erf) = vpow2.f32 v2;
	v48 =	vmul.f32 $1.442695020e+00, v5;
	v5 =	vsub.f32 $0.0e+00, v8  }
0x51c: {  	v0 =	vmul.f32 $1.442695020e+00, v46;
	v8 =	vpop (erf);
	(erf) = vpow2.f32 v4;
	v4 =	vsub.f32 $0.0e+00, v9;
	_ =	sdelay $0x1  }
0x51d: {  	v35 =	vsub.f32 $0.0e+00, v57;
	v40 =	vld [tilespmem:s13+$0xFFFFFF40];
	v1 =	vmul.f32 $1.442695020e+00, v47;
	v9 =	vpop (erf);
	(erf) = vpow2.f32 v0  }
0x51e: {  	s12 =	simm.s32 $0x14500;
	v49 =	vmul.f32 $1.442695020e+00, v5;
	v8 =	vadd.f32 $1.000000000e+00, v8;
	v5 =	vpop (erf);
	(erf) = vpow2.f32 v48  }
0x51f: {  	v52 =	vld [tilespmem:s12+$0x80];
	v51 =	vadd.f32 $1.000000000e+00, v10;
	v50 =	vmul.f32 $1.442695020e+00, v4;
	v4 =	vpop (erf);
	(erf) = vpow2.f32 v1  }
0x520: {  	v11 =	vadd.f32 $1.000000000e+00, v11;
	v12 =	vadd.f32 $-5.000000000e-01, v12;
	v10 =	vpop (erf);
	(erf) = vpow2.f32 v49  }
0x521: {  	v25 =	vld [tilespmem:s12+$0xA0];
	v13 =	vadd.f32 $-5.000000000e-01, v13;
	v20 =	vadd.f32 $1.000000000e+00, v20;
	v24 =	vpop (erf);
	(erf) = vpow2.f32 v50  }
0x522: {  	v53 =	vld [tilespmem:s12+$0x90];
	v40 =	vsub.f32 $0.0e+00, v40;
	v21 =	vadd.f32 $1.000000000e+00, v21;
	(erf) = vrcp.f32 v8;
	v8 =	vpop (erf)  }
0x523: {  	v26 =	vld [tilespmem:s12+$0xB0];
	v14 =	vadd.f32 $-5.000000000e-01, v14;
	v15 =	vadd.f32 $-5.000000000e-01, v15;
	(erf) = vrcp.f32 v51;
	v54 =	vpop (erf)  }
0x524: {  	v0 =	vmul.f32 v12, v52;
	v12 =	vadd.f32 $1.000000000e+00, v23;
	(erf) = vrcp.f32 v11;
	v11 =	vpop (erf)  }
0x525: {  	v22 =	vadd.f32 $1.000000000e+00, v22;
	v3 =	vadd.f32 $1.000000000e+00, v3;
	(erf) = vrcp.f32 v20;
	v20 =	vpop (erf)  }
0x526: {  	v14 =	vmul.f32 v14, v25;
	v6 =	vadd.f32 $1.000000000e+00, v6;
	(erf) = vrcp.f32 v21;
	v21 =	vpop (erf)  }
0x527: {  	v16 =	vadd.f32 $-5.000000000e-01, v16;
	v2 =	vmul.f32 v13, v53;
	v23 =	vld [tilespmem:s12+$0xC0];
	(erf) = vrcp.f32 v22;
	v13 =	vpop (erf)  }
0x528: {  	v17 =	vadd.f32 $-5.000000000e-01, v17;
	v15 =	vmul.f32 v15, v26;
	v22 =	vld [tilespmem:s12+$0xD0];
	(erf) = vrcp.f32 v12;
	v12 =	vpop (erf)  }
0x529: {  	v27 =	vld [tilespmem:s12+$0xE0];
	v18 =	vadd.f32 $-5.000000000e-01, v18;
	v7 =	vadd.f32 $1.000000000e+00, v7;
	(erf) = vrcp.f32 v3;
	v3 =	vpop (erf)  }
0x52a: {  	v25 =	vld [tilespmem:s12+$0xF0];
	v19 =	vadd.f32 $-5.000000000e-01, v19;
	v9 =	vadd.f32 $1.000000000e+00, v9;
	(erf) = vrcp.f32 v6;
	v6 =	vpop (erf)  }
0x52b: {  	v0 =	vadd.f32 v2, v0;
	v5 =	vadd.f32 $1.000000000e+00, v5;
	v26 =	vpop (erf);
	(erf) = vrcp.f32 v7  }
0x52c: {  	v4 =	vadd.f32 $1.000000000e+00, v4;
	v7 =	vmul.f32 v16, v23;
	v16 =	vpop (erf);
	(erf) = vrcp.f32 v9  }
0x52d: {  	v10 =	vadd.f32 $1.000000000e+00, v10;
	v9 =	vmul.f32 v17, v22;
	v17 =	vpop (erf);
	(erf) = vrcp.f32 v5  }
0x52e: {  	v5 =	vmul.f32 v18, v27;
	v18 =	vadd.f32 $1.000000000e+00, v24;
	v22 =	vpop (erf);
	(erf) = vrcp.f32 v4  }
0x52f: {  	v8 =	vadd.f32 $1.000000000e+00, v8;
	v4 =	vmul.f32 v19, v25;
	v19 =	vpop (erf);
	(erf) = vrcp.f32 v10  }
0x530: {  	v1 =	vadd.f32 $1.000000000e+00, v54;
	v11 =	vadd.f32 $1.000000000e+00, v11;
	v55 =	vpop (erf);
	(erf) = vrcp.f32 v18  }
0x531: {  	v3 =	vadd.f32 $1.000000000e+00, v3;
	v10 =	vadd.f32 v15, v14;
	v14 =	vpop (erf);
	(erf) = vrcp.f32 v8;
	v8 =	vld [tilespmem:s13+$0x80]  }
0x532: {  	v56 =	vld [tilespmem:s13+$0x90];
	v7 =	vadd.f32 v9, v7;
	v9 =	vadd.f32 $1.000000000e+00, v20;
	v15 =	vpop (erf);
	(erf) = vrcp.f32 v1  }
0x533: {  	v4 =	vadd.f32 v4, v5;
	v5 =	vadd.f32 $1.000000000e+00, v21;
	v18 =	vpop (erf);
	(erf) = vrcp.f32 v11;
	v11 =	vld [tilespmem:s13+$0xA0]  }
0x534: {  	v0 =	vadd.f32 v10, v0;
	v10 =	vadd.f32 $1.000000000e+00, v13;
	v20 =	vpop (erf);
	(erf) = vrcp.f32 v9  }
0x535: {  	v13 =	vadd.f32 v4, v7;
	v4 =	vadd.f32 $1.000000000e+00, v12;
	v9 =	vld [tilespmem:s13+$0xB0];
	v12 =	vpop (erf);
	(erf) = vrcp.f32 v5  }
0x536: {  	v6 =	vadd.f32 $1.000000000e+00, v6;
	v5 =	vld [tilespmem:s13+$0xC0];
	v24 =	vpop (erf);
	(erf) = vrcp.f32 v10;
	v7 =	vsub.f32 $0.0e+00, v8  }
0x537: {  	v16 =	vadd.f32 $-5.000000000e-01, v16;
	v1 =	vsub.f32 $0.0e+00, v56;
	v10 =	vld [tilespmem:s13+$0xD0];
	v25 =	vpop (erf);
	(erf) = vrcp.f32 v4  }
0x538: {  	v4 =	vld [tilespmem:s13+$0xE0];
	v27 =	vpop (erf);
	(erf) = vrcp.f32 v3;
	v3 =	vmul.f32 $1.442695020e+00, v7;
	v7 =	vsub.f32 $0.0e+00, v11  }
0x539: {  	v17 =	vadd.f32 $-5.000000000e-01, v17;
	v21 =	vld [tilespmem:s12+$0xFFFFFF10];
	v19 =	vadd.f32 $-5.000000000e-01, v19;
	v1 =	vmul.f32 $1.442695020e+00, v1  }
0x53a: {  	v11 =	vld [tilespmem:s13+$0xF0];
	v28 =	vpop (erf);
	(erf) = vrcp.f32 v6;
	v6 =	vsub.f32 $0.0e+00, v9;
	v7 =	vmul.f32 $1.442695020e+00, v7  }
0x53b: {  	v29 =	vld [tilespmem:s12+$0xFFFFFF20];
	v2 =	vadd.f32 $-5.000000000e-01, v55;
	v14 =	vadd.f32 $-5.000000000e-01, v14;
	v9 =	vpop (erf);
	(erf) = vpow2.f32 v3  }
0x53c: {  	v30 =	vld [tilespmem:s13+$0xFFFFFF10];
	v5 =	vsub.f32 $0.0e+00, v5;
	v8 =	vpop (erf);
	v3 =	vmul.f32 $1.442695020e+00, v6;
	(erf) = vpow2.f32 v1  }
0x53d: {  	v23 =	vld [tilespmem:s12+$0xFFFFFF00];
	v6 =	vsub.f32 $0.0e+00, v10;
	v10 =	vpop (erf);
	v4 =	vsub.f32 $0.0e+00, v4;
	(erf) = vpow2.f32 v7  }
0x53e: {  	v58 =	vld [tilespmem:s12+$0xFFFFFF60];
	v37 =	vmul.f32 v16, v21;
	v7 =	vpop (erf);
	(erf) = vpow2.f32 v3;
	v3 =	vadd.f32 $-5.000000000e-01, v26  }
0x53f: {  	v59 =	vld [tilespmem:s12+$0xFFFFFFB0];
	v31 =	vmul.f32 $1.442695020e+00, v5;
	v11 =	vsub.f32 $0.0e+00, v11;
	v4 =	vmul.f32 $1.442695020e+00, v4  }
0x540: {  	v41 =	vld [tilespmem:s13+$0xFFFFFF60];
	v0 =	vadd.f32 v13, v0;
	v16 =	vmul.f32 v17, v29;
	v33 =	vmul.f32 $1.442695020e+00, v6;
	v5 =	vpop (erf)  }
0x541: {  	v32 =	vld [tilespmem:s12+$0xFFFFFF30];
	v13 =	vadd.f32 $-5.000000000e-01, v22;
	(erf) = vpow2.f32 v31;
	v11 =	vmul.f32 $1.442695020e+00, v11;
	v6 =	vpop (erf)  }
0x542: {  	v63 =	vld [tilespmem:s13+$0xFFFFFF50];
	v26 =	vsub.f32 $0.0e+00, v30;
	(erf) = vpow2.f32 v33;
	v23 =	vmul.f32 v3, v23;
	v3 =	vpop (erf)  }
0x543: {  	v36 =	vld [tilespmem:s12+$0xFFFFFF80];
	v17 =	vmul.f32 $1.442695020e+00, v35;
	v45 =	vadd.f32 $-5.000000000e-01, v24;
	(erf) = vpow2.f32 v4;
	v4 =	vpop (erf)  }
0x544: {  	v60 =	vld [tilespmem:s12+$0xFFFFFFC0];
	v44 =	vadd.f32 $-5.000000000e-01, v18;
	(erf) = vpow2.f32 v11;
	v11 =	vmul.f32 $1.442695020e+00, v26;
	v1 =	vpop (erf)  }
0x545: {  	v61 =	vld [tilespmem:s12+$0xFFFFFFE0];
	v20 =	vadd.f32 $-5.000000000e-01, v20;
	v24 =	vmul.f32 v45, v59;
	v59 =	vsub.f32 $0.0e+00, v41;
	v21 =	vpop (erf)  }
0x546: {  	v45 =	vld [tilespmem:s12+$0x50];
	v26 =	vmul.f32 v13, v32;
	(erf) = vpow2.f32 v11;
	v11 =	vadd.f32 $1.000000000e+00, v21;
	v21 =	vpop (erf)  }
0x547: {  	v34 =	vld [tilespmem:s12+$0xFFFFFF40];
	v9 =	vadd.f32 $-5.000000000e-01, v9;
	v13 =	vadd.f32 $1.000000000e+00, v21  }
0x548: {  	v18 =	vmul.f32 v44, v36;
	v33 =	vsub.f32 $0.0e+00, v63;
	v16 =	vadd.f32 v26, v16;
	v26 =	vld [tilespmem:s12+$0x40]  }
0x549: {  	v8 =	vadd.f32 $-5.000000000e-01, v8;
	v31 =	vld [tilespmem:s12+$0xFFFFFF50];
	v3 =	vadd.f32 $-5.000000000e-01, v3;
	(erf) = vpow2.f32 v17;
	v17 =	vpop (erf)  }
0x54a: {  	s11 =	simm.s32 $0x14700;
	v38 =	vld [tilespmem:s12+$0xFFFFFF90];
	v33 =	vmul.f32 $1.442695020e+00, v33;
	v17 =	vadd.f32 $1.000000000e+00, v17;
	(erf) = vrcp.f32 v11;
	v21 =	vpop (erf)  }
0x54b: {  	v42 =	vld [tilespmem:s11+$0xF0];
	v6 =	vadd.f32 $-5.000000000e-01, v6;
	v3 =	vmul.f32 v3, v45;
	(erf) = vrcp.f32 v13;
	v13 =	vpop (erf)  }
0x54c: {  	v56 =	vld [tilespmem:s13+$0xFFFFFF80];
	v11 =	vmul.f32 v19, v34;
	v19 =	vadd.f32 $1.000000000e+00, v21;
	v21 =	vadd.f32 $1.000000000e+00, v13  }
0x54d: {  	v10 =	vadd.f32 $-5.000000000e-01, v10;
	v30 =	vld [tilespmem:s12+$0xFFFFFF70];
	(erf) = vrcp.f32 v17;
	v6 =	vmul.f32 v6, v26  }
0x54e: {  	v7 =	vadd.f32 $-5.000000000e-01, v7;
	(erf) = vrcp.f32 v19;
	v17 =	vpop (erf);
	v13 =	vmul.f32 v2, v31;
	v31 =	vld [tilespmem:s13+$0xFFFFFF30]  }
0x54f: {  	v29 =	vld [tilespmem:s12+$0xFFFFFFA0];
	v19 =	vadd.f32 $-5.000000000e-01, v15;
	v15 =	vmul.f32 v14, v58;
	v62 =	vadd.f32 $1.000000000e+00, v17;
	v17 =	vpop (erf)  }
0x550: {  	v39 =	vld [tilespmem:s12+$0xFFFFFFD0];
	v58 =	vmul.f32 $1.442695020e+00, v40;
	v17 =	vadd.f32 $1.000000000e+00, v17;
	(erf) = vrcp.f32 v21;
	v21 =	vpop (erf)  }
0x551: {  	v46 =	vld [tilespmem:s11+$0xB0];
	v2 =	vadd.f32 v37, v23;
	(erf) = vrcp.f32 v62;
	v22 =	vadd.f32 $1.000000000e+00, v21  }
0x552: {  	v49 =	vld [tilespmem:s11+$0xD0];
	v37 =	vsub.f32 $0.0e+00, v56;
	(erf) = vrcp.f32 v17;
	v17 =	vadd.f32 $-5.000000000e-01, v12  }
0x553: {  	v21 =	vmul.f32 v19, v30;
	v14 =	vpop (erf);
	v30 =	vld [tilespmem:s11+$0x80];
	v31 =	vsub.f32 $0.0e+00, v31;
	(erf) = vrcp.f32 v22  }
0x554: {  	v54 =	vld [tilespmem:s13+$0xFFFFFF70];
	v40 =	vmul.f32 $1.442695020e+00, v37;
	v12 =	vpop (erf);
	v19 =	vmul.f32 v17, v29;
	v17 =	vadd.f32 $-5.000000000e-01, v25  }
0x555: {  	v25 =	vadd.f32 $-5.000000000e-01, v27;
	v27 =	vld [tilespmem:s11+$0xA0];
	v22 =	vmul.f32 v20, v38;
	v29 =	vpop (erf);
	v31 =	vmul.f32 $1.442695020e+00, v31  }
0x556: {  	v20 =	vld [tilespmem:s11+$0x90];
	v47 =	vpop (erf);
	v23 =	vmul.f32 v17, v60;
	v17 =	vadd.f32 $-5.000000000e-01, v28;
	v29 =	vadd.f32 $-5.000000000e-01, v29  }
0x557: {  	v51 =	vld [tilespmem:s11+$0xE0];
	v5 =	vadd.f32 $-5.000000000e-01, v5;
	v25 =	vmul.f32 v25, v39;
	v48 =	vpop (erf);
	(erf) = vpow2.f32 v31  }
0x558: {  	v28 =	vld [tilespmem:s11+$0xC0];
	v36 =	vadd.f32 $-5.000000000e-01, v47;
	v50 =	vpop (erf);
	v17 =	vmul.f32 v17, v61;
	v29 =	vmul.f32 v29, v30  }
0x559: {  	v62 =	vld [tilespmem:s13+$0xFFFFFFA0];
	v32 =	vadd.f32 $-5.000000000e-01, v48;
	(erf) = vpow2.f32 v58;
	v61 =	vmul.f32 $1.442695020e+00, v59;
	v52 =	vpop (erf)  }
0x55a: {  	v60 =	vld [tilespmem:s13+$0xFFFFFF00];
	v38 =	vadd.f32 $-5.000000000e-01, v50;
	(erf) = vpow2.f32 v33;
	v31 =	vpop (erf);
	v39 =	vadd.f32 $-5.000000000e-01, v52  }
0x55b: {  	v30 =	vld [tilespmem:s12+$0xFFFFFFF0];
	v20 =	vmul.f32 v36, v20;
	v27 =	vmul.f32 v32, v27;
	v32 =	vsub.f32 $0.0e+00, v54;
	v53 =	vpop (erf)  }
0x55c: {  	v57 =	vld [tilespmem:s13+$0xFFFFFF90];
	v31 =	vadd.f32 $-5.000000000e-01, v31;
	v35 =	vmul.f32 v38, v46;
	(erf) = vpow2.f32 v61;
	v55 =	vpop (erf)  }
0x55d: {  	v41 =	vld [tilespmem:s13+$0xFFFFFFC0];
	v36 =	vadd.f32 $-5.000000000e-01, v53;
	v28 =	vmul.f32 v39, v28;
	v38 =	vadd.f32 $-5.000000000e-01, v55  }
0x55e: {  	v63 =	vld [tilespmem:s13+$0xFFFFFFB0];
	v33 =	vsub.f32 $0.0e+00, v62;
	v32 =	vmul.f32 $1.442695020e+00, v32;
	v31 =	vmul.f32 v31, v49  }
0x55f: {  	v20 =	vadd.f32 v20, v29;
	v29 =	vld [tilespmem:s12+$0x0];
	v34 =	vmul.f32 v36, v51;
	v38 =	vmul.f32 v38, v42  }
0x560: {  	v27 =	vadd.f32 v35, v27;
	v35 =	vsub.f32 $0.0e+00, v60;
	v9 =	vmul.f32 v9, v30;
	v30 =	vld [tilespmem:s13+$0xFFFFFFE0]  }
0x561: {  	v33 =	vmul.f32 $1.442695020e+00, v33;
	v28 =	vadd.f32 v31, v28;
	v31 =	vld [tilespmem:s12+$0x10];
	v34 =	vadd.f32 v38, v34  }
0x562: {  	v36 =	vsub.f32 $0.0e+00, v57;
	(erf) = vpow2.f32 v32;
	v32 =	vsub.f32 $0.0e+00, v41;
	v42 =	vld [tilespmem:s13+$0xFFFFFFD0]  }
0x563: {  	v20 =	vadd.f32 v27, v20;
	(erf) = vpow2.f32 v40;
	v27 =	vadd.f32 v34, v28;
	v28 =	vld [tilespmem:s12+$0x20]  }
0x564: {  	v44 =	vld [tilespmem:s13+$0xFFFFFFF0];
	v43 =	vsub.f32 $0.0e+00, v63;
	v35 =	vmul.f32 $1.442695020e+00, v35;
	v36 =	vmul.f32 $1.442695020e+00, v36  }
0x565: {  	v4 =	vadd.f32 $-5.000000000e-01, v4;
	v32 =	vmul.f32 $1.442695020e+00, v32;
	v8 =	vmul.f32 v8, v29;
	v29 =	vld [tilespmem:s13+$0x0]  }
0x566: {  	(erf) = vpow2.f32 v36;
	v36 =	vmul.f32 $1.442695020e+00, v43;
	v20 =	vadd.f32 v27, v20;
	v27 =	vld [tilespmem:s12+$0x30]  }
0x567: {  	(erf) = vpow2.f32 v35;
	v10 =	vmul.f32 v10, v31;
	v31 =	vld [tilespmem:s13+$0x10];
	v34 =	vsub.f32 $0.0e+00, v42  }
0x568: {  	v30 =	vsub.f32 $0.0e+00, v30;
	(erf) = vpow2.f32 v33;
	v7 =	vmul.f32 v7, v28;
	v28 =	vld [tilespmem:s13+$0x20]  }
0x569: {  	v1 =	vadd.f32 $-5.000000000e-01, v1;
	(erf) = vpow2.f32 v36;
	v34 =	vmul.f32 $1.442695020e+00, v34  }
0x56a: {  	v26 =	vld [tilespmem:s13+$0x30];
	v35 =	vsub.f32 $0.0e+00, v44;
	v30 =	vmul.f32 $1.442695020e+00, v30;
	(erf) = vpow2.f32 v32  }
0x56b: {  	v29 =	vsub.f32 $0.0e+00, v29;
	(erf) = vpow2.f32 v34;
	v5 =	vmul.f32 v5, v27;
	v27 =	vld [tilespmem:s12+$0x70]  }
0x56c: {  	v47 =	vpop (erf);
	v35 =	vmul.f32 $1.442695020e+00, v35;
	v31 =	vsub.f32 $0.0e+00, v31;
	(erf) = vpow2.f32 v30;
	v30 =	vld [tilespmem:s13+$0x40]  }
0x56d: {  	v3 =	vadd.f32 v3, v6;
	v49 =	vld [tilespmem:s13+$0x50];
	v29 =	vmul.f32 $1.442695020e+00, v29;
	v28 =	vsub.f32 $0.0e+00, v28  }
0x56e: {  	v11 =	vadd.f32 v13, v11;
	v48 =	vpop (erf);
	v13 =	vmul.f32 $1.442695020e+00, v31;
	(erf) = vpow2.f32 v35  }
0x56f: {  	v15 =	vadd.f32 v21, v15;
	v50 =	vpop (erf);
	(erf) = vpow2.f32 v29;
	v28 =	vmul.f32 $1.442695020e+00, v28  }
0x570: {  	v29 =	vld [tilespmem:s13+$0x60];
	v1 =	vmul.f32 v1, v27;
	v27 =	vpop (erf);
	(erf) = vpow2.f32 v13;
	v13 =	vsub.f32 $0.0e+00, v26  }
0x571: {  	v21 =	vld [tilespmem:s13+$0x70];
	v18 =	vadd.f32 v22, v18;
	v22 =	vpop (erf);
	(erf) = vpow2.f32 v28;
	v28 =	vsub.f32 $0.0e+00, v30  }
0x572: {  	v2 =	vadd.f32 v16, v2;
	v13 =	vmul.f32 $1.442695020e+00, v13;
	v30 =	vsub.f32 $0.0e+00, v49  }
0x573: {  	v14 =	vadd.f32 $1.000000000e+00, v14;
	v12 =	vadd.f32 $1.000000000e+00, v12;
	v26 =	vpop (erf);
	v28 =	vmul.f32 $1.442695020e+00, v28  }
0x574: {  	v19 =	vadd.f32 v24, v19;
	v11 =	vadd.f32 v15, v11;
	v46 =	vld [tilespmem:s12+$0x60];
	v24 =	vpop (erf);
	v30 =	vmul.f32 $1.442695020e+00, v30  }
0x575: {  	v25 =	vadd.f32 v25, v23;
	v29 =	vsub.f32 $0.0e+00, v29;
	v23 =	vpop (erf)  }
0x576: {  	v18 =	vadd.f32 v19, v18;
	v21 =	vsub.f32 $0.0e+00, v21;
	(erf) = vpow2.f32 v13;
	v13 =	vpop (erf)  }
0x577: {  	v15 =	vadd.f32 v11, v2;
	v29 =	vmul.f32 $1.442695020e+00, v29;
	(erf) = vpow2.f32 v28;
	v28 =	vpop (erf)  }
0x578: {  	v21 =	vmul.f32 $1.442695020e+00, v21;
	v9 =	vadd.f32 v9, v17;
	(erf) = vpow2.f32 v30;
	v30 =	vpop (erf)  }
0x579: {  	v52 =	vld [tilespmem:s11+$0xFFFFFF60];
	v4 =	vmul.f32 v4, v46;
	v23 =	vadd.f32 $1.000000000e+00, v23;
	(erf) = vpow2.f32 v29;
	v17 =	vpop (erf)  }
0x57a: {  	v53 =	vld [tilespmem:s11+$0xFFFFFF70];
	v9 =	vadd.f32 v9, v25;
	v8 =	vadd.f32 v10, v8;
	v10 =	vpop (erf);
	(erf) = vpow2.f32 v21  }
0x57b: {  	v60 =	vld [tilespmem:s11+$0xFFFFFFF0];
	v33 =	vadd.f32 $1.000000000e+00, v48;
	v5 =	vadd.f32 v5, v7;
	(erf) = vrcp.f32 v23;
	v7 =	vpop (erf)  }
0x57c: {  	v51 =	vld [tilespmem:s11+$0xFFFFFF20];
	v32 =	vadd.f32 $1.000000000e+00, v50;
	v31 =	vadd.f32 $1.000000000e+00, v47;
	(erf) = vrcp.f32 v14;
	v6 =	vpop (erf)  }
0x57d: {  	v46 =	vld [tilespmem:s11+$0x30];
	v5 =	vadd.f32 v5, v8;
	v1 =	vadd.f32 v1, v4;
	(erf) = vrcp.f32 v12;
	v4 =	vpop (erf)  }
0x57e: {  	v25 =	vld [tilespmem:s11+$0xFFFFFFA0];
	v22 =	vadd.f32 $1.000000000e+00, v22;
	v26 =	vadd.f32 $1.000000000e+00, v26;
	(erf) = vrcp.f32 v31;
	v16 =	vpop (erf)  }
0x57f: {  	v42 =	vld [tilespmem:s11+$0xFFFFFF50];
	v13 =	vadd.f32 $1.000000000e+00, v13;
	v23 =	vadd.f32 $1.000000000e+00, v27;
	(erf) = vrcp.f32 v33;
	v43 =	vpop (erf)  }
0x580: {  	v50 =	vld [tilespmem:s11+$0x0];
	v28 =	vadd.f32 $1.000000000e+00, v28;
	v30 =	vadd.f32 $1.000000000e+00, v30;
	(erf) = vrcp.f32 v32;
	v19 =	vpop (erf)  }
0x581: {  	(xrf2) =	vadd.scan.msk.f32 $0xffff, v0;
	v47 =	vld [tilespmem:s11+$0x10];
	v55 =	vadd.f32 $1.000000000e+00, v17;
	v17 =	vadd.f32 v1, v3;
	(erf) = vrcp.f32 v23;
	v54 =	vpop (erf)  }
0x582: {  	v29 =	vld [tilespmem:s11+$0xFFFFFF00];
	v27 =	vadd.f32 $1.000000000e+00, v24;
	v10 =	vadd.f32 $1.000000000e+00, v10;
	(erf) = vrcp.f32 v22;
	v22 =	vpop (erf)  }
0x583: {  	v21 =	vld [tilespmem:s11+$0xFFFFFF10];
	v7 =	vadd.f32 $1.000000000e+00, v7;
	v6 =	vadd.f32 $1.000000000e+00, v6;
	v56 =	vpop (erf)  }
0x584: {  	v24 =	vld [tilespmem:s11+$0xFFFFFF90];
	v61 =	vadd.f32 $1.000000000e+00, v4;
	v31 =	vadd.f32 v9, v18;
	(erf) = vrcp.f32 v26;
	v8 =	vpop (erf)  }
0x585: {  	(xrf2) =	vadd.scan.msk.f32 $0xffff, v20;
	v14 =	vld [tilespmem:s11+$0xFFFFFF30];
	v33 =	vadd.f32 $1.000000000e+00, v43;
	(erf) = vrcp.f32 v27;
	v57 =	vadd.f32 $-5.000000000e-01, v8;
	v3 =	vpop (erf)  }
0x586: {  	v12 =	vld [tilespmem:s11+$0xFFFFFF40];
	v18 =	vadd.f32 $1.000000000e+00, v19;
	(erf) = vrcp.f32 v13;
	v58 =	vadd.f32 $-5.000000000e-01, v3;
	v3 =	vpop (erf)  }
0x587: {  	v23 =	vld [tilespmem:s11+$0xFFFFFF80];
	(erf) = vrcp.f32 v28;
	v20 =	vmul.f32 v57, v29;
	v59 =	vadd.f32 $-5.000000000e-01, v3;
	v3 =	vpop (erf)  }
0x588: {  	v26 =	vld [tilespmem:s11+$0xFFFFFFC0];
	v19 =	vadd.f32 $1.000000000e+00, v22;
	(erf) = vrcp.f32 v30;
	v21 =	vmul.f32 v58, v21;
	v8 =	vpop (erf)  }
0x589: {  	v27 =	vld [tilespmem:s11+$0xFFFFFFB0];
	v3 =	vadd.f32 $-5.000000000e-01, v3;
	(erf) = vrcp.f32 v55;
	v4 =	vadd.f32 $-5.000000000e-01, v8;
	v8 =	vpop (erf)  }
0x58a: {  	v28 =	vld [tilespmem:s11+$0xFFFFFFD0];
	v30 =	vadd.f32 v17, v5;
	v11 =	vmul.f32 v59, v51;
	(erf) = vrcp.f32 v10;
	v10 =	vpop (erf)  }
0x58b: {  	v29 =	vld [tilespmem:s11+$0xFFFFFFE0];
	v13 =	vmul.f32 v3, v14;
	v8 =	vadd.f32 $-5.000000000e-01, v8;
	(erf) = vrcp.f32 v7;
	v7, _, _ =	vpop (xrf2)  }
0x58c: {  	v5 =	vld [tilespmem:s11+$0x40];
	v14 =	vadd.f32 $1.000000000e+00, v16;
	v10 =	vadd.f32 $-5.000000000e-01, v10;
	(erf) = vrcp.f32 v6;
	v6 =	vpop (erf)  }
0x58d: {  	s12 =	simm.s32 $0x18A02;
	v9 =	vmul.f32 v4, v12;
	v4 =	vld [tilespmem:s11+$0x20];
	v12 =	vmul.f32 v8, v42;
	v16 =	vadd.f32 $-5.000000000e-01, v6;
	v62 =	vpop (erf)  }
0x58e: {  	v22 =	vadd.f32 $1.000000000e+00, v56;
	[tilespmem:s12+$0x1] =	vst.msk vm0, v7;
	v7 =	vld [tilespmem:s11+$0x60];
	(erf) = vrcp.f32 v61;
	v10 =	vmul.f32 v10, v52;
	v63 =	vpop (erf)  }
0x58f: {  	s13 =	simm.s32 $0x18A06;
	v17 =	vadd.f32 $1.000000000e+00, v54;
	v6 =	vld [tilespmem:s11+$0x50];
	(erf) = vrcp.f32 v14;
	v8, _, _ =	vpop (xrf2);
	v14 =	vmul.f32 v16, v53  }
0x590: {  	s14 =	simm.s32 $0x4;
	s15 =	simm.s32 $0xC900;
	v16 =	vadd.f32 $-5.000000000e-01, v62;
	v32 =	vadd.f32 $-5.000000000e-01, v63;
	(erf) = vrcp.f32 v33;
	v33 =	vpop (erf);
	[tilespmem:s13+$0x1] =	vst.msk vm0, v8;
	v8 =	vld [tilespmem:s11+$0x70]  }
.LBB2_14:
0x591: {  	v34 =	vld [tilespmem:s15+$0x80]  }
0x592: {  	v49 =	vpop (erf);
	(erf) = vrcp.f32 v18;
	v35 =	vld [tilespmem:s15+$0x90]  }
0x593: {  	v53 =	vld [tilespmem:s15+$0xA0];
	v52 =	vpop (erf);
	(erf) = vrcp.f32 v17  }
0x594: {  	v55 =	vld [tilespmem:s15+$0xB0];
	(xrf2) =	vadd.scan.msk.f32 $0xffff, v15;
	v56 =	vadd.f32 v21, v20;
	v1 =	vadd.f32 $-5.000000000e-01, v52;
	v0 =	vmul.f32 v16, v23  }
0x595: {  	v17 =	vmovc v12;
	v15 =	vmovc v14;
	v23 =	vadd.f32 $-5.000000000e-01, v33;
	v51 =	vmul.f32 v32, v24;
	v24 =	vadd.f32 $-5.000000000e-01, v49  }
0x596: {  	v20 =	vmul.f32 v1, v26;
	v18 =	vmovc v8;
	v14 =	vmovc v7;
	v7 =	vmov v4;
	v34 =	vsub.f32 $0.0e+00, v34  }
0x597: {  	v36 =	vld [tilespmem:s15+$0xD0];
	v57 =	vsub.f32 $0.0e+00, v35;
	v54 =	vmul.f32 v23, v25;
	v25 =	vpop (erf);
	(erf) = vrcp.f32 v19  }
0x598: {  	v19 =	vmul.f32 v24, v27;
	v27 =	vld [tilespmem:s15+$0xC0];
	v24 =	vadd.f32 $-5.000000000e-01, v25;
	v25 =	vpop (erf);
	(erf) = vrcp.f32 v22  }
0x599: {  	v58 =	vld [tilespmem:s15+$0xE0];
	v4 =	vmov v50;
	v33 =	vsub.f32 $0.0e+00, v53;
	v32 =	vsub.f32 $0.0e+00, v55;
	v23 =	vpop (erf)  }
0x59a: {  	v59 =	vld [tilespmem:s15+$0xF0];
	(xrf2) =	vadd.scan.msk.f32 $0xffff, v31;
	v31 =	vmul.f32 $1.442695020e+00, v34;
	v22 =	vadd.f32 $-5.000000000e-01, v25;
	v25 =	vadd.f32 $-5.000000000e-01, v23;
	v23 =	vpop (erf)  }
0x59b: {  	v37 =	vld [tilespmem:s15+$0xFFFFFF10];
	v38 =	vmul.f32 $1.442695020e+00, v57;
	v33 =	vmul.f32 $1.442695020e+00, v33;
	v26 =	vadd.f32 $-5.000000000e-01, v23;
	v23 =	vpop (erf)  }
0x59c: {  	v39 =	vld [tilespmem:s15+$0xFFFFFF20];
	v21 =	vmul.f32 v24, v28;
	v22 =	vmul.f32 v22, v29;
	v28 =	vadd.f32 $-5.000000000e-01, v23;
	v23 =	vpop (erf)  }
0x59d: {  	v41 =	vld [tilespmem:s15+$0xFFFFFF30];
	v40 =	vsub.f32 $0.0e+00, v27;
	v29 =	vadd.f32 $-5.000000000e-01, v23;
	v23 =	vpop (erf);
	(erf) = vpow2.f32 v31  }
0x59e: {  	v62 =	vld [tilespmem:s15+$0xFFFFFF40];
	v36 =	vsub.f32 $0.0e+00, v36;
	v61 =	vmul.f32 $1.442695020e+00, v32;
	v24 =	vpop (erf);
	(erf) = vpow2.f32 v38  }
0x59f: {  	v42 =	vld [tilespmem:s15+$0xFFFFFF60];
	v35 =	vsub.f32 $0.0e+00, v58;
	v63 =	vmul.f32 $1.442695020e+00, v40;
	v27 =	vpop (erf);
	(erf) = vpow2.f32 v33  }
0x5a0: {  	v50 =	vld [tilespmem:s15+$0x20];
	v36 =	vmul.f32 $1.442695020e+00, v36;
	v34 =	vsub.f32 $0.0e+00, v59;
	v31 =	vpop (erf);
	(erf) = vpow2.f32 v61  }
0x5a1: {  	v37 =	vsub.f32 $0.0e+00, v37;
	v53 =	vld [tilespmem:s15+$0xFFFFFF80];
	v35 =	vmul.f32 $1.442695020e+00, v35;
	v32 =	vpop (erf);
	(erf) = vpow2.f32 v63  }
0x5a2: {  	v45 =	vld [tilespmem:s15+$0xFFFFFF50];
	[tilespmem:$0x1FF30] =	vst v56;
	v12 =	vmovc v46;
	v16 =	vmovc v9;
	v39 =	vsub.f32 $0.0e+00, v39;
	v49 =	vmul.f32 $1.442695020e+00, v34;
	(erf) = vpow2.f32 v36  }
0x5a3: {  	v9 =	vmov v5;
	v55 =	vld [tilespmem:s15+$0xFFFFFF90];
	[tilespmem:$0x1FF10] =	vst v51;
	v51 =	vmul.f32 $1.442695020e+00, v37;
	v48, _, _ =	vpop (xrf2);
	(erf) = vpow2.f32 v35  }
0x5a4: {  	v52 =	vsub.f32 $0.0e+00, v41;
	v39 =	vmul.f32 $1.442695020e+00, v39;
	[tilespmem:$0x1FF20] =	vst v54;
	v56, _, _ =	vpop (xrf2);
	(erf) = vpow2.f32 v49  }
0x5a5: {  	v44 =	vld [tilespmem:s15+$0xFFFFFFA0];
	v8 =	vmovc v47;
	v5 =	vmovc v10;
	v57 =	vsub.f32 $0.0e+00, v42;
	v54 =	vsub.f32 $0.0e+00, v62;
	[tilespmem:s12+$0xFFFFFFFF] =	vst.msk vm0, v56;
	(erf) = vpow2.f32 v51  }
0x5a6: {  	[tilespmem:$0x1FF00] =	vst v0;
	v0 =	vsub.f32 $0.0e+00, v50;
	v34 =	vsub.f32 $0.0e+00, v53;
	v58 =	vld [tilespmem:s15+$0xFFFFFFB0];
	(erf) = vpow2.f32 v39;
	v59 =	vpop (erf)  }
0x5a7: {  	v41 =	vmul.f32 $1.442695020e+00, v52;
	(xrf2) =	vadd.scan.msk.f32 $0xffff, v30;
	v52 =	vld [tilespmem:s15+$0xFFFFFFD0];
	v33 =	vsub.f32 $0.0e+00, v45;
	v49 =	vadd.f32 $1.000000000e+00, v59;
	v51 =	vpop (erf)  }
0x5a8: {  	v37 =	vmul.f32 $1.442695020e+00, v57;
	v38 =	vsub.f32 $0.0e+00, v55;
	v61 =	vld [tilespmem:s15+$0xFFFFFFC0];
	v53 =	vadd.f32 $1.000000000e+00, v51;
	v45 =	vpop (erf)  }
0x5a9: {  	v43 =	vld [tilespmem:s15+$0xFFFFFF70];
	v36 =	vmul.f32 $1.442695020e+00, v33;
	v2 =	vadd.f32 $1.000000000e+00, v45;
	(erf) = vrcp.f32 v49;
	v62 =	vpop (erf)  }
0x5aa: {  	v35 =	vmul.f32 $1.442695020e+00, v54;
	v54 =	vld [tilespmem:s15+$0xFFFFFFE0];
	v55 =	vadd.f32 $1.000000000e+00, v62;
	(erf) = vrcp.f32 v53;
	v56 =	vpop (erf)  }
0x5ab: {  	v63 =	vld [tilespmem:s15+$0xFFFFFFF0];
	v42 =	vsub.f32 $0.0e+00, v58;
	v57 =	vadd.f32 $1.000000000e+00, v56;
	(erf) = vrcp.f32 v2;
	v58 =	vpop (erf)  }
0x5ac: {  	v40 =	vsub.f32 $0.0e+00, v52;
	v49 =	vld [tilespmem:s15+$0x10];
	v45 =	vadd.f32 $1.000000000e+00, v58;
	(erf) = vrcp.f32 v55;
	v59 =	vpop (erf)  }
0x5ad: {  	[tilespmem:s12+$0xFFFFFFFE] =	vst.msk vm0, v48;
	v48 =	vld [tilespmem:s15+$0x0];
	v33 =	vsub.f32 $0.0e+00, v61;
	v39 =	vadd.f32 $1.000000000e+00, v59;
	(erf) = vrcp.f32 v57;
	v61 =	vpop (erf)  }
0x5ae: {  	v30 =	vsub.f32 $0.0e+00, v43;
	v51 =	vld [tilespmem:s15+$0x30];
	v62 =	vadd.f32 $1.000000000e+00, v61;
	v52 =	vpop (erf);
	(erf) = vrcp.f32 v45  }
0x5af: {  	s11 =	sadd.s32 $0x200, s11;
	v50 =	vmul.f32 $1.442695020e+00, v40;
	v46 =	vsub.f32 $0.0e+00, v54;
	v45 =	vld [tilespmem:s15+$0x40];
	v54 =	vpop (erf);
	(erf) = vrcp.f32 v39  }
0x5b0: {  	v10 =	vmovc v6;
	v6 =	vmovc v60;
	v60 =	vld [tilespmem:s11+$0xA0];
	v44 =	vsub.f32 $0.0e+00, v44;
	v53 =	vmul.f32 $1.442695020e+00, v30;
	(erf) = vrcp.f32 v62  }
0x5b1: {  	v30 =	vsub.f32 $0.0e+00, v63;
	v63, _, _ =	vpop (xrf2);
	v56 =	vmul.f32 $1.442695020e+00, v38;
	v58 =	vld [tilespmem:s11+$0x90];
	v38 =	vsub.f32 $0.0e+00, v49  }
0x5b2: {  	v55 =	vmul.f32 $1.442695020e+00, v34;
	v34 =	vsub.f32 $0.0e+00, v48;
	v48 =	vmul.f32 $1.442695020e+00, v46;
	v39 =	vld [tilespmem:s11+$0x80];
	v1 =	vpop (erf)  }
0x5b3: {  	v47 =	vmul.f32 $1.442695020e+00, v30;
	v57 =	vmul.f32 $1.442695020e+00, v44;
	v2 =	vsub.f32 $0.0e+00, v51;
	v51 =	vld [tilespmem:s11+$0xB0];
	v61 =	vpop (erf)  }
0x5b4: {  	[tilespmem:s12+$0x0] =	vst.msk vm0, v63;
	v49 =	vmul.f32 $1.442695020e+00, v33;
	v46 =	vmul.f32 $1.442695020e+00, v34;
	v33 =	vld [tilespmem:s11+$0xD0];
	v34 =	vsub.f32 $0.0e+00, v45;
	v63 =	vpop (erf)  }
0x5b5: {  	v44 =	vmul.f32 $1.442695020e+00, v0;
	v62 =	vld [tilespmem:s11+$0xC0];
	v45 =	vmul.f32 $1.442695020e+00, v38;
	v40 =	vadd.f32 $-5.000000000e-01, v1;
	v38 =	vpop (erf)  }
0x5b6: {  	v30 =	vadd.f32 $1.000000000e+00, v52;
	v52 =	vadd.f32 $-5.000000000e-01, v61;
	v61 =	vld [tilespmem:s11+$0xE0];
	v43 =	vmul.f32 $1.442695020e+00, v34;
	v0 =	vpop (erf)  }
0x5b7: {  	v34 =	vadd.f32 $-5.000000000e-01, v63;
	v63 =	vld [tilespmem:s11+$0xF0];
	v39 =	vmul.f32 v40, v39;
	v38 =	vadd.f32 $-5.000000000e-01, v38;
	v1 =	vpop (erf)  }
0x5b8: {  	v40 =	vmul.f32 v52, v58;
	v0 =	vadd.f32 $-5.000000000e-01, v0;
	(erf) = vpow2.f32 v41;
	v41 =	vpop (erf)  }
0x5b9: {  	v60 =	vmul.f32 v34, v60;
	v1 =	vadd.f32 $-5.000000000e-01, v1;
	v52 =	vadd.f32 $-5.000000000e-01, v41;
	v41 =	vpop (erf)  }
0x5ba: {  	v38 =	vmul.f32 v38, v51;
	v0 =	vmul.f32 v0, v62;
	v34 =	vadd.f32 $-5.000000000e-01, v41  }
0x5bb: {  	(erf) = vpow2.f32 v35;
	v41 =	vadd.f32 $1.000000000e+00, v54;
	v1 =	vmul.f32 v1, v33  }
0x5bc: {  	v51 =	vld [tilespmem:s15+$0xFFFFFF00];
	v38 =	vadd.f32 v38, v60;
	v52 =	vmul.f32 v52, v61;
	v54 =	vmul.f32 v34, v63  }
0x5bd: {  	(erf) = vpow2.f32 v36;
	v61 =	vadd.f32 $-5.000000000e-01, v23;
	v23 =	vadd.f32 v40, v39  }
0x5be: {  	v59 =	vmul.f32 $1.442695020e+00, v42;
	v0 =	vadd.f32 v1, v0;
	v52 =	vadd.f32 v54, v52  }
0x5bf: {  	v11 =	vadd.f32 v13, v11;
	v42 =	vmul.f32 $1.442695020e+00, v2;
	v2 =	vld [tilespmem:s15+$0x50];
	(erf) = vpow2.f32 v37  }
0x5c0: {  	(erf) = vpow2.f32 v53;
	v23 =	vadd.f32 v38, v23;
	v0 =	vadd.f32 v52, v0  }
0x5c1: {  	v13 =	vmul.f32 v26, v4;
	v31 =	vadd.f32 $-5.000000000e-01, v31;
	v54 =	vsub.f32 $0.0e+00, v51  }
0x5c2: {  	v32 =	vadd.f32 $-5.000000000e-01, v32;
	v3 =	vld [tilespmem:s15+$0x60];
	v60 =	vpop (erf);
	(erf) = vpow2.f32 v55;
	v0 =	vadd.f32 v0, v23  }
0x5c3: {  	v31 =	vmul.f32 v31, v14;
	v62 =	vmul.f32 $1.442695020e+00, v54  }
0x5c4: {  	v14 =	vmul.f32 v32, v18;
	v2 =	vsub.f32 $0.0e+00, v2;
	v58 =	vld [tilespmem:s15+$0x70];
	(erf) = vpow2.f32 v56;
	(xrf2) =	vadd.scan.msk.f32 $0xffff, v0  }
0x5c5: {  	v54 =	vmul.f32 v25, v6;
	v6 =	vld [tilespmem:$0x1FF00];
	v52 =	vadd.f32 $1.000000000e+00, v60;
	(erf) = vpow2.f32 v62;
	v60 =	vpop (erf)  }
0x5c6: {  	v26 =	vpop (erf);
	(erf) = vpow2.f32 v57;
	v57 =	vmul.f32 v29, v7;
	v7 =	vld [tilespmem:$0x1FF10]  }
0x5c7: {  	v18 =	vadd.f32 v21, v20;
	v3 =	vsub.f32 $0.0e+00, v3;
	v2 =	vmul.f32 $1.442695020e+00, v2  }
0x5c8: {  	v63 =	vadd.f32 $-5.000000000e-01, v24;
	v55 =	vmul.f32 v28, v8;
	v28 =	vpop (erf);
	(erf) = vpow2.f32 v59  }
0x5c9: {  	v14 =	vadd.f32 v14, v31;
	v3 =	vmul.f32 $1.442695020e+00, v3;
	v29 =	vpop (erf);
	(erf) = vpow2.f32 v49  }
0x5ca: {  	v58 =	vsub.f32 $0.0e+00, v58;
	v0 =	vmul.f32 v63, v9;
	(erf) = vpow2.f32 v50  }
0x5cb: {  	v9 =	vadd.f32 v17, v16;
	v16 =	vadd.f32 v7, v6;
	v6 =	vld [tilespmem:$0x1FF20];
	v4 =	vpop (erf);
	(erf) = vpow2.f32 v48  }
0x5cc: {  	v53 =	vadd.f32 $-5.000000000e-01, v27;
	v51 =	vmul.f32 $1.442695020e+00, v58;
	(erf) = vpow2.f32 v47  }
0x5cd: {  	v49 =	vmul.f32 v61, v12;
	v48 =	vadd.f32 $1.000000000e+00, v4;
	v4 =	vpop (erf);
	(erf) = vpow2.f32 v46  }
0x5ce: {  	s12 =	smov.u32 s13;
	s13 =	sadd.s32 $0x4, s13;
	v12 =	vmul.f32 v53, v10;
	v10 =	vadd.f32 v15, v5;
	(erf) = vpow2.f32 v45;
	v5, _, _ =	vpop (xrf2)  }
0x5cf: {  	v20 =	vadd.f32 v54, v22;
	v13 =	vadd.f32 v55, v13;
	[tilespmem:s13+$0x1] =	vst.msk vm0, v5;
	v5 =	vpop (erf);
	(erf) = vpow2.f32 v44  }
0x5d0: {  	v1 =	vadd.f32 $1.000000000e+00, v60;
	v15 =	vld [tilespmem:$0x1FF30];
	v17 =	vadd.f32 v19, v6;
	v6 =	vpop (erf);
	(erf) = vpow2.f32 v42  }
0x5d1: {  	v35 =	vld [tilespmem:s11+$0xFFFFFF20];
	v56 =	vadd.f32 $1.000000000e+00, v26;
	v19 =	vadd.f32 $1.000000000e+00, v5;
	v7 =	vpop (erf);
	(erf) = vpow2.f32 v43  }
0x5d2: {  	v33 =	vld [tilespmem:s11+$0xFFFFFF00];
	v58 =	vadd.f32 $1.000000000e+00, v28;
	v0 =	vadd.f32 v12, v0;
	v8 =	vpop (erf);
	(erf) = vpow2.f32 v2  }
0x5d3: {  	v36 =	vld [tilespmem:s11+$0xFFFFFF30];
	v59 =	vadd.f32 $1.000000000e+00, v29;
	v62 =	vadd.f32 v49, v57;
	v22 =	vpop (erf);
	(erf) = vpow2.f32 v3  }
0x5d4: {  	v37 =	vld [tilespmem:s11+$0xFFFFFF40];
	v9 =	vadd.f32 v10, v9;
	v0 =	vadd.f32 v14, v0;
	v12 =	vpop (erf);
	(erf) = vpow2.f32 v51  }
0x5d5: {  	v39 =	vld [tilespmem:s11+$0xFFFFFF60];
	v11 =	vadd.f32 v11, v15;
	v32 =	vadd.f32 $1.000000000e+00, v4;
	(erf) = vrcp.f32 v19;
	v19 =	vpop (erf)  }
0x5d6: {  	v40 =	vld [tilespmem:s11+$0xFFFFFF70];
	v16 =	vadd.f32 v17, v16;
	v21 =	vadd.f32 $1.000000000e+00, v6;
	(erf) = vrcp.f32 v30;
	v15 =	vpop (erf)  }
0x5d7: {  	v34 =	vld [tilespmem:s11+$0xFFFFFF10];
	v61 =	vadd.f32 $1.000000000e+00, v7;
	v10 =	vadd.f32 $1.000000000e+00, v15;
	(erf) = vrcp.f32 v41;
	v15 =	vpop (erf)  }
0x5d8: {  	v24 =	vld [tilespmem:s11+$0xFFFFFF90];
	v2 =	vadd.f32 v62, v13;
	v51 =	vadd.f32 $1.000000000e+00, v15;
	(erf) = vrcp.f32 v52;
	v15 =	vpop (erf)  }
0x5d9: {  	v27 =	vld [tilespmem:s11+$0xFFFFFFB0];
	v63 =	vadd.f32 $1.000000000e+00, v8;
	v3 =	vadd.f32 $1.000000000e+00, v22;
	(erf) = vrcp.f32 v1;
	v54 =	vpop (erf)  }
0x5da: {  	v38 =	vld [tilespmem:s11+$0xFFFFFF50];
	v12 =	vadd.f32 $1.000000000e+00, v12;
	v49 =	vadd.f32 $1.000000000e+00, v19;
	(erf) = vrcp.f32 v56;
	v13 =	vpop (erf)  }
0x5db: {  	v25 =	vld [tilespmem:s11+$0xFFFFFFA0];
	v19 =	vadd.f32 v20, v18;
	v18 =	vadd.f32 $1.000000000e+00, v13;
	(erf) = vrcp.f32 v58;
	v13 =	vpop (erf)  }
0x5dc: {  	v23 =	vld [tilespmem:s11+$0xFFFFFF80];
	v53 =	vadd.f32 $1.000000000e+00, v15;
	v15 =	vadd.f32 v9, v11;
	(erf) = vrcp.f32 v59;
	v9 =	vpop (erf)  }
0x5dd: {  	v60 =	vld [tilespmem:s11+$0xFFFFFFF0];
	v31 =	vadd.f32 v19, v16;
	v19 =	vadd.f32 $1.000000000e+00, v9;
	(erf) = vrcp.f32 v48;
	v9 =	vpop (erf)  }
0x5de: {  	v26 =	vld [tilespmem:s11+$0xFFFFFFC0];
	v30 =	vadd.f32 v0, v2;
	v1 =	vadd.f32 $1.000000000e+00, v54;
	v55 =	vpop (erf);
	(erf) = vrcp.f32 v32  }
0x5df: {  	v28 =	vld [tilespmem:s11+$0xFFFFFFD0];
	v17 =	vadd.f32 $1.000000000e+00, v13;
	v0 =	vadd.f32 $-5.000000000e-01, v55;
	v56 =	vpop (erf);
	(erf) = vrcp.f32 v21  }
0x5e0: {  	v29 =	vld [tilespmem:s11+$0xFFFFFFE0];
	v22 =	vadd.f32 $1.000000000e+00, v9;
	v2 =	vadd.f32 $-5.000000000e-01, v56;
	v9 =	vpop (erf);
	(erf) = vrcp.f32 v61  }
0x5e1: {  	v50 =	vld [tilespmem:s11+$0x0];
	v20 =	vmul.f32 v0, v33;
	v57 =	vadd.f32 $-5.000000000e-01, v9;
	v9 =	vpop (erf);
	(erf) = vrcp.f32 v63  }
0x5e2: {  	s14 =	sadd.s32 $0x4, s14;
	v47 =	vld [tilespmem:s11+$0x10];
	v21 =	vmul.f32 v2, v34;
	v58 =	vadd.f32 $-5.000000000e-01, v9;
	v9 =	vpop (erf);
	(erf) = vrcp.f32 v3  }
0x5e3: {  	p0 =	slt.u32 s14, $0x7C;
	v4 =	vld [tilespmem:s11+$0x20];
	v11 =	vmul.f32 v57, v35;
	v59 =	vadd.f32 $-5.000000000e-01, v9;
	v3 =	vpop (erf);
	(erf) = vrcp.f32 v12  }
.Ltmp6:
0x5e4: {  	v46 =	vld [tilespmem:s11+$0x30];
	v13 =	vmul.f32 v58, v36;
	v61 =	vadd.f32 $-5.000000000e-01, v3;
	v3 =	vpop (erf);
	(erf) = vrcp.f32 v49;
	(pc) =	sbr.rel @p0 .LBB2_14-.Ltmp6, $4  }
0x5e5: {  	v5 =	vld [tilespmem:s11+$0x40];
	v9 =	vmul.f32 v59, v37;
	v14 =	vadd.f32 $-5.000000000e-01, v3;
	v3 =	vpop (erf);
	(erf) = vrcp.f32 v10  }
0x5e6: {  	v6 =	vld [tilespmem:s11+$0x50];
	v12 =	vmul.f32 v61, v38;
	v62 =	vadd.f32 $-5.000000000e-01, v3;
	v3 =	vpop (erf);
	(erf) = vrcp.f32 v51  }
0x5e7: {  	s17 =	simm.s32 $0x18780;
	s16 =	simm.s32 $0x18980;
	v7 =	vld [tilespmem:s11+$0x60];
	v10 =	vmul.f32 v14, v39;
	v16 =	vadd.f32 $-5.000000000e-01, v3;
	v63 =	vpop (erf);
	(erf) = vrcp.f32 v53  }
0x5e8: {  	s18 =	simm.s32 $0x18A00;
	s19 =	simm.s32 $0x18580;
	s15 =	sadd.s32 $0x200, s15;
	v8 =	vld [tilespmem:s11+$0x70];
	v14 =	vmul.f32 v62, v40;
	v32 =	vadd.f32 $-5.000000000e-01, v63;
	v33 =	vpop (erf);
	(erf) = vrcp.f32 v1  }
0x5e9: {  	v0 =	vpop (erf);
	(erf) = vrcp.f32 v18;
	v45 =	vadd.f32 $-5.000000000e-01, v33  }
0x5ea: {  	v16 =	vmul.f32 v16, v23;
	v20 =	vadd.f32 v21, v20;
	v1 =	vpop (erf);
	(erf) = vrcp.f32 v17  }
0x5eb: {  	v11 =	vadd.f32 v13, v11;
	v9 =	vadd.f32 v12, v9;
	v2 =	vpop (erf);
	(erf) = vrcp.f32 v19  }
0x5ec: {  	v0 =	vadd.f32 $-5.000000000e-01, v0;
	v10 =	vadd.f32 v14, v10;
	v3 =	vpop (erf);
	(erf) = vrcp.f32 v22  }
0x5ed: {  	v51 =	vmul.f32 v32, v24;
	v1 =	vadd.f32 $-5.000000000e-01, v1;
	v2 =	vadd.f32 $-5.000000000e-01, v2;
	v44 =	vpop (erf)  }
0x5ee: {  	v18 =	vmul.f32 v45, v25;
	v0 =	vmul.f32 v0, v27;
	v3 =	vadd.f32 $-5.000000000e-01, v3;
	v48 =	vpop (erf)  }
0x5ef: {  	v1 =	vmul.f32 v1, v26;
	v17 =	vadd.f32 $-5.000000000e-01, v44;
	v2 =	vmul.f32 v2, v28;
	v49 =	vpop (erf)  }
0x5f0: {  	v0 =	vadd.f32 v0, v18;
	v19 =	vadd.f32 $-5.000000000e-01, v48;
	v3 =	vmul.f32 v3, v29;
	v52 =	vpop (erf)  }
0x5f1: {  	v22 =	vadd.f32 $-5.000000000e-01, v49;
	v17 =	vmul.f32 v17, v60;
	v60 =	vadd.f32 v51, v16;
	v53 =	vpop (erf)  }
0x5f2: {  	v1 =	vadd.f32 v2, v1;
	v24 =	vadd.f32 $-5.000000000e-01, v52;
	v54 =	vpop (erf)  }
0x5f3: {  	v21 =	vadd.f32 $-5.000000000e-01, v53;
	v3 =	vadd.f32 v17, v3;
	v55 =	vpop (erf)  }
0x5f4: {  	v19 =	vmul.f32 v19, v50;
	v0 =	vadd.f32 v0, v60;
	v25 =	vadd.f32 $-5.000000000e-01, v54;
	v56 =	vpop (erf)  }
0x5f5: {  	v59 =	vmul.f32 v24, v4;
	v26 =	vadd.f32 $-5.000000000e-01, v55;
	v4 =	vmul.f32 v21, v46;
	v57 =	vpop (erf)  }
0x5f6: {  	v58 =	vmul.f32 v22, v47;
	v27 =	vadd.f32 $-5.000000000e-01, v56;
	v28 =	vadd.f32 $-5.000000000e-01, v57  }
0x5f7: {  	v5 =	vmul.f32 v25, v5;
	v6 =	vmul.f32 v26, v6;
	v4 =	vadd.f32 v4, v59  }
0x5f8: {  	v7 =	vmul.f32 v27, v7;
	v2 =	vmul.f32 v28, v8;
	v8 =	vadd.f32 v58, v19  }
0x5f9: {  	v5 =	vadd.f32 v6, v5;
	v6 =	vadd.f32 v11, v20  }
0x5fa: {  	v2 =	vadd.f32 v2, v7;
	v7 =	vadd.f32 v10, v9  }
0x5fb: {  	(xrf2) =	vadd.scan.msk.f32 $0xffff, v15;
	v1 =	vadd.f32 v3, v1;
	v3 =	vadd.f32 v4, v8  }
0x5fc: {  	(xrf2) =	vadd.scan.msk.f32 $0xffff, v31;
	v2 =	vadd.f32 v2, v5;
	v4 =	vadd.f32 v7, v6  }
0x5fd: {  	(xrf2) =	vadd.scan.msk.f32 $0xffff, v30;
	v0 =	vadd.f32 v1, v0  }
0x5fe: {  	v1 =	vadd.f32 v2, v3;
	(xrf2) =	vadd.scan.msk.f32 $0xffff, v4  }
0x5ff: {  	(xrf2) =	vadd.scan.msk.f32 $0xffff, v0  }
0x600: {  	(xrf2) =	vadd.scan.msk.f32 $0xffff, v1;
	_ =	sdelay $0x4  }
0x601: {  	v0, _, _ =	vpop (xrf2)  }
0x602: {  	[tilespmem:s12+$0xFFFFFFFE] =	vst.msk vm0, v0;
	v1, _, _ =	vpop (xrf2)  }
0x603: {  	v0, _, _ =	vpop (xrf2);
	[tilespmem:s12+$0xFFFFFFFF] =	vst.msk vm0, v1  }
0x604: {  	[tilespmem:s12+$0x0] =	vst.msk vm0, v0;
	v1, _, _ =	vpop (xrf2)  }
0x605: {  	[tilespmem:s13+$0xFFFFFFFE] =	vst.msk vm0, v1;
	v0, _, _ =	vpop (xrf2)  }
0x606: {  	[tilespmem:s13+$0xFFFFFFFF] =	vst.msk vm0, v0;
	v0, _, _ =	vpop (xrf2)  }
0x607: {  	[tilespmem:s13+$0x0] =	vst.msk vm0, v0  }
0x608: {  	v0 =	vld [tilespmem:s19+$0x0];
	_ =	sdelay $0x1  }
0x609: {  	v1 =	vld [tilespmem:s17+$0x0]  }
0x60a: {  	v2 =	vld [tilespmem:s18+$0x0];
	_ =	sdelay $0x1  }
0x60b: {  	v0 =	vsub.f32 $0.0e+00, v0;
	_ =	sdelay $0x1  }
0x60c: {  	v0 =	vmul.f32 $1.442695020e+00, v0  }
0x60d: {  	s11 =	simm.s32 $0x18590;
	v1 =	vsub.f32 $0.0e+00, v1;
	v2 =	vmul.f32 $-1.999999960e-02, v2  }
0x60e: {  	s14 =	simm.s32 $0x18790;
	v3 =	vld [tilespmem:s11+$0x0];
	(erf) = vpow2.f32 v0  }
0x60f: {  	s15 =	simm.s32 $0x18A10;
	v1 =	vmul.f32 $1.442695020e+00, v1;
	v2 =	vadd.f32 $0.0e+00, v2;
	v0 =	vld [tilespmem:s14+$0x0]  }
0x610: {  	v4 =	vld [tilespmem:s15+$0x0]  }
0x611: {  	v2 =	vmul.f32 $1.442695020e+00, v2;
	(erf) = vpow2.f32 v1;
	_ =	sdelay $0x1  }
0x612: {  	v1 =	vsub.f32 $0.0e+00, v3;
	(erf) = vpow2.f32 v2  }
0x613: {  	s17 =	simm.s32 $0x185A0;
	v0 =	vsub.f32 $0.0e+00, v0  }
0x614: {  	s19 =	simm.s32 $0x18A20;
	v3 =	vld [tilespmem:s17+$0x0];
	v2 =	vmul.f32 $-1.999999960e-02, v4;
	v1 =	vmul.f32 $1.442695020e+00, v1  }
0x615: {  	s18 =	simm.s32 $0x187A0;
	v5 =	vld [tilespmem:s19+$0x0];
	v0 =	vmul.f32 $1.442695020e+00, v0  }
0x616: {  	v2 =	vadd.f32 $0.0e+00, v2;
	(erf) = vpow2.f32 v1;
	v1 =	vld [tilespmem:s18+$0x0];
	v4 =	vpop (erf)  }
0x617: {  	(erf) = vpow2.f32 v0;
	v0 =	vadd.f32 $1.000000000e+00, v4  }
0x618: {  	v2 =	vmul.f32 $1.442695020e+00, v2  }
0x619: {  	s12 =	simm.s32 $0x185B0;
	v3 =	vsub.f32 $0.0e+00, v3;
	v4 =	vpop (erf);
	(erf) = vrcp.f32 v0  }
0x61a: {  	v4 =	vadd.f32 $1.000000000e+00, v4;
	(erf) = vpow2.f32 v2;
	v2 =	vld [tilespmem:s12+$0x0]  }
0x61b: {  	v0 =	vsub.f32 $0.0e+00, v1;
	v1 =	vmul.f32 $1.442695020e+00, v3;
	v3 =	vmul.f32 $-1.999999960e-02, v5;
	v5 =	vpop (erf)  }
0x61c: {  	s13 =	simm.s32 $0x18A30;
	v5 =	vadd.f32 $1.000000000e+00, v5;
	(erf) = vrcp.f32 v4  }
0x61d: {  	s14 =	simm.s32 $0x187B0;
	v4 =	vld [tilespmem:s13+$0x0];
	v0 =	vmul.f32 $1.442695020e+00, v0;
	v3 =	vadd.f32 $0.0e+00, v3;
	(erf) = vpow2.f32 v1  }
0x61e: {  	v1 =	vld [tilespmem:s14+$0x0]  }
0x61f: {  	v6 =	vpop (erf);
	(erf) = vpow2.f32 v0;
	v3 =	vmul.f32 $1.442695020e+00, v3;
	v2 =	vsub.f32 $0.0e+00, v2  }
0x620: {  	v0 =	vadd.f32 $1.000000000e+00, v6  }
0x621: {  	s17 =	simm.s32 $0x185C0;
	(erf) = vrcp.f32 v5;
	v5 =	vpop (erf);
	v2 =	vmul.f32 $1.442695020e+00, v2  }
0x622: {  	s15 =	simm.s32 $0x18A40;
	v6 =	vld [tilespmem:s17+$0x0];
	(erf) = vrcp.f32 v0;
	v4 =	vmul.f32 $-1.999999960e-02, v4;
	v5 =	vadd.f32 $1.000000000e+00, v5  }
0x623: {  	v0 =	vld [tilespmem:s15+$0x0];
	(erf) = vpow2.f32 v3;
	v1 =	vsub.f32 $0.0e+00, v1;
	v3 =	vpop (erf)  }
0x624: {  	s18 =	simm.s32 $0x187C0;
	(erf) = vrcp.f32 v5;
	v4 =	vadd.f32 $0.0e+00, v4;
	v7 =	vpop (erf);
	v3 =	vmul.f32 $4.000000060e-01, v3  }
0x625: {  	v5 =	vld [tilespmem:s18+$0x0];
	v1 =	vmul.f32 $1.442695020e+00, v1;
	(erf) = vpow2.f32 v2;
	v2 =	vpop (erf)  }
0x626: {  	v7 =	vadd.f32 $1.000000000e+00, v7;
	v4 =	vmul.f32 $1.442695020e+00, v4;
	v3 =	vsub.f32 $1.000000000e+00, v3;
	v8 =	vpop (erf)  }
0x627: {  	(erf) = vpow2.f32 v1;
	v2 =	vmul.f32 $4.000000060e-01, v2;
	v1 =	vadd.f32 $1.000000000e+00, v8  }
0x628: {  	v8 =	vpop (erf);
	(erf) = vrcp.f32 v7;
	v7 =	vmul.f32 $-1.999999960e-02, v0;
	v0 =	vsub.f32 $0.0e+00, v6  }
0x629: {  	v3 =	vsub.f32 v3, v2  }
0x62a: {  	s19 =	simm.s32 $0x18A50;
	v5 =	vsub.f32 $0.0e+00, v5;
	v6 =	vpop (erf);
	v0 =	vmul.f32 $1.442695020e+00, v0  }
0x62b: {  	v8 =	vadd.f32 $1.000000000e+00, v8;
	(erf) = vrcp.f32 v1;
	v1 =	vmul.f32 v3, v6;
	v3 =	vld [tilespmem:s19+$0x0]  }
0x62c: {  	v5 =	vmul.f32 $1.442695020e+00, v5;
	(erf) = vpow2.f32 v4;
	v4 =	vpop (erf)  }
0x62d: {  	s11 =	simm.s32 $0x185D0;
	v61 =	vpop (erf);
	(erf) = vrcp.f32 v8;
	v4 =	vmul.f32 $4.000000060e-01, v4  }
0x62e: {  	v7 =	vadd.f32 $0.0e+00, v7;
	v6 =	vld [tilespmem:s11+$0x0];
	(erf) = vpow2.f32 v0;
	v8 =	vadd.f32 $1.000000000e+00, v61;
	v0 =	vpop (erf)  }
0x62f: {  	s12 =	simm.s32 $0x187D0;
	v1 =	vadd.f32 v1, v2;
	v4 =	vsub.f32 $1.000000000e+00, v4;
	(erf) = vpow2.f32 v5;
	v2 =	vpop (erf)  }
0x630: {  	v0 =	vmul.f32 $4.000000060e-01, v0;
	v62 =	vadd.f32 $1.000000000e+00, v2;
	v2 =	vmul.f32 $-1.999999960e-02, v3;
	v3 =	vld [tilespmem:s12+$0x0]  }
0x631: {  	v63 =	vpop (erf);
	(erf) = vrcp.f32 v8  }
0x632: {  	v8 =	vsub.f32 v4, v0  }
0x633: {  	v5 =	vsub.f32 $0.0e+00, v6;
	v4 =	vmul.f32 $1.442695020e+00, v7;
	v7 =	vpop (erf);
	(erf) = vrcp.f32 v62  }
0x634: {  	s13 =	simm.s32 $0x50;
	s14 =	simm.s32 $0x18A60;
	[tilespmem:s16+$0x0] =	vst v1;
	v6 =	vadd.f32 $1.000000000e+00, v63;
	v1 =	vmul.f32 v8, v7  }
.LBB2_16:
0x635: {  	v7 =	vld [tilespmem:s14+$0x0];
	v10 =	vmul.f32 $1.442695020e+00, v5;
	v3 =	vsub.f32 $0.0e+00, v3;
	s11 =	sadd.s32 $0x10, s11;
	(erf) = vpow2.f32 v4;
	v4 =	vpop (erf)  }
0x636: {  	s13 =	sadd.s32 $0x10, s13;
	v8 =	vld [tilespmem:s11+$0x0];
	v9 =	vpop (erf);
	v4 =	vmul.f32 $4.000000060e-01, v4;
	v1 =	vadd.f32 v1, v0;
	(erf) = vrcp.f32 v6  }
0x637: {  	s12 =	sadd.s32 $0x10, s12;
	s16 =	sadd.s32 $0x10, s16;
	p0 =	slt.u32 s13, $0x70;
	v11 =	vmul.f32 $1.442695020e+00, v3;
	(erf) = vpow2.f32 v10;
	v0 =	vpop (erf)  }
.Ltmp7:
0x638: {  	v9 =	vadd.f32 $1.000000000e+00, v9;
	v4 =	vsub.f32 $1.000000000e+00, v4;
	v3 =	vld [tilespmem:s12+$0x0];
	v5 =	vpop (erf);
	v0 =	vmul.f32 $4.000000060e-01, v0;
	[tilespmem:s16+$0x0] =	vst v1;
	(pc) =	sbr.rel @p0 .LBB2_16-.Ltmp7, $4  }
0x639: {  	v12 =	vadd.f32 $0.0e+00, v2;
	(erf) = vpow2.f32 v11  }
0x63a: {  	v10 =	vadd.f32 $1.000000000e+00, v5;
	v6 =	vpop (erf);
	(erf) = vrcp.f32 v9;
	v9 =	vsub.f32 v4, v0  }
0x63b: {  	v2 =	vmul.f32 $-1.999999960e-02, v7;
	v5 =	vsub.f32 $0.0e+00, v8;
	v4 =	vmul.f32 $1.442695020e+00, v12;
	v1 =	vpop (erf)  }
0x63c: {  	s14 =	sadd.s32 $0x10, s14;
	v6 =	vadd.f32 $1.000000000e+00, v6;
	(erf) = vrcp.f32 v10;
	v1 =	vmul.f32 v9, v1  }
0x63d: {  	v5 =	vmul.f32 $1.442695020e+00, v5;
	v3 =	vsub.f32 $0.0e+00, v3;
	(erf) = vpow2.f32 v4  }
0x63e: {  	v39 =	vpop (erf);
	(erf) = vrcp.f32 v6  }
0x63f: {  	v40 =	vpop (erf);
	v3 =	vmul.f32 $1.442695020e+00, v3;
	(erf) = vpow2.f32 v5  }
0x640: {  	v41 =	vpop (erf)  }
0x641: {  	v2 =	vadd.f32 $0.0e+00, v2;
	v6 =	vadd.f32 $1.000000000e+00, v40;
	v7 =	vpop (erf);
	(erf) = vpow2.f32 v3  }
0x642: {  	v42 =	vadd.f32 $1.000000000e+00, v7  }
0x643: {  	v2 =	vmul.f32 $1.442695020e+00, v2;
	v43 =	vpop (erf);
	(erf) = vrcp.f32 v6  }
0x644: {  	v44 =	vpop (erf);
	(erf) = vrcp.f32 v42  }
0x645: {  	(erf) = vpow2.f32 v2;
	v45 =	vpop (erf)  }
0x646: {  	v46 =	vpop (erf)  }
0x647: {  	v7 =	vadd.f32 $1.000000000e+00, v43;
	v8 =	vpop (erf)  }
0x648: {  	v3 =	vadd.f32 $1.000000000e+00, v46;
	v9 =	vpop (erf)  }
0x649: {  	(erf) = vrcp.f32 v7;
	v47 =	vadd.f32 $1.000000000e+00, v9  }
0x64a: {  	(erf) = vrcp.f32 v3;
	v48 =	vpop (erf)  }
0x64b: {  	v49 =	vadd.f32 $1.000000000e+00, v48;
	(erf) = vrcp.f32 v47  }
0x64c: {  	v50 =	vpop (erf)  }
0x64d: {  	v51 =	vpop (erf);
	(erf) = vrcp.f32 v49  }
0x64e: {  	v52 =	vpop (erf)  }
0x64f: {  	v3 =	vadd.f32 $1.000000000e+00, v52;
	_ =	sdelay $0x1  }
0x650: {  	(erf) = vrcp.f32 v3  }
0x651: {  	v53 =	vmul.f32 $4.000000060e-01, v39;
	v54 =	vpop (erf)  }
0x652: {  	v2 =	vmul.f32 $4.000000060e-01, v45;
	v10 =	vpop (erf)  }
0x653: {  	v5 =	vmul.f32 $4.000000060e-01, v41;
	v9 =	vmul.f32 $4.000000060e-01, v51;
	v3 =	vsub.f32 $1.000000000e+00, v53;
	v11 =	vpop (erf)  }
0x654: {  	v8 =	vmul.f32 $4.000000060e-01, v8;
	v2 =	vsub.f32 $1.000000000e+00, v2;
	v11 =	vmul.f32 $4.000000060e-01, v11  }
0x655: {  	v9 =	vsub.f32 $1.000000000e+00, v9;
	v4 =	vmul.f32 $4.000000060e-01, v54;
	v3 =	vsub.f32 v3, v5;
	v12 =	vpop (erf)  }
0x656: {  	v2 =	vsub.f32 v2, v8;
	v12 =	vmul.f32 $4.000000060e-01, v12;
	v11 =	vsub.f32 $1.000000000e+00, v11  }
0x657: {  	v55 =	vsub.f32 v9, v4;
	v3 =	vmul.f32 v3, v44  }
0x658: {  	v0 =	vadd.f32 v1, v0;
	v56 =	vmul.f32 v2, v50;
	v57 =	vsub.f32 v11, v12  }
0x659: {  	s11 =	sadd.s32 $0x10, s16;
	v58 =	vmul.f32 v55, v10;
	v3 =	vadd.f32 v3, v5;
	v59 =	vpop (erf)  }
0x65a: {  	[tilespmem:s11+$0x0] =	vst v0;
	s11 =	sadd.s32 $0x10, s11;
	v60 =	vadd.f32 v56, v8;
	v61 =	vmul.f32 v57, v59  }
0x65b: {  	v62 =	vadd.f32 v58, v4;
	[tilespmem:s11+$0x0] =	vst v3;
	s11 =	sadd.s32 $0x10, s11  }
0x65c: {  	[tilespmem:s11+$0x0] =	vst v60;
	s11 =	sadd.s32 $0x10, s11;
	v63 =	vadd.f32 v61, v12  }
0x65d: {  	[tilespmem:s11+$0x0] =	vst v62;
	s11 =	sadd.s32 $0x10, s11  }
0x65e: {  	s19 =	simm.s32 $0x18980;
	[tilespmem:s11+$0x0] =	vst v63  }
0x65f: {  	[hbm4b:s21+s4] =	stream.linear.scatter [tilespmem:s19], [sflag:$0x9], $0x80, $0x38;
	[tilespmem:$0x18B00] =	vst v63  }
0x660: {  	_ =	swait.ge [sflag:s9], $0x80  }
0x661: {  	[sflag:s9] =	ssyncset.done $0x0  }
0x662: {  	[sflag:s9] =	ssyncadd.s32 $0xFFFFFF80  }
0x663: {  	_ =	swait.ge [sflag:s9], $0x80  }
0x664: {  	[sflag:s9] =	ssyncset.done $0x0  }
0x665: {  	s10 =	sadd.s32 $0x1, s10;
	[sflag:s9] =	ssyncadd.s32 $0xFFFFFF80  }
0x666: {  	p0 =	sne.s32 s10, s22;
	_ =	swait.ge [sflag:s9], $0x80  }
.Ltmp8:
0x667: {  	[sflag:s9] =	ssyncset.done $0x0;
	(pc) =	sbr.rel @p0 .LBB2_1-.Ltmp8, $4  }
0x668: {  	[sflag:s9] =	ssyncadd.s32 $0xFFFFFF80  }
0x669: {  	_ =	swait.ge [sflag:s9], $0x80  }
0x66a: {  	[sflag:s9] =	ssyncset.done $0x0  }
0x66b: {  	s16 =	simm.s32 $0x10400;
	s17 =	simm.s32 $0x14400;
	[sflag:s9] =	ssyncadd.s32 $0xFFFFFF80  }
0x66c: {  	_ =	sfence.sel $0x180000  }
0x66d: {  	[bflag:$0x0] =	sbarrier.arrive $0xFFFF  }
0x66e: {  	_ =	strace $0x90000047  }
0x66f: {  	s0 =	stileid.u32;
	[bflag:$0x2] =	sbarrier.arrive $0xFFFF  }
0x670: {  	p0 =	sne.s32 s0, $0x0;
	s0 =	rddreg [dreg:$0x6]  }
0x671: {  	s0 =	sadd.s32 @!p0 $0x100000, s0  }
0x672: {  	[sflag:s0] =	ssyncadd.tile.s32 @!p0 $0x1;
	_ =	shalt  }
.Lfunc_end2:
_tile_overlayer_lowered:
.L_overlay_start_2:
0x673: {  	(tag) =	ssettag $0x2  }
0x674: {  	s0 =	rddreg [dreg:$0x0];
	s2 =	stileid.u32  }
0x675: {  	s1 =	rddreg [dreg:$0x1];
	p0 =	sne.s32 s2, $0x0  }
0x676: {  	s3 =	rddreg [dreg:$0x2];
	[bflag:$0x3] =	sbarrier.arrive $0xFFFF;
	s2 =	simm.s32 @!p0 $0x1C0A  }
0x677: {  	[timem:s3], [sflag:s2] =	dma.local @!p0 [hbm:s0], s1  }
0x678: {  	s0 =	simm.s32 @!p0 $0xA  }
0x679: {  	_ =	swait.ge @!p0 [sflag:s0], s1  }
0x67a: {  	s1 =	ssub.s32 @!p0 $0x0, s1;
	[sflag:s0] =	ssyncset.done @!p0 $0x0  }
0x67b: {  	[sflag:s0] =	ssyncadd.s32 @!p0 s1  }
0x67c: {  	[bflag:$0x3] =	sbarrier.arrive $0xFFFF  }
0x67d: {  	_ =	shalt  }

</sc_bundles>
